<compile_context>
chip_gen: v7x
topology: tpu7x:2x2x1
jax: 0.10.2.dev20260603
libtpu: 0.0.44.dev20260713+nightly
codegen_flags: <defaults>
</compile_context>

<pallas_src>
import functools

import jax
import jax.numpy as jnp
from jax import lax
from jax.experimental import pallas as pl
from jax.experimental.pallas import tpu as pltpu
from jax.experimental.pallas import tpu_sc as plsc

B = 16384
M = 50
D = 64
NC = 2
NS = 16
NW = NC * NS
BPW = B // NW
CB = 8
NCHUNK = BPW // CB
LANES = 16
TBLK = 16384


def _tc_dup_transpose(table):
    n = table.shape[0]
    nblk = (n + TBLK - 1) // TBLK
    npad = nblk * TBLK
    tt = jnp.swapaxes(table, 0, 1)

    def body(x_ref, o_ref):
        y = jnp.swapaxes(x_ref[...], 0, 1)
        o_ref[:, 0:D] = y
        o_ref[:, D:2 * D] = y

    out = pl.pallas_call(
        body,
        grid=(nblk,),
        in_specs=[pl.BlockSpec((D, TBLK), lambda i: (0, i))],
        out_specs=pl.BlockSpec((TBLK, 2 * D), lambda i: (i, 0)),
        out_shape=jax.ShapeDtypeStruct((npad, 2 * D), jnp.float32),
    )(tt)
    return out.reshape(2 * npad, D)


def _sc_item_reduce(memory, item_table, wrow):
    mesh = plsc.VectorSubcoreMesh(
        core_axis_name="c", subcore_axis_name="s",
        num_cores=NC, num_subcores=NS,
    )

    @functools.partial(
        pl.kernel,
        mesh=mesh,
        compiler_params=pltpu.CompilerParams(use_tc_tiling_on_sc=False),
        out_type=jax.ShapeDtypeStruct((B, D), jnp.float32),
        scratch_types=[
            pltpu.VMEM((2, CB, M), jnp.int32),
            pltpu.VMEM((2, CB, M, D), jnp.float32),
            pltpu.VMEM((2, CB, D), jnp.float32),
            pltpu.VMEM((M, D), jnp.float32),
            pltpu.SemaphoreType.DMA,
            pltpu.SemaphoreType.DMA,
            pltpu.SemaphoreType.DMA,
            pltpu.SemaphoreType.DMA,
            pltpu.SemaphoreType.DMA,
            pltpu.SemaphoreType.DMA,
        ],
    )
    def k(mem_hbm, it_hbm, w_hbm, drr_hbm,
          idx_v, rows_v, drr_v, w_v,
          isem0, isem1, rsem0, rsem1, wsem0, wsem1):
        isem = (isem0, isem1)
        rsem = (rsem0, rsem1)
        wsem = (wsem0, wsem1)
        wid = lax.axis_index("s") * NC + lax.axis_index("c")
        base = wid * BPW
        pltpu.sync_copy(w_hbm, w_v)

        def idx_load(p, ci):
            b0 = base + ci * CB
            pltpu.async_copy(mem_hbm.at[pl.ds(b0, CB), :], idx_v.at[p],
                             isem[p])

        def idx_wait(p):
            pltpu.make_async_copy(mem_hbm.at[pl.ds(0, CB), :], idx_v.at[p],
                                  isem[p]).wait()

        def rows_fire(p):
            for j in range(CB):
                pltpu.async_copy(it_hbm.at[idx_v.at[p].at[j]],
                                 rows_v.at[p].at[j], rsem[p])

        def rows_wait(p):
            for j in range(CB):
                pltpu.make_async_copy(it_hbm.at[idx_v.at[p].at[j]],
                                      rows_v.at[p].at[j], rsem[p]).wait()

        def compute(p):
            for v in range(D // LANES):
                sl = pl.ds(v * LANES, LANES)

                def body_m(m, accs, sl=sl, p=p):
                    wv = w_v[m, sl]
                    return tuple(
                        accs[j] + rows_v[p, j, m, sl] * wv for j in range(CB)
                    )

                accs = lax.fori_loop(
                    0, M, body_m,
                    tuple(jnp.zeros((LANES,), jnp.float32) for _ in range(CB)),
                )
                for j in range(CB):
                    drr_v[p, j, sl] = accs[j]

        def out_write(p, ci):
            b0 = base + ci * CB
            pltpu.async_copy(drr_v.at[p], drr_hbm.at[pl.ds(b0, CB), :],
                             wsem[p])

        def out_wait(p):
            pltpu.make_async_copy(drr_v.at[p], drr_hbm.at[pl.ds(0, CB), :],
                                  wsem[p]).wait()

        idx_load(0, 0)
        idx_load(1, 1)
        idx_wait(0)
        rows_fire(0)

        def step(ci, p):
            q = 1 - p

            @pl.when(ci + 1 < NCHUNK)
            def _():
                idx_wait(q)
                rows_fire(q)

            rows_wait(p)

            @pl.when(ci >= 2)
            def _():
                out_wait(p)

            compute(p)
            out_write(p, ci)

            @pl.when(ci + 2 < NCHUNK)
            def _():
                idx_load(p, ci + 2)

        @pl.loop(0, NCHUNK // 2)
        def _(kk):
            step(2 * kk, 0)
            step(2 * kk + 1, 1)

        out_wait(0)
        out_wait(1)

    return k(memory, item_table, wrow)


def _sc_user_gather(user, user_table):
    mesh = plsc.VectorSubcoreMesh(
        core_axis_name="c", subcore_axis_name="s",
        num_cores=NC, num_subcores=NS,
    )

    @functools.partial(
        pl.kernel,
        mesh=mesh,
        compiler_params=pltpu.CompilerParams(use_tc_tiling_on_sc=False),
        out_type=jax.ShapeDtypeStruct((B, D), jnp.float32),
        scratch_types=[
            pltpu.VMEM((BPW,), jnp.int32),
            pltpu.VMEM((BPW, D), jnp.float32),
            pltpu.SemaphoreType.DMA,
        ],
    )
    def k(user_hbm, ut_hbm, uemb_hbm, uidx_v, u_v, sem):
        wid = lax.axis_index("s") * NC + lax.axis_index("c")
        base = wid * BPW
        pltpu.sync_copy(user_hbm.at[pl.ds(base, BPW)], uidx_v)
        for t in range(BPW // 128):
            pltpu.async_copy(ut_hbm.at[uidx_v.at[pl.ds(t * 128, 128)]],
                             u_v.at[pl.ds(t * 128, 128)], sem)
        for t in range(BPW // 128):
            pltpu.make_async_copy(ut_hbm.at[uidx_v.at[pl.ds(t * 128, 128)]],
                                  u_v.at[pl.ds(t * 128, 128)], sem).wait()
        pltpu.sync_copy(u_v, uemb_hbm.at[pl.ds(base, BPW), :])

    return k(user, user_table)


def _tc_combine(u, drr, wt, bias):

    def body(u_ref, d_ref, w_ref, b_ref, o_ref):
        uu = u_ref[...]
        dd = d_ref[...]
        w = w_ref[...]
        acc = jnp.dot(uu, w[:D], preferred_element_type=jnp.float32)
        acc = acc + jnp.dot(uu * dd, w[D:2 * D], preferred_element_type=jnp.float32)
        acc = acc + jnp.dot(dd, w[2 * D:], preferred_element_type=jnp.float32)
        o_ref[...] = acc + b_ref[...]

    return pl.pallas_call(
        body,
        grid=(1,),
        in_specs=[
            pl.BlockSpec((B, D), lambda i: (0, 0)),
            pl.BlockSpec((B, D), lambda i: (0, 0)),
            pl.BlockSpec((3 * D, D), lambda i: (0, 0)),
            pl.BlockSpec((1, D), lambda i: (0, 0)),
        ],
        out_specs=pl.BlockSpec((B, D), lambda i: (0, 0)),
        out_shape=jax.ShapeDtypeStruct((B, D), jnp.float32),
    )(u, drr, wt, bias)


def kernel(user, memory, user_table, item_table, conv_w, conv_b, lin_w, lin_b):
    wrow = jnp.broadcast_to(conv_w[:, None], (M, D))
    wt = lin_w.T
    cb = conv_b[0]
    w1t = wt[:D] + cb * wt[D:2 * D]
    bias = (lin_b + cb * jnp.sum(wt[2 * D:], axis=0)).reshape(1, D)
    wt_folded = jnp.concatenate([w1t, wt[D:2 * D], wt[2 * D:]], axis=0)

    it2 = _tc_dup_transpose(item_table)
    drr = _sc_item_reduce(memory * 2, it2, wrow)
    ut2 = _tc_dup_transpose(user_table)
    u_emb = _sc_user_gather(user * 2, ut2)
    return _tc_combine(u_emb, drr, wt_folded, bias)

# --- scband reference (transcript-rebuilt; emitter-appended) ---
"""Pipeline reference for scband-state-repr-module-90778428768324 (READ-ONLY COPY).

The authoritative reference and input builder live on the scoring server;
editing this copy changes nothing except your own understanding.
"""

import jax, jax.numpy as jnp
import numpy as np

USER_NUM = 1000000
ITEM_NUM = 1000000
EMBED_DIM = 64
MEMORY_SIZE = 50
BATCH = 16384


def setup_inputs(seed: int = 0) -> dict:
    key = jax.random.key(seed)
    k_user, k_mem, k_ut, k_it, k_cw, k_lw = jax.random.split(key, 6)
    user = jax.random.randint(k_user, (BATCH,), 0, USER_NUM, dtype=jnp.int64 if jax.config.jax_enable_x64 else jnp.int32).astype(jnp.int32)
    memory = jax.random.randint(k_mem, (BATCH, MEMORY_SIZE), 0, ITEM_NUM, dtype=jnp.int32)
    # Parameters, per __init__/initialize():
    user_table = jax.random.normal(k_ut, (USER_NUM, EMBED_DIM), dtype=jnp.float32) * 0.01
    item_table = jax.random.normal(k_it, (ITEM_NUM + 1, EMBED_DIM), dtype=jnp.float32) * 0.01
    # Conv1d(in=memory_size, out=1, kernel=1): weight shape [1, memory_size, 1] -> flatten to [memory_size]; bias zero-initialized
    conv_w = jax.random.uniform(k_cw, (MEMORY_SIZE,), dtype=jnp.float32)
    conv_b = jnp.zeros((1,), dtype=jnp.float32)
    # Linear(3*D -> D), PyTorch default init ~ U(-1/sqrt(fan_in), 1/sqrt(fan_in))
    bound = 1.0 / np.sqrt(3 * EMBED_DIM)
    k_lw1, k_lb1 = jax.random.split(k_lw)
    lin_w = jax.random.uniform(k_lw1, (EMBED_DIM, 3 * EMBED_DIM), minval=-bound, maxval=bound, dtype=jnp.float32)
    lin_b = jax.random.uniform(k_lb1, (EMBED_DIM,), minval=-bound, maxval=bound, dtype=jnp.float32)
    return {
        "user": user,
        "memory": memory,
        "user_table": user_table,
        "item_table": item_table,
        "conv_w": conv_w,
        "conv_b": conv_b,
        "lin_w": lin_w,
        "lin_b": lin_b,
    }


def reference(user, memory, user_table, item_table, conv_w, conv_b, lin_w, lin_b):
    # user_embeddings(user.long()).squeeze(1): user is [B] -> [B, D] (squeeze is a no-op)
    user_embedding = jnp.take(user_table, user, axis=0)  # [B, D]
    # item_embeddings(memory.long()): [B, M, D]
    item_embeddings = jnp.take(item_table, memory, axis=0)  # [B, M, D]
    # Conv1d(in=M, out=1, k=1) over last dim treated as length: weighted sum over M + bias, then squeeze(1)
    drr_ave = jnp.einsum("bmd,m->bd", item_embeddings, conv_w) + conv_b  # [B, D]
    output = jnp.concatenate((user_embedding, user_embedding * drr_ave, drr_ave), axis=1)  # [B, 3D]
    output = output @ lin_w.T + lin_b  # [B, D]
    return output

if __name__ == "__main__":
    import jax
    _d = setup_inputs()
    print(jax.jit(kernel)(*tuple(_d.values())))

</pallas_src>

<mosaic_0001>
#map = affine_map<(d0, d1) -> (0, 0)>
module attributes {stable_mosaic.version = 14 : i64} {
  func.func @k(%arg0: i32, %arg1: i32, %arg2: memref<16384x50xi32, #tpu.memory_space<hbm>>, %arg3: memref<2031616x64xf32, #tpu.memory_space<hbm>>, %arg4: memref<50x64xf32, #tpu.memory_space<hbm>>, %arg5: memref<16384x64xf32, #tpu.memory_space<hbm>>, %arg6: memref<2x8x50xi32, #tpu.memory_space<vmem>>, %arg7: memref<2x8x50x64xf32, #tpu.memory_space<vmem>>, %arg8: memref<2x8x64xf32, #tpu.memory_space<vmem>>, %arg9: memref<50x64xf32, #tpu.memory_space<vmem>>, %arg10: memref<!tpu.dma_semaphore, #tpu.memory_space<semaphore_mem>>, %arg11: memref<!tpu.dma_semaphore, #tpu.memory_space<semaphore_mem>>, %arg12: memref<!tpu.dma_semaphore, #tpu.memory_space<semaphore_mem>>, %arg13: memref<!tpu.dma_semaphore, #tpu.memory_space<semaphore_mem>>, %arg14: memref<!tpu.dma_semaphore, #tpu.memory_space<semaphore_mem>>, %arg15: memref<!tpu.dma_semaphore, #tpu.memory_space<semaphore_mem>>) attributes {dimension_semantics = [#tpu.dimension_semantics<core_parallel>, #tpu.dimension_semantics<subcore_parallel>], iteration_bounds = array<i64: 2, 16>, scalar_prefetch = 0 : i64, scratch_operands = 10 : i64, tpu.core_type = #tpu.core_type<sc_vector_subcore>, window_params = [{transform_indices = #map}, {transform_indices = #map}, {transform_indices = #map}, {transform_indices = #map}]} {
    %mul3A = arith.constant 2 : i32
    %mul3A_0 = arith.muli %arg1, %mul3A : i32
    %add3A = arith.addi %mul3A_0, %arg0 : i32
    %mul3A_1 = arith.constant 512 : i32
    %mul3A_2 = arith.muli %add3A, %mul3A_1 : i32
    "tpu.region"() ({
      %run_scoped3A = tpu.sem_alloc : memref<!tpu.dma_semaphore, #tpu.memory_space<semaphore_mem>>
      tpu.enqueue_dma source(%arg4 : memref<50x64xf32, #tpu.memory_space<hbm>>) target(%arg9 : memref<50x64xf32, #tpu.memory_space<vmem>>) target_semaphore(%run_scoped3A : memref<!tpu.dma_semaphore, #tpu.memory_space<semaphore_mem>>)
      tpu.wait_dma2 semaphore(%run_scoped3A : memref<!tpu.dma_semaphore, #tpu.memory_space<semaphore_mem>>) src(%arg4 : memref<50x64xf32, #tpu.memory_space<hbm>>) dst(%arg9 : memref<50x64xf32, #tpu.memory_space<vmem>>)
      tpu.yield
    }) : () -> ()
    %add3A_3 = arith.constant 0 : i32
    %add3A_4 = arith.addi %mul3A_2, %add3A_3 : i32
    %dma_start3A = arith.constant 0 : i32
    %dma_start3A_5 = arith.constant 0 : i32
    %dma_start3A_6 = arith.constant 0 : i32
    %dma_start3A_7 = tpu.memref_slice %arg6[%dma_start3A, %dma_start3A_5, %dma_start3A_6] : memref<2x8x50xi32, #tpu.memory_space<vmem>> -> memref<1x8x50xi32, #tpu.memory_space<vmem>>
    %dma_start3A_8 = tpu.memref_squeeze %dma_start3A_7 : memref<1x8x50xi32, #tpu.memory_space<vmem>> -> memref<8x50xi32, #tpu.memory_space<vmem>>
    %dma_start3A_9 = arith.constant 0 : i32
    %dma_start3A_10 = tpu.memref_slice %arg2[%add3A_4, %dma_start3A_9] : memref<16384x50xi32, #tpu.memory_space<hbm>> -> memref<8x50xi32, #tpu.memory_space<hbm>>
    %dma_start3A_11 = arith.constant 0 : i32
    %dma_start3A_12 = arith.constant 0 : i32
    %dma_start3A_13 = tpu.memref_slice %arg6[%dma_start3A, %dma_start3A_11, %dma_start3A_12] : memref<2x8x50xi32, #tpu.memory_space<vmem>> -> memref<1x8x50xi32, #tpu.memory_space<vmem>>
    %dma_start3A_14 = tpu.memref_squeeze %dma_start3A_13 : memref<1x8x50xi32, #tpu.memory_space<vmem>> -> memref<8x50xi32, #tpu.memory_space<vmem>>
    %dma_start3A_15 = arith.constant 0 : i32
    %dma_start3A_16 = tpu.memref_slice %arg2[%add3A_4, %dma_start3A_15] : memref<16384x50xi32, #tpu.memory_space<hbm>> -> memref<8x50xi32, #tpu.memory_space<hbm>>
    tpu.enqueue_dma source(%dma_start3A_16 : memref<8x50xi32, #tpu.memory_space<hbm>>) target(%dma_start3A_14 : memref<8x50xi32, #tpu.memory_space<vmem>>) target_semaphore(%arg10 : memref<!tpu.dma_semaphore, #tpu.memory_space<semaphore_mem>>)
    %add3A_17 = arith.constant 8 : i32
    %add3A_18 = arith.addi %mul3A_2, %add3A_17 : i32
    %dma_start3A_19 = arith.constant 1 : i32
    %dma_start3A_20 = arith.constant 0 : i32
    %dma_start3A_21 = arith.constant 0 : i32
    %dma_start3A_22 = tpu.memref_slice %arg6[%dma_start3A_19, %dma_start3A_20, %dma_start3A_21] : memref<2x8x50xi32, #tpu.memory_space<vmem>> -> memref<1x8x50xi32, #tpu.memory_space<vmem>>
    %dma_start3A_23 = tpu.memref_squeeze %dma_start3A_22 : memref<1x8x50xi32, #tpu.memory_space<vmem>> -> memref<8x50xi32, #tpu.memory_space<vmem>>
    %dma_start3A_24 = arith.constant 0 : i32
    %dma_start3A_25 = tpu.memref_slice %arg2[%add3A_18, %dma_start3A_24] : memref<16384x50xi32, #tpu.memory_space<hbm>> -> memref<8x50xi32, #tpu.memory_space<hbm>>
    %dma_start3A_26 = arith.constant 0 : i32
    %dma_start3A_27 = arith.constant 0 : i32
    %dma_start3A_28 = tpu.memref_slice %arg6[%dma_start3A_19, %dma_start3A_26, %dma_start3A_27] : memref<2x8x50xi32, #tpu.memory_space<vmem>> -> memref<1x8x50xi32, #tpu.memory_space<vmem>>
    %dma_start3A_29 = tpu.memref_squeeze %dma_start3A_28 : memref<1x8x50xi32, #tpu.memory_space<vmem>> -> memref<8x50xi32, #tpu.memory_space<vmem>>
    %dma_start3A_30 = arith.constant 0 : i32
    %dma_start3A_31 = tpu.memref_slice %arg2[%add3A_18, %dma_start3A_30] : memref<16384x50xi32, #tpu.memory_space<hbm>> -> memref<8x50xi32, #tpu.memory_space<hbm>>
    tpu.enqueue_dma source(%dma_start3A_31 : memref<8x50xi32, #tpu.memory_space<hbm>>) target(%dma_start3A_29 : memref<8x50xi32, #tpu.memory_space<vmem>>) target_semaphore(%arg11 : memref<!tpu.dma_semaphore, #tpu.memory_space<semaphore_mem>>)
    %dma_wait3A = arith.constant 0 : i32
    %dma_wait3A_32 = arith.constant 0 : i32
    %dma_wait3A_33 = arith.constant 0 : i32
    %dma_wait3A_34 = tpu.memref_slice %arg6[%dma_wait3A, %dma_wait3A_32, %dma_wait3A_33] : memref<2x8x50xi32, #tpu.memory_space<vmem>> -> memref<1x8x50xi32, #tpu.memory_space<vmem>>
    %dma_wait3A_35 = tpu.memref_squeeze %dma_wait3A_34 : memref<1x8x50xi32, #tpu.memory_space<vmem>> -> memref<8x50xi32, #tpu.memory_space<vmem>>
    %dma_wait3A_36 = arith.constant 0 : i32
    %dma_wait3A_37 = arith.constant 0 : i32
    %dma_wait3A_38 = tpu.memref_slice %arg2[%dma_wait3A_36, %dma_wait3A_37] : memref<16384x50xi32, #tpu.memory_space<hbm>> -> memref<8x50xi32, #tpu.memory_space<hbm>>
    %dma_wait3A_39 = arith.constant 0 : i32
    %dma_wait3A_40 = arith.constant 0 : i32
    %dma_wait3A_41 = tpu.memref_slice %arg6[%dma_wait3A, %dma_wait3A_39, %dma_wait3A_40] : memref<2x8x50xi32, #tpu.memory_space<vmem>> -> memref<1x8x50xi32, #tpu.memory_space<vmem>>
    %dma_wait3A_42 = tpu.memref_squeeze %dma_wait3A_41 : memref<1x8x50xi32, #tpu.memory_space<vmem>> -> memref<8x50xi32, #tpu.memory_space<vmem>>
    %dma_wait3A_43 = arith.constant 0 : i32
    %dma_wait3A_44 = arith.constant 0 : i32
    %dma_wait3A_45 = tpu.memref_slice %arg2[%dma_wait3A_43, %dma_wait3A_44] : memref<16384x50xi32, #tpu.memory_space<hbm>> -> memref<8x50xi32, #tpu.memory_space<hbm>>
    tpu.wait_dma2 semaphore(%arg10 : memref<!tpu.dma_semaphore, #tpu.memory_space<semaphore_mem>>) src(%dma_wait3A_45 : memref<8x50xi32, #tpu.memory_space<hbm>>) dst(%dma_wait3A_42 : memref<8x50xi32, #tpu.memory_space<vmem>>)
    %dma_start3A_46 = arith.constant 0 : i32
    %dma_start3A_47 = arith.constant 0 : i32
    %dma_start3A_48 = arith.constant 0 : i32
    %dma_start3A_49 = arith.constant 0 : i32
    %dma_start3A_50 = arith.constant 0 : i32
    %dma_start3A_51 = arith.constant 0 : i32
    %dma_start3A_52 = arith.constant 0 : i32
    %dma_start3A_53 = tpu.memref_slice %arg7[%dma_start3A_48, %dma_start3A_50, %dma_start3A_51, %dma_start3A_52] : memref<2x8x50x64xf32, #tpu.memory_space<vmem>> -> memref<1x8x50x64xf32, #tpu.memory_space<vmem>>
    %dma_start3A_54 = tpu.memref_squeeze %dma_start3A_53 : memref<1x8x50x64xf32, #tpu.memory_space<vmem>> -> memref<8x50x64xf32, #tpu.memory_space<vmem>>
    %dma_start3A_55 = arith.constant 0 : i32
    %dma_start3A_56 = arith.constant 0 : i32
    %dma_start3A_57 = tpu.memref_slice %dma_start3A_54[%dma_start3A_49, %dma_start3A_55, %dma_start3A_56] : memref<8x50x64xf32, #tpu.memory_space<vmem>> -> memref<1x50x64xf32, #tpu.memory_space<vmem>>
    %dma_start3A_58 = tpu.memref_squeeze %dma_start3A_57 : memref<1x50x64xf32, #tpu.memory_space<vmem>> -> memref<50x64xf32, #tpu.memory_space<vmem>>
    %dma_start3A_59 = arith.constant 0 : i32
    %dma_start3A_60 = arith.constant 0 : i32
    %dma_start3A_61 = tpu.memref_slice %arg6[%dma_start3A_46, %dma_start3A_59, %dma_start3A_60] : memref<2x8x50xi32, #tpu.memory_space<vmem>> -> memref<1x8x50xi32, #tpu.memory_space<vmem>>
    %dma_start3A_62 = tpu.memref_squeeze %dma_start3A_61 : memref<1x8x50xi32, #tpu.memory_space<vmem>> -> memref<8x50xi32, #tpu.memory_space<vmem>>
    %dma_start3A_63 = arith.constant 0 : i32
    %dma_start3A_64 = tpu.memref_slice %dma_start3A_62[%dma_start3A_47, %dma_start3A_63] : memref<8x50xi32, #tpu.memory_space<vmem>> -> memref<1x50xi32, #tpu.memory_space<vmem>>
    %dma_start3A_65 = tpu.memref_squeeze %dma_start3A_64 : memref<1x50xi32, #tpu.memory_space<vmem>> -> memref<50xi32, #tpu.memory_space<vmem>>
    %dma_start3A_66 = arith.constant 0 : i32
    %dma_start3A_67 = arith.constant 0 : i32
    %dma_start3A_68 = tpu.memref_slice %arg3[%dma_start3A_66, %dma_start3A_67] : memref<2031616x64xf32, #tpu.memory_space<hbm>> -> memref<2031616x64xf32, #tpu.memory_space<hbm>>
    tpu.enqueue_indirect_dma source(%dma_start3A_68 : memref<2031616x64xf32, #tpu.memory_space<hbm>>) target(%dma_start3A_58 : memref<50x64xf32, #tpu.memory_space<vmem>>) offsets(%dma_start3A_65 : memref<50xi32, #tpu.memory_space<vmem>>) semaphore(%arg12 : memref<!tpu.dma_semaphore, #tpu.memory_space<semaphore_mem>>)
    %dma_start3A_69 = arith.constant 0 : i32
    %dma_start3A_70 = arith.constant 1 : i32
    %dma_start3A_71 = arith.constant 0 : i32
    %dma_start3A_72 = arith.constant 1 : i32
    %dma_start3A_73 = arith.constant 0 : i32
    %dma_start3A_74 = arith.constant 0 : i32
    %dma_start3A_75 = arith.constant 0 : i32
    %dma_start3A_76 = tpu.memref_slice %arg7[%dma_start3A_71, %dma_start3A_73, %dma_start3A_74, %dma_start3A_75] : memref<2x8x50x64xf32, #tpu.memory_space<vmem>> -> memref<1x8x50x64xf32, #tpu.memory_space<vmem>>
    %dma_start3A_77 = tpu.memref_squeeze %dma_start3A_76 : memref<1x8x50x64xf32, #tpu.memory_space<vmem>> -> memref<8x50x64xf32, #tpu.memory_space<vmem>>
    %dma_start3A_78 = arith.constant 0 : i32
    %dma_start3A_79 = arith.constant 0 : i32
    %dma_start3A_80 = tpu.memref_slice %dma_start3A_77[%dma_start3A_72, %dma_start3A_78, %dma_start3A_79] : memref<8x50x64xf32, #tpu.memory_space<vmem>> -> memref<1x50x64xf32, #tpu.memory_space<vmem>>
    %dma_start3A_81 = tpu.memref_squeeze %dma_start3A_80 : memref<1x50x64xf32, #tpu.memory_space<vmem>> -> memref<50x64xf32, #tpu.memory_space<vmem>>
    %dma_start3A_82 = arith.constant 0 : i32
    %dma_start3A_83 = arith.constant 0 : i32
    %dma_start3A_84 = tpu.memref_slice %arg6[%dma_start3A_69, %dma_start3A_82, %dma_start3A_83] : memref<2x8x50xi32, #tpu.memory_space<vmem>> -> memref<1x8x50xi32, #tpu.memory_space<vmem>>
    %dma_start3A_85 = tpu.memref_squeeze %dma_start3A_84 : memref<1x8x50xi32, #tpu.memory_space<vmem>> -> memref<8x50xi32, #tpu.memory_space<vmem>>
    %dma_start3A_86 = arith.constant 0 : i32
    %dma_start3A_87 = tpu.memref_slice %dma_start3A_85[%dma_start3A_70, %dma_start3A_86] : memref<8x50xi32, #tpu.memory_space<vmem>> -> memref<1x50xi32, #tpu.memory_space<vmem>>
    %dma_start3A_88 = tpu.memref_squeeze %dma_start3A_87 : memref<1x50xi32, #tpu.memory_space<vmem>> -> memref<50xi32, #tpu.memory_space<vmem>>
    %dma_start3A_89 = arith.constant 0 : i32
    %dma_start3A_90 = arith.constant 0 : i32
    %dma_start3A_91 = tpu.memref_slice %arg3[%dma_start3A_89, %dma_start3A_90] : memref<2031616x64xf32, #tpu.memory_space<hbm>> -> memref<2031616x64xf32, #tpu.memory_space<hbm>>
    tpu.enqueue_indirect_dma source(%dma_start3A_91 : memref<2031616x64xf32, #tpu.memory_space<hbm>>) target(%dma_start3A_81 : memref<50x64xf32, #tpu.memory_space<vmem>>) offsets(%dma_start3A_88 : memref<50xi32, #tpu.memory_space<vmem>>) semaphore(%arg12 : memref<!tpu.dma_semaphore, #tpu.memory_space<semaphore_mem>>)
    %dma_start3A_92 = arith.constant 0 : i32
    %dma_start3A_93 = arith.constant 2 : i32
    %dma_start3A_94 = arith.constant 0 : i32
    %dma_start3A_95 = arith.constant 2 : i32
    %dma_start3A_96 = arith.constant 0 : i32
    %dma_start3A_97 = arith.constant 0 : i32
    %dma_start3A_98 = arith.constant 0 : i32
    %dma_start3A_99 = tpu.memref_slice %arg7[%dma_start3A_94, %dma_start3A_96, %dma_start3A_97, %dma_start3A_98] : memref<2x8x50x64xf32, #tpu.memory_space<vmem>> -> memref<1x8x50x64xf32, #tpu.memory_space<vmem>>
    %dma_start3A_100 = tpu.memref_squeeze %dma_start3A_99 : memref<1x8x50x64xf32, #tpu.memory_space<vmem>> -> memref<8x50x64xf32, #tpu.memory_space<vmem>>
    %dma_start3A_101 = arith.constant 0 : i32
    %dma_start3A_102 = arith.constant 0 : i32
    %dma_start3A_103 = tpu.memref_slice %dma_start3A_100[%dma_start3A_95, %dma_start3A_101, %dma_start3A_102] : memref<8x50x64xf32, #tpu.memory_space<vmem>> -> memref<1x50x64xf32, #tpu.memory_space<vmem>>
    %dma_start3A_104 = tpu.memref_squeeze %dma_start3A_103 : memref<1x50x64xf32, #tpu.memory_space<vmem>> -> memref<50x64xf32, #tpu.memory_space<vmem>>
    %dma_start3A_105 = arith.constant 0 : i32
    %dma_start3A_106 = arith.constant 0 : i32
    %dma_start3A_107 = tpu.memref_slice %arg6[%dma_start3A_92, %dma_start3A_105, %dma_start3A_106] : memref<2x8x50xi32, #tpu.memory_space<vmem>> -> memref<1x8x50xi32, #tpu.memory_space<vmem>>
    %dma_start3A_108 = tpu.memref_squeeze %dma_start3A_107 : memref<1x8x50xi32, #tpu.memory_space<vmem>> -> memref<8x50xi32, #tpu.memory_space<vmem>>
    %dma_start3A_109 = arith.constant 0 : i32
    %dma_start3A_110 = tpu.memref_slice %dma_start3A_108[%dma_start3A_93, %dma_start3A_109] : memref<8x50xi32, #tpu.memory_space<vmem>> -> memref<1x50xi32, #tpu.memory_space<vmem>>
    %dma_start3A_111 = tpu.memref_squeeze %dma_start3A_110 : memref<1x50xi32, #tpu.memory_space<vmem>> -> memref<50xi32, #tpu.memory_space<vmem>>
    %dma_start3A_112 = arith.constant 0 : i32
    %dma_start3A_113 = arith.constant 0 : i32
    %dma_start3A_114 = tpu.memref_slice %arg3[%dma_start3A_112, %dma_start3A_113] : memref<2031616x64xf32, #tpu.memory_space<hbm>> -> memref<2031616x64xf32, #tpu.memory_space<hbm>>
    tpu.enqueue_indirect_dma source(%dma_start3A_114 : memref<2031616x64xf32, #tpu.memory_space<hbm>>) target(%dma_start3A_104 : memref<50x64xf32, #tpu.memory_space<vmem>>) offsets(%dma_start3A_111 : memref<50xi32, #tpu.memory_space<vmem>>) semaphore(%arg12 : memref<!tpu.dma_semaphore, #tpu.memory_space<semaphore_mem>>)
    %dma_start3A_115 = arith.constant 0 : i32
    %dma_start3A_116 = arith.constant 3 : i32
    %dma_start3A_117 = arith.constant 0 : i32
    %dma_start3A_118 = arith.constant 3 : i32
    %dma_start3A_119 = arith.constant 0 : i32
    %dma_start3A_120 = arith.constant 0 : i32
    %dma_start3A_121 = arith.constant 0 : i32
    %dma_start3A_122 = tpu.memref_slice %arg7[%dma_start3A_117, %dma_start3A_119, %dma_start3A_120, %dma_start3A_121] : memref<2x8x50x64xf32, #tpu.memory_space<vmem>> -> memref<1x8x50x64xf32, #tpu.memory_space<vmem>>
    %dma_start3A_123 = tpu.memref_squeeze %dma_start3A_122 : memref<1x8x50x64xf32, #tpu.memory_space<vmem>> -> memref<8x50x64xf32, #tpu.memory_space<vmem>>
    %dma_start3A_124 = arith.constant 0 : i32
    %dma_start3A_125 = arith.constant 0 : i32
    %dma_start3A_126 = tpu.memref_slice %dma_start3A_123[%dma_start3A_118, %dma_start3A_124, %dma_start3A_125] : memref<8x50x64xf32, #tpu.memory_space<vmem>> -> memref<1x50x64xf32, #tpu.memory_space<vmem>>
    %dma_start3A_127 = tpu.memref_squeeze %dma_start3A_126 : memref<1x50x64xf32, #tpu.memory_space<vmem>> -> memref<50x64xf32, #tpu.memory_space<vmem>>
    %dma_start3A_128 = arith.constant 0 : i32
    %dma_start3A_129 = arith.constant 0 : i32
    %dma_start3A_130 = tpu.memref_slice %arg6[%dma_start3A_115, %dma_start3A_128, %dma_start3A_129] : memref<2x8x50xi32, #tpu.memory_space<vmem>> -> memref<1x8x50xi32, #tpu.memory_space<vmem>>
    %dma_start3A_131 = tpu.memref_squeeze %dma_start3A_130 : memref<1x8x50xi32, #tpu.memory_space<vmem>> -> memref<8x50xi32, #tpu.memory_space<vmem>>
    %dma_start3A_132 = arith.constant 0 : i32
    %dma_start3A_133 = tpu.memref_slice %dma_start3A_131[%dma_start3A_116, %dma_start3A_132] : memref<8x50xi32, #tpu.memory_space<vmem>> -> memref<1x50xi32, #tpu.memory_space<vmem>>
    %dma_start3A_134 = tpu.memref_squeeze %dma_start3A_133 : memref<1x50xi32, #tpu.memory_space<vmem>> -> memref<50xi32, #tpu.memory_space<vmem>>
    %dma_start3A_135 = arith.constant 0 : i32
    %dma_start3A_136 = arith.constant 0 : i32
    %dma_start3A_137 = tpu.memref_slice %arg3[%dma_start3A_135, %dma_start3A_136] : memref<2031616x64xf32, #tpu.memory_space<hbm>> -> memref<2031616x64xf32, #tpu.memory_space<hbm>>
    tpu.enqueue_indirect_dma source(%dma_start3A_137 : memref<2031616x64xf32, #tpu.memory_space<hbm>>) target(%dma_start3A_127 : memref<50x64xf32, #tpu.memory_space<vmem>>) offsets(%dma_start3A_134 : memref<50xi32, #tpu.memory_space<vmem>>) semaphore(%arg12 : memref<!tpu.dma_semaphore, #tpu.memory_space<semaphore_mem>>)
    %dma_start3A_138 = arith.constant 0 : i32
    %dma_start3A_139 = arith.constant 4 : i32
    %dma_start3A_140 = arith.constant 0 : i32
    %dma_start3A_141 = arith.constant 4 : i32
    %dma_start3A_142 = arith.constant 0 : i32
    %dma_start3A_143 = arith.constant 0 : i32
    %dma_start3A_144 = arith.constant 0 : i32
    %dma_start3A_145 = tpu.memref_slice %arg7[%dma_start3A_140, %dma_start3A_142, %dma_start3A_143, %dma_start3A_144] : memref<2x8x50x64xf32, #tpu.memory_space<vmem>> -> memref<1x8x50x64xf32, #tpu.memory_space<vmem>>
    %dma_start3A_146 = tpu.memref_squeeze %dma_start3A_145 : memref<1x8x50x64xf32, #tpu.memory_space<vmem>> -> memref<8x50x64xf32, #tpu.memory_space<vmem>>
    %dma_start3A_147 = arith.constant 0 : i32
    %dma_start3A_148 = arith.constant 0 : i32
    %dma_start3A_149 = tpu.memref_slice %dma_start3A_146[%dma_start3A_141, %dma_start3A_147, %dma_start3A_148] : memref<8x50x64xf32, #tpu.memory_space<vmem>> -> memref<1x50x64xf32, #tpu.memory_space<vmem>>
    %dma_start3A_150 = tpu.memref_squeeze %dma_start3A_149 : memref<1x50x64xf32, #tpu.memory_space<vmem>> -> memref<50x64xf32, #tpu.memory_space<vmem>>
    %dma_start3A_151 = arith.constant 0 : i32
    %dma_start3A_152 = arith.constant 0 : i32
    %dma_start3A_153 = tpu.memref_slice %arg6[%dma_start3A_138, %dma_start3A_151, %dma_start3A_152] : memref<2x8x50xi32, #tpu.memory_space<vmem>> -> memref<1x8x50xi32, #tpu.memory_space<vmem>>
    %dma_start3A_154 = tpu.memref_squeeze %dma_start3A_153 : memref<1x8x50xi32, #tpu.memory_space<vmem>> -> memref<8x50xi32, #tpu.memory_space<vmem>>
    %dma_start3A_155 = arith.constant 0 : i32
    %dma_start3A_156 = tpu.memref_slice %dma_start3A_154[%dma_start3A_139, %dma_start3A_155] : memref<8x50xi32, #tpu.memory_space<vmem>> -> memref<1x50xi32, #tpu.memory_space<vmem>>
    %dma_start3A_157 = tpu.memref_squeeze %dma_start3A_156 : memref<1x50xi32, #tpu.memory_space<vmem>> -> memref<50xi32, #tpu.memory_space<vmem>>
    %dma_start3A_158 = arith.constant 0 : i32
    %dma_start3A_159 = arith.constant 0 : i32
    %dma_start3A_160 = tpu.memref_slice %arg3[%dma_start3A_158, %dma_start3A_159] : memref<2031616x64xf32, #tpu.memory_space<hbm>> -> memref<2031616x64xf32, #tpu.memory_space<hbm>>
    tpu.enqueue_indirect_dma source(%dma_start3A_160 : memref<2031616x64xf32, #tpu.memory_space<hbm>>) target(%dma_start3A_150 : memref<50x64xf32, #tpu.memory_space<vmem>>) offsets(%dma_start3A_157 : memref<50xi32, #tpu.memory_space<vmem>>) semaphore(%arg12 : memref<!tpu.dma_semaphore, #tpu.memory_space<semaphore_mem>>)
    %dma_start3A_161 = arith.constant 0 : i32
    %dma_start3A_162 = arith.constant 5 : i32
    %dma_start3A_163 = arith.constant 0 : i32
    %dma_start3A_164 = arith.constant 5 : i32
    %dma_start3A_165 = arith.constant 0 : i32
    %dma_start3A_166 = arith.constant 0 : i32
    %dma_start3A_167 = arith.constant 0 : i32
    %dma_start3A_168 = tpu.memref_slice %arg7[%dma_start3A_163, %dma_start3A_165, %dma_start3A_166, %dma_start3A_167] : memref<2x8x50x64xf32, #tpu.memory_space<vmem>> -> memref<1x8x50x64xf32, #tpu.memory_space<vmem>>
    %dma_start3A_169 = tpu.memref_squeeze %dma_start3A_168 : memref<1x8x50x64xf32, #tpu.memory_space<vmem>> -> memref<8x50x64xf32, #tpu.memory_space<vmem>>
    %dma_start3A_170 = arith.constant 0 : i32
    %dma_start3A_171 = arith.constant 0 : i32
    %dma_start3A_172 = tpu.memref_slice %dma_start3A_169[%dma_start3A_164, %dma_start3A_170, %dma_start3A_171] : memref<8x50x64xf32, #tpu.memory_space<vmem>> -> memref<1x50x64xf32, #tpu.memory_space<vmem>>
    %dma_start3A_173 = tpu.memref_squeeze %dma_start3A_172 : memref<1x50x64xf32, #tpu.memory_space<vmem>> -> memref<50x64xf32, #tpu.memory_space<vmem>>
    %dma_start3A_174 = arith.constant 0 : i32
    %dma_start3A_175 = arith.constant 0 : i32
    %dma_start3A_176 = tpu.memref_slice %arg6[%dma_start3A_161, %dma_start3A_174, %dma_start3A_175] : memref<2x8x50xi32, #tpu.memory_space<vmem>> -> memref<1x8x50xi32, #tpu.memory_space<vmem>>
    %dma_start3A_177 = tpu.memref_squeeze %dma_start3A_176 : memref<1x8x50xi32, #tpu.memory_space<vmem>> -> memref<8x50xi32, #tpu.memory_space<vmem>>
    %dma_start3A_178 = arith.constant 0 : i32
    %dma_start3A_179 = tpu.memref_slice %dma_start3A_177[%dma_start3A_162, %dma_start3A_178] : memref<8x50xi32, #tpu.memory_space<vmem>> -> memref<1x50xi32, #tpu.memory_space<vmem>>
    %dma_start3A_180 = tpu.memref_squeeze %dma_start3A_179 : memref<1x50xi32, #tpu.memory_space<vmem>> -> memref<50xi32, #tpu.memory_space<vmem>>
    %dma_start3A_181 = arith.constant 0 : i32
    %dma_start3A_182 = arith.constant 0 : i32
    %dma_start3A_183 = tpu.memref_slice %arg3[%dma_start3A_181, %dma_start3A_182] : memref<2031616x64xf32, #tpu.memory_space<hbm>> -> memref<2031616x64xf32, #tpu.memory_space<hbm>>
    tpu.enqueue_indirect_dma source(%dma_start3A_183 : memref<2031616x64xf32, #tpu.memory_space<hbm>>) target(%dma_start3A_173 : memref<50x64xf32, #tpu.memory_space<vmem>>) offsets(%dma_start3A_180 : memref<50xi32, #tpu.memory_space<vmem>>) semaphore(%arg12 : memref<!tpu.dma_semaphore, #tpu.memory_space<semaphore_mem>>)
    %dma_start3A_184 = arith.constant 0 : i32
    %dma_start3A_185 = arith.constant 6 : i32
    %dma_start3A_186 = arith.constant 0 : i32
    %dma_start3A_187 = arith.constant 6 : i32
    %dma_start3A_188 = arith.constant 0 : i32
    %dma_start3A_189 = arith.constant 0 : i32
    %dma_start3A_190 = arith.constant 0 : i32
    %dma_start3A_191 = tpu.memref_slice %arg7[%dma_start3A_186, %dma_start3A_188, %dma_start3A_189, %dma_start3A_190] : memref<2x8x50x64xf32, #tpu.memory_space<vmem>> -> memref<1x8x50x64xf32, #tpu.memory_space<vmem>>
    %dma_start3A_192 = tpu.memref_squeeze %dma_start3A_191 : memref<1x8x50x64xf32, #tpu.memory_space<vmem>> -> memref<8x50x64xf32, #tpu.memory_space<vmem>>
    %dma_start3A_193 = arith.constant 0 : i32
    %dma_start3A_194 = arith.constant 0 : i32
    %dma_start3A_195 = tpu.memref_slice %dma_start3A_192[%dma_start3A_187, %dma_start3A_193, %dma_start3A_194] : memref<8x50x64xf32, #tpu.memory_space<vmem>> -> memref<1x50x64xf32, #tpu.memory_space<vmem>>
    %dma_start3A_196 = tpu.memref_squeeze %dma_start3A_195 : memref<1x50x64xf32, #tpu.memory_space<vmem>> -> memref<50x64xf32, #tpu.memory_space<vmem>>
    %dma_start3A_197 = arith.constant 0 : i32
    %dma_start3A_198 = arith.constant 0 : i32
    %dma_start3A_199 = tpu.memref_slice %arg6[%dma_start3A_184, %dma_start3A_197, %dma_start3A_198] : memref<2x8x50xi32, #tpu.memory_space<vmem>> -> memref<1x8x50xi32, #tpu.memory_space<vmem>>
    %dma_start3A_200 = tpu.memref_squeeze %dma_start3A_199 : memref<1x8x50xi32, #tpu.memory_space<vmem>> -> memref<8x50xi32, #tpu.memory_space<vmem>>
    %dma_start3A_201 = arith.constant 0 : i32
    %dma_start3A_202 = tpu.memref_slice %dma_start3A_200[%dma_start3A_185, %dma_start3A_201] : memref<8x50xi32, #tpu.memory_space<vmem>> -> memref<1x50xi32, #tpu.memory_space<vmem>>
    %dma_start3A_203 = tpu.memref_squeeze %dma_start3A_202 : memref<1x50xi32, #tpu.memory_space<vmem>> -> memref<50xi32, #tpu.memory_space<vmem>>
    %dma_start3A_204 = arith.constant 0 : i32
    %dma_start3A_205 = arith.constant 0 : i32
    %dma_start3A_206 = tpu.memref_slice %arg3[%dma_start3A_204, %dma_start3A_205] : memref<2031616x64xf32, #tpu.memory_space<hbm>> -> memref<2031616x64xf32, #tpu.memory_space<hbm>>
    tpu.enqueue_indirect_dma source(%dma_start3A_206 : memref<2031616x64xf32, #tpu.memory_space<hbm>>) target(%dma_start3A_196 : memref<50x64xf32, #tpu.memory_space<vmem>>) offsets(%dma_start3A_203 : memref<50xi32, #tpu.memory_space<vmem>>) semaphore(%arg12 : memref<!tpu.dma_semaphore, #tpu.memory_space<semaphore_mem>>)
    %dma_start3A_207 = arith.constant 0 : i32
    %dma_start3A_208 = arith.constant 7 : i32
    %dma_start3A_209 = arith.constant 0 : i32
    %dma_start3A_210 = arith.constant 7 : i32
    %dma_start3A_211 = arith.constant 0 : i32
    %dma_start3A_212 = arith.constant 0 : i32
    %dma_start3A_213 = arith.constant 0 : i32
    %dma_start3A_214 = tpu.memref_slice %arg7[%dma_start3A_209, %dma_start3A_211, %dma_start3A_212, %dma_start3A_213] : memref<2x8x50x64xf32, #tpu.memory_space<vmem>> -> memref<1x8x50x64xf32, #tpu.memory_space<vmem>>
    %dma_start3A_215 = tpu.memref_squeeze %dma_start3A_214 : memref<1x8x50x64xf32, #tpu.memory_space<vmem>> -> memref<8x50x64xf32, #tpu.memory_space<vmem>>
    %dma_start3A_216 = arith.constant 0 : i32
    %dma_start3A_217 = arith.constant 0 : i32
    %dma_start3A_218 = tpu.memref_slice %dma_start3A_215[%dma_start3A_210, %dma_start3A_216, %dma_start3A_217] : memref<8x50x64xf32, #tpu.memory_space<vmem>> -> memref<1x50x64xf32, #tpu.memory_space<vmem>>
    %dma_start3A_219 = tpu.memref_squeeze %dma_start3A_218 : memref<1x50x64xf32, #tpu.memory_space<vmem>> -> memref<50x64xf32, #tpu.memory_space<vmem>>
    %dma_start3A_220 = arith.constant 0 : i32
    %dma_start3A_221 = arith.constant 0 : i32
    %dma_start3A_222 = tpu.memref_slice %arg6[%dma_start3A_207, %dma_start3A_220, %dma_start3A_221] : memref<2x8x50xi32, #tpu.memory_space<vmem>> -> memref<1x8x50xi32, #tpu.memory_space<vmem>>
    %dma_start3A_223 = tpu.memref_squeeze %dma_start3A_222 : memref<1x8x50xi32, #tpu.memory_space<vmem>> -> memref<8x50xi32, #tpu.memory_space<vmem>>
    %dma_start3A_224 = arith.constant 0 : i32
    %dma_start3A_225 = tpu.memref_slice %dma_start3A_223[%dma_start3A_208, %dma_start3A_224] : memref<8x50xi32, #tpu.memory_space<vmem>> -> memref<1x50xi32, #tpu.memory_space<vmem>>
    %dma_start3A_226 = tpu.memref_squeeze %dma_start3A_225 : memref<1x50xi32, #tpu.memory_space<vmem>> -> memref<50xi32, #tpu.memory_space<vmem>>
    %dma_start3A_227 = arith.constant 0 : i32
    %dma_start3A_228 = arith.constant 0 : i32
    %dma_start3A_229 = tpu.memref_slice %arg3[%dma_start3A_227, %dma_start3A_228] : memref<2031616x64xf32, #tpu.memory_space<hbm>> -> memref<2031616x64xf32, #tpu.memory_space<hbm>>
    tpu.enqueue_indirect_dma source(%dma_start3A_229 : memref<2031616x64xf32, #tpu.memory_space<hbm>>) target(%dma_start3A_219 : memref<50x64xf32, #tpu.memory_space<vmem>>) offsets(%dma_start3A_226 : memref<50xi32, #tpu.memory_space<vmem>>) semaphore(%arg12 : memref<!tpu.dma_semaphore, #tpu.memory_space<semaphore_mem>>)
    %scan3A = arith.constant 0 : i32
    %scan3A_230 = arith.constant 32 : i32
    %scan3A_231 = arith.addi %scan3A, %scan3A_230 : i32
    %scan3A_232 = arith.constant 1 : i32
    scf.for %scan3A_264 = %scan3A to %scan3A_231 step %scan3A_232  : i32 {
      %mul3A_265 = arith.constant 1 : i32
      %mul3A_266 = arith.muli %scan3A_264, %mul3A_265 : i32
      %add3A_267 = arith.constant 0 : i32
      %add3A_268 = arith.addi %add3A_267, %mul3A_266 : i32
      %mul3A_269 = arith.constant 2 : i32
      %mul3A_270 = arith.muli %mul3A_269, %add3A_268 : i32
      %add3A_271 = arith.constant 1 : i32
      %add3A_272 = arith.addi %mul3A_270, %add3A_271 : i32
      %lt3A = arith.constant 64 : i32
      %lt3A_273 = arith.cmpi slt, %add3A_272, %lt3A : i32
      %convert_element_type3A = arith.extui %lt3A_273 : i1 to i32
      %cond3A = arith.constant 0 : i32
      %cond3A_274 = arith.cmpi ne, %convert_element_type3A, %cond3A : i32
      scf.if %cond3A_274 {
        %dma_wait3A_1395 = arith.constant 1 : i32
        %dma_wait3A_1396 = arith.constant 0 : i32
        %dma_wait3A_1397 = arith.constant 0 : i32
        %dma_wait3A_1398 = tpu.memref_slice %arg6[%dma_wait3A_1395, %dma_wait3A_1396, %dma_wait3A_1397] : memref<2x8x50xi32, #tpu.memory_space<vmem>> -> memref<1x8x50xi32, #tpu.memory_space<vmem>>
        %dma_wait3A_1399 = tpu.memref_squeeze %dma_wait3A_1398 : memref<1x8x50xi32, #tpu.memory_space<vmem>> -> memref<8x50xi32, #tpu.memory_space<vmem>>
        %dma_wait3A_1400 = arith.constant 0 : i32
        %dma_wait3A_1401 = arith.constant 0 : i32
        %dma_wait3A_1402 = tpu.memref_slice %arg2[%dma_wait3A_1400, %dma_wait3A_1401] : memref<16384x50xi32, #tpu.memory_space<hbm>> -> memref<8x50xi32, #tpu.memory_space<hbm>>
        %dma_wait3A_1403 = arith.constant 0 : i32
        %dma_wait3A_1404 = arith.constant 0 : i32
        %dma_wait3A_1405 = tpu.memref_slice %arg6[%dma_wait3A_1395, %dma_wait3A_1403, %dma_wait3A_1404] : memref<2x8x50xi32, #tpu.memory_space<vmem>> -> memref<1x8x50xi32, #tpu.memory_space<vmem>>
        %dma_wait3A_1406 = tpu.memref_squeeze %dma_wait3A_1405 : memref<1x8x50xi32, #tpu.memory_space<vmem>> -> memref<8x50xi32, #tpu.memory_space<vmem>>
        %dma_wait3A_1407 = arith.constant 0 : i32
        %dma_wait3A_1408 = arith.constant 0 : i32
        %dma_wait3A_1409 = tpu.memref_slice %arg2[%dma_wait3A_1407, %dma_wait3A_1408] : memref<16384x50xi32, #tpu.memory_space<hbm>> -> memref<8x50xi32, #tpu.memory_space<hbm>>
        tpu.wait_dma2 semaphore(%arg11 : memref<!tpu.dma_semaphore, #tpu.memory_space<semaphore_mem>>) src(%dma_wait3A_1409 : memref<8x50xi32, #tpu.memory_space<hbm>>) dst(%dma_wait3A_1406 : memref<8x50xi32, #tpu.memory_space<vmem>>)
        %dma_start3A_1410 = arith.constant 1 : i32
        %dma_start3A_1411 = arith.constant 0 : i32
        %dma_start3A_1412 = arith.constant 1 : i32
        %dma_start3A_1413 = arith.constant 0 : i32
        %dma_start3A_1414 = arith.constant 0 : i32
        %dma_start3A_1415 = arith.constant 0 : i32
        %dma_start3A_1416 = arith.constant 0 : i32
        %dma_start3A_1417 = tpu.memref_slice %arg7[%dma_start3A_1412, %dma_start3A_1414, %dma_start3A_1415, %dma_start3A_1416] : memref<2x8x50x64xf32, #tpu.memory_space<vmem>> -> memref<1x8x50x64xf32, #tpu.memory_space<vmem>>
        %dma_start3A_1418 = tpu.memref_squeeze %dma_start3A_1417 : memref<1x8x50x64xf32, #tpu.memory_space<vmem>> -> memref<8x50x64xf32, #tpu.memory_space<vmem>>
        %dma_start3A_1419 = arith.constant 0 : i32
        %dma_start3A_1420 = arith.constant 0 : i32
        %dma_start3A_1421 = tpu.memref_slice %dma_start3A_1418[%dma_start3A_1413, %dma_start3A_1419, %dma_start3A_1420] : memref<8x50x64xf32, #tpu.memory_space<vmem>> -> memref<1x50x64xf32, #tpu.memory_space<vmem>>
        %dma_start3A_1422 = tpu.memref_squeeze %dma_start3A_1421 : memref<1x50x64xf32, #tpu.memory_space<vmem>> -> memref<50x64xf32, #tpu.memory_space<vmem>>
        %dma_start3A_1423 = arith.constant 0 : i32
        %dma_start3A_1424 = arith.constant 0 : i32
        %dma_start3A_1425 = tpu.memref_slice %arg6[%dma_start3A_1410, %dma_start3A_1423, %dma_start3A_1424] : memref<2x8x50xi32, #tpu.memory_space<vmem>> -> memref<1x8x50xi32, #tpu.memory_space<vmem>>
        %dma_start3A_1426 = tpu.memref_squeeze %dma_start3A_1425 : memref<1x8x50xi32, #tpu.memory_space<vmem>> -> memref<8x50xi32, #tpu.memory_space<vmem>>
        %dma_start3A_1427 = arith.constant 0 : i32
        %dma_start3A_1428 = tpu.memref_slice %dma_start3A_1426[%dma_start3A_1411, %dma_start3A_1427] : memref<8x50xi32, #tpu.memory_space<vmem>> -> memref<1x50xi32, #tpu.memory_space<vmem>>
        %dma_start3A_1429 = tpu.memref_squeeze %dma_start3A_1428 : memref<1x50xi32, #tpu.memory_space<vmem>> -> memref<50xi32, #tpu.memory_space<vmem>>
        %dma_start3A_1430 = arith.constant 0 : i32
        %dma_start3A_1431 = arith.constant 0 : i32
        %dma_start3A_1432 = tpu.memref_slice %arg3[%dma_start3A_1430, %dma_start3A_1431] : memref<2031616x64xf32, #tpu.memory_space<hbm>> -> memref<2031616x64xf32, #tpu.memory_space<hbm>>
        tpu.enqueue_indirect_dma source(%dma_start3A_1432 : memref<2031616x64xf32, #tpu.memory_space<hbm>>) target(%dma_start3A_1422 : memref<50x64xf32, #tpu.memory_space<vmem>>) offsets(%dma_start3A_1429 : memref<50xi32, #tpu.memory_space<vmem>>) semaphore(%arg13 : memref<!tpu.dma_semaphore, #tpu.memory_space<semaphore_mem>>)
        %dma_start3A_1433 = arith.constant 1 : i32
        %dma_start3A_1434 = arith.constant 1 : i32
        %dma_start3A_1435 = arith.constant 1 : i32
        %dma_start3A_1436 = arith.constant 1 : i32
        %dma_start3A_1437 = arith.constant 0 : i32
        %dma_start3A_1438 = arith.constant 0 : i32
        %dma_start3A_1439 = arith.constant 0 : i32
        %dma_start3A_1440 = tpu.memref_slice %arg7[%dma_start3A_1435, %dma_start3A_1437, %dma_start3A_1438, %dma_start3A_1439] : memref<2x8x50x64xf32, #tpu.memory_space<vmem>> -> memref<1x8x50x64xf32, #tpu.memory_space<vmem>>
        %dma_start3A_1441 = tpu.memref_squeeze %dma_start3A_1440 : memref<1x8x50x64xf32, #tpu.memory_space<vmem>> -> memref<8x50x64xf32, #tpu.memory_space<vmem>>
        %dma_start3A_1442 = arith.constant 0 : i32
        %dma_start3A_1443 = arith.constant 0 : i32
        %dma_start3A_1444 = tpu.memref_slice %dma_start3A_1441[%dma_start3A_1436, %dma_start3A_1442, %dma_start3A_1443] : memref<8x50x64xf32, #tpu.memory_space<vmem>> -> memref<1x50x64xf32, #tpu.memory_space<vmem>>
        %dma_start3A_1445 = tpu.memref_squeeze %dma_start3A_1444 : memref<1x50x64xf32, #tpu.memory_space<vmem>> -> memref<50x64xf32, #tpu.memory_space<vmem>>
        %dma_start3A_1446 = arith.constant 0 : i32
        %dma_start3A_1447 = arith.constant 0 : i32
        %dma_start3A_1448 = tpu.memref_slice %arg6[%dma_start3A_1433, %dma_start3A_1446, %dma_start3A_1447] : memref<2x8x50xi32, #tpu.memory_space<vmem>> -> memref<1x8x50xi32, #tpu.memory_space<vmem>>
        %dma_start3A_1449 = tpu.memref_squeeze %dma_start3A_1448 : memref<1x8x50xi32, #tpu.memory_space<vmem>> -> memref<8x50xi32, #tpu.memory_space<vmem>>
        %dma_start3A_1450 = arith.constant 0 : i32
        %dma_start3A_1451 = tpu.memref_slice %dma_start3A_1449[%dma_start3A_1434, %dma_start3A_1450] : memref<8x50xi32, #tpu.memory_space<vmem>> -> memref<1x50xi32, #tpu.memory_space<vmem>>
        %dma_start3A_1452 = tpu.memref_squeeze %dma_start3A_1451 : memref<1x50xi32, #tpu.memory_space<vmem>> -> memref<50xi32, #tpu.memory_space<vmem>>
        %dma_start3A_1453 = arith.constant 0 : i32
        %dma_start3A_1454 = arith.constant 0 : i32
        %dma_start3A_1455 = tpu.memref_slice %arg3[%dma_start3A_1453, %dma_start3A_1454] : memref<2031616x64xf32, #tpu.memory_space<hbm>> -> memref<2031616x64xf32, #tpu.memory_space<hbm>>
        tpu.enqueue_indirect_dma source(%dma_start3A_1455 : memref<2031616x64xf32, #tpu.memory_space<hbm>>) target(%dma_start3A_1445 : memref<50x64xf32, #tpu.memory_space<vmem>>) offsets(%dma_start3A_1452 : memref<50xi32, #tpu.memory_space<vmem>>) semaphore(%arg13 : memref<!tpu.dma_semaphore, #tpu.memory_space<semaphore_mem>>)
        %dma_start3A_1456 = arith.constant 1 : i32
        %dma_start3A_1457 = arith.constant 2 : i32
        %dma_start3A_1458 = arith.constant 1 : i32
        %dma_start3A_1459 = arith.constant 2 : i32
        %dma_start3A_1460 = arith.constant 0 : i32
        %dma_start3A_1461 = arith.constant 0 : i32
        %dma_start3A_1462 = arith.constant 0 : i32
        %dma_start3A_1463 = tpu.memref_slice %arg7[%dma_start3A_1458, %dma_start3A_1460, %dma_start3A_1461, %dma_start3A_1462] : memref<2x8x50x64xf32, #tpu.memory_space<vmem>> -> memref<1x8x50x64xf32, #tpu.memory_space<vmem>>
        %dma_start3A_1464 = tpu.memref_squeeze %dma_start3A_1463 : memref<1x8x50x64xf32, #tpu.memory_space<vmem>> -> memref<8x50x64xf32, #tpu.memory_space<vmem>>
        %dma_start3A_1465 = arith.constant 0 : i32
        %dma_start3A_1466 = arith.constant 0 : i32
        %dma_start3A_1467 = tpu.memref_slice %dma_start3A_1464[%dma_start3A_1459, %dma_start3A_1465, %dma_start3A_1466] : memref<8x50x64xf32, #tpu.memory_space<vmem>> -> memref<1x50x64xf32, #tpu.memory_space<vmem>>
        %dma_start3A_1468 = tpu.memref_squeeze %dma_start3A_1467 : memref<1x50x64xf32, #tpu.memory_space<vmem>> -> memref<50x64xf32, #tpu.memory_space<vmem>>
        %dma_start3A_1469 = arith.constant 0 : i32
        %dma_start3A_1470 = arith.constant 0 : i32
        %dma_start3A_1471 = tpu.memref_slice %arg6[%dma_start3A_1456, %dma_start3A_1469, %dma_start3A_1470] : memref<2x8x50xi32, #tpu.memory_space<vmem>> -> memref<1x8x50xi32, #tpu.memory_space<vmem>>
        %dma_start3A_1472 = tpu.memref_squeeze %dma_start3A_1471 : memref<1x8x50xi32, #tpu.memory_space<vmem>> -> memref<8x50xi32, #tpu.memory_space<vmem>>
        %dma_start3A_1473 = arith.constant 0 : i32
        %dma_start3A_1474 = tpu.memref_slice %dma_start3A_1472[%dma_start3A_1457, %dma_start3A_1473] : memref<8x50xi32, #tpu.memory_space<vmem>> -> memref<1x50xi32, #tpu.memory_space<vmem>>
        %dma_start3A_1475 = tpu.memref_squeeze %dma_start3A_1474 : memref<1x50xi32, #tpu.memory_space<vmem>> -> memref<50xi32, #tpu.memory_space<vmem>>
        %dma_start3A_1476 = arith.constant 0 : i32
        %dma_start3A_1477 = arith.constant 0 : i32
        %dma_start3A_1478 = tpu.memref_slice %arg3[%dma_start3A_1476, %dma_start3A_1477] : memref<2031616x64xf32, #tpu.memory_space<hbm>> -> memref<2031616x64xf32, #tpu.memory_space<hbm>>
        tpu.enqueue_indirect_dma source(%dma_start3A_1478 : memref<2031616x64xf32, #tpu.memory_space<hbm>>) target(%dma_start3A_1468 : memref<50x64xf32, #tpu.memory_space<vmem>>) offsets(%dma_start3A_1475 : memref<50xi32, #tpu.memory_space<vmem>>) semaphore(%arg13 : memref<!tpu.dma_semaphore, #tpu.memory_space<semaphore_mem>>)
        %dma_start3A_1479 = arith.constant 1 : i32
        %dma_start3A_1480 = arith.constant 3 : i32
        %dma_start3A_1481 = arith.constant 1 : i32
        %dma_start3A_1482 = arith.constant 3 : i32
        %dma_start3A_1483 = arith.constant 0 : i32
        %dma_start3A_1484 = arith.constant 0 : i32
        %dma_start3A_1485 = arith.constant 0 : i32
        %dma_start3A_1486 = tpu.memref_slice %arg7[%dma_start3A_1481, %dma_start3A_1483, %dma_start3A_1484, %dma_start3A_1485] : memref<2x8x50x64xf32, #tpu.memory_space<vmem>> -> memref<1x8x50x64xf32, #tpu.memory_space<vmem>>
        %dma_start3A_1487 = tpu.memref_squeeze %dma_start3A_1486 : memref<1x8x50x64xf32, #tpu.memory_space<vmem>> -> memref<8x50x64xf32, #tpu.memory_space<vmem>>
        %dma_start3A_1488 = arith.constant 0 : i32
        %dma_start3A_1489 = arith.constant 0 : i32
        %dma_start3A_1490 = tpu.memref_slice %dma_start3A_1487[%dma_start3A_1482, %dma_start3A_1488, %dma_start3A_1489] : memref<8x50x64xf32, #tpu.memory_space<vmem>> -> memref<1x50x64xf32, #tpu.memory_space<vmem>>
        %dma_start3A_1491 = tpu.memref_squeeze %dma_start3A_1490 : memref<1x50x64xf32, #tpu.memory_space<vmem>> -> memref<50x64xf32, #tpu.memory_space<vmem>>
        %dma_start3A_1492 = arith.constant 0 : i32
        %dma_start3A_1493 = arith.constant 0 : i32
        %dma_start3A_1494 = tpu.memref_slice %arg6[%dma_start3A_1479, %dma_start3A_1492, %dma_start3A_1493] : memref<2x8x50xi32, #tpu.memory_space<vmem>> -> memref<1x8x50xi32, #tpu.memory_space<vmem>>
        %dma_start3A_1495 = tpu.memref_squeeze %dma_start3A_1494 : memref<1x8x50xi32, #tpu.memory_space<vmem>> -> memref<8x50xi32, #tpu.memory_space<vmem>>
        %dma_start3A_1496 = arith.constant 0 : i32
        %dma_start3A_1497 = tpu.memref_slice %dma_start3A_1495[%dma_start3A_1480, %dma_start3A_1496] : memref<8x50xi32, #tpu.memory_space<vmem>> -> memref<1x50xi32, #tpu.memory_space<vmem>>
        %dma_start3A_1498 = tpu.memref_squeeze %dma_start3A_1497 : memref<1x50xi32, #tpu.memory_space<vmem>> -> memref<50xi32, #tpu.memory_space<vmem>>
        %dma_start3A_1499 = arith.constant 0 : i32
        %dma_start3A_1500 = arith.constant 0 : i32
        %dma_start3A_1501 = tpu.memref_slice %arg3[%dma_start3A_1499, %dma_start3A_1500] : memref<2031616x64xf32, #tpu.memory_space<hbm>> -> memref<2031616x64xf32, #tpu.memory_space<hbm>>
        tpu.enqueue_indirect_dma source(%dma_start3A_1501 : memref<2031616x64xf32, #tpu.memory_space<hbm>>) target(%dma_start3A_1491 : memref<50x64xf32, #tpu.memory_space<vmem>>) offsets(%dma_start3A_1498 : memref<50xi32, #tpu.memory_space<vmem>>) semaphore(%arg13 : memref<!tpu.dma_semaphore, #tpu.memory_space<semaphore_mem>>)
        %dma_start3A_1502 = arith.constant 1 : i32
        %dma_start3A_1503 = arith.constant 4 : i32
        %dma_start3A_1504 = arith.constant 1 : i32
        %dma_start3A_1505 = arith.constant 4 : i32
        %dma_start3A_1506 = arith.constant 0 : i32
        %dma_start3A_1507 = arith.constant 0 : i32
        %dma_start3A_1508 = arith.constant 0 : i32
        %dma_start3A_1509 = tpu.memref_slice %arg7[%dma_start3A_1504, %dma_start3A_1506, %dma_start3A_1507, %dma_start3A_1508] : memref<2x8x50x64xf32, #tpu.memory_space<vmem>> -> memref<1x8x50x64xf32, #tpu.memory_space<vmem>>
        %dma_start3A_1510 = tpu.memref_squeeze %dma_start3A_1509 : memref<1x8x50x64xf32, #tpu.memory_space<vmem>> -> memref<8x50x64xf32, #tpu.memory_space<vmem>>
        %dma_start3A_1511 = arith.constant 0 : i32
        %dma_start3A_1512 = arith.constant 0 : i32
        %dma_start3A_1513 = tpu.memref_slice %dma_start3A_1510[%dma_start3A_1505, %dma_start3A_1511, %dma_start3A_1512] : memref<8x50x64xf32, #tpu.memory_space<vmem>> -> memref<1x50x64xf32, #tpu.memory_space<vmem>>
        %dma_start3A_1514 = tpu.memref_squeeze %dma_start3A_1513 : memref<1x50x64xf32, #tpu.memory_space<vmem>> -> memref<50x64xf32, #tpu.memory_space<vmem>>
        %dma_start3A_1515 = arith.constant 0 : i32
        %dma_start3A_1516 = arith.constant 0 : i32
        %dma_start3A_1517 = tpu.memref_slice %arg6[%dma_start3A_1502, %dma_start3A_1515, %dma_start3A_1516] : memref<2x8x50xi32, #tpu.memory_space<vmem>> -> memref<1x8x50xi32, #tpu.memory_space<vmem>>
        %dma_start3A_1518 = tpu.memref_squeeze %dma_start3A_1517 : memref<1x8x50xi32, #tpu.memory_space<vmem>> -> memref<8x50xi32, #tpu.memory_space<vmem>>
        %dma_start3A_1519 = arith.constant 0 : i32
        %dma_start3A_1520 = tpu.memref_slice %dma_start3A_1518[%dma_start3A_1503, %dma_start3A_1519] : memref<8x50xi32, #tpu.memory_space<vmem>> -> memref<1x50xi32, #tpu.memory_space<vmem>>
        %dma_start3A_1521 = tpu.memref_squeeze %dma_start3A_1520 : memref<1x50xi32, #tpu.memory_space<vmem>> -> memref<50xi32, #tpu.memory_space<vmem>>
        %dma_start3A_1522 = arith.constant 0 : i32
        %dma_start3A_1523 = arith.constant 0 : i32
        %dma_start3A_1524 = tpu.memref_slice %arg3[%dma_start3A_1522, %dma_start3A_1523] : memref<2031616x64xf32, #tpu.memory_space<hbm>> -> memref<2031616x64xf32, #tpu.memory_space<hbm>>
        tpu.enqueue_indirect_dma source(%dma_start3A_1524 : memref<2031616x64xf32, #tpu.memory_space<hbm>>) target(%dma_start3A_1514 : memref<50x64xf32, #tpu.memory_space<vmem>>) offsets(%dma_start3A_1521 : memref<50xi32, #tpu.memory_space<vmem>>) semaphore(%arg13 : memref<!tpu.dma_semaphore, #tpu.memory_space<semaphore_mem>>)
        %dma_start3A_1525 = arith.constant 1 : i32
        %dma_start3A_1526 = arith.constant 5 : i32
        %dma_start3A_1527 = arith.constant 1 : i32
        %dma_start3A_1528 = arith.constant 5 : i32
        %dma_start3A_1529 = arith.constant 0 : i32
        %dma_start3A_1530 = arith.constant 0 : i32
        %dma_start3A_1531 = arith.constant 0 : i32
        %dma_start3A_1532 = tpu.memref_slice %arg7[%dma_start3A_1527, %dma_start3A_1529, %dma_start3A_1530, %dma_start3A_1531] : memref<2x8x50x64xf32, #tpu.memory_space<vmem>> -> memref<1x8x50x64xf32, #tpu.memory_space<vmem>>
        %dma_start3A_1533 = tpu.memref_squeeze %dma_start3A_1532 : memref<1x8x50x64xf32, #tpu.memory_space<vmem>> -> memref<8x50x64xf32, #tpu.memory_space<vmem>>
        %dma_start3A_1534 = arith.constant 0 : i32
        %dma_start3A_1535 = arith.constant 0 : i32
        %dma_start3A_1536 = tpu.memref_slice %dma_start3A_1533[%dma_start3A_1528, %dma_start3A_1534, %dma_start3A_1535] : memref<8x50x64xf32, #tpu.memory_space<vmem>> -> memref<1x50x64xf32, #tpu.memory_space<vmem>>
        %dma_start3A_1537 = tpu.memref_squeeze %dma_start3A_1536 : memref<1x50x64xf32, #tpu.memory_space<vmem>> -> memref<50x64xf32, #tpu.memory_space<vmem>>
        %dma_start3A_1538 = arith.constant 0 : i32
        %dma_start3A_1539 = arith.constant 0 : i32
        %dma_start3A_1540 = tpu.memref_slice %arg6[%dma_start3A_1525, %dma_start3A_1538, %dma_start3A_1539] : memref<2x8x50xi32, #tpu.memory_space<vmem>> -> memref<1x8x50xi32, #tpu.memory_space<vmem>>
        %dma_start3A_1541 = tpu.memref_squeeze %dma_start3A_1540 : memref<1x8x50xi32, #tpu.memory_space<vmem>> -> memref<8x50xi32, #tpu.memory_space<vmem>>
        %dma_start3A_1542 = arith.constant 0 : i32
        %dma_start3A_1543 = tpu.memref_slice %dma_start3A_1541[%dma_start3A_1526, %dma_start3A_1542] : memref<8x50xi32, #tpu.memory_space<vmem>> -> memref<1x50xi32, #tpu.memory_space<vmem>>
        %dma_start3A_1544 = tpu.memref_squeeze %dma_start3A_1543 : memref<1x50xi32, #tpu.memory_space<vmem>> -> memref<50xi32, #tpu.memory_space<vmem>>
        %dma_start3A_1545 = arith.constant 0 : i32
        %dma_start3A_1546 = arith.constant 0 : i32
        %dma_start3A_1547 = tpu.memref_slice %arg3[%dma_start3A_1545, %dma_start3A_1546] : memref<2031616x64xf32, #tpu.memory_space<hbm>> -> memref<2031616x64xf32, #tpu.memory_space<hbm>>
        tpu.enqueue_indirect_dma source(%dma_start3A_1547 : memref<2031616x64xf32, #tpu.memory_space<hbm>>) target(%dma_start3A_1537 : memref<50x64xf32, #tpu.memory_space<vmem>>) offsets(%dma_start3A_1544 : memref<50xi32, #tpu.memory_space<vmem>>) semaphore(%arg13 : memref<!tpu.dma_semaphore, #tpu.memory_space<semaphore_mem>>)
        %dma_start3A_1548 = arith.constant 1 : i32
        %dma_start3A_1549 = arith.constant 6 : i32
        %dma_start3A_1550 = arith.constant 1 : i32
        %dma_start3A_1551 = arith.constant 6 : i32
        %dma_start3A_1552 = arith.constant 0 : i32
        %dma_start3A_1553 = arith.constant 0 : i32
        %dma_start3A_1554 = arith.constant 0 : i32
        %dma_start3A_1555 = tpu.memref_slice %arg7[%dma_start3A_1550, %dma_start3A_1552, %dma_start3A_1553, %dma_start3A_1554] : memref<2x8x50x64xf32, #tpu.memory_space<vmem>> -> memref<1x8x50x64xf32, #tpu.memory_space<vmem>>
        %dma_start3A_1556 = tpu.memref_squeeze %dma_start3A_1555 : memref<1x8x50x64xf32, #tpu.memory_space<vmem>> -> memref<8x50x64xf32, #tpu.memory_space<vmem>>
        %dma_start3A_1557 = arith.constant 0 : i32
        %dma_start3A_1558 = arith.constant 0 : i32
        %dma_start3A_1559 = tpu.memref_slice %dma_start3A_1556[%dma_start3A_1551, %dma_start3A_1557, %dma_start3A_1558] : memref<8x50x64xf32, #tpu.memory_space<vmem>> -> memref<1x50x64xf32, #tpu.memory_space<vmem>>
        %dma_start3A_1560 = tpu.memref_squeeze %dma_start3A_1559 : memref<1x50x64xf32, #tpu.memory_space<vmem>> -> memref<50x64xf32, #tpu.memory_space<vmem>>
        %dma_start3A_1561 = arith.constant 0 : i32
        %dma_start3A_1562 = arith.constant 0 : i32
        %dma_start3A_1563 = tpu.memref_slice %arg6[%dma_start3A_1548, %dma_start3A_1561, %dma_start3A_1562] : memref<2x8x50xi32, #tpu.memory_space<vmem>> -> memref<1x8x50xi32, #tpu.memory_space<vmem>>
        %dma_start3A_1564 = tpu.memref_squeeze %dma_start3A_1563 : memref<1x8x50xi32, #tpu.memory_space<vmem>> -> memref<8x50xi32, #tpu.memory_space<vmem>>
        %dma_start3A_1565 = arith.constant 0 : i32
        %dma_start3A_1566 = tpu.memref_slice %dma_start3A_1564[%dma_start3A_1549, %dma_start3A_1565] : memref<8x50xi32, #tpu.memory_space<vmem>> -> memref<1x50xi32, #tpu.memory_space<vmem>>
        %dma_start3A_1567 = tpu.memref_squeeze %dma_start3A_1566 : memref<1x50xi32, #tpu.memory_space<vmem>> -> memref<50xi32, #tpu.memory_space<vmem>>
        %dma_start3A_1568 = arith.constant 0 : i32
        %dma_start3A_1569 = arith.constant 0 : i32
        %dma_start3A_1570 = tpu.memref_slice %arg3[%dma_start3A_1568, %dma_start3A_1569] : memref<2031616x64xf32, #tpu.memory_space<hbm>> -> memref<2031616x64xf32, #tpu.memory_space<hbm>>
        tpu.enqueue_indirect_dma source(%dma_start3A_1570 : memref<2031616x64xf32, #tpu.memory_space<hbm>>) target(%dma_start3A_1560 : memref<50x64xf32, #tpu.memory_space<vmem>>) offsets(%dma_start3A_1567 : memref<50xi32, #tpu.memory_space<vmem>>) semaphore(%arg13 : memref<!tpu.dma_semaphore, #tpu.memory_space<semaphore_mem>>)
        %dma_start3A_1571 = arith.constant 1 : i32
        %dma_start3A_1572 = arith.constant 7 : i32
        %dma_start3A_1573 = arith.constant 1 : i32
        %dma_start3A_1574 = arith.constant 7 : i32
        %dma_start3A_1575 = arith.constant 0 : i32
        %dma_start3A_1576 = arith.constant 0 : i32
        %dma_start3A_1577 = arith.constant 0 : i32
        %dma_start3A_1578 = tpu.memref_slice %arg7[%dma_start3A_1573, %dma_start3A_1575, %dma_start3A_1576, %dma_start3A_1577] : memref<2x8x50x64xf32, #tpu.memory_space<vmem>> -> memref<1x8x50x64xf32, #tpu.memory_space<vmem>>
        %dma_start3A_1579 = tpu.memref_squeeze %dma_start3A_1578 : memref<1x8x50x64xf32, #tpu.memory_space<vmem>> -> memref<8x50x64xf32, #tpu.memory_space<vmem>>
        %dma_start3A_1580 = arith.constant 0 : i32
        %dma_start3A_1581 = arith.constant 0 : i32
        %dma_start3A_1582 = tpu.memref_slice %dma_start3A_1579[%dma_start3A_1574, %dma_start3A_1580, %dma_start3A_1581] : memref<8x50x64xf32, #tpu.memory_space<vmem>> -> memref<1x50x64xf32, #tpu.memory_space<vmem>>
        %dma_start3A_1583 = tpu.memref_squeeze %dma_start3A_1582 : memref<1x50x64xf32, #tpu.memory_space<vmem>> -> memref<50x64xf32, #tpu.memory_space<vmem>>
        %dma_start3A_1584 = arith.constant 0 : i32
        %dma_start3A_1585 = arith.constant 0 : i32
        %dma_start3A_1586 = tpu.memref_slice %arg6[%dma_start3A_1571, %dma_start3A_1584, %dma_start3A_1585] : memref<2x8x50xi32, #tpu.memory_space<vmem>> -> memref<1x8x50xi32, #tpu.memory_space<vmem>>
        %dma_start3A_1587 = tpu.memref_squeeze %dma_start3A_1586 : memref<1x8x50xi32, #tpu.memory_space<vmem>> -> memref<8x50xi32, #tpu.memory_space<vmem>>
        %dma_start3A_1588 = arith.constant 0 : i32
        %dma_start3A_1589 = tpu.memref_slice %dma_start3A_1587[%dma_start3A_1572, %dma_start3A_1588] : memref<8x50xi32, #tpu.memory_space<vmem>> -> memref<1x50xi32, #tpu.memory_space<vmem>>
        %dma_start3A_1590 = tpu.memref_squeeze %dma_start3A_1589 : memref<1x50xi32, #tpu.memory_space<vmem>> -> memref<50xi32, #tpu.memory_space<vmem>>
        %dma_start3A_1591 = arith.constant 0 : i32
        %dma_start3A_1592 = arith.constant 0 : i32
        %dma_start3A_1593 = tpu.memref_slice %arg3[%dma_start3A_1591, %dma_start3A_1592] : memref<2031616x64xf32, #tpu.memory_space<hbm>> -> memref<2031616x64xf32, #tpu.memory_space<hbm>>
        tpu.enqueue_indirect_dma source(%dma_start3A_1593 : memref<2031616x64xf32, #tpu.memory_space<hbm>>) target(%dma_start3A_1583 : memref<50x64xf32, #tpu.memory_space<vmem>>) offsets(%dma_start3A_1590 : memref<50xi32, #tpu.memory_space<vmem>>) semaphore(%arg13 : memref<!tpu.dma_semaphore, #tpu.memory_space<semaphore_mem>>)
      } else {
      }
      %dma_wait3A_275 = arith.constant 0 : i32
      %dma_wait3A_276 = arith.constant 0 : i32
      %dma_wait3A_277 = arith.constant 0 : i32
      %dma_wait3A_278 = arith.constant 0 : i32
      %dma_wait3A_279 = arith.constant 0 : i32
      %dma_wait3A_280 = arith.constant 0 : i32
      %dma_wait3A_281 = arith.constant 0 : i32
      %dma_wait3A_282 = tpu.memref_slice %arg7[%dma_wait3A_277, %dma_wait3A_279, %dma_wait3A_280, %dma_wait3A_281] : memref<2x8x50x64xf32, #tpu.memory_space<vmem>> -> memref<1x8x50x64xf32, #tpu.memory_space<vmem>>
      %dma_wait3A_283 = tpu.memref_squeeze %dma_wait3A_282 : memref<1x8x50x64xf32, #tpu.memory_space<vmem>> -> memref<8x50x64xf32, #tpu.memory_space<vmem>>
      %dma_wait3A_284 = arith.constant 0 : i32
      %dma_wait3A_285 = arith.constant 0 : i32
      %dma_wait3A_286 = tpu.memref_slice %dma_wait3A_283[%dma_wait3A_278, %dma_wait3A_284, %dma_wait3A_285] : memref<8x50x64xf32, #tpu.memory_space<vmem>> -> memref<1x50x64xf32, #tpu.memory_space<vmem>>
      %dma_wait3A_287 = tpu.memref_squeeze %dma_wait3A_286 : memref<1x50x64xf32, #tpu.memory_space<vmem>> -> memref<50x64xf32, #tpu.memory_space<vmem>>
      %dma_wait3A_288 = arith.constant 0 : i32
      %dma_wait3A_289 = arith.constant 0 : i32
      %dma_wait3A_290 = tpu.memref_slice %arg6[%dma_wait3A_275, %dma_wait3A_288, %dma_wait3A_289] : memref<2x8x50xi32, #tpu.memory_space<vmem>> -> memref<1x8x50xi32, #tpu.memory_space<vmem>>
      %dma_wait3A_291 = tpu.memref_squeeze %dma_wait3A_290 : memref<1x8x50xi32, #tpu.memory_space<vmem>> -> memref<8x50xi32, #tpu.memory_space<vmem>>
      %dma_wait3A_292 = arith.constant 0 : i32
      %dma_wait3A_293 = tpu.memref_slice %dma_wait3A_291[%dma_wait3A_276, %dma_wait3A_292] : memref<8x50xi32, #tpu.memory_space<vmem>> -> memref<1x50xi32, #tpu.memory_space<vmem>>
      %dma_wait3A_294 = tpu.memref_squeeze %dma_wait3A_293 : memref<1x50xi32, #tpu.memory_space<vmem>> -> memref<50xi32, #tpu.memory_space<vmem>>
      %dma_wait3A_295 = arith.constant 0 : i32
      %dma_wait3A_296 = arith.constant 0 : i32
      %dma_wait3A_297 = tpu.memref_slice %arg3[%dma_wait3A_295, %dma_wait3A_296] : memref<2031616x64xf32, #tpu.memory_space<hbm>> -> memref<2031616x64xf32, #tpu.memory_space<hbm>>
      tpu.wait_indirect_dma semaphore(%arg12 : memref<!tpu.dma_semaphore, #tpu.memory_space<semaphore_mem>>) src(%dma_wait3A_297 : memref<2031616x64xf32, #tpu.memory_space<hbm>>) dst(%dma_wait3A_287 : memref<50x64xf32, #tpu.memory_space<vmem>>)
      %dma_wait3A_298 = arith.constant 0 : i32
      %dma_wait3A_299 = arith.constant 1 : i32
      %dma_wait3A_300 = arith.constant 0 : i32
      %dma_wait3A_301 = arith.constant 1 : i32
      %dma_wait3A_302 = arith.constant 0 : i32
      %dma_wait3A_303 = arith.constant 0 : i32
      %dma_wait3A_304 = arith.constant 0 : i32
      %dma_wait3A_305 = tpu.memref_slice %arg7[%dma_wait3A_300, %dma_wait3A_302, %dma_wait3A_303, %dma_wait3A_304] : memref<2x8x50x64xf32, #tpu.memory_space<vmem>> -> memref<1x8x50x64xf32, #tpu.memory_space<vmem>>
      %dma_wait3A_306 = tpu.memref_squeeze %dma_wait3A_305 : memref<1x8x50x64xf32, #tpu.memory_space<vmem>> -> memref<8x50x64xf32, #tpu.memory_space<vmem>>
      %dma_wait3A_307 = arith.constant 0 : i32
      %dma_wait3A_308 = arith.constant 0 : i32
      %dma_wait3A_309 = tpu.memref_slice %dma_wait3A_306[%dma_wait3A_301, %dma_wait3A_307, %dma_wait3A_308] : memref<8x50x64xf32, #tpu.memory_space<vmem>> -> memref<1x50x64xf32, #tpu.memory_space<vmem>>
      %dma_wait3A_310 = tpu.memref_squeeze %dma_wait3A_309 : memref<1x50x64xf32, #tpu.memory_space<vmem>> -> memref<50x64xf32, #tpu.memory_space<vmem>>
      %dma_wait3A_311 = arith.constant 0 : i32
      %dma_wait3A_312 = arith.constant 0 : i32
      %dma_wait3A_313 = tpu.memref_slice %arg6[%dma_wait3A_298, %dma_wait3A_311, %dma_wait3A_312] : memref<2x8x50xi32, #tpu.memory_space<vmem>> -> memref<1x8x50xi32, #tpu.memory_space<vmem>>
      %dma_wait3A_314 = tpu.memref_squeeze %dma_wait3A_313 : memref<1x8x50xi32, #tpu.memory_space<vmem>> -> memref<8x50xi32, #tpu.memory_space<vmem>>
      %dma_wait3A_315 = arith.constant 0 : i32
      %dma_wait3A_316 = tpu.memref_slice %dma_wait3A_314[%dma_wait3A_299, %dma_wait3A_315] : memref<8x50xi32, #tpu.memory_space<vmem>> -> memref<1x50xi32, #tpu.memory_space<vmem>>
      %dma_wait3A_317 = tpu.memref_squeeze %dma_wait3A_316 : memref<1x50xi32, #tpu.memory_space<vmem>> -> memref<50xi32, #tpu.memory_space<vmem>>
      %dma_wait3A_318 = arith.constant 0 : i32
      %dma_wait3A_319 = arith.constant 0 : i32
      %dma_wait3A_320 = tpu.memref_slice %arg3[%dma_wait3A_318, %dma_wait3A_319] : memref<2031616x64xf32, #tpu.memory_space<hbm>> -> memref<2031616x64xf32, #tpu.memory_space<hbm>>
      tpu.wait_indirect_dma semaphore(%arg12 : memref<!tpu.dma_semaphore, #tpu.memory_space<semaphore_mem>>) src(%dma_wait3A_320 : memref<2031616x64xf32, #tpu.memory_space<hbm>>) dst(%dma_wait3A_310 : memref<50x64xf32, #tpu.memory_space<vmem>>)
      %dma_wait3A_321 = arith.constant 0 : i32
      %dma_wait3A_322 = arith.constant 2 : i32
      %dma_wait3A_323 = arith.constant 0 : i32
      %dma_wait3A_324 = arith.constant 2 : i32
      %dma_wait3A_325 = arith.constant 0 : i32
      %dma_wait3A_326 = arith.constant 0 : i32
      %dma_wait3A_327 = arith.constant 0 : i32
      %dma_wait3A_328 = tpu.memref_slice %arg7[%dma_wait3A_323, %dma_wait3A_325, %dma_wait3A_326, %dma_wait3A_327] : memref<2x8x50x64xf32, #tpu.memory_space<vmem>> -> memref<1x8x50x64xf32, #tpu.memory_space<vmem>>
      %dma_wait3A_329 = tpu.memref_squeeze %dma_wait3A_328 : memref<1x8x50x64xf32, #tpu.memory_space<vmem>> -> memref<8x50x64xf32, #tpu.memory_space<vmem>>
      %dma_wait3A_330 = arith.constant 0 : i32
      %dma_wait3A_331 = arith.constant 0 : i32
      %dma_wait3A_332 = tpu.memref_slice %dma_wait3A_329[%dma_wait3A_324, %dma_wait3A_330, %dma_wait3A_331] : memref<8x50x64xf32, #tpu.memory_space<vmem>> -> memref<1x50x64xf32, #tpu.memory_space<vmem>>
      %dma_wait3A_333 = tpu.memref_squeeze %dma_wait3A_332 : memref<1x50x64xf32, #tpu.memory_space<vmem>> -> memref<50x64xf32, #tpu.memory_space<vmem>>
      %dma_wait3A_334 = arith.constant 0 : i32
      %dma_wait3A_335 = arith.constant 0 : i32
      %dma_wait3A_336 = tpu.memref_slice %arg6[%dma_wait3A_321, %dma_wait3A_334, %dma_wait3A_335] : memref<2x8x50xi32, #tpu.memory_space<vmem>> -> memref<1x8x50xi32, #tpu.memory_space<vmem>>
      %dma_wait3A_337 = tpu.memref_squeeze %dma_wait3A_336 : memref<1x8x50xi32, #tpu.memory_space<vmem>> -> memref<8x50xi32, #tpu.memory_space<vmem>>
      %dma_wait3A_338 = arith.constant 0 : i32
      %dma_wait3A_339 = tpu.memref_slice %dma_wait3A_337[%dma_wait3A_322, %dma_wait3A_338] : memref<8x50xi32, #tpu.memory_space<vmem>> -> memref<1x50xi32, #tpu.memory_space<vmem>>
      %dma_wait3A_340 = tpu.memref_squeeze %dma_wait3A_339 : memref<1x50xi32, #tpu.memory_space<vmem>> -> memref<50xi32, #tpu.memory_space<vmem>>
      %dma_wait3A_341 = arith.constant 0 : i32
      %dma_wait3A_342 = arith.constant 0 : i32
      %dma_wait3A_343 = tpu.memref_slice %arg3[%dma_wait3A_341, %dma_wait3A_342] : memref<2031616x64xf32, #tpu.memory_space<hbm>> -> memref<2031616x64xf32, #tpu.memory_space<hbm>>
      tpu.wait_indirect_dma semaphore(%arg12 : memref<!tpu.dma_semaphore, #tpu.memory_space<semaphore_mem>>) src(%dma_wait3A_343 : memref<2031616x64xf32, #tpu.memory_space<hbm>>) dst(%dma_wait3A_333 : memref<50x64xf32, #tpu.memory_space<vmem>>)
      %dma_wait3A_344 = arith.constant 0 : i32
      %dma_wait3A_345 = arith.constant 3 : i32
      %dma_wait3A_346 = arith.constant 0 : i32
      %dma_wait3A_347 = arith.constant 3 : i32
      %dma_wait3A_348 = arith.constant 0 : i32
      %dma_wait3A_349 = arith.constant 0 : i32
      %dma_wait3A_350 = arith.constant 0 : i32
      %dma_wait3A_351 = tpu.memref_slice %arg7[%dma_wait3A_346, %dma_wait3A_348, %dma_wait3A_349, %dma_wait3A_350] : memref<2x8x50x64xf32, #tpu.memory_space<vmem>> -> memref<1x8x50x64xf32, #tpu.memory_space<vmem>>
      %dma_wait3A_352 = tpu.memref_squeeze %dma_wait3A_351 : memref<1x8x50x64xf32, #tpu.memory_space<vmem>> -> memref<8x50x64xf32, #tpu.memory_space<vmem>>
      %dma_wait3A_353 = arith.constant 0 : i32
      %dma_wait3A_354 = arith.constant 0 : i32
      %dma_wait3A_355 = tpu.memref_slice %dma_wait3A_352[%dma_wait3A_347, %dma_wait3A_353, %dma_wait3A_354] : memref<8x50x64xf32, #tpu.memory_space<vmem>> -> memref<1x50x64xf32, #tpu.memory_space<vmem>>
      %dma_wait3A_356 = tpu.memref_squeeze %dma_wait3A_355 : memref<1x50x64xf32, #tpu.memory_space<vmem>> -> memref<50x64xf32, #tpu.memory_space<vmem>>
      %dma_wait3A_357 = arith.constant 0 : i32
      %dma_wait3A_358 = arith.constant 0 : i32
      %dma_wait3A_359 = tpu.memref_slice %arg6[%dma_wait3A_344, %dma_wait3A_357, %dma_wait3A_358] : memref<2x8x50xi32, #tpu.memory_space<vmem>> -> memref<1x8x50xi32, #tpu.memory_space<vmem>>
      %dma_wait3A_360 = tpu.memref_squeeze %dma_wait3A_359 : memref<1x8x50xi32, #tpu.memory_space<vmem>> -> memref<8x50xi32, #tpu.memory_space<vmem>>
      %dma_wait3A_361 = arith.constant 0 : i32
      %dma_wait3A_362 = tpu.memref_slice %dma_wait3A_360[%dma_wait3A_345, %dma_wait3A_361] : memref<8x50xi32, #tpu.memory_space<vmem>> -> memref<1x50xi32, #tpu.memory_space<vmem>>
      %dma_wait3A_363 = tpu.memref_squeeze %dma_wait3A_362 : memref<1x50xi32, #tpu.memory_space<vmem>> -> memref<50xi32, #tpu.memory_space<vmem>>
      %dma_wait3A_364 = arith.constant 0 : i32
      %dma_wait3A_365 = arith.constant 0 : i32
      %dma_wait3A_366 = tpu.memref_slice %arg3[%dma_wait3A_364, %dma_wait3A_365] : memref<2031616x64xf32, #tpu.memory_space<hbm>> -> memref<2031616x64xf32, #tpu.memory_space<hbm>>
      tpu.wait_indirect_dma semaphore(%arg12 : memref<!tpu.dma_semaphore, #tpu.memory_space<semaphore_mem>>) src(%dma_wait3A_366 : memref<2031616x64xf32, #tpu.memory_space<hbm>>) dst(%dma_wait3A_356 : memref<50x64xf32, #tpu.memory_space<vmem>>)
      %dma_wait3A_367 = arith.constant 0 : i32
      %dma_wait3A_368 = arith.constant 4 : i32
      %dma_wait3A_369 = arith.constant 0 : i32
      %dma_wait3A_370 = arith.constant 4 : i32
      %dma_wait3A_371 = arith.constant 0 : i32
      %dma_wait3A_372 = arith.constant 0 : i32
      %dma_wait3A_373 = arith.constant 0 : i32
      %dma_wait3A_374 = tpu.memref_slice %arg7[%dma_wait3A_369, %dma_wait3A_371, %dma_wait3A_372, %dma_wait3A_373] : memref<2x8x50x64xf32, #tpu.memory_space<vmem>> -> memref<1x8x50x64xf32, #tpu.memory_space<vmem>>
      %dma_wait3A_375 = tpu.memref_squeeze %dma_wait3A_374 : memref<1x8x50x64xf32, #tpu.memory_space<vmem>> -> memref<8x50x64xf32, #tpu.memory_space<vmem>>
      %dma_wait3A_376 = arith.constant 0 : i32
      %dma_wait3A_377 = arith.constant 0 : i32
      %dma_wait3A_378 = tpu.memref_slice %dma_wait3A_375[%dma_wait3A_370, %dma_wait3A_376, %dma_wait3A_377] : memref<8x50x64xf32, #tpu.memory_space<vmem>> -> memref<1x50x64xf32, #tpu.memory_space<vmem>>
      %dma_wait3A_379 = tpu.memref_squeeze %dma_wait3A_378 : memref<1x50x64xf32, #tpu.memory_space<vmem>> -> memref<50x64xf32, #tpu.memory_space<vmem>>
      %dma_wait3A_380 = arith.constant 0 : i32
      %dma_wait3A_381 = arith.constant 0 : i32
      %dma_wait3A_382 = tpu.memref_slice %arg6[%dma_wait3A_367, %dma_wait3A_380, %dma_wait3A_381] : memref<2x8x50xi32, #tpu.memory_space<vmem>> -> memref<1x8x50xi32, #tpu.memory_space<vmem>>
      %dma_wait3A_383 = tpu.memref_squeeze %dma_wait3A_382 : memref<1x8x50xi32, #tpu.memory_space<vmem>> -> memref<8x50xi32, #tpu.memory_space<vmem>>
      %dma_wait3A_384 = arith.constant 0 : i32
      %dma_wait3A_385 = tpu.memref_slice %dma_wait3A_383[%dma_wait3A_368, %dma_wait3A_384] : memref<8x50xi32, #tpu.memory_space<vmem>> -> memref<1x50xi32, #tpu.memory_space<vmem>>
      %dma_wait3A_386 = tpu.memref_squeeze %dma_wait3A_385 : memref<1x50xi32, #tpu.memory_space<vmem>> -> memref<50xi32, #tpu.memory_space<vmem>>
      %dma_wait3A_387 = arith.constant 0 : i32
      %dma_wait3A_388 = arith.constant 0 : i32
      %dma_wait3A_389 = tpu.memref_slice %arg3[%dma_wait3A_387, %dma_wait3A_388] : memref<2031616x64xf32, #tpu.memory_space<hbm>> -> memref<2031616x64xf32, #tpu.memory_space<hbm>>
      tpu.wait_indirect_dma semaphore(%arg12 : memref<!tpu.dma_semaphore, #tpu.memory_space<semaphore_mem>>) src(%dma_wait3A_389 : memref<2031616x64xf32, #tpu.memory_space<hbm>>) dst(%dma_wait3A_379 : memref<50x64xf32, #tpu.memory_space<vmem>>)
      %dma_wait3A_390 = arith.constant 0 : i32
      %dma_wait3A_391 = arith.constant 5 : i32
      %dma_wait3A_392 = arith.constant 0 : i32
      %dma_wait3A_393 = arith.constant 5 : i32
      %dma_wait3A_394 = arith.constant 0 : i32
      %dma_wait3A_395 = arith.constant 0 : i32
      %dma_wait3A_396 = arith.constant 0 : i32
      %dma_wait3A_397 = tpu.memref_slice %arg7[%dma_wait3A_392, %dma_wait3A_394, %dma_wait3A_395, %dma_wait3A_396] : memref<2x8x50x64xf32, #tpu.memory_space<vmem>> -> memref<1x8x50x64xf32, #tpu.memory_space<vmem>>
      %dma_wait3A_398 = tpu.memref_squeeze %dma_wait3A_397 : memref<1x8x50x64xf32, #tpu.memory_space<vmem>> -> memref<8x50x64xf32, #tpu.memory_space<vmem>>
      %dma_wait3A_399 = arith.constant 0 : i32
      %dma_wait3A_400 = arith.constant 0 : i32
      %dma_wait3A_401 = tpu.memref_slice %dma_wait3A_398[%dma_wait3A_393, %dma_wait3A_399, %dma_wait3A_400] : memref<8x50x64xf32, #tpu.memory_space<vmem>> -> memref<1x50x64xf32, #tpu.memory_space<vmem>>
      %dma_wait3A_402 = tpu.memref_squeeze %dma_wait3A_401 : memref<1x50x64xf32, #tpu.memory_space<vmem>> -> memref<50x64xf32, #tpu.memory_space<vmem>>
      %dma_wait3A_403 = arith.constant 0 : i32
      %dma_wait3A_404 = arith.constant 0 : i32
      %dma_wait3A_405 = tpu.memref_slice %arg6[%dma_wait3A_390, %dma_wait3A_403, %dma_wait3A_404] : memref<2x8x50xi32, #tpu.memory_space<vmem>> -> memref<1x8x50xi32, #tpu.memory_space<vmem>>
      %dma_wait3A_406 = tpu.memref_squeeze %dma_wait3A_405 : memref<1x8x50xi32, #tpu.memory_space<vmem>> -> memref<8x50xi32, #tpu.memory_space<vmem>>
      %dma_wait3A_407 = arith.constant 0 : i32
      %dma_wait3A_408 = tpu.memref_slice %dma_wait3A_406[%dma_wait3A_391, %dma_wait3A_407] : memref<8x50xi32, #tpu.memory_space<vmem>> -> memref<1x50xi32, #tpu.memory_space<vmem>>
      %dma_wait3A_409 = tpu.memref_squeeze %dma_wait3A_408 : memref<1x50xi32, #tpu.memory_space<vmem>> -> memref<50xi32, #tpu.memory_space<vmem>>
      %dma_wait3A_410 = arith.constant 0 : i32
      %dma_wait3A_411 = arith.constant 0 : i32
      %dma_wait3A_412 = tpu.memref_slice %arg3[%dma_wait3A_410, %dma_wait3A_411] : memref<2031616x64xf32, #tpu.memory_space<hbm>> -> memref<2031616x64xf32, #tpu.memory_space<hbm>>
      tpu.wait_indirect_dma semaphore(%arg12 : memref<!tpu.dma_semaphore, #tpu.memory_space<semaphore_mem>>) src(%dma_wait3A_412 : memref<2031616x64xf32, #tpu.memory_space<hbm>>) dst(%dma_wait3A_402 : memref<50x64xf32, #tpu.memory_space<vmem>>)
      %dma_wait3A_413 = arith.constant 0 : i32
      %dma_wait3A_414 = arith.constant 6 : i32
      %dma_wait3A_415 = arith.constant 0 : i32
      %dma_wait3A_416 = arith.constant 6 : i32
      %dma_wait3A_417 = arith.constant 0 : i32
      %dma_wait3A_418 = arith.constant 0 : i32
      %dma_wait3A_419 = arith.constant 0 : i32
      %dma_wait3A_420 = tpu.memref_slice %arg7[%dma_wait3A_415, %dma_wait3A_417, %dma_wait3A_418, %dma_wait3A_419] : memref<2x8x50x64xf32, #tpu.memory_space<vmem>> -> memref<1x8x50x64xf32, #tpu.memory_space<vmem>>
      %dma_wait3A_421 = tpu.memref_squeeze %dma_wait3A_420 : memref<1x8x50x64xf32, #tpu.memory_space<vmem>> -> memref<8x50x64xf32, #tpu.memory_space<vmem>>
      %dma_wait3A_422 = arith.constant 0 : i32
      %dma_wait3A_423 = arith.constant 0 : i32
      %dma_wait3A_424 = tpu.memref_slice %dma_wait3A_421[%dma_wait3A_416, %dma_wait3A_422, %dma_wait3A_423] : memref<8x50x64xf32, #tpu.memory_space<vmem>> -> memref<1x50x64xf32, #tpu.memory_space<vmem>>
      %dma_wait3A_425 = tpu.memref_squeeze %dma_wait3A_424 : memref<1x50x64xf32, #tpu.memory_space<vmem>> -> memref<50x64xf32, #tpu.memory_space<vmem>>
      %dma_wait3A_426 = arith.constant 0 : i32
      %dma_wait3A_427 = arith.constant 0 : i32
      %dma_wait3A_428 = tpu.memref_slice %arg6[%dma_wait3A_413, %dma_wait3A_426, %dma_wait3A_427] : memref<2x8x50xi32, #tpu.memory_space<vmem>> -> memref<1x8x50xi32, #tpu.memory_space<vmem>>
      %dma_wait3A_429 = tpu.memref_squeeze %dma_wait3A_428 : memref<1x8x50xi32, #tpu.memory_space<vmem>> -> memref<8x50xi32, #tpu.memory_space<vmem>>
      %dma_wait3A_430 = arith.constant 0 : i32
      %dma_wait3A_431 = tpu.memref_slice %dma_wait3A_429[%dma_wait3A_414, %dma_wait3A_430] : memref<8x50xi32, #tpu.memory_space<vmem>> -> memref<1x50xi32, #tpu.memory_space<vmem>>
      %dma_wait3A_432 = tpu.memref_squeeze %dma_wait3A_431 : memref<1x50xi32, #tpu.memory_space<vmem>> -> memref<50xi32, #tpu.memory_space<vmem>>
      %dma_wait3A_433 = arith.constant 0 : i32
      %dma_wait3A_434 = arith.constant 0 : i32
      %dma_wait3A_435 = tpu.memref_slice %arg3[%dma_wait3A_433, %dma_wait3A_434] : memref<2031616x64xf32, #tpu.memory_space<hbm>> -> memref<2031616x64xf32, #tpu.memory_space<hbm>>
      tpu.wait_indirect_dma semaphore(%arg12 : memref<!tpu.dma_semaphore, #tpu.memory_space<semaphore_mem>>) src(%dma_wait3A_435 : memref<2031616x64xf32, #tpu.memory_space<hbm>>) dst(%dma_wait3A_425 : memref<50x64xf32, #tpu.memory_space<vmem>>)
      %dma_wait3A_436 = arith.constant 0 : i32
      %dma_wait3A_437 = arith.constant 7 : i32
      %dma_wait3A_438 = arith.constant 0 : i32
      %dma_wait3A_439 = arith.constant 7 : i32
      %dma_wait3A_440 = arith.constant 0 : i32
      %dma_wait3A_441 = arith.constant 0 : i32
      %dma_wait3A_442 = arith.constant 0 : i32
      %dma_wait3A_443 = tpu.memref_slice %arg7[%dma_wait3A_438, %dma_wait3A_440, %dma_wait3A_441, %dma_wait3A_442] : memref<2x8x50x64xf32, #tpu.memory_space<vmem>> -> memref<1x8x50x64xf32, #tpu.memory_space<vmem>>
      %dma_wait3A_444 = tpu.memref_squeeze %dma_wait3A_443 : memref<1x8x50x64xf32, #tpu.memory_space<vmem>> -> memref<8x50x64xf32, #tpu.memory_space<vmem>>
      %dma_wait3A_445 = arith.constant 0 : i32
      %dma_wait3A_446 = arith.constant 0 : i32
      %dma_wait3A_447 = tpu.memref_slice %dma_wait3A_444[%dma_wait3A_439, %dma_wait3A_445, %dma_wait3A_446] : memref<8x50x64xf32, #tpu.memory_space<vmem>> -> memref<1x50x64xf32, #tpu.memory_space<vmem>>
      %dma_wait3A_448 = tpu.memref_squeeze %dma_wait3A_447 : memref<1x50x64xf32, #tpu.memory_space<vmem>> -> memref<50x64xf32, #tpu.memory_space<vmem>>
      %dma_wait3A_449 = arith.constant 0 : i32
      %dma_wait3A_450 = arith.constant 0 : i32
      %dma_wait3A_451 = tpu.memref_slice %arg6[%dma_wait3A_436, %dma_wait3A_449, %dma_wait3A_450] : memref<2x8x50xi32, #tpu.memory_space<vmem>> -> memref<1x8x50xi32, #tpu.memory_space<vmem>>
      %dma_wait3A_452 = tpu.memref_squeeze %dma_wait3A_451 : memref<1x8x50xi32, #tpu.memory_space<vmem>> -> memref<8x50xi32, #tpu.memory_space<vmem>>
      %dma_wait3A_453 = arith.constant 0 : i32
      %dma_wait3A_454 = tpu.memref_slice %dma_wait3A_452[%dma_wait3A_437, %dma_wait3A_453] : memref<8x50xi32, #tpu.memory_space<vmem>> -> memref<1x50xi32, #tpu.memory_space<vmem>>
      %dma_wait3A_455 = tpu.memref_squeeze %dma_wait3A_454 : memref<1x50xi32, #tpu.memory_space<vmem>> -> memref<50xi32, #tpu.memory_space<vmem>>
      %dma_wait3A_456 = arith.constant 0 : i32
      %dma_wait3A_457 = arith.constant 0 : i32
      %dma_wait3A_458 = tpu.memref_slice %arg3[%dma_wait3A_456, %dma_wait3A_457] : memref<2031616x64xf32, #tpu.memory_space<hbm>> -> memref<2031616x64xf32, #tpu.memory_space<hbm>>
      tpu.wait_indirect_dma semaphore(%arg12 : memref<!tpu.dma_semaphore, #tpu.memory_space<semaphore_mem>>) src(%dma_wait3A_458 : memref<2031616x64xf32, #tpu.memory_space<hbm>>) dst(%dma_wait3A_448 : memref<50x64xf32, #tpu.memory_space<vmem>>)
      %ge3A = arith.constant 2 : i32
      %ge3A_459 = arith.cmpi sge, %mul3A_270, %ge3A : i32
      %convert_element_type3A_460 = arith.extui %ge3A_459 : i1 to i32
      %cond3A_461 = arith.constant 0 : i32
      %cond3A_462 = arith.cmpi ne, %convert_element_type3A_460, %cond3A_461 : i32
      scf.if %cond3A_462 {
        %dma_wait3A_1395 = arith.constant 0 : i32
        %dma_wait3A_1396 = arith.constant 0 : i32
        %dma_wait3A_1397 = arith.constant 0 : i32
        %dma_wait3A_1398 = tpu.memref_slice %arg8[%dma_wait3A_1395, %dma_wait3A_1396, %dma_wait3A_1397] : memref<2x8x64xf32, #tpu.memory_space<vmem>> -> memref<1x8x64xf32, #tpu.memory_space<vmem>>
        %dma_wait3A_1399 = tpu.memref_squeeze %dma_wait3A_1398 : memref<1x8x64xf32, #tpu.memory_space<vmem>> -> memref<8x64xf32, #tpu.memory_space<vmem>>
        %dma_wait3A_1400 = arith.constant 0 : i32
        %dma_wait3A_1401 = arith.constant 0 : i32
        %dma_wait3A_1402 = tpu.memref_slice %arg5[%dma_wait3A_1400, %dma_wait3A_1401] : memref<16384x64xf32, #tpu.memory_space<hbm>> -> memref<8x64xf32, #tpu.memory_space<hbm>>
        %dma_wait3A_1403 = arith.constant 0 : i32
        %dma_wait3A_1404 = arith.constant 0 : i32
        %dma_wait3A_1405 = tpu.memref_slice %arg5[%dma_wait3A_1403, %dma_wait3A_1404] : memref<16384x64xf32, #tpu.memory_space<hbm>> -> memref<8x64xf32, #tpu.memory_space<hbm>>
        %dma_wait3A_1406 = arith.constant 0 : i32
        %dma_wait3A_1407 = arith.constant 0 : i32
        %dma_wait3A_1408 = tpu.memref_slice %arg8[%dma_wait3A_1395, %dma_wait3A_1406, %dma_wait3A_1407] : memref<2x8x64xf32, #tpu.memory_space<vmem>> -> memref<1x8x64xf32, #tpu.memory_space<vmem>>
        %dma_wait3A_1409 = tpu.memref_squeeze %dma_wait3A_1408 : memref<1x8x64xf32, #tpu.memory_space<vmem>> -> memref<8x64xf32, #tpu.memory_space<vmem>>
        tpu.wait_dma2 semaphore(%arg14 : memref<!tpu.dma_semaphore, #tpu.memory_space<semaphore_mem>>) src(%dma_wait3A_1409 : memref<8x64xf32, #tpu.memory_space<vmem>>) dst(%dma_wait3A_1405 : memref<8x64xf32, #tpu.memory_space<hbm>>)
      } else {
      }
      %broadcast_in_dim3A = arith.constant 0.000000e+00 : f32
      %broadcast_in_dim3A_463 = vector.broadcast %broadcast_in_dim3A : f32 to vector<16xf32>
      %broadcast_in_dim3A_464 = arith.constant 0.000000e+00 : f32
      %broadcast_in_dim3A_465 = vector.broadcast %broadcast_in_dim3A_464 : f32 to vector<16xf32>
      %broadcast_in_dim3A_466 = arith.constant 0.000000e+00 : f32
      %broadcast_in_dim3A_467 = vector.broadcast %broadcast_in_dim3A_466 : f32 to vector<16xf32>
      %broadcast_in_dim3A_468 = arith.constant 0.000000e+00 : f32
      %broadcast_in_dim3A_469 = vector.broadcast %broadcast_in_dim3A_468 : f32 to vector<16xf32>
      %broadcast_in_dim3A_470 = arith.constant 0.000000e+00 : f32
      %broadcast_in_dim3A_471 = vector.broadcast %broadcast_in_dim3A_470 : f32 to vector<16xf32>
      %broadcast_in_dim3A_472 = arith.constant 0.000000e+00 : f32
      %broadcast_in_dim3A_473 = vector.broadcast %broadcast_in_dim3A_472 : f32 to vector<16xf32>
      %broadcast_in_dim3A_474 = arith.constant 0.000000e+00 : f32
      %broadcast_in_dim3A_475 = vector.broadcast %broadcast_in_dim3A_474 : f32 to vector<16xf32>
      %broadcast_in_dim3A_476 = arith.constant 0.000000e+00 : f32
      %broadcast_in_dim3A_477 = vector.broadcast %broadcast_in_dim3A_476 : f32 to vector<16xf32>
      %scan3A_478 = arith.constant 0 : i32
      %scan3A_479 = arith.constant 50 : i32
      %scan3A_480 = arith.addi %scan3A_478, %scan3A_479 : i32
      %scan3A_481 = arith.constant 1 : i32
      %scan3A_482:8 = scf.for %scan3A_1395 = %scan3A_478 to %scan3A_480 step %scan3A_481 iter_args(%scan3A_1396 = %broadcast_in_dim3A_463, %scan3A_1397 = %broadcast_in_dim3A_465, %scan3A_1398 = %broadcast_in_dim3A_467, %scan3A_1399 = %broadcast_in_dim3A_469, %scan3A_1400 = %broadcast_in_dim3A_471, %scan3A_1401 = %broadcast_in_dim3A_473, %scan3A_1402 = %broadcast_in_dim3A_475, %scan3A_1403 = %broadcast_in_dim3A_477) -> (vector<16xf32>, vector<16xf32>, vector<16xf32>, vector<16xf32>, vector<16xf32>, vector<16xf32>, vector<16xf32>, vector<16xf32>)  : i32 {
        %get3A = arith.index_cast %scan3A_1395 : i32 to index
        %get3A_1404 = arith.constant 0 : index
        %get3A_1405 = tpu.vector_load %arg9[%get3A, %get3A_1404] {strides = array<i32>} : memref<50x64xf32, #tpu.memory_space<vmem>>, vector<1x16xf32>,
        %get3A_1406 = vector.shape_cast %get3A_1405 : vector<1x16xf32> to vector<16xf32>
        %get3A_1407 = arith.constant 0 : i32
        %get3A_1408 = arith.constant 0 : i32
        %get3A_1409 = arith.index_cast %get3A_1407 : i32 to index
        %get3A_1410 = arith.index_cast %get3A_1408 : i32 to index
        %get3A_1411 = arith.index_cast %scan3A_1395 : i32 to index
        %get3A_1412 = arith.constant 0 : index
        %get3A_1413 = tpu.vector_load %arg7[%get3A_1409, %get3A_1410, %get3A_1411, %get3A_1412] {strides = array<i32>} : memref<2x8x50x64xf32, #tpu.memory_space<vmem>>, vector<1x1x1x16xf32>,
        %get3A_1414 = vector.shape_cast %get3A_1413 : vector<1x1x1x16xf32> to vector<16xf32>
        %mul3A_1415 = arith.mulf %get3A_1414, %get3A_1406 : vector<16xf32>
        %add3A_1416 = arith.addf %scan3A_1396, %mul3A_1415 : vector<16xf32>
        %get3A_1417 = arith.constant 0 : i32
        %get3A_1418 = arith.constant 1 : i32
        %get3A_1419 = arith.index_cast %get3A_1417 : i32 to index
        %get3A_1420 = arith.index_cast %get3A_1418 : i32 to index
        %get3A_1421 = arith.index_cast %scan3A_1395 : i32 to index
        %get3A_1422 = arith.constant 0 : index
        %get3A_1423 = tpu.vector_load %arg7[%get3A_1419, %get3A_1420, %get3A_1421, %get3A_1422] {strides = array<i32>} : memref<2x8x50x64xf32, #tpu.memory_space<vmem>>, vector<1x1x1x16xf32>,
        %get3A_1424 = vector.shape_cast %get3A_1423 : vector<1x1x1x16xf32> to vector<16xf32>
        %mul3A_1425 = arith.mulf %get3A_1424, %get3A_1406 : vector<16xf32>
        %add3A_1426 = arith.addf %scan3A_1397, %mul3A_1425 : vector<16xf32>
        %get3A_1427 = arith.constant 0 : i32
        %get3A_1428 = arith.constant 2 : i32
        %get3A_1429 = arith.index_cast %get3A_1427 : i32 to index
        %get3A_1430 = arith.index_cast %get3A_1428 : i32 to index
        %get3A_1431 = arith.index_cast %scan3A_1395 : i32 to index
        %get3A_1432 = arith.constant 0 : index
        %get3A_1433 = tpu.vector_load %arg7[%get3A_1429, %get3A_1430, %get3A_1431, %get3A_1432] {strides = array<i32>} : memref<2x8x50x64xf32, #tpu.memory_space<vmem>>, vector<1x1x1x16xf32>,
        %get3A_1434 = vector.shape_cast %get3A_1433 : vector<1x1x1x16xf32> to vector<16xf32>
        %mul3A_1435 = arith.mulf %get3A_1434, %get3A_1406 : vector<16xf32>
        %add3A_1436 = arith.addf %scan3A_1398, %mul3A_1435 : vector<16xf32>
        %get3A_1437 = arith.constant 0 : i32
        %get3A_1438 = arith.constant 3 : i32
        %get3A_1439 = arith.index_cast %get3A_1437 : i32 to index
        %get3A_1440 = arith.index_cast %get3A_1438 : i32 to index
        %get3A_1441 = arith.index_cast %scan3A_1395 : i32 to index
        %get3A_1442 = arith.constant 0 : index
        %get3A_1443 = tpu.vector_load %arg7[%get3A_1439, %get3A_1440, %get3A_1441, %get3A_1442] {strides = array<i32>} : memref<2x8x50x64xf32, #tpu.memory_space<vmem>>, vector<1x1x1x16xf32>,
        %get3A_1444 = vector.shape_cast %get3A_1443 : vector<1x1x1x16xf32> to vector<16xf32>
        %mul3A_1445 = arith.mulf %get3A_1444, %get3A_1406 : vector<16xf32>
        %add3A_1446 = arith.addf %scan3A_1399, %mul3A_1445 : vector<16xf32>
        %get3A_1447 = arith.constant 0 : i32
        %get3A_1448 = arith.constant 4 : i32
        %get3A_1449 = arith.index_cast %get3A_1447 : i32 to index
        %get3A_1450 = arith.index_cast %get3A_1448 : i32 to index
        %get3A_1451 = arith.index_cast %scan3A_1395 : i32 to index
        %get3A_1452 = arith.constant 0 : index
        %get3A_1453 = tpu.vector_load %arg7[%get3A_1449, %get3A_1450, %get3A_1451, %get3A_1452] {strides = array<i32>} : memref<2x8x50x64xf32, #tpu.memory_space<vmem>>, vector<1x1x1x16xf32>,
        %get3A_1454 = vector.shape_cast %get3A_1453 : vector<1x1x1x16xf32> to vector<16xf32>
        %mul3A_1455 = arith.mulf %get3A_1454, %get3A_1406 : vector<16xf32>
        %add3A_1456 = arith.addf %scan3A_1400, %mul3A_1455 : vector<16xf32>
        %get3A_1457 = arith.constant 0 : i32
        %get3A_1458 = arith.constant 5 : i32
        %get3A_1459 = arith.index_cast %get3A_1457 : i32 to index
        %get3A_1460 = arith.index_cast %get3A_1458 : i32 to index
        %get3A_1461 = arith.index_cast %scan3A_1395 : i32 to index
        %get3A_1462 = arith.constant 0 : index
        %get3A_1463 = tpu.vector_load %arg7[%get3A_1459, %get3A_1460, %get3A_1461, %get3A_1462] {strides = array<i32>} : memref<2x8x50x64xf32, #tpu.memory_space<vmem>>, vector<1x1x1x16xf32>,
        %get3A_1464 = vector.shape_cast %get3A_1463 : vector<1x1x1x16xf32> to vector<16xf32>
        %mul3A_1465 = arith.mulf %get3A_1464, %get3A_1406 : vector<16xf32>
        %add3A_1466 = arith.addf %scan3A_1401, %mul3A_1465 : vector<16xf32>
        %get3A_1467 = arith.constant 0 : i32
        %get3A_1468 = arith.constant 6 : i32
        %get3A_1469 = arith.index_cast %get3A_1467 : i32 to index
        %get3A_1470 = arith.index_cast %get3A_1468 : i32 to index
        %get3A_1471 = arith.index_cast %scan3A_1395 : i32 to index
        %get3A_1472 = arith.constant 0 : index
        %get3A_1473 = tpu.vector_load %arg7[%get3A_1469, %get3A_1470, %get3A_1471, %get3A_1472] {strides = array<i32>} : memref<2x8x50x64xf32, #tpu.memory_space<vmem>>, vector<1x1x1x16xf32>,
        %get3A_1474 = vector.shape_cast %get3A_1473 : vector<1x1x1x16xf32> to vector<16xf32>
        %mul3A_1475 = arith.mulf %get3A_1474, %get3A_1406 : vector<16xf32>
        %add3A_1476 = arith.addf %scan3A_1402, %mul3A_1475 : vector<16xf32>
        %get3A_1477 = arith.constant 0 : i32
        %get3A_1478 = arith.constant 7 : i32
        %get3A_1479 = arith.index_cast %get3A_1477 : i32 to index
        %get3A_1480 = arith.index_cast %get3A_1478 : i32 to index
        %get3A_1481 = arith.index_cast %scan3A_1395 : i32 to index
        %get3A_1482 = arith.constant 0 : index
        %get3A_1483 = tpu.vector_load %arg7[%get3A_1479, %get3A_1480, %get3A_1481, %get3A_1482] {strides = array<i32>} : memref<2x8x50x64xf32, #tpu.memory_space<vmem>>, vector<1x1x1x16xf32>,
        %get3A_1484 = vector.shape_cast %get3A_1483 : vector<1x1x1x16xf32> to vector<16xf32>
        %mul3A_1485 = arith.mulf %get3A_1484, %get3A_1406 : vector<16xf32>
        %add3A_1486 = arith.addf %scan3A_1403, %mul3A_1485 : vector<16xf32>
        scf.yield %add3A_1416, %add3A_1426, %add3A_1436, %add3A_1446, %add3A_1456, %add3A_1466, %add3A_1476, %add3A_1486 : vector<16xf32>, vector<16xf32>, vector<16xf32>, vector<16xf32>, vector<16xf32>, vector<16xf32>, vector<16xf32>, vector<16xf32>
      }
      %scan3A_483 = arith.constant 50 : i32
      %swap3A = arith.constant 0 : i32
      %swap3A_484 = arith.constant 0 : i32
      %swap3A_485 = arith.index_cast %swap3A : i32 to index
      %swap3A_486 = arith.index_cast %swap3A_484 : i32 to index
      %swap3A_487 = arith.constant 0 : index
      %swap3A_488 = tpu.vector_load %arg8[%swap3A_485, %swap3A_486, %swap3A_487] {strides = array<i32>} : memref<2x8x64xf32, #tpu.memory_space<vmem>>, vector<1x1x16xf32>,
      %swap3A_489 = vector.shape_cast %swap3A_488 : vector<1x1x16xf32> to vector<16xf32>
      %swap3A_490 = vector.shape_cast %scan3A_482#0 : vector<16xf32> to vector<1x1x16xf32>
      tpu.vector_store %arg8[%swap3A_485, %swap3A_486, %swap3A_487], %swap3A_490 {strides = array<i32>} : memref<2x8x64xf32, #tpu.memory_space<vmem>>, vector<1x1x16xf32>,
      %swap3A_491 = arith.constant 0 : i32
      %swap3A_492 = arith.constant 1 : i32
      %swap3A_493 = arith.index_cast %swap3A_491 : i32 to index
      %swap3A_494 = arith.index_cast %swap3A_492 : i32 to index
      %swap3A_495 = arith.constant 0 : index
      %swap3A_496 = tpu.vector_load %arg8[%swap3A_493, %swap3A_494, %swap3A_495] {strides = array<i32>} : memref<2x8x64xf32, #tpu.memory_space<vmem>>, vector<1x1x16xf32>,
      %swap3A_497 = vector.shape_cast %swap3A_496 : vector<1x1x16xf32> to vector<16xf32>
      %swap3A_498 = vector.shape_cast %scan3A_482#1 : vector<16xf32> to vector<1x1x16xf32>
      tpu.vector_store %arg8[%swap3A_493, %swap3A_494, %swap3A_495], %swap3A_498 {strides = array<i32>} : memref<2x8x64xf32, #tpu.memory_space<vmem>>, vector<1x1x16xf32>,
      %swap3A_499 = arith.constant 0 : i32
      %swap3A_500 = arith.constant 2 : i32
      %swap3A_501 = arith.index_cast %swap3A_499 : i32 to index
      %swap3A_502 = arith.index_cast %swap3A_500 : i32 to index
      %swap3A_503 = arith.constant 0 : index
      %swap3A_504 = tpu.vector_load %arg8[%swap3A_501, %swap3A_502, %swap3A_503] {strides = array<i32>} : memref<2x8x64xf32, #tpu.memory_space<vmem>>, vector<1x1x16xf32>,
      %swap3A_505 = vector.shape_cast %swap3A_504 : vector<1x1x16xf32> to vector<16xf32>
      %swap3A_506 = vector.shape_cast %scan3A_482#2 : vector<16xf32> to vector<1x1x16xf32>
      tpu.vector_store %arg8[%swap3A_501, %swap3A_502, %swap3A_503], %swap3A_506 {strides = array<i32>} : memref<2x8x64xf32, #tpu.memory_space<vmem>>, vector<1x1x16xf32>,
      %swap3A_507 = arith.constant 0 : i32
      %swap3A_508 = arith.constant 3 : i32
      %swap3A_509 = arith.index_cast %swap3A_507 : i32 to index
      %swap3A_510 = arith.index_cast %swap3A_508 : i32 to index
      %swap3A_511 = arith.constant 0 : index
      %swap3A_512 = tpu.vector_load %arg8[%swap3A_509, %swap3A_510, %swap3A_511] {strides = array<i32>} : memref<2x8x64xf32, #tpu.memory_space<vmem>>, vector<1x1x16xf32>,
      %swap3A_513 = vector.shape_cast %swap3A_512 : vector<1x1x16xf32> to vector<16xf32>
      %swap3A_514 = vector.shape_cast %scan3A_482#3 : vector<16xf32> to vector<1x1x16xf32>
      tpu.vector_store %arg8[%swap3A_509, %swap3A_510, %swap3A_511], %swap3A_514 {strides = array<i32>} : memref<2x8x64xf32, #tpu.memory_space<vmem>>, vector<1x1x16xf32>,
      %swap3A_515 = arith.constant 0 : i32
      %swap3A_516 = arith.constant 4 : i32
      %swap3A_517 = arith.index_cast %swap3A_515 : i32 to index
      %swap3A_518 = arith.index_cast %swap3A_516 : i32 to index
      %swap3A_519 = arith.constant 0 : index
      %swap3A_520 = tpu.vector_load %arg8[%swap3A_517, %swap3A_518, %swap3A_519] {strides = array<i32>} : memref<2x8x64xf32, #tpu.memory_space<vmem>>, vector<1x1x16xf32>,
      %swap3A_521 = vector.shape_cast %swap3A_520 : vector<1x1x16xf32> to vector<16xf32>
      %swap3A_522 = vector.shape_cast %scan3A_482#4 : vector<16xf32> to vector<1x1x16xf32>
      tpu.vector_store %arg8[%swap3A_517, %swap3A_518, %swap3A_519], %swap3A_522 {strides = array<i32>} : memref<2x8x64xf32, #tpu.memory_space<vmem>>, vector<1x1x16xf32>,
      %swap3A_523 = arith.constant 0 : i32
      %swap3A_524 = arith.constant 5 : i32
      %swap3A_525 = arith.index_cast %swap3A_523 : i32 to index
      %swap3A_526 = arith.index_cast %swap3A_524 : i32 to index
      %swap3A_527 = arith.constant 0 : index
      %swap3A_528 = tpu.vector_load %arg8[%swap3A_525, %swap3A_526, %swap3A_527] {strides = array<i32>} : memref<2x8x64xf32, #tpu.memory_space<vmem>>, vector<1x1x16xf32>,
      %swap3A_529 = vector.shape_cast %swap3A_528 : vector<1x1x16xf32> to vector<16xf32>
      %swap3A_530 = vector.shape_cast %scan3A_482#5 : vector<16xf32> to vector<1x1x16xf32>
      tpu.vector_store %arg8[%swap3A_525, %swap3A_526, %swap3A_527], %swap3A_530 {strides = array<i32>} : memref<2x8x64xf32, #tpu.memory_space<vmem>>, vector<1x1x16xf32>,
      %swap3A_531 = arith.constant 0 : i32
      %swap3A_532 = arith.constant 6 : i32
      %swap3A_533 = arith.index_cast %swap3A_531 : i32 to index
      %swap3A_534 = arith.index_cast %swap3A_532 : i32 to index
      %swap3A_535 = arith.constant 0 : index
      %swap3A_536 = tpu.vector_load %arg8[%swap3A_533, %swap3A_534, %swap3A_535] {strides = array<i32>} : memref<2x8x64xf32, #tpu.memory_space<vmem>>, vector<1x1x16xf32>,
      %swap3A_537 = vector.shape_cast %swap3A_536 : vector<1x1x16xf32> to vector<16xf32>
      %swap3A_538 = vector.shape_cast %scan3A_482#6 : vector<16xf32> to vector<1x1x16xf32>
      tpu.vector_store %arg8[%swap3A_533, %swap3A_534, %swap3A_535], %swap3A_538 {strides = array<i32>} : memref<2x8x64xf32, #tpu.memory_space<vmem>>, vector<1x1x16xf32>,
      %swap3A_539 = arith.constant 0 : i32
      %swap3A_540 = arith.constant 7 : i32
      %swap3A_541 = arith.index_cast %swap3A_539 : i32 to index
      %swap3A_542 = arith.index_cast %swap3A_540 : i32 to index
      %swap3A_543 = arith.constant 0 : index
      %swap3A_544 = tpu.vector_load %arg8[%swap3A_541, %swap3A_542, %swap3A_543] {strides = array<i32>} : memref<2x8x64xf32, #tpu.memory_space<vmem>>, vector<1x1x16xf32>,
      %swap3A_545 = vector.shape_cast %swap3A_544 : vector<1x1x16xf32> to vector<16xf32>
      %swap3A_546 = vector.shape_cast %scan3A_482#7 : vector<16xf32> to vector<1x1x16xf32>
      tpu.vector_store %arg8[%swap3A_541, %swap3A_542, %swap3A_543], %swap3A_546 {strides = array<i32>} : memref<2x8x64xf32, #tpu.memory_space<vmem>>, vector<1x1x16xf32>,
      %broadcast_in_dim3A_547 = arith.constant 0.000000e+00 : f32
      %broadcast_in_dim3A_548 = vector.broadcast %broadcast_in_dim3A_547 : f32 to vector<16xf32>
      %broadcast_in_dim3A_549 = arith.constant 0.000000e+00 : f32
      %broadcast_in_dim3A_550 = vector.broadcast %broadcast_in_dim3A_549 : f32 to vector<16xf32>
      %broadcast_in_dim3A_551 = arith.constant 0.000000e+00 : f32
      %broadcast_in_dim3A_552 = vector.broadcast %broadcast_in_dim3A_551 : f32 to vector<16xf32>
      %broadcast_in_dim3A_553 = arith.constant 0.000000e+00 : f32
      %broadcast_in_dim3A_554 = vector.broadcast %broadcast_in_dim3A_553 : f32 to vector<16xf32>
      %broadcast_in_dim3A_555 = arith.constant 0.000000e+00 : f32
      %broadcast_in_dim3A_556 = vector.broadcast %broadcast_in_dim3A_555 : f32 to vector<16xf32>
      %broadcast_in_dim3A_557 = arith.constant 0.000000e+00 : f32
      %broadcast_in_dim3A_558 = vector.broadcast %broadcast_in_dim3A_557 : f32 to vector<16xf32>
      %broadcast_in_dim3A_559 = arith.constant 0.000000e+00 : f32
      %broadcast_in_dim3A_560 = vector.broadcast %broadcast_in_dim3A_559 : f32 to vector<16xf32>
      %broadcast_in_dim3A_561 = arith.constant 0.000000e+00 : f32
      %broadcast_in_dim3A_562 = vector.broadcast %broadcast_in_dim3A_561 : f32 to vector<16xf32>
      %scan3A_563 = arith.constant 0 : i32
      %scan3A_564 = arith.constant 50 : i32
      %scan3A_565 = arith.addi %scan3A_563, %scan3A_564 : i32
      %scan3A_566 = arith.constant 1 : i32
      %scan3A_567:8 = scf.for %scan3A_1395 = %scan3A_563 to %scan3A_565 step %scan3A_566 iter_args(%scan3A_1396 = %broadcast_in_dim3A_548, %scan3A_1397 = %broadcast_in_dim3A_550, %scan3A_1398 = %broadcast_in_dim3A_552, %scan3A_1399 = %broadcast_in_dim3A_554, %scan3A_1400 = %broadcast_in_dim3A_556, %scan3A_1401 = %broadcast_in_dim3A_558, %scan3A_1402 = %broadcast_in_dim3A_560, %scan3A_1403 = %broadcast_in_dim3A_562) -> (vector<16xf32>, vector<16xf32>, vector<16xf32>, vector<16xf32>, vector<16xf32>, vector<16xf32>, vector<16xf32>, vector<16xf32>)  : i32 {
        %get3A = arith.index_cast %scan3A_1395 : i32 to index
        %get3A_1404 = arith.constant 16 : index
        %get3A_1405 = tpu.vector_load %arg9[%get3A, %get3A_1404] {strides = array<i32>} : memref<50x64xf32, #tpu.memory_space<vmem>>, vector<1x16xf32>,
        %get3A_1406 = vector.shape_cast %get3A_1405 : vector<1x16xf32> to vector<16xf32>
        %get3A_1407 = arith.constant 0 : i32
        %get3A_1408 = arith.constant 0 : i32
        %get3A_1409 = arith.index_cast %get3A_1407 : i32 to index
        %get3A_1410 = arith.index_cast %get3A_1408 : i32 to index
        %get3A_1411 = arith.index_cast %scan3A_1395 : i32 to index
        %get3A_1412 = arith.constant 16 : index
        %get3A_1413 = tpu.vector_load %arg7[%get3A_1409, %get3A_1410, %get3A_1411, %get3A_1412] {strides = array<i32>} : memref<2x8x50x64xf32, #tpu.memory_space<vmem>>, vector<1x1x1x16xf32>,
        %get3A_1414 = vector.shape_cast %get3A_1413 : vector<1x1x1x16xf32> to vector<16xf32>
        %mul3A_1415 = arith.mulf %get3A_1414, %get3A_1406 : vector<16xf32>
        %add3A_1416 = arith.addf %scan3A_1396, %mul3A_1415 : vector<16xf32>
        %get3A_1417 = arith.constant 0 : i32
        %get3A_1418 = arith.constant 1 : i32
        %get3A_1419 = arith.index_cast %get3A_1417 : i32 to index
        %get3A_1420 = arith.index_cast %get3A_1418 : i32 to index
        %get3A_1421 = arith.index_cast %scan3A_1395 : i32 to index
        %get3A_1422 = arith.constant 16 : index
        %get3A_1423 = tpu.vector_load %arg7[%get3A_1419, %get3A_1420, %get3A_1421, %get3A_1422] {strides = array<i32>} : memref<2x8x50x64xf32, #tpu.memory_space<vmem>>, vector<1x1x1x16xf32>,
        %get3A_1424 = vector.shape_cast %get3A_1423 : vector<1x1x1x16xf32> to vector<16xf32>
        %mul3A_1425 = arith.mulf %get3A_1424, %get3A_1406 : vector<16xf32>
        %add3A_1426 = arith.addf %scan3A_1397, %mul3A_1425 : vector<16xf32>
        %get3A_1427 = arith.constant 0 : i32
        %get3A_1428 = arith.constant 2 : i32
        %get3A_1429 = arith.index_cast %get3A_1427 : i32 to index
        %get3A_1430 = arith.index_cast %get3A_1428 : i32 to index
        %get3A_1431 = arith.index_cast %scan3A_1395 : i32 to index
        %get3A_1432 = arith.constant 16 : index
        %get3A_1433 = tpu.vector_load %arg7[%get3A_1429, %get3A_1430, %get3A_1431, %get3A_1432] {strides = array<i32>} : memref<2x8x50x64xf32, #tpu.memory_space<vmem>>, vector<1x1x1x16xf32>,
        %get3A_1434 = vector.shape_cast %get3A_1433 : vector<1x1x1x16xf32> to vector<16xf32>
        %mul3A_1435 = arith.mulf %get3A_1434, %get3A_1406 : vector<16xf32>
        %add3A_1436 = arith.addf %scan3A_1398, %mul3A_1435 : vector<16xf32>
        %get3A_1437 = arith.constant 0 : i32
        %get3A_1438 = arith.constant 3 : i32
        %get3A_1439 = arith.index_cast %get3A_1437 : i32 to index
        %get3A_1440 = arith.index_cast %get3A_1438 : i32 to index
        %get3A_1441 = arith.index_cast %scan3A_1395 : i32 to index
        %get3A_1442 = arith.constant 16 : index
        %get3A_1443 = tpu.vector_load %arg7[%get3A_1439, %get3A_1440, %get3A_1441, %get3A_1442] {strides = array<i32>} : memref<2x8x50x64xf32, #tpu.memory_space<vmem>>, vector<1x1x1x16xf32>,
        %get3A_1444 = vector.shape_cast %get3A_1443 : vector<1x1x1x16xf32> to vector<16xf32>
        %mul3A_1445 = arith.mulf %get3A_1444, %get3A_1406 : vector<16xf32>
        %add3A_1446 = arith.addf %scan3A_1399, %mul3A_1445 : vector<16xf32>
        %get3A_1447 = arith.constant 0 : i32
        %get3A_1448 = arith.constant 4 : i32
        %get3A_1449 = arith.index_cast %get3A_1447 : i32 to index
        %get3A_1450 = arith.index_cast %get3A_1448 : i32 to index
        %get3A_1451 = arith.index_cast %scan3A_1395 : i32 to index
        %get3A_1452 = arith.constant 16 : index
        %get3A_1453 = tpu.vector_load %arg7[%get3A_1449, %get3A_1450, %get3A_1451, %get3A_1452] {strides = array<i32>} : memref<2x8x50x64xf32, #tpu.memory_space<vmem>>, vector<1x1x1x16xf32>,
        %get3A_1454 = vector.shape_cast %get3A_1453 : vector<1x1x1x16xf32> to vector<16xf32>
        %mul3A_1455 = arith.mulf %get3A_1454, %get3A_1406 : vector<16xf32>
        %add3A_1456 = arith.addf %scan3A_1400, %mul3A_1455 : vector<16xf32>
        %get3A_1457 = arith.constant 0 : i32
        %get3A_1458 = arith.constant 5 : i32
        %get3A_1459 = arith.index_cast %get3A_1457 : i32 to index
        %get3A_1460 = arith.index_cast %get3A_1458 : i32 to index
        %get3A_1461 = arith.index_cast %scan3A_1395 : i32 to index
        %get3A_1462 = arith.constant 16 : index
        %get3A_1463 = tpu.vector_load %arg7[%get3A_1459, %get3A_1460, %get3A_1461, %get3A_1462] {strides = array<i32>} : memref<2x8x50x64xf32, #tpu.memory_space<vmem>>, vector<1x1x1x16xf32>,
        %get3A_1464 = vector.shape_cast %get3A_1463 : vector<1x1x1x16xf32> to vector<16xf32>
        %mul3A_1465 = arith.mulf %get3A_1464, %get3A_1406 : vector<16xf32>
        %add3A_1466 = arith.addf %scan3A_1401, %mul3A_1465 : vector<16xf32>
        %get3A_1467 = arith.constant 0 : i32
        %get3A_1468 = arith.constant 6 : i32
        %get3A_1469 = arith.index_cast %get3A_1467 : i32 to index
        %get3A_1470 = arith.index_cast %get3A_1468 : i32 to index
        %get3A_1471 = arith.index_cast %scan3A_1395 : i32 to index
        %get3A_1472 = arith.constant 16 : index
        %get3A_1473 = tpu.vector_load %arg7[%get3A_1469, %get3A_1470, %get3A_1471, %get3A_1472] {strides = array<i32>} : memref<2x8x50x64xf32, #tpu.memory_space<vmem>>, vector<1x1x1x16xf32>,
        %get3A_1474 = vector.shape_cast %get3A_1473 : vector<1x1x1x16xf32> to vector<16xf32>
        %mul3A_1475 = arith.mulf %get3A_1474, %get3A_1406 : vector<16xf32>
        %add3A_1476 = arith.addf %scan3A_1402, %mul3A_1475 : vector<16xf32>
        %get3A_1477 = arith.constant 0 : i32
        %get3A_1478 = arith.constant 7 : i32
        %get3A_1479 = arith.index_cast %get3A_1477 : i32 to index
        %get3A_1480 = arith.index_cast %get3A_1478 : i32 to index
        %get3A_1481 = arith.index_cast %scan3A_1395 : i32 to index
        %get3A_1482 = arith.constant 16 : index
        %get3A_1483 = tpu.vector_load %arg7[%get3A_1479, %get3A_1480, %get3A_1481, %get3A_1482] {strides = array<i32>} : memref<2x8x50x64xf32, #tpu.memory_space<vmem>>, vector<1x1x1x16xf32>,
        %get3A_1484 = vector.shape_cast %get3A_1483 : vector<1x1x1x16xf32> to vector<16xf32>
        %mul3A_1485 = arith.mulf %get3A_1484, %get3A_1406 : vector<16xf32>
        %add3A_1486 = arith.addf %scan3A_1403, %mul3A_1485 : vector<16xf32>
        scf.yield %add3A_1416, %add3A_1426, %add3A_1436, %add3A_1446, %add3A_1456, %add3A_1466, %add3A_1476, %add3A_1486 : vector<16xf32>, vector<16xf32>, vector<16xf32>, vector<16xf32>, vector<16xf32>, vector<16xf32>, vector<16xf32>, vector<16xf32>
      }
      %scan3A_568 = arith.constant 50 : i32
      %swap3A_569 = arith.constant 0 : i32
      %swap3A_570 = arith.constant 0 : i32
      %swap3A_571 = arith.index_cast %swap3A_569 : i32 to index
      %swap3A_572 = arith.index_cast %swap3A_570 : i32 to index
      %swap3A_573 = arith.constant 16 : index
      %swap3A_574 = tpu.vector_load %arg8[%swap3A_571, %swap3A_572, %swap3A_573] {strides = array<i32>} : memref<2x8x64xf32, #tpu.memory_space<vmem>>, vector<1x1x16xf32>,
      %swap3A_575 = vector.shape_cast %swap3A_574 : vector<1x1x16xf32> to vector<16xf32>
      %swap3A_576 = vector.shape_cast %scan3A_567#0 : vector<16xf32> to vector<1x1x16xf32>
      tpu.vector_store %arg8[%swap3A_571, %swap3A_572, %swap3A_573], %swap3A_576 {strides = array<i32>} : memref<2x8x64xf32, #tpu.memory_space<vmem>>, vector<1x1x16xf32>,
      %swap3A_577 = arith.constant 0 : i32
      %swap3A_578 = arith.constant 1 : i32
      %swap3A_579 = arith.index_cast %swap3A_577 : i32 to index
      %swap3A_580 = arith.index_cast %swap3A_578 : i32 to index
      %swap3A_581 = arith.constant 16 : index
      %swap3A_582 = tpu.vector_load %arg8[%swap3A_579, %swap3A_580, %swap3A_581] {strides = array<i32>} : memref<2x8x64xf32, #tpu.memory_space<vmem>>, vector<1x1x16xf32>,
      %swap3A_583 = vector.shape_cast %swap3A_582 : vector<1x1x16xf32> to vector<16xf32>
      %swap3A_584 = vector.shape_cast %scan3A_567#1 : vector<16xf32> to vector<1x1x16xf32>
      tpu.vector_store %arg8[%swap3A_579, %swap3A_580, %swap3A_581], %swap3A_584 {strides = array<i32>} : memref<2x8x64xf32, #tpu.memory_space<vmem>>, vector<1x1x16xf32>,
      %swap3A_585 = arith.constant 0 : i32
      %swap3A_586 = arith.constant 2 : i32
      %swap3A_587 = arith.index_cast %swap3A_585 : i32 to index
      %swap3A_588 = arith.index_cast %swap3A_586 : i32 to index
      %swap3A_589 = arith.constant 16 : index
      %swap3A_590 = tpu.vector_load %arg8[%swap3A_587, %swap3A_588, %swap3A_589] {strides = array<i32>} : memref<2x8x64xf32, #tpu.memory_space<vmem>>, vector<1x1x16xf32>,
      %swap3A_591 = vector.shape_cast %swap3A_590 : vector<1x1x16xf32> to vector<16xf32>
      %swap3A_592 = vector.shape_cast %scan3A_567#2 : vector<16xf32> to vector<1x1x16xf32>
      tpu.vector_store %arg8[%swap3A_587, %swap3A_588, %swap3A_589], %swap3A_592 {strides = array<i32>} : memref<2x8x64xf32, #tpu.memory_space<vmem>>, vector<1x1x16xf32>,
      %swap3A_593 = arith.constant 0 : i32
      %swap3A_594 = arith.constant 3 : i32
      %swap3A_595 = arith.index_cast %swap3A_593 : i32 to index
      %swap3A_596 = arith.index_cast %swap3A_594 : i32 to index
      %swap3A_597 = arith.constant 16 : index
      %swap3A_598 = tpu.vector_load %arg8[%swap3A_595, %swap3A_596, %swap3A_597] {strides = array<i32>} : memref<2x8x64xf32, #tpu.memory_space<vmem>>, vector<1x1x16xf32>,
      %swap3A_599 = vector.shape_cast %swap3A_598 : vector<1x1x16xf32> to vector<16xf32>
      %swap3A_600 = vector.shape_cast %scan3A_567#3 : vector<16xf32> to vector<1x1x16xf32>
      tpu.vector_store %arg8[%swap3A_595, %swap3A_596, %swap3A_597], %swap3A_600 {strides = array<i32>} : memref<2x8x64xf32, #tpu.memory_space<vmem>>, vector<1x1x16xf32>,
      %swap3A_601 = arith.constant 0 : i32
      %swap3A_602 = arith.constant 4 : i32
      %swap3A_603 = arith.index_cast %swap3A_601 : i32 to index
      %swap3A_604 = arith.index_cast %swap3A_602 : i32 to index
      %swap3A_605 = arith.constant 16 : index
      %swap3A_606 = tpu.vector_load %arg8[%swap3A_603, %swap3A_604, %swap3A_605] {strides = array<i32>} : memref<2x8x64xf32, #tpu.memory_space<vmem>>, vector<1x1x16xf32>,
      %swap3A_607 = vector.shape_cast %swap3A_606 : vector<1x1x16xf32> to vector<16xf32>
      %swap3A_608 = vector.shape_cast %scan3A_567#4 : vector<16xf32> to vector<1x1x16xf32>
      tpu.vector_store %arg8[%swap3A_603, %swap3A_604, %swap3A_605], %swap3A_608 {strides = array<i32>} : memref<2x8x64xf32, #tpu.memory_space<vmem>>, vector<1x1x16xf32>,
      %swap3A_609 = arith.constant 0 : i32
      %swap3A_610 = arith.constant 5 : i32
      %swap3A_611 = arith.index_cast %swap3A_609 : i32 to index
      %swap3A_612 = arith.index_cast %swap3A_610 : i32 to index
      %swap3A_613 = arith.constant 16 : index
      %swap3A_614 = tpu.vector_load %arg8[%swap3A_611, %swap3A_612, %swap3A_613] {strides = array<i32>} : memref<2x8x64xf32, #tpu.memory_space<vmem>>, vector<1x1x16xf32>,
      %swap3A_615 = vector.shape_cast %swap3A_614 : vector<1x1x16xf32> to vector<16xf32>
      %swap3A_616 = vector.shape_cast %scan3A_567#5 : vector<16xf32> to vector<1x1x16xf32>
      tpu.vector_store %arg8[%swap3A_611, %swap3A_612, %swap3A_613], %swap3A_616 {strides = array<i32>} : memref<2x8x64xf32, #tpu.memory_space<vmem>>, vector<1x1x16xf32>,
      %swap3A_617 = arith.constant 0 : i32
      %swap3A_618 = arith.constant 6 : i32
      %swap3A_619 = arith.index_cast %swap3A_617 : i32 to index
      %swap3A_620 = arith.index_cast %swap3A_618 : i32 to index
      %swap3A_621 = arith.constant 16 : index
      %swap3A_622 = tpu.vector_load %arg8[%swap3A_619, %swap3A_620, %swap3A_621] {strides = array<i32>} : memref<2x8x64xf32, #tpu.memory_space<vmem>>, vector<1x1x16xf32>,
      %swap3A_623 = vector.shape_cast %swap3A_622 : vector<1x1x16xf32> to vector<16xf32>
      %swap3A_624 = vector.shape_cast %scan3A_567#6 : vector<16xf32> to vector<1x1x16xf32>
      tpu.vector_store %arg8[%swap3A_619, %swap3A_620, %swap3A_621], %swap3A_624 {strides = array<i32>} : memref<2x8x64xf32, #tpu.memory_space<vmem>>, vector<1x1x16xf32>,
      %swap3A_625 = arith.constant 0 : i32
      %swap3A_626 = arith.constant 7 : i32
      %swap3A_627 = arith.index_cast %swap3A_625 : i32 to index
      %swap3A_628 = arith.index_cast %swap3A_626 : i32 to index
      %swap3A_629 = arith.constant 16 : index
      %swap3A_630 = tpu.vector_load %arg8[%swap3A_627, %swap3A_628, %swap3A_629] {strides = array<i32>} : memref<2x8x64xf32, #tpu.memory_space<vmem>>, vector<1x1x16xf32>,
      %swap3A_631 = vector.shape_cast %swap3A_630 : vector<1x1x16xf32> to vector<16xf32>
      %swap3A_632 = vector.shape_cast %scan3A_567#7 : vector<16xf32> to vector<1x1x16xf32>
      tpu.vector_store %arg8[%swap3A_627, %swap3A_628, %swap3A_629], %swap3A_632 {strides = array<i32>} : memref<2x8x64xf32, #tpu.memory_space<vmem>>, vector<1x1x16xf32>,
      %broadcast_in_dim3A_633 = arith.constant 0.000000e+00 : f32
      %broadcast_in_dim3A_634 = vector.broadcast %broadcast_in_dim3A_633 : f32 to vector<16xf32>
      %broadcast_in_dim3A_635 = arith.constant 0.000000e+00 : f32
      %broadcast_in_dim3A_636 = vector.broadcast %broadcast_in_dim3A_635 : f32 to vector<16xf32>
      %broadcast_in_dim3A_637 = arith.constant 0.000000e+00 : f32
      %broadcast_in_dim3A_638 = vector.broadcast %broadcast_in_dim3A_637 : f32 to vector<16xf32>
      %broadcast_in_dim3A_639 = arith.constant 0.000000e+00 : f32
      %broadcast_in_dim3A_640 = vector.broadcast %broadcast_in_dim3A_639 : f32 to vector<16xf32>
      %broadcast_in_dim3A_641 = arith.constant 0.000000e+00 : f32
      %broadcast_in_dim3A_642 = vector.broadcast %broadcast_in_dim3A_641 : f32 to vector<16xf32>
      %broadcast_in_dim3A_643 = arith.constant 0.000000e+00 : f32
      %broadcast_in_dim3A_644 = vector.broadcast %broadcast_in_dim3A_643 : f32 to vector<16xf32>
      %broadcast_in_dim3A_645 = arith.constant 0.000000e+00 : f32
      %broadcast_in_dim3A_646 = vector.broadcast %broadcast_in_dim3A_645 : f32 to vector<16xf32>
      %broadcast_in_dim3A_647 = arith.constant 0.000000e+00 : f32
      %broadcast_in_dim3A_648 = vector.broadcast %broadcast_in_dim3A_647 : f32 to vector<16xf32>
      %scan3A_649 = arith.constant 0 : i32
      %scan3A_650 = arith.constant 50 : i32
      %scan3A_651 = arith.addi %scan3A_649, %scan3A_650 : i32
      %scan3A_652 = arith.constant 1 : i32
      %scan3A_653:8 = scf.for %scan3A_1395 = %scan3A_649 to %scan3A_651 step %scan3A_652 iter_args(%scan3A_1396 = %broadcast_in_dim3A_634, %scan3A_1397 = %broadcast_in_dim3A_636, %scan3A_1398 = %broadcast_in_dim3A_638, %scan3A_1399 = %broadcast_in_dim3A_640, %scan3A_1400 = %broadcast_in_dim3A_642, %scan3A_1401 = %broadcast_in_dim3A_644, %scan3A_1402 = %broadcast_in_dim3A_646, %scan3A_1403 = %broadcast_in_dim3A_648) -> (vector<16xf32>, vector<16xf32>, vector<16xf32>, vector<16xf32>, vector<16xf32>, vector<16xf32>, vector<16xf32>, vector<16xf32>)  : i32 {
        %get3A = arith.index_cast %scan3A_1395 : i32 to index
        %get3A_1404 = arith.constant 32 : index
        %get3A_1405 = tpu.vector_load %arg9[%get3A, %get3A_1404] {strides = array<i32>} : memref<50x64xf32, #tpu.memory_space<vmem>>, vector<1x16xf32>,
        %get3A_1406 = vector.shape_cast %get3A_1405 : vector<1x16xf32> to vector<16xf32>
        %get3A_1407 = arith.constant 0 : i32
        %get3A_1408 = arith.constant 0 : i32
        %get3A_1409 = arith.index_cast %get3A_1407 : i32 to index
        %get3A_1410 = arith.index_cast %get3A_1408 : i32 to index
        %get3A_1411 = arith.index_cast %scan3A_1395 : i32 to index
        %get3A_1412 = arith.constant 32 : index
        %get3A_1413 = tpu.vector_load %arg7[%get3A_1409, %get3A_1410, %get3A_1411, %get3A_1412] {strides = array<i32>} : memref<2x8x50x64xf32, #tpu.memory_space<vmem>>, vector<1x1x1x16xf32>,
        %get3A_1414 = vector.shape_cast %get3A_1413 : vector<1x1x1x16xf32> to vector<16xf32>
        %mul3A_1415 = arith.mulf %get3A_1414, %get3A_1406 : vector<16xf32>
        %add3A_1416 = arith.addf %scan3A_1396, %mul3A_1415 : vector<16xf32>
        %get3A_1417 = arith.constant 0 : i32
        %get3A_1418 = arith.constant 1 : i32
        %get3A_1419 = arith.index_cast %get3A_1417 : i32 to index
        %get3A_1420 = arith.index_cast %get3A_1418 : i32 to index
        %get3A_1421 = arith.index_cast %scan3A_1395 : i32 to index
        %get3A_1422 = arith.constant 32 : index
        %get3A_1423 = tpu.vector_load %arg7[%get3A_1419, %get3A_1420, %get3A_1421, %get3A_1422] {strides = array<i32>} : memref<2x8x50x64xf32, #tpu.memory_space<vmem>>, vector<1x1x1x16xf32>,
        %get3A_1424 = vector.shape_cast %get3A_1423 : vector<1x1x1x16xf32> to vector<16xf32>
        %mul3A_1425 = arith.mulf %get3A_1424, %get3A_1406 : vector<16xf32>
        %add3A_1426 = arith.addf %scan3A_1397, %mul3A_1425 : vector<16xf32>
        %get3A_1427 = arith.constant 0 : i32
        %get3A_1428 = arith.constant 2 : i32
        %get3A_1429 = arith.index_cast %get3A_1427 : i32 to index
        %get3A_1430 = arith.index_cast %get3A_1428 : i32 to index
        %get3A_1431 = arith.index_cast %scan3A_1395 : i32 to index
        %get3A_1432 = arith.constant 32 : index
        %get3A_1433 = tpu.vector_load %arg7[%get3A_1429, %get3A_1430, %get3A_1431, %get3A_1432] {strides = array<i32>} : memref<2x8x50x64xf32, #tpu.memory_space<vmem>>, vector<1x1x1x16xf32>,
        %get3A_1434 = vector.shape_cast %get3A_1433 : vector<1x1x1x16xf32> to vector<16xf32>
        %mul3A_1435 = arith.mulf %get3A_1434, %get3A_1406 : vector<16xf32>
        %add3A_1436 = arith.addf %scan3A_1398, %mul3A_1435 : vector<16xf32>
        %get3A_1437 = arith.constant 0 : i32
        %get3A_1438 = arith.constant 3 : i32
        %get3A_1439 = arith.index_cast %get3A_1437 : i32 to index
        %get3A_1440 = arith.index_cast %get3A_1438 : i32 to index
        %get3A_1441 = arith.index_cast %scan3A_1395 : i32 to index
        %get3A_1442 = arith.constant 32 : index
        %get3A_1443 = tpu.vector_load %arg7[%get3A_1439, %get3A_1440, %get3A_1441, %get3A_1442] {strides = array<i32>} : memref<2x8x50x64xf32, #tpu.memory_space<vmem>>, vector<1x1x1x16xf32>,
        %get3A_1444 = vector.shape_cast %get3A_1443 : vector<1x1x1x16xf32> to vector<16xf32>
        %mul3A_1445 = arith.mulf %get3A_1444, %get3A_1406 : vector<16xf32>
        %add3A_1446 = arith.addf %scan3A_1399, %mul3A_1445 : vector<16xf32>
        %get3A_1447 = arith.constant 0 : i32
        %get3A_1448 = arith.constant 4 : i32
        %get3A_1449 = arith.index_cast %get3A_1447 : i32 to index
        %get3A_1450 = arith.index_cast %get3A_1448 : i32 to index
        %get3A_1451 = arith.index_cast %scan3A_1395 : i32 to index
        %get3A_1452 = arith.constant 32 : index
        %get3A_1453 = tpu.vector_load %arg7[%get3A_1449, %get3A_1450, %get3A_1451, %get3A_1452] {strides = array<i32>} : memref<2x8x50x64xf32, #tpu.memory_space<vmem>>, vector<1x1x1x16xf32>,
        %get3A_1454 = vector.shape_cast %get3A_1453 : vector<1x1x1x16xf32> to vector<16xf32>
        %mul3A_1455 = arith.mulf %get3A_1454, %get3A_1406 : vector<16xf32>
        %add3A_1456 = arith.addf %scan3A_1400, %mul3A_1455 : vector<16xf32>
        %get3A_1457 = arith.constant 0 : i32
        %get3A_1458 = arith.constant 5 : i32
        %get3A_1459 = arith.index_cast %get3A_1457 : i32 to index
        %get3A_1460 = arith.index_cast %get3A_1458 : i32 to index
        %get3A_1461 = arith.index_cast %scan3A_1395 : i32 to index
        %get3A_1462 = arith.constant 32 : index
        %get3A_1463 = tpu.vector_load %arg7[%get3A_1459, %get3A_1460, %get3A_1461, %get3A_1462] {strides = array<i32>} : memref<2x8x50x64xf32, #tpu.memory_space<vmem>>, vector<1x1x1x16xf32>,
        %get3A_1464 = vector.shape_cast %get3A_1463 : vector<1x1x1x16xf32> to vector<16xf32>
        %mul3A_1465 = arith.mulf %get3A_1464, %get3A_1406 : vector<16xf32>
        %add3A_1466 = arith.addf %scan3A_1401, %mul3A_1465 : vector<16xf32>
        %get3A_1467 = arith.constant 0 : i32
        %get3A_1468 = arith.constant 6 : i32
        %get3A_1469 = arith.index_cast %get3A_1467 : i32 to index
        %get3A_1470 = arith.index_cast %get3A_1468 : i32 to index
        %get3A_1471 = arith.index_cast %scan3A_1395 : i32 to index
        %get3A_1472 = arith.constant 32 : index
        %get3A_1473 = tpu.vector_load %arg7[%get3A_1469, %get3A_1470, %get3A_1471, %get3A_1472] {strides = array<i32>} : memref<2x8x50x64xf32, #tpu.memory_space<vmem>>, vector<1x1x1x16xf32>,
        %get3A_1474 = vector.shape_cast %get3A_1473 : vector<1x1x1x16xf32> to vector<16xf32>
        %mul3A_1475 = arith.mulf %get3A_1474, %get3A_1406 : vector<16xf32>
        %add3A_1476 = arith.addf %scan3A_1402, %mul3A_1475 : vector<16xf32>
        %get3A_1477 = arith.constant 0 : i32
        %get3A_1478 = arith.constant 7 : i32
        %get3A_1479 = arith.index_cast %get3A_1477 : i32 to index
        %get3A_1480 = arith.index_cast %get3A_1478 : i32 to index
        %get3A_1481 = arith.index_cast %scan3A_1395 : i32 to index
        %get3A_1482 = arith.constant 32 : index
        %get3A_1483 = tpu.vector_load %arg7[%get3A_1479, %get3A_1480, %get3A_1481, %get3A_1482] {strides = array<i32>} : memref<2x8x50x64xf32, #tpu.memory_space<vmem>>, vector<1x1x1x16xf32>,
        %get3A_1484 = vector.shape_cast %get3A_1483 : vector<1x1x1x16xf32> to vector<16xf32>
        %mul3A_1485 = arith.mulf %get3A_1484, %get3A_1406 : vector<16xf32>
        %add3A_1486 = arith.addf %scan3A_1403, %mul3A_1485 : vector<16xf32>
        scf.yield %add3A_1416, %add3A_1426, %add3A_1436, %add3A_1446, %add3A_1456, %add3A_1466, %add3A_1476, %add3A_1486 : vector<16xf32>, vector<16xf32>, vector<16xf32>, vector<16xf32>, vector<16xf32>, vector<16xf32>, vector<16xf32>, vector<16xf32>
      }
      %scan3A_654 = arith.constant 50 : i32
      %swap3A_655 = arith.constant 0 : i32
      %swap3A_656 = arith.constant 0 : i32
      %swap3A_657 = arith.index_cast %swap3A_655 : i32 to index
      %swap3A_658 = arith.index_cast %swap3A_656 : i32 to index
      %swap3A_659 = arith.constant 32 : index
      %swap3A_660 = tpu.vector_load %arg8[%swap3A_657, %swap3A_658, %swap3A_659] {strides = array<i32>} : memref<2x8x64xf32, #tpu.memory_space<vmem>>, vector<1x1x16xf32>,
      %swap3A_661 = vector.shape_cast %swap3A_660 : vector<1x1x16xf32> to vector<16xf32>
      %swap3A_662 = vector.shape_cast %scan3A_653#0 : vector<16xf32> to vector<1x1x16xf32>
      tpu.vector_store %arg8[%swap3A_657, %swap3A_658, %swap3A_659], %swap3A_662 {strides = array<i32>} : memref<2x8x64xf32, #tpu.memory_space<vmem>>, vector<1x1x16xf32>,
      %swap3A_663 = arith.constant 0 : i32
      %swap3A_664 = arith.constant 1 : i32
      %swap3A_665 = arith.index_cast %swap3A_663 : i32 to index
      %swap3A_666 = arith.index_cast %swap3A_664 : i32 to index
      %swap3A_667 = arith.constant 32 : index
      %swap3A_668 = tpu.vector_load %arg8[%swap3A_665, %swap3A_666, %swap3A_667] {strides = array<i32>} : memref<2x8x64xf32, #tpu.memory_space<vmem>>, vector<1x1x16xf32>,
      %swap3A_669 = vector.shape_cast %swap3A_668 : vector<1x1x16xf32> to vector<16xf32>
      %swap3A_670 = vector.shape_cast %scan3A_653#1 : vector<16xf32> to vector<1x1x16xf32>
      tpu.vector_store %arg8[%swap3A_665, %swap3A_666, %swap3A_667], %swap3A_670 {strides = array<i32>} : memref<2x8x64xf32, #tpu.memory_space<vmem>>, vector<1x1x16xf32>,
      %swap3A_671 = arith.constant 0 : i32
      %swap3A_672 = arith.constant 2 : i32
      %swap3A_673 = arith.index_cast %swap3A_671 : i32 to index
      %swap3A_674 = arith.index_cast %swap3A_672 : i32 to index
      %swap3A_675 = arith.constant 32 : index
      %swap3A_676 = tpu.vector_load %arg8[%swap3A_673, %swap3A_674, %swap3A_675] {strides = array<i32>} : memref<2x8x64xf32, #tpu.memory_space<vmem>>, vector<1x1x16xf32>,
      %swap3A_677 = vector.shape_cast %swap3A_676 : vector<1x1x16xf32> to vector<16xf32>
      %swap3A_678 = vector.shape_cast %scan3A_653#2 : vector<16xf32> to vector<1x1x16xf32>
      tpu.vector_store %arg8[%swap3A_673, %swap3A_674, %swap3A_675], %swap3A_678 {strides = array<i32>} : memref<2x8x64xf32, #tpu.memory_space<vmem>>, vector<1x1x16xf32>,
      %swap3A_679 = arith.constant 0 : i32
      %swap3A_680 = arith.constant 3 : i32
      %swap3A_681 = arith.index_cast %swap3A_679 : i32 to index
      %swap3A_682 = arith.index_cast %swap3A_680 : i32 to index
      %swap3A_683 = arith.constant 32 : index
      %swap3A_684 = tpu.vector_load %arg8[%swap3A_681, %swap3A_682, %swap3A_683] {strides = array<i32>} : memref<2x8x64xf32, #tpu.memory_space<vmem>>, vector<1x1x16xf32>,
      %swap3A_685 = vector.shape_cast %swap3A_684 : vector<1x1x16xf32> to vector<16xf32>
      %swap3A_686 = vector.shape_cast %scan3A_653#3 : vector<16xf32> to vector<1x1x16xf32>
      tpu.vector_store %arg8[%swap3A_681, %swap3A_682, %swap3A_683], %swap3A_686 {strides = array<i32>} : memref<2x8x64xf32, #tpu.memory_space<vmem>>, vector<1x1x16xf32>,
      %swap3A_687 = arith.constant 0 : i32
      %swap3A_688 = arith.constant 4 : i32
      %swap3A_689 = arith.index_cast %swap3A_687 : i32 to index
      %swap3A_690 = arith.index_cast %swap3A_688 : i32 to index
      %swap3A_691 = arith.constant 32 : index
      %swap3A_692 = tpu.vector_load %arg8[%swap3A_689, %swap3A_690, %swap3A_691] {strides = array<i32>} : memref<2x8x64xf32, #tpu.memory_space<vmem>>, vector<1x1x16xf32>,
      %swap3A_693 = vector.shape_cast %swap3A_692 : vector<1x1x16xf32> to vector<16xf32>
      %swap3A_694 = vector.shape_cast %scan3A_653#4 : vector<16xf32> to vector<1x1x16xf32>
      tpu.vector_store %arg8[%swap3A_689, %swap3A_690, %swap3A_691], %swap3A_694 {strides = array<i32>} : memref<2x8x64xf32, #tpu.memory_space<vmem>>, vector<1x1x16xf32>,
      %swap3A_695 = arith.constant 0 : i32
      %swap3A_696 = arith.constant 5 : i32
      %swap3A_697 = arith.index_cast %swap3A_695 : i32 to index
      %swap3A_698 = arith.index_cast %swap3A_696 : i32 to index
      %swap3A_699 = arith.constant 32 : index
      %swap3A_700 = tpu.vector_load %arg8[%swap3A_697, %swap3A_698, %swap3A_699] {strides = array<i32>} : memref<2x8x64xf32, #tpu.memory_space<vmem>>, vector<1x1x16xf32>,
      %swap3A_701 = vector.shape_cast %swap3A_700 : vector<1x1x16xf32> to vector<16xf32>
      %swap3A_702 = vector.shape_cast %scan3A_653#5 : vector<16xf32> to vector<1x1x16xf32>
      tpu.vector_store %arg8[%swap3A_697, %swap3A_698, %swap3A_699], %swap3A_702 {strides = array<i32>} : memref<2x8x64xf32, #tpu.memory_space<vmem>>, vector<1x1x16xf32>,
      %swap3A_703 = arith.constant 0 : i32
      %swap3A_704 = arith.constant 6 : i32
      %swap3A_705 = arith.index_cast %swap3A_703 : i32 to index
      %swap3A_706 = arith.index_cast %swap3A_704 : i32 to index
      %swap3A_707 = arith.constant 32 : index
      %swap3A_708 = tpu.vector_load %arg8[%swap3A_705, %swap3A_706, %swap3A_707] {strides = array<i32>} : memref<2x8x64xf32, #tpu.memory_space<vmem>>, vector<1x1x16xf32>,
      %swap3A_709 = vector.shape_cast %swap3A_708 : vector<1x1x16xf32> to vector<16xf32>
      %swap3A_710 = vector.shape_cast %scan3A_653#6 : vector<16xf32> to vector<1x1x16xf32>
      tpu.vector_store %arg8[%swap3A_705, %swap3A_706, %swap3A_707], %swap3A_710 {strides = array<i32>} : memref<2x8x64xf32, #tpu.memory_space<vmem>>, vector<1x1x16xf32>,
      %swap3A_711 = arith.constant 0 : i32
      %swap3A_712 = arith.constant 7 : i32
      %swap3A_713 = arith.index_cast %swap3A_711 : i32 to index
      %swap3A_714 = arith.index_cast %swap3A_712 : i32 to index
      %swap3A_715 = arith.constant 32 : index
      %swap3A_716 = tpu.vector_load %arg8[%swap3A_713, %swap3A_714, %swap3A_715] {strides = array<i32>} : memref<2x8x64xf32, #tpu.memory_space<vmem>>, vector<1x1x16xf32>,
      %swap3A_717 = vector.shape_cast %swap3A_716 : vector<1x1x16xf32> to vector<16xf32>
      %swap3A_718 = vector.shape_cast %scan3A_653#7 : vector<16xf32> to vector<1x1x16xf32>
      tpu.vector_store %arg8[%swap3A_713, %swap3A_714, %swap3A_715], %swap3A_718 {strides = array<i32>} : memref<2x8x64xf32, #tpu.memory_space<vmem>>, vector<1x1x16xf32>,
      %broadcast_in_dim3A_719 = arith.constant 0.000000e+00 : f32
      %broadcast_in_dim3A_720 = vector.broadcast %broadcast_in_dim3A_719 : f32 to vector<16xf32>
      %broadcast_in_dim3A_721 = arith.constant 0.000000e+00 : f32
      %broadcast_in_dim3A_722 = vector.broadcast %broadcast_in_dim3A_721 : f32 to vector<16xf32>
      %broadcast_in_dim3A_723 = arith.constant 0.000000e+00 : f32
      %broadcast_in_dim3A_724 = vector.broadcast %broadcast_in_dim3A_723 : f32 to vector<16xf32>
      %broadcast_in_dim3A_725 = arith.constant 0.000000e+00 : f32
      %broadcast_in_dim3A_726 = vector.broadcast %broadcast_in_dim3A_725 : f32 to vector<16xf32>
      %broadcast_in_dim3A_727 = arith.constant 0.000000e+00 : f32
      %broadcast_in_dim3A_728 = vector.broadcast %broadcast_in_dim3A_727 : f32 to vector<16xf32>
      %broadcast_in_dim3A_729 = arith.constant 0.000000e+00 : f32
      %broadcast_in_dim3A_730 = vector.broadcast %broadcast_in_dim3A_729 : f32 to vector<16xf32>
      %broadcast_in_dim3A_731 = arith.constant 0.000000e+00 : f32
      %broadcast_in_dim3A_732 = vector.broadcast %broadcast_in_dim3A_731 : f32 to vector<16xf32>
      %broadcast_in_dim3A_733 = arith.constant 0.000000e+00 : f32
      %broadcast_in_dim3A_734 = vector.broadcast %broadcast_in_dim3A_733 : f32 to vector<16xf32>
      %scan3A_735 = arith.constant 0 : i32
      %scan3A_736 = arith.constant 50 : i32
      %scan3A_737 = arith.addi %scan3A_735, %scan3A_736 : i32
      %scan3A_738 = arith.constant 1 : i32
      %scan3A_739:8 = scf.for %scan3A_1395 = %scan3A_735 to %scan3A_737 step %scan3A_738 iter_args(%scan3A_1396 = %broadcast_in_dim3A_720, %scan3A_1397 = %broadcast_in_dim3A_722, %scan3A_1398 = %broadcast_in_dim3A_724, %scan3A_1399 = %broadcast_in_dim3A_726, %scan3A_1400 = %broadcast_in_dim3A_728, %scan3A_1401 = %broadcast_in_dim3A_730, %scan3A_1402 = %broadcast_in_dim3A_732, %scan3A_1403 = %broadcast_in_dim3A_734) -> (vector<16xf32>, vector<16xf32>, vector<16xf32>, vector<16xf32>, vector<16xf32>, vector<16xf32>, vector<16xf32>, vector<16xf32>)  : i32 {
        %get3A = arith.index_cast %scan3A_1395 : i32 to index
        %get3A_1404 = arith.constant 48 : index
        %get3A_1405 = tpu.vector_load %arg9[%get3A, %get3A_1404] {strides = array<i32>} : memref<50x64xf32, #tpu.memory_space<vmem>>, vector<1x16xf32>,
        %get3A_1406 = vector.shape_cast %get3A_1405 : vector<1x16xf32> to vector<16xf32>
        %get3A_1407 = arith.constant 0 : i32
        %get3A_1408 = arith.constant 0 : i32
        %get3A_1409 = arith.index_cast %get3A_1407 : i32 to index
        %get3A_1410 = arith.index_cast %get3A_1408 : i32 to index
        %get3A_1411 = arith.index_cast %scan3A_1395 : i32 to index
        %get3A_1412 = arith.constant 48 : index
        %get3A_1413 = tpu.vector_load %arg7[%get3A_1409, %get3A_1410, %get3A_1411, %get3A_1412] {strides = array<i32>} : memref<2x8x50x64xf32, #tpu.memory_space<vmem>>, vector<1x1x1x16xf32>,
        %get3A_1414 = vector.shape_cast %get3A_1413 : vector<1x1x1x16xf32> to vector<16xf32>
        %mul3A_1415 = arith.mulf %get3A_1414, %get3A_1406 : vector<16xf32>
        %add3A_1416 = arith.addf %scan3A_1396, %mul3A_1415 : vector<16xf32>
        %get3A_1417 = arith.constant 0 : i32
        %get3A_1418 = arith.constant 1 : i32
        %get3A_1419 = arith.index_cast %get3A_1417 : i32 to index
        %get3A_1420 = arith.index_cast %get3A_1418 : i32 to index
        %get3A_1421 = arith.index_cast %scan3A_1395 : i32 to index
        %get3A_1422 = arith.constant 48 : index
        %get3A_1423 = tpu.vector_load %arg7[%get3A_1419, %get3A_1420, %get3A_1421, %get3A_1422] {strides = array<i32>} : memref<2x8x50x64xf32, #tpu.memory_space<vmem>>, vector<1x1x1x16xf32>,
        %get3A_1424 = vector.shape_cast %get3A_1423 : vector<1x1x1x16xf32> to vector<16xf32>
        %mul3A_1425 = arith.mulf %get3A_1424, %get3A_1406 : vector<16xf32>
        %add3A_1426 = arith.addf %scan3A_1397, %mul3A_1425 : vector<16xf32>
        %get3A_1427 = arith.constant 0 : i32
        %get3A_1428 = arith.constant 2 : i32
        %get3A_1429 = arith.index_cast %get3A_1427 : i32 to index
        %get3A_1430 = arith.index_cast %get3A_1428 : i32 to index
        %get3A_1431 = arith.index_cast %scan3A_1395 : i32 to index
        %get3A_1432 = arith.constant 48 : index
        %get3A_1433 = tpu.vector_load %arg7[%get3A_1429, %get3A_1430, %get3A_1431, %get3A_1432] {strides = array<i32>} : memref<2x8x50x64xf32, #tpu.memory_space<vmem>>, vector<1x1x1x16xf32>,
        %get3A_1434 = vector.shape_cast %get3A_1433 : vector<1x1x1x16xf32> to vector<16xf32>
        %mul3A_1435 = arith.mulf %get3A_1434, %get3A_1406 : vector<16xf32>
        %add3A_1436 = arith.addf %scan3A_1398, %mul3A_1435 : vector<16xf32>
        %get3A_1437 = arith.constant 0 : i32
        %get3A_1438 = arith.constant 3 : i32
        %get3A_1439 = arith.index_cast %get3A_1437 : i32 to index
        %get3A_1440 = arith.index_cast %get3A_1438 : i32 to index
        %get3A_1441 = arith.index_cast %scan3A_1395 : i32 to index
        %get3A_1442 = arith.constant 48 : index
        %get3A_1443 = tpu.vector_load %arg7[%get3A_1439, %get3A_1440, %get3A_1441, %get3A_1442] {strides = array<i32>} : memref<2x8x50x64xf32, #tpu.memory_space<vmem>>, vector<1x1x1x16xf32>,
        %get3A_1444 = vector.shape_cast %get3A_1443 : vector<1x1x1x16xf32> to vector<16xf32>
        %mul3A_1445 = arith.mulf %get3A_1444, %get3A_1406 : vector<16xf32>
        %add3A_1446 = arith.addf %scan3A_1399, %mul3A_1445 : vector<16xf32>
        %get3A_1447 = arith.constant 0 : i32
        %get3A_1448 = arith.constant 4 : i32
        %get3A_1449 = arith.index_cast %get3A_1447 : i32 to index
        %get3A_1450 = arith.index_cast %get3A_1448 : i32 to index
        %get3A_1451 = arith.index_cast %scan3A_1395 : i32 to index
        %get3A_1452 = arith.constant 48 : index
        %get3A_1453 = tpu.vector_load %arg7[%get3A_1449, %get3A_1450, %get3A_1451, %get3A_1452] {strides = array<i32>} : memref<2x8x50x64xf32, #tpu.memory_space<vmem>>, vector<1x1x1x16xf32>,
        %get3A_1454 = vector.shape_cast %get3A_1453 : vector<1x1x1x16xf32> to vector<16xf32>
        %mul3A_1455 = arith.mulf %get3A_1454, %get3A_1406 : vector<16xf32>
        %add3A_1456 = arith.addf %scan3A_1400, %mul3A_1455 : vector<16xf32>
        %get3A_1457 = arith.constant 0 : i32
        %get3A_1458 = arith.constant 5 : i32
        %get3A_1459 = arith.index_cast %get3A_1457 : i32 to index
        %get3A_1460 = arith.index_cast %get3A_1458 : i32 to index
        %get3A_1461 = arith.index_cast %scan3A_1395 : i32 to index
        %get3A_1462 = arith.constant 48 : index
        %get3A_1463 = tpu.vector_load %arg7[%get3A_1459, %get3A_1460, %get3A_1461, %get3A_1462] {strides = array<i32>} : memref<2x8x50x64xf32, #tpu.memory_space<vmem>>, vector<1x1x1x16xf32>,
        %get3A_1464 = vector.shape_cast %get3A_1463 : vector<1x1x1x16xf32> to vector<16xf32>
        %mul3A_1465 = arith.mulf %get3A_1464, %get3A_1406 : vector<16xf32>
        %add3A_1466 = arith.addf %scan3A_1401, %mul3A_1465 : vector<16xf32>
        %get3A_1467 = arith.constant 0 : i32
        %get3A_1468 = arith.constant 6 : i32
        %get3A_1469 = arith.index_cast %get3A_1467 : i32 to index
        %get3A_1470 = arith.index_cast %get3A_1468 : i32 to index
        %get3A_1471 = arith.index_cast %scan3A_1395 : i32 to index
        %get3A_1472 = arith.constant 48 : index
        %get3A_1473 = tpu.vector_load %arg7[%get3A_1469, %get3A_1470, %get3A_1471, %get3A_1472] {strides = array<i32>} : memref<2x8x50x64xf32, #tpu.memory_space<vmem>>, vector<1x1x1x16xf32>,
        %get3A_1474 = vector.shape_cast %get3A_1473 : vector<1x1x1x16xf32> to vector<16xf32>
        %mul3A_1475 = arith.mulf %get3A_1474, %get3A_1406 : vector<16xf32>
        %add3A_1476 = arith.addf %scan3A_1402, %mul3A_1475 : vector<16xf32>
        %get3A_1477 = arith.constant 0 : i32
        %get3A_1478 = arith.constant 7 : i32
        %get3A_1479 = arith.index_cast %get3A_1477 : i32 to index
        %get3A_1480 = arith.index_cast %get3A_1478 : i32 to index
        %get3A_1481 = arith.index_cast %scan3A_1395 : i32 to index
        %get3A_1482 = arith.constant 48 : index
        %get3A_1483 = tpu.vector_load %arg7[%get3A_1479, %get3A_1480, %get3A_1481, %get3A_1482] {strides = array<i32>} : memref<2x8x50x64xf32, #tpu.memory_space<vmem>>, vector<1x1x1x16xf32>,
        %get3A_1484 = vector.shape_cast %get3A_1483 : vector<1x1x1x16xf32> to vector<16xf32>
        %mul3A_1485 = arith.mulf %get3A_1484, %get3A_1406 : vector<16xf32>
        %add3A_1486 = arith.addf %scan3A_1403, %mul3A_1485 : vector<16xf32>
        scf.yield %add3A_1416, %add3A_1426, %add3A_1436, %add3A_1446, %add3A_1456, %add3A_1466, %add3A_1476, %add3A_1486 : vector<16xf32>, vector<16xf32>, vector<16xf32>, vector<16xf32>, vector<16xf32>, vector<16xf32>, vector<16xf32>, vector<16xf32>
      }
      %scan3A_740 = arith.constant 50 : i32
      %swap3A_741 = arith.constant 0 : i32
      %swap3A_742 = arith.constant 0 : i32
      %swap3A_743 = arith.index_cast %swap3A_741 : i32 to index
      %swap3A_744 = arith.index_cast %swap3A_742 : i32 to index
      %swap3A_745 = arith.constant 48 : index
      %swap3A_746 = tpu.vector_load %arg8[%swap3A_743, %swap3A_744, %swap3A_745] {strides = array<i32>} : memref<2x8x64xf32, #tpu.memory_space<vmem>>, vector<1x1x16xf32>,
      %swap3A_747 = vector.shape_cast %swap3A_746 : vector<1x1x16xf32> to vector<16xf32>
      %swap3A_748 = vector.shape_cast %scan3A_739#0 : vector<16xf32> to vector<1x1x16xf32>
      tpu.vector_store %arg8[%swap3A_743, %swap3A_744, %swap3A_745], %swap3A_748 {strides = array<i32>} : memref<2x8x64xf32, #tpu.memory_space<vmem>>, vector<1x1x16xf32>,
      %swap3A_749 = arith.constant 0 : i32
      %swap3A_750 = arith.constant 1 : i32
      %swap3A_751 = arith.index_cast %swap3A_749 : i32 to index
      %swap3A_752 = arith.index_cast %swap3A_750 : i32 to index
      %swap3A_753 = arith.constant 48 : index
      %swap3A_754 = tpu.vector_load %arg8[%swap3A_751, %swap3A_752, %swap3A_753] {strides = array<i32>} : memref<2x8x64xf32, #tpu.memory_space<vmem>>, vector<1x1x16xf32>,
      %swap3A_755 = vector.shape_cast %swap3A_754 : vector<1x1x16xf32> to vector<16xf32>
      %swap3A_756 = vector.shape_cast %scan3A_739#1 : vector<16xf32> to vector<1x1x16xf32>
      tpu.vector_store %arg8[%swap3A_751, %swap3A_752, %swap3A_753], %swap3A_756 {strides = array<i32>} : memref<2x8x64xf32, #tpu.memory_space<vmem>>, vector<1x1x16xf32>,
      %swap3A_757 = arith.constant 0 : i32
      %swap3A_758 = arith.constant 2 : i32
      %swap3A_759 = arith.index_cast %swap3A_757 : i32 to index
      %swap3A_760 = arith.index_cast %swap3A_758 : i32 to index
      %swap3A_761 = arith.constant 48 : index
      %swap3A_762 = tpu.vector_load %arg8[%swap3A_759, %swap3A_760, %swap3A_761] {strides = array<i32>} : memref<2x8x64xf32, #tpu.memory_space<vmem>>, vector<1x1x16xf32>,
      %swap3A_763 = vector.shape_cast %swap3A_762 : vector<1x1x16xf32> to vector<16xf32>
      %swap3A_764 = vector.shape_cast %scan3A_739#2 : vector<16xf32> to vector<1x1x16xf32>
      tpu.vector_store %arg8[%swap3A_759, %swap3A_760, %swap3A_761], %swap3A_764 {strides = array<i32>} : memref<2x8x64xf32, #tpu.memory_space<vmem>>, vector<1x1x16xf32>,
      %swap3A_765 = arith.constant 0 : i32
      %swap3A_766 = arith.constant 3 : i32
      %swap3A_767 = arith.index_cast %swap3A_765 : i32 to index
      %swap3A_768 = arith.index_cast %swap3A_766 : i32 to index
      %swap3A_769 = arith.constant 48 : index
      %swap3A_770 = tpu.vector_load %arg8[%swap3A_767, %swap3A_768, %swap3A_769] {strides = array<i32>} : memref<2x8x64xf32, #tpu.memory_space<vmem>>, vector<1x1x16xf32>,
      %swap3A_771 = vector.shape_cast %swap3A_770 : vector<1x1x16xf32> to vector<16xf32>
      %swap3A_772 = vector.shape_cast %scan3A_739#3 : vector<16xf32> to vector<1x1x16xf32>
      tpu.vector_store %arg8[%swap3A_767, %swap3A_768, %swap3A_769], %swap3A_772 {strides = array<i32>} : memref<2x8x64xf32, #tpu.memory_space<vmem>>, vector<1x1x16xf32>,
      %swap3A_773 = arith.constant 0 : i32
      %swap3A_774 = arith.constant 4 : i32
      %swap3A_775 = arith.index_cast %swap3A_773 : i32 to index
      %swap3A_776 = arith.index_cast %swap3A_774 : i32 to index
      %swap3A_777 = arith.constant 48 : index
      %swap3A_778 = tpu.vector_load %arg8[%swap3A_775, %swap3A_776, %swap3A_777] {strides = array<i32>} : memref<2x8x64xf32, #tpu.memory_space<vmem>>, vector<1x1x16xf32>,
      %swap3A_779 = vector.shape_cast %swap3A_778 : vector<1x1x16xf32> to vector<16xf32>
      %swap3A_780 = vector.shape_cast %scan3A_739#4 : vector<16xf32> to vector<1x1x16xf32>
      tpu.vector_store %arg8[%swap3A_775, %swap3A_776, %swap3A_777], %swap3A_780 {strides = array<i32>} : memref<2x8x64xf32, #tpu.memory_space<vmem>>, vector<1x1x16xf32>,
      %swap3A_781 = arith.constant 0 : i32
      %swap3A_782 = arith.constant 5 : i32
      %swap3A_783 = arith.index_cast %swap3A_781 : i32 to index
      %swap3A_784 = arith.index_cast %swap3A_782 : i32 to index
      %swap3A_785 = arith.constant 48 : index
      %swap3A_786 = tpu.vector_load %arg8[%swap3A_783, %swap3A_784, %swap3A_785] {strides = array<i32>} : memref<2x8x64xf32, #tpu.memory_space<vmem>>, vector<1x1x16xf32>,
      %swap3A_787 = vector.shape_cast %swap3A_786 : vector<1x1x16xf32> to vector<16xf32>
      %swap3A_788 = vector.shape_cast %scan3A_739#5 : vector<16xf32> to vector<1x1x16xf32>
      tpu.vector_store %arg8[%swap3A_783, %swap3A_784, %swap3A_785], %swap3A_788 {strides = array<i32>} : memref<2x8x64xf32, #tpu.memory_space<vmem>>, vector<1x1x16xf32>,
      %swap3A_789 = arith.constant 0 : i32
      %swap3A_790 = arith.constant 6 : i32
      %swap3A_791 = arith.index_cast %swap3A_789 : i32 to index
      %swap3A_792 = arith.index_cast %swap3A_790 : i32 to index
      %swap3A_793 = arith.constant 48 : index
      %swap3A_794 = tpu.vector_load %arg8[%swap3A_791, %swap3A_792, %swap3A_793] {strides = array<i32>} : memref<2x8x64xf32, #tpu.memory_space<vmem>>, vector<1x1x16xf32>,
      %swap3A_795 = vector.shape_cast %swap3A_794 : vector<1x1x16xf32> to vector<16xf32>
      %swap3A_796 = vector.shape_cast %scan3A_739#6 : vector<16xf32> to vector<1x1x16xf32>
      tpu.vector_store %arg8[%swap3A_791, %swap3A_792, %swap3A_793], %swap3A_796 {strides = array<i32>} : memref<2x8x64xf32, #tpu.memory_space<vmem>>, vector<1x1x16xf32>,
      %swap3A_797 = arith.constant 0 : i32
      %swap3A_798 = arith.constant 7 : i32
      %swap3A_799 = arith.index_cast %swap3A_797 : i32 to index
      %swap3A_800 = arith.index_cast %swap3A_798 : i32 to index
      %swap3A_801 = arith.constant 48 : index
      %swap3A_802 = tpu.vector_load %arg8[%swap3A_799, %swap3A_800, %swap3A_801] {strides = array<i32>} : memref<2x8x64xf32, #tpu.memory_space<vmem>>, vector<1x1x16xf32>,
      %swap3A_803 = vector.shape_cast %swap3A_802 : vector<1x1x16xf32> to vector<16xf32>
      %swap3A_804 = vector.shape_cast %scan3A_739#7 : vector<16xf32> to vector<1x1x16xf32>
      tpu.vector_store %arg8[%swap3A_799, %swap3A_800, %swap3A_801], %swap3A_804 {strides = array<i32>} : memref<2x8x64xf32, #tpu.memory_space<vmem>>, vector<1x1x16xf32>,
      %mul3A_805 = arith.constant 8 : i32
      %mul3A_806 = arith.muli %mul3A_270, %mul3A_805 : i32
      %add3A_807 = arith.addi %mul3A_2, %mul3A_806 : i32
      %dma_start3A_808 = arith.constant 0 : i32
      %dma_start3A_809 = arith.constant 0 : i32
      %dma_start3A_810 = arith.constant 0 : i32
      %dma_start3A_811 = tpu.memref_slice %arg8[%dma_start3A_808, %dma_start3A_809, %dma_start3A_810] : memref<2x8x64xf32, #tpu.memory_space<vmem>> -> memref<1x8x64xf32, #tpu.memory_space<vmem>>
      %dma_start3A_812 = tpu.memref_squeeze %dma_start3A_811 : memref<1x8x64xf32, #tpu.memory_space<vmem>> -> memref<8x64xf32, #tpu.memory_space<vmem>>
      %dma_start3A_813 = arith.constant 0 : i32
      %dma_start3A_814 = tpu.memref_slice %arg5[%add3A_807, %dma_start3A_813] : memref<16384x64xf32, #tpu.memory_space<hbm>> -> memref<8x64xf32, #tpu.memory_space<hbm>>
      %dma_start3A_815 = arith.constant 0 : i32
      %dma_start3A_816 = tpu.memref_slice %arg5[%add3A_807, %dma_start3A_815] : memref<16384x64xf32, #tpu.memory_space<hbm>> -> memref<8x64xf32, #tpu.memory_space<hbm>>
      %dma_start3A_817 = arith.constant 0 : i32
      %dma_start3A_818 = arith.constant 0 : i32
      %dma_start3A_819 = tpu.memref_slice %arg8[%dma_start3A_808, %dma_start3A_817, %dma_start3A_818] : memref<2x8x64xf32, #tpu.memory_space<vmem>> -> memref<1x8x64xf32, #tpu.memory_space<vmem>>
      %dma_start3A_820 = tpu.memref_squeeze %dma_start3A_819 : memref<1x8x64xf32, #tpu.memory_space<vmem>> -> memref<8x64xf32, #tpu.memory_space<vmem>>
      tpu.enqueue_dma source(%dma_start3A_820 : memref<8x64xf32, #tpu.memory_space<vmem>>) target(%dma_start3A_816 : memref<8x64xf32, #tpu.memory_space<hbm>>) target_semaphore(%arg14 : memref<!tpu.dma_semaphore, #tpu.memory_space<semaphore_mem>>)
      %add3A_821 = arith.constant 2 : i32
      %add3A_822 = arith.addi %mul3A_270, %add3A_821 : i32
      %lt3A_823 = arith.constant 64 : i32
      %lt3A_824 = arith.cmpi slt, %add3A_822, %lt3A_823 : i32
      %convert_element_type3A_825 = arith.extui %lt3A_824 : i1 to i32
      %cond3A_826 = arith.constant 0 : i32
      %cond3A_827 = arith.cmpi ne, %convert_element_type3A_825, %cond3A_826 : i32
      scf.if %cond3A_827 {
        %add3A_1395 = arith.constant 2 : i32
        %add3A_1396 = arith.addi %mul3A_270, %add3A_1395 : i32
        %mul3A_1397 = arith.constant 8 : i32
        %mul3A_1398 = arith.muli %add3A_1396, %mul3A_1397 : i32
        %add3A_1399 = arith.addi %mul3A_2, %mul3A_1398 : i32
        %dma_start3A_1400 = arith.constant 0 : i32
        %dma_start3A_1401 = arith.constant 0 : i32
        %dma_start3A_1402 = arith.constant 0 : i32
        %dma_start3A_1403 = tpu.memref_slice %arg6[%dma_start3A_1400, %dma_start3A_1401, %dma_start3A_1402] : memref<2x8x50xi32, #tpu.memory_space<vmem>> -> memref<1x8x50xi32, #tpu.memory_space<vmem>>
        %dma_start3A_1404 = tpu.memref_squeeze %dma_start3A_1403 : memref<1x8x50xi32, #tpu.memory_space<vmem>> -> memref<8x50xi32, #tpu.memory_space<vmem>>
        %dma_start3A_1405 = arith.constant 0 : i32
        %dma_start3A_1406 = tpu.memref_slice %arg2[%add3A_1399, %dma_start3A_1405] : memref<16384x50xi32, #tpu.memory_space<hbm>> -> memref<8x50xi32, #tpu.memory_space<hbm>>
        %dma_start3A_1407 = arith.constant 0 : i32
        %dma_start3A_1408 = arith.constant 0 : i32
        %dma_start3A_1409 = tpu.memref_slice %arg6[%dma_start3A_1400, %dma_start3A_1407, %dma_start3A_1408] : memref<2x8x50xi32, #tpu.memory_space<vmem>> -> memref<1x8x50xi32, #tpu.memory_space<vmem>>
        %dma_start3A_1410 = tpu.memref_squeeze %dma_start3A_1409 : memref<1x8x50xi32, #tpu.memory_space<vmem>> -> memref<8x50xi32, #tpu.memory_space<vmem>>
        %dma_start3A_1411 = arith.constant 0 : i32
        %dma_start3A_1412 = tpu.memref_slice %arg2[%add3A_1399, %dma_start3A_1411] : memref<16384x50xi32, #tpu.memory_space<hbm>> -> memref<8x50xi32, #tpu.memory_space<hbm>>
        tpu.enqueue_dma source(%dma_start3A_1412 : memref<8x50xi32, #tpu.memory_space<hbm>>) target(%dma_start3A_1410 : memref<8x50xi32, #tpu.memory_space<vmem>>) target_semaphore(%arg10 : memref<!tpu.dma_semaphore, #tpu.memory_space<semaphore_mem>>)
      } else {
      }
      %mul3A_828 = arith.constant 2 : i32
      %mul3A_829 = arith.muli %mul3A_828, %add3A_268 : i32
      %add3A_830 = arith.constant 1 : i32
      %add3A_831 = arith.addi %mul3A_829, %add3A_830 : i32
      %add3A_832 = arith.constant 1 : i32
      %add3A_833 = arith.addi %add3A_831, %add3A_832 : i32
      %lt3A_834 = arith.constant 64 : i32
      %lt3A_835 = arith.cmpi slt, %add3A_833, %lt3A_834 : i32
      %convert_element_type3A_836 = arith.extui %lt3A_835 : i1 to i32
      %cond3A_837 = arith.constant 0 : i32
      %cond3A_838 = arith.cmpi ne, %convert_element_type3A_836, %cond3A_837 : i32
      scf.if %cond3A_838 {
        %dma_wait3A_1395 = arith.constant 0 : i32
        %dma_wait3A_1396 = arith.constant 0 : i32
        %dma_wait3A_1397 = arith.constant 0 : i32
        %dma_wait3A_1398 = tpu.memref_slice %arg6[%dma_wait3A_1395, %dma_wait3A_1396, %dma_wait3A_1397] : memref<2x8x50xi32, #tpu.memory_space<vmem>> -> memref<1x8x50xi32, #tpu.memory_space<vmem>>
        %dma_wait3A_1399 = tpu.memref_squeeze %dma_wait3A_1398 : memref<1x8x50xi32, #tpu.memory_space<vmem>> -> memref<8x50xi32, #tpu.memory_space<vmem>>
        %dma_wait3A_1400 = arith.constant 0 : i32
        %dma_wait3A_1401 = arith.constant 0 : i32
        %dma_wait3A_1402 = tpu.memref_slice %arg2[%dma_wait3A_1400, %dma_wait3A_1401] : memref<16384x50xi32, #tpu.memory_space<hbm>> -> memref<8x50xi32, #tpu.memory_space<hbm>>
        %dma_wait3A_1403 = arith.constant 0 : i32
        %dma_wait3A_1404 = arith.constant 0 : i32
        %dma_wait3A_1405 = tpu.memref_slice %arg6[%dma_wait3A_1395, %dma_wait3A_1403, %dma_wait3A_1404] : memref<2x8x50xi32, #tpu.memory_space<vmem>> -> memref<1x8x50xi32, #tpu.memory_space<vmem>>
        %dma_wait3A_1406 = tpu.memref_squeeze %dma_wait3A_1405 : memref<1x8x50xi32, #tpu.memory_space<vmem>> -> memref<8x50xi32, #tpu.memory_space<vmem>>
        %dma_wait3A_1407 = arith.constant 0 : i32
        %dma_wait3A_1408 = arith.constant 0 : i32
        %dma_wait3A_1409 = tpu.memref_slice %arg2[%dma_wait3A_1407, %dma_wait3A_1408] : memref<16384x50xi32, #tpu.memory_space<hbm>> -> memref<8x50xi32, #tpu.memory_space<hbm>>
        tpu.wait_dma2 semaphore(%arg10 : memref<!tpu.dma_semaphore, #tpu.memory_space<semaphore_mem>>) src(%dma_wait3A_1409 : memref<8x50xi32, #tpu.memory_space<hbm>>) dst(%dma_wait3A_1406 : memref<8x50xi32, #tpu.memory_space<vmem>>)
        %dma_start3A_1410 = arith.constant 0 : i32
        %dma_start3A_1411 = arith.constant 0 : i32
        %dma_start3A_1412 = arith.constant 0 : i32
        %dma_start3A_1413 = arith.constant 0 : i32
        %dma_start3A_1414 = arith.constant 0 : i32
        %dma_start3A_1415 = arith.constant 0 : i32
        %dma_start3A_1416 = arith.constant 0 : i32
        %dma_start3A_1417 = tpu.memref_slice %arg7[%dma_start3A_1412, %dma_start3A_1414, %dma_start3A_1415, %dma_start3A_1416] : memref<2x8x50x64xf32, #tpu.memory_space<vmem>> -> memref<1x8x50x64xf32, #tpu.memory_space<vmem>>
        %dma_start3A_1418 = tpu.memref_squeeze %dma_start3A_1417 : memref<1x8x50x64xf32, #tpu.memory_space<vmem>> -> memref<8x50x64xf32, #tpu.memory_space<vmem>>
        %dma_start3A_1419 = arith.constant 0 : i32
        %dma_start3A_1420 = arith.constant 0 : i32
        %dma_start3A_1421 = tpu.memref_slice %dma_start3A_1418[%dma_start3A_1413, %dma_start3A_1419, %dma_start3A_1420] : memref<8x50x64xf32, #tpu.memory_space<vmem>> -> memref<1x50x64xf32, #tpu.memory_space<vmem>>
        %dma_start3A_1422 = tpu.memref_squeeze %dma_start3A_1421 : memref<1x50x64xf32, #tpu.memory_space<vmem>> -> memref<50x64xf32, #tpu.memory_space<vmem>>
        %dma_start3A_1423 = arith.constant 0 : i32
        %dma_start3A_1424 = arith.constant 0 : i32
        %dma_start3A_1425 = tpu.memref_slice %arg6[%dma_start3A_1410, %dma_start3A_1423, %dma_start3A_1424] : memref<2x8x50xi32, #tpu.memory_space<vmem>> -> memref<1x8x50xi32, #tpu.memory_space<vmem>>
        %dma_start3A_1426 = tpu.memref_squeeze %dma_start3A_1425 : memref<1x8x50xi32, #tpu.memory_space<vmem>> -> memref<8x50xi32, #tpu.memory_space<vmem>>
        %dma_start3A_1427 = arith.constant 0 : i32
        %dma_start3A_1428 = tpu.memref_slice %dma_start3A_1426[%dma_start3A_1411, %dma_start3A_1427] : memref<8x50xi32, #tpu.memory_space<vmem>> -> memref<1x50xi32, #tpu.memory_space<vmem>>
        %dma_start3A_1429 = tpu.memref_squeeze %dma_start3A_1428 : memref<1x50xi32, #tpu.memory_space<vmem>> -> memref<50xi32, #tpu.memory_space<vmem>>
        %dma_start3A_1430 = arith.constant 0 : i32
        %dma_start3A_1431 = arith.constant 0 : i32
        %dma_start3A_1432 = tpu.memref_slice %arg3[%dma_start3A_1430, %dma_start3A_1431] : memref<2031616x64xf32, #tpu.memory_space<hbm>> -> memref<2031616x64xf32, #tpu.memory_space<hbm>>
        tpu.enqueue_indirect_dma source(%dma_start3A_1432 : memref<2031616x64xf32, #tpu.memory_space<hbm>>) target(%dma_start3A_1422 : memref<50x64xf32, #tpu.memory_space<vmem>>) offsets(%dma_start3A_1429 : memref<50xi32, #tpu.memory_space<vmem>>) semaphore(%arg12 : memref<!tpu.dma_semaphore, #tpu.memory_space<semaphore_mem>>)
        %dma_start3A_1433 = arith.constant 0 : i32
        %dma_start3A_1434 = arith.constant 1 : i32
        %dma_start3A_1435 = arith.constant 0 : i32
        %dma_start3A_1436 = arith.constant 1 : i32
        %dma_start3A_1437 = arith.constant 0 : i32
        %dma_start3A_1438 = arith.constant 0 : i32
        %dma_start3A_1439 = arith.constant 0 : i32
        %dma_start3A_1440 = tpu.memref_slice %arg7[%dma_start3A_1435, %dma_start3A_1437, %dma_start3A_1438, %dma_start3A_1439] : memref<2x8x50x64xf32, #tpu.memory_space<vmem>> -> memref<1x8x50x64xf32, #tpu.memory_space<vmem>>
        %dma_start3A_1441 = tpu.memref_squeeze %dma_start3A_1440 : memref<1x8x50x64xf32, #tpu.memory_space<vmem>> -> memref<8x50x64xf32, #tpu.memory_space<vmem>>
        %dma_start3A_1442 = arith.constant 0 : i32
        %dma_start3A_1443 = arith.constant 0 : i32
        %dma_start3A_1444 = tpu.memref_slice %dma_start3A_1441[%dma_start3A_1436, %dma_start3A_1442, %dma_start3A_1443] : memref<8x50x64xf32, #tpu.memory_space<vmem>> -> memref<1x50x64xf32, #tpu.memory_space<vmem>>
        %dma_start3A_1445 = tpu.memref_squeeze %dma_start3A_1444 : memref<1x50x64xf32, #tpu.memory_space<vmem>> -> memref<50x64xf32, #tpu.memory_space<vmem>>
        %dma_start3A_1446 = arith.constant 0 : i32
        %dma_start3A_1447 = arith.constant 0 : i32
        %dma_start3A_1448 = tpu.memref_slice %arg6[%dma_start3A_1433, %dma_start3A_1446, %dma_start3A_1447] : memref<2x8x50xi32, #tpu.memory_space<vmem>> -> memref<1x8x50xi32, #tpu.memory_space<vmem>>
        %dma_start3A_1449 = tpu.memref_squeeze %dma_start3A_1448 : memref<1x8x50xi32, #tpu.memory_space<vmem>> -> memref<8x50xi32, #tpu.memory_space<vmem>>
        %dma_start3A_1450 = arith.constant 0 : i32
        %dma_start3A_1451 = tpu.memref_slice %dma_start3A_1449[%dma_start3A_1434, %dma_start3A_1450] : memref<8x50xi32, #tpu.memory_space<vmem>> -> memref<1x50xi32, #tpu.memory_space<vmem>>
        %dma_start3A_1452 = tpu.memref_squeeze %dma_start3A_1451 : memref<1x50xi32, #tpu.memory_space<vmem>> -> memref<50xi32, #tpu.memory_space<vmem>>
        %dma_start3A_1453 = arith.constant 0 : i32
        %dma_start3A_1454 = arith.constant 0 : i32
        %dma_start3A_1455 = tpu.memref_slice %arg3[%dma_start3A_1453, %dma_start3A_1454] : memref<2031616x64xf32, #tpu.memory_space<hbm>> -> memref<2031616x64xf32, #tpu.memory_space<hbm>>
        tpu.enqueue_indirect_dma source(%dma_start3A_1455 : memref<2031616x64xf32, #tpu.memory_space<hbm>>) target(%dma_start3A_1445 : memref<50x64xf32, #tpu.memory_space<vmem>>) offsets(%dma_start3A_1452 : memref<50xi32, #tpu.memory_space<vmem>>) semaphore(%arg12 : memref<!tpu.dma_semaphore, #tpu.memory_space<semaphore_mem>>)
        %dma_start3A_1456 = arith.constant 0 : i32
        %dma_start3A_1457 = arith.constant 2 : i32
        %dma_start3A_1458 = arith.constant 0 : i32
        %dma_start3A_1459 = arith.constant 2 : i32
        %dma_start3A_1460 = arith.constant 0 : i32
        %dma_start3A_1461 = arith.constant 0 : i32
        %dma_start3A_1462 = arith.constant 0 : i32
        %dma_start3A_1463 = tpu.memref_slice %arg7[%dma_start3A_1458, %dma_start3A_1460, %dma_start3A_1461, %dma_start3A_1462] : memref<2x8x50x64xf32, #tpu.memory_space<vmem>> -> memref<1x8x50x64xf32, #tpu.memory_space<vmem>>
        %dma_start3A_1464 = tpu.memref_squeeze %dma_start3A_1463 : memref<1x8x50x64xf32, #tpu.memory_space<vmem>> -> memref<8x50x64xf32, #tpu.memory_space<vmem>>
        %dma_start3A_1465 = arith.constant 0 : i32
        %dma_start3A_1466 = arith.constant 0 : i32
        %dma_start3A_1467 = tpu.memref_slice %dma_start3A_1464[%dma_start3A_1459, %dma_start3A_1465, %dma_start3A_1466] : memref<8x50x64xf32, #tpu.memory_space<vmem>> -> memref<1x50x64xf32, #tpu.memory_space<vmem>>
        %dma_start3A_1468 = tpu.memref_squeeze %dma_start3A_1467 : memref<1x50x64xf32, #tpu.memory_space<vmem>> -> memref<50x64xf32, #tpu.memory_space<vmem>>
        %dma_start3A_1469 = arith.constant 0 : i32
        %dma_start3A_1470 = arith.constant 0 : i32
        %dma_start3A_1471 = tpu.memref_slice %arg6[%dma_start3A_1456, %dma_start3A_1469, %dma_start3A_1470] : memref<2x8x50xi32, #tpu.memory_space<vmem>> -> memref<1x8x50xi32, #tpu.memory_space<vmem>>
        %dma_start3A_1472 = tpu.memref_squeeze %dma_start3A_1471 : memref<1x8x50xi32, #tpu.memory_space<vmem>> -> memref<8x50xi32, #tpu.memory_space<vmem>>
        %dma_start3A_1473 = arith.constant 0 : i32
        %dma_start3A_1474 = tpu.memref_slice %dma_start3A_1472[%dma_start3A_1457, %dma_start3A_1473] : memref<8x50xi32, #tpu.memory_space<vmem>> -> memref<1x50xi32, #tpu.memory_space<vmem>>
        %dma_start3A_1475 = tpu.memref_squeeze %dma_start3A_1474 : memref<1x50xi32, #tpu.memory_space<vmem>> -> memref<50xi32, #tpu.memory_space<vmem>>
        %dma_start3A_1476 = arith.constant 0 : i32
        %dma_start3A_1477 = arith.constant 0 : i32
        %dma_start3A_1478 = tpu.memref_slice %arg3[%dma_start3A_1476, %dma_start3A_1477] : memref<2031616x64xf32, #tpu.memory_space<hbm>> -> memref<2031616x64xf32, #tpu.memory_space<hbm>>
        tpu.enqueue_indirect_dma source(%dma_start3A_1478 : memref<2031616x64xf32, #tpu.memory_space<hbm>>) target(%dma_start3A_1468 : memref<50x64xf32, #tpu.memory_space<vmem>>) offsets(%dma_start3A_1475 : memref<50xi32, #tpu.memory_space<vmem>>) semaphore(%arg12 : memref<!tpu.dma_semaphore, #tpu.memory_space<semaphore_mem>>)
        %dma_start3A_1479 = arith.constant 0 : i32
        %dma_start3A_1480 = arith.constant 3 : i32
        %dma_start3A_1481 = arith.constant 0 : i32
        %dma_start3A_1482 = arith.constant 3 : i32
        %dma_start3A_1483 = arith.constant 0 : i32
        %dma_start3A_1484 = arith.constant 0 : i32
        %dma_start3A_1485 = arith.constant 0 : i32
        %dma_start3A_1486 = tpu.memref_slice %arg7[%dma_start3A_1481, %dma_start3A_1483, %dma_start3A_1484, %dma_start3A_1485] : memref<2x8x50x64xf32, #tpu.memory_space<vmem>> -> memref<1x8x50x64xf32, #tpu.memory_space<vmem>>
        %dma_start3A_1487 = tpu.memref_squeeze %dma_start3A_1486 : memref<1x8x50x64xf32, #tpu.memory_space<vmem>> -> memref<8x50x64xf32, #tpu.memory_space<vmem>>
        %dma_start3A_1488 = arith.constant 0 : i32
        %dma_start3A_1489 = arith.constant 0 : i32
        %dma_start3A_1490 = tpu.memref_slice %dma_start3A_1487[%dma_start3A_1482, %dma_start3A_1488, %dma_start3A_1489] : memref<8x50x64xf32, #tpu.memory_space<vmem>> -> memref<1x50x64xf32, #tpu.memory_space<vmem>>
        %dma_start3A_1491 = tpu.memref_squeeze %dma_start3A_1490 : memref<1x50x64xf32, #tpu.memory_space<vmem>> -> memref<50x64xf32, #tpu.memory_space<vmem>>
        %dma_start3A_1492 = arith.constant 0 : i32
        %dma_start3A_1493 = arith.constant 0 : i32
        %dma_start3A_1494 = tpu.memref_slice %arg6[%dma_start3A_1479, %dma_start3A_1492, %dma_start3A_1493] : memref<2x8x50xi32, #tpu.memory_space<vmem>> -> memref<1x8x50xi32, #tpu.memory_space<vmem>>
        %dma_start3A_1495 = tpu.memref_squeeze %dma_start3A_1494 : memref<1x8x50xi32, #tpu.memory_space<vmem>> -> memref<8x50xi32, #tpu.memory_space<vmem>>
        %dma_start3A_1496 = arith.constant 0 : i32
        %dma_start3A_1497 = tpu.memref_slice %dma_start3A_1495[%dma_start3A_1480, %dma_start3A_1496] : memref<8x50xi32, #tpu.memory_space<vmem>> -> memref<1x50xi32, #tpu.memory_space<vmem>>
        %dma_start3A_1498 = tpu.memref_squeeze %dma_start3A_1497 : memref<1x50xi32, #tpu.memory_space<vmem>> -> memref<50xi32, #tpu.memory_space<vmem>>
        %dma_start3A_1499 = arith.constant 0 : i32
        %dma_start3A_1500 = arith.constant 0 : i32
        %dma_start3A_1501 = tpu.memref_slice %arg3[%dma_start3A_1499, %dma_start3A_1500] : memref<2031616x64xf32, #tpu.memory_space<hbm>> -> memref<2031616x64xf32, #tpu.memory_space<hbm>>
        tpu.enqueue_indirect_dma source(%dma_start3A_1501 : memref<2031616x64xf32, #tpu.memory_space<hbm>>) target(%dma_start3A_1491 : memref<50x64xf32, #tpu.memory_space<vmem>>) offsets(%dma_start3A_1498 : memref<50xi32, #tpu.memory_space<vmem>>) semaphore(%arg12 : memref<!tpu.dma_semaphore, #tpu.memory_space<semaphore_mem>>)
        %dma_start3A_1502 = arith.constant 0 : i32
        %dma_start3A_1503 = arith.constant 4 : i32
        %dma_start3A_1504 = arith.constant 0 : i32
        %dma_start3A_1505 = arith.constant 4 : i32
        %dma_start3A_1506 = arith.constant 0 : i32
        %dma_start3A_1507 = arith.constant 0 : i32
        %dma_start3A_1508 = arith.constant 0 : i32
        %dma_start3A_1509 = tpu.memref_slice %arg7[%dma_start3A_1504, %dma_start3A_1506, %dma_start3A_1507, %dma_start3A_1508] : memref<2x8x50x64xf32, #tpu.memory_space<vmem>> -> memref<1x8x50x64xf32, #tpu.memory_space<vmem>>
        %dma_start3A_1510 = tpu.memref_squeeze %dma_start3A_1509 : memref<1x8x50x64xf32, #tpu.memory_space<vmem>> -> memref<8x50x64xf32, #tpu.memory_space<vmem>>
        %dma_start3A_1511 = arith.constant 0 : i32
        %dma_start3A_1512 = arith.constant 0 : i32
        %dma_start3A_1513 = tpu.memref_slice %dma_start3A_1510[%dma_start3A_1505, %dma_start3A_1511, %dma_start3A_1512] : memref<8x50x64xf32, #tpu.memory_space<vmem>> -> memref<1x50x64xf32, #tpu.memory_space<vmem>>
        %dma_start3A_1514 = tpu.memref_squeeze %dma_start3A_1513 : memref<1x50x64xf32, #tpu.memory_space<vmem>> -> memref<50x64xf32, #tpu.memory_space<vmem>>
        %dma_start3A_1515 = arith.constant 0 : i32
        %dma_start3A_1516 = arith.constant 0 : i32
        %dma_start3A_1517 = tpu.memref_slice %arg6[%dma_start3A_1502, %dma_start3A_1515, %dma_start3A_1516] : memref<2x8x50xi32, #tpu.memory_space<vmem>> -> memref<1x8x50xi32, #tpu.memory_space<vmem>>
        %dma_start3A_1518 = tpu.memref_squeeze %dma_start3A_1517 : memref<1x8x50xi32, #tpu.memory_space<vmem>> -> memref<8x50xi32, #tpu.memory_space<vmem>>
        %dma_start3A_1519 = arith.constant 0 : i32
        %dma_start3A_1520 = tpu.memref_slice %dma_start3A_1518[%dma_start3A_1503, %dma_start3A_1519] : memref<8x50xi32, #tpu.memory_space<vmem>> -> memref<1x50xi32, #tpu.memory_space<vmem>>
        %dma_start3A_1521 = tpu.memref_squeeze %dma_start3A_1520 : memref<1x50xi32, #tpu.memory_space<vmem>> -> memref<50xi32, #tpu.memory_space<vmem>>
        %dma_start3A_1522 = arith.constant 0 : i32
        %dma_start3A_1523 = arith.constant 0 : i32
        %dma_start3A_1524 = tpu.memref_slice %arg3[%dma_start3A_1522, %dma_start3A_1523] : memref<2031616x64xf32, #tpu.memory_space<hbm>> -> memref<2031616x64xf32, #tpu.memory_space<hbm>>
        tpu.enqueue_indirect_dma source(%dma_start3A_1524 : memref<2031616x64xf32, #tpu.memory_space<hbm>>) target(%dma_start3A_1514 : memref<50x64xf32, #tpu.memory_space<vmem>>) offsets(%dma_start3A_1521 : memref<50xi32, #tpu.memory_space<vmem>>) semaphore(%arg12 : memref<!tpu.dma_semaphore, #tpu.memory_space<semaphore_mem>>)
        %dma_start3A_1525 = arith.constant 0 : i32
        %dma_start3A_1526 = arith.constant 5 : i32
        %dma_start3A_1527 = arith.constant 0 : i32
        %dma_start3A_1528 = arith.constant 5 : i32
        %dma_start3A_1529 = arith.constant 0 : i32
        %dma_start3A_1530 = arith.constant 0 : i32
        %dma_start3A_1531 = arith.constant 0 : i32
        %dma_start3A_1532 = tpu.memref_slice %arg7[%dma_start3A_1527, %dma_start3A_1529, %dma_start3A_1530, %dma_start3A_1531] : memref<2x8x50x64xf32, #tpu.memory_space<vmem>> -> memref<1x8x50x64xf32, #tpu.memory_space<vmem>>
        %dma_start3A_1533 = tpu.memref_squeeze %dma_start3A_1532 : memref<1x8x50x64xf32, #tpu.memory_space<vmem>> -> memref<8x50x64xf32, #tpu.memory_space<vmem>>
        %dma_start3A_1534 = arith.constant 0 : i32
        %dma_start3A_1535 = arith.constant 0 : i32
        %dma_start3A_1536 = tpu.memref_slice %dma_start3A_1533[%dma_start3A_1528, %dma_start3A_1534, %dma_start3A_1535] : memref<8x50x64xf32, #tpu.memory_space<vmem>> -> memref<1x50x64xf32, #tpu.memory_space<vmem>>
        %dma_start3A_1537 = tpu.memref_squeeze %dma_start3A_1536 : memref<1x50x64xf32, #tpu.memory_space<vmem>> -> memref<50x64xf32, #tpu.memory_space<vmem>>
        %dma_start3A_1538 = arith.constant 0 : i32
        %dma_start3A_1539 = arith.constant 0 : i32
        %dma_start3A_1540 = tpu.memref_slice %arg6[%dma_start3A_1525, %dma_start3A_1538, %dma_start3A_1539] : memref<2x8x50xi32, #tpu.memory_space<vmem>> -> memref<1x8x50xi32, #tpu.memory_space<vmem>>
        %dma_start3A_1541 = tpu.memref_squeeze %dma_start3A_1540 : memref<1x8x50xi32, #tpu.memory_space<vmem>> -> memref<8x50xi32, #tpu.memory_space<vmem>>
        %dma_start3A_1542 = arith.constant 0 : i32
        %dma_start3A_1543 = tpu.memref_slice %dma_start3A_1541[%dma_start3A_1526, %dma_start3A_1542] : memref<8x50xi32, #tpu.memory_space<vmem>> -> memref<1x50xi32, #tpu.memory_space<vmem>>
        %dma_start3A_1544 = tpu.memref_squeeze %dma_start3A_1543 : memref<1x50xi32, #tpu.memory_space<vmem>> -> memref<50xi32, #tpu.memory_space<vmem>>
        %dma_start3A_1545 = arith.constant 0 : i32
        %dma_start3A_1546 = arith.constant 0 : i32
        %dma_start3A_1547 = tpu.memref_slice %arg3[%dma_start3A_1545, %dma_start3A_1546] : memref<2031616x64xf32, #tpu.memory_space<hbm>> -> memref<2031616x64xf32, #tpu.memory_space<hbm>>
        tpu.enqueue_indirect_dma source(%dma_start3A_1547 : memref<2031616x64xf32, #tpu.memory_space<hbm>>) target(%dma_start3A_1537 : memref<50x64xf32, #tpu.memory_space<vmem>>) offsets(%dma_start3A_1544 : memref<50xi32, #tpu.memory_space<vmem>>) semaphore(%arg12 : memref<!tpu.dma_semaphore, #tpu.memory_space<semaphore_mem>>)
        %dma_start3A_1548 = arith.constant 0 : i32
        %dma_start3A_1549 = arith.constant 6 : i32
        %dma_start3A_1550 = arith.constant 0 : i32
        %dma_start3A_1551 = arith.constant 6 : i32
        %dma_start3A_1552 = arith.constant 0 : i32
        %dma_start3A_1553 = arith.constant 0 : i32
        %dma_start3A_1554 = arith.constant 0 : i32
        %dma_start3A_1555 = tpu.memref_slice %arg7[%dma_start3A_1550, %dma_start3A_1552, %dma_start3A_1553, %dma_start3A_1554] : memref<2x8x50x64xf32, #tpu.memory_space<vmem>> -> memref<1x8x50x64xf32, #tpu.memory_space<vmem>>
        %dma_start3A_1556 = tpu.memref_squeeze %dma_start3A_1555 : memref<1x8x50x64xf32, #tpu.memory_space<vmem>> -> memref<8x50x64xf32, #tpu.memory_space<vmem>>
        %dma_start3A_1557 = arith.constant 0 : i32
        %dma_start3A_1558 = arith.constant 0 : i32
        %dma_start3A_1559 = tpu.memref_slice %dma_start3A_1556[%dma_start3A_1551, %dma_start3A_1557, %dma_start3A_1558] : memref<8x50x64xf32, #tpu.memory_space<vmem>> -> memref<1x50x64xf32, #tpu.memory_space<vmem>>
        %dma_start3A_1560 = tpu.memref_squeeze %dma_start3A_1559 : memref<1x50x64xf32, #tpu.memory_space<vmem>> -> memref<50x64xf32, #tpu.memory_space<vmem>>
        %dma_start3A_1561 = arith.constant 0 : i32
        %dma_start3A_1562 = arith.constant 0 : i32
        %dma_start3A_1563 = tpu.memref_slice %arg6[%dma_start3A_1548, %dma_start3A_1561, %dma_start3A_1562] : memref<2x8x50xi32, #tpu.memory_space<vmem>> -> memref<1x8x50xi32, #tpu.memory_space<vmem>>
        %dma_start3A_1564 = tpu.memref_squeeze %dma_start3A_1563 : memref<1x8x50xi32, #tpu.memory_space<vmem>> -> memref<8x50xi32, #tpu.memory_space<vmem>>
        %dma_start3A_1565 = arith.constant 0 : i32
        %dma_start3A_1566 = tpu.memref_slice %dma_start3A_1564[%dma_start3A_1549, %dma_start3A_1565] : memref<8x50xi32, #tpu.memory_space<vmem>> -> memref<1x50xi32, #tpu.memory_space<vmem>>
        %dma_start3A_1567 = tpu.memref_squeeze %dma_start3A_1566 : memref<1x50xi32, #tpu.memory_space<vmem>> -> memref<50xi32, #tpu.memory_space<vmem>>
        %dma_start3A_1568 = arith.constant 0 : i32
        %dma_start3A_1569 = arith.constant 0 : i32
        %dma_start3A_1570 = tpu.memref_slice %arg3[%dma_start3A_1568, %dma_start3A_1569] : memref<2031616x64xf32, #tpu.memory_space<hbm>> -> memref<2031616x64xf32, #tpu.memory_space<hbm>>
        tpu.enqueue_indirect_dma source(%dma_start3A_1570 : memref<2031616x64xf32, #tpu.memory_space<hbm>>) target(%dma_start3A_1560 : memref<50x64xf32, #tpu.memory_space<vmem>>) offsets(%dma_start3A_1567 : memref<50xi32, #tpu.memory_space<vmem>>) semaphore(%arg12 : memref<!tpu.dma_semaphore, #tpu.memory_space<semaphore_mem>>)
        %dma_start3A_1571 = arith.constant 0 : i32
        %dma_start3A_1572 = arith.constant 7 : i32
        %dma_start3A_1573 = arith.constant 0 : i32
        %dma_start3A_1574 = arith.constant 7 : i32
        %dma_start3A_1575 = arith.constant 0 : i32
        %dma_start3A_1576 = arith.constant 0 : i32
        %dma_start3A_1577 = arith.constant 0 : i32
        %dma_start3A_1578 = tpu.memref_slice %arg7[%dma_start3A_1573, %dma_start3A_1575, %dma_start3A_1576, %dma_start3A_1577] : memref<2x8x50x64xf32, #tpu.memory_space<vmem>> -> memref<1x8x50x64xf32, #tpu.memory_space<vmem>>
        %dma_start3A_1579 = tpu.memref_squeeze %dma_start3A_1578 : memref<1x8x50x64xf32, #tpu.memory_space<vmem>> -> memref<8x50x64xf32, #tpu.memory_space<vmem>>
        %dma_start3A_1580 = arith.constant 0 : i32
        %dma_start3A_1581 = arith.constant 0 : i32
        %dma_start3A_1582 = tpu.memref_slice %dma_start3A_1579[%dma_start3A_1574, %dma_start3A_1580, %dma_start3A_1581] : memref<8x50x64xf32, #tpu.memory_space<vmem>> -> memref<1x50x64xf32, #tpu.memory_space<vmem>>
        %dma_start3A_1583 = tpu.memref_squeeze %dma_start3A_1582 : memref<1x50x64xf32, #tpu.memory_space<vmem>> -> memref<50x64xf32, #tpu.memory_space<vmem>>
        %dma_start3A_1584 = arith.constant 0 : i32
        %dma_start3A_1585 = arith.constant 0 : i32
        %dma_start3A_1586 = tpu.memref_slice %arg6[%dma_start3A_1571, %dma_start3A_1584, %dma_start3A_1585] : memref<2x8x50xi32, #tpu.memory_space<vmem>> -> memref<1x8x50xi32, #tpu.memory_space<vmem>>
        %dma_start3A_1587 = tpu.memref_squeeze %dma_start3A_1586 : memref<1x8x50xi32, #tpu.memory_space<vmem>> -> memref<8x50xi32, #tpu.memory_space<vmem>>
        %dma_start3A_1588 = arith.constant 0 : i32
        %dma_start3A_1589 = tpu.memref_slice %dma_start3A_1587[%dma_start3A_1572, %dma_start3A_1588] : memref<8x50xi32, #tpu.memory_space<vmem>> -> memref<1x50xi32, #tpu.memory_space<vmem>>
        %dma_start3A_1590 = tpu.memref_squeeze %dma_start3A_1589 : memref<1x50xi32, #tpu.memory_space<vmem>> -> memref<50xi32, #tpu.memory_space<vmem>>
        %dma_start3A_1591 = arith.constant 0 : i32
        %dma_start3A_1592 = arith.constant 0 : i32
        %dma_start3A_1593 = tpu.memref_slice %arg3[%dma_start3A_1591, %dma_start3A_1592] : memref<2031616x64xf32, #tpu.memory_space<hbm>> -> memref<2031616x64xf32, #tpu.memory_space<hbm>>
        tpu.enqueue_indirect_dma source(%dma_start3A_1593 : memref<2031616x64xf32, #tpu.memory_space<hbm>>) target(%dma_start3A_1583 : memref<50x64xf32, #tpu.memory_space<vmem>>) offsets(%dma_start3A_1590 : memref<50xi32, #tpu.memory_space<vmem>>) semaphore(%arg12 : memref<!tpu.dma_semaphore, #tpu.memory_space<semaphore_mem>>)
      } else {
      }
      %dma_wait3A_839 = arith.constant 1 : i32
      %dma_wait3A_840 = arith.constant 0 : i32
      %dma_wait3A_841 = arith.constant 1 : i32
      %dma_wait3A_842 = arith.constant 0 : i32
      %dma_wait3A_843 = arith.constant 0 : i32
      %dma_wait3A_844 = arith.constant 0 : i32
      %dma_wait3A_845 = arith.constant 0 : i32
      %dma_wait3A_846 = tpu.memref_slice %arg7[%dma_wait3A_841, %dma_wait3A_843, %dma_wait3A_844, %dma_wait3A_845] : memref<2x8x50x64xf32, #tpu.memory_space<vmem>> -> memref<1x8x50x64xf32, #tpu.memory_space<vmem>>
      %dma_wait3A_847 = tpu.memref_squeeze %dma_wait3A_846 : memref<1x8x50x64xf32, #tpu.memory_space<vmem>> -> memref<8x50x64xf32, #tpu.memory_space<vmem>>
      %dma_wait3A_848 = arith.constant 0 : i32
      %dma_wait3A_849 = arith.constant 0 : i32
      %dma_wait3A_850 = tpu.memref_slice %dma_wait3A_847[%dma_wait3A_842, %dma_wait3A_848, %dma_wait3A_849] : memref<8x50x64xf32, #tpu.memory_space<vmem>> -> memref<1x50x64xf32, #tpu.memory_space<vmem>>
      %dma_wait3A_851 = tpu.memref_squeeze %dma_wait3A_850 : memref<1x50x64xf32, #tpu.memory_space<vmem>> -> memref<50x64xf32, #tpu.memory_space<vmem>>
      %dma_wait3A_852 = arith.constant 0 : i32
      %dma_wait3A_853 = arith.constant 0 : i32
      %dma_wait3A_854 = tpu.memref_slice %arg6[%dma_wait3A_839, %dma_wait3A_852, %dma_wait3A_853] : memref<2x8x50xi32, #tpu.memory_space<vmem>> -> memref<1x8x50xi32, #tpu.memory_space<vmem>>
      %dma_wait3A_855 = tpu.memref_squeeze %dma_wait3A_854 : memref<1x8x50xi32, #tpu.memory_space<vmem>> -> memref<8x50xi32, #tpu.memory_space<vmem>>
      %dma_wait3A_856 = arith.constant 0 : i32
      %dma_wait3A_857 = tpu.memref_slice %dma_wait3A_855[%dma_wait3A_840, %dma_wait3A_856] : memref<8x50xi32, #tpu.memory_space<vmem>> -> memref<1x50xi32, #tpu.memory_space<vmem>>
      %dma_wait3A_858 = tpu.memref_squeeze %dma_wait3A_857 : memref<1x50xi32, #tpu.memory_space<vmem>> -> memref<50xi32, #tpu.memory_space<vmem>>
      %dma_wait3A_859 = arith.constant 0 : i32
      %dma_wait3A_860 = arith.constant 0 : i32
      %dma_wait3A_861 = tpu.memref_slice %arg3[%dma_wait3A_859, %dma_wait3A_860] : memref<2031616x64xf32, #tpu.memory_space<hbm>> -> memref<2031616x64xf32, #tpu.memory_space<hbm>>
      tpu.wait_indirect_dma semaphore(%arg13 : memref<!tpu.dma_semaphore, #tpu.memory_space<semaphore_mem>>) src(%dma_wait3A_861 : memref<2031616x64xf32, #tpu.memory_space<hbm>>) dst(%dma_wait3A_851 : memref<50x64xf32, #tpu.memory_space<vmem>>)
      %dma_wait3A_862 = arith.constant 1 : i32
      %dma_wait3A_863 = arith.constant 1 : i32
      %dma_wait3A_864 = arith.constant 1 : i32
      %dma_wait3A_865 = arith.constant 1 : i32
      %dma_wait3A_866 = arith.constant 0 : i32
      %dma_wait3A_867 = arith.constant 0 : i32
      %dma_wait3A_868 = arith.constant 0 : i32
      %dma_wait3A_869 = tpu.memref_slice %arg7[%dma_wait3A_864, %dma_wait3A_866, %dma_wait3A_867, %dma_wait3A_868] : memref<2x8x50x64xf32, #tpu.memory_space<vmem>> -> memref<1x8x50x64xf32, #tpu.memory_space<vmem>>
      %dma_wait3A_870 = tpu.memref_squeeze %dma_wait3A_869 : memref<1x8x50x64xf32, #tpu.memory_space<vmem>> -> memref<8x50x64xf32, #tpu.memory_space<vmem>>
      %dma_wait3A_871 = arith.constant 0 : i32
      %dma_wait3A_872 = arith.constant 0 : i32
      %dma_wait3A_873 = tpu.memref_slice %dma_wait3A_870[%dma_wait3A_865, %dma_wait3A_871, %dma_wait3A_872] : memref<8x50x64xf32, #tpu.memory_space<vmem>> -> memref<1x50x64xf32, #tpu.memory_space<vmem>>
      %dma_wait3A_874 = tpu.memref_squeeze %dma_wait3A_873 : memref<1x50x64xf32, #tpu.memory_space<vmem>> -> memref<50x64xf32, #tpu.memory_space<vmem>>
      %dma_wait3A_875 = arith.constant 0 : i32
      %dma_wait3A_876 = arith.constant 0 : i32
      %dma_wait3A_877 = tpu.memref_slice %arg6[%dma_wait3A_862, %dma_wait3A_875, %dma_wait3A_876] : memref<2x8x50xi32, #tpu.memory_space<vmem>> -> memref<1x8x50xi32, #tpu.memory_space<vmem>>
      %dma_wait3A_878 = tpu.memref_squeeze %dma_wait3A_877 : memref<1x8x50xi32, #tpu.memory_space<vmem>> -> memref<8x50xi32, #tpu.memory_space<vmem>>
      %dma_wait3A_879 = arith.constant 0 : i32
      %dma_wait3A_880 = tpu.memref_slice %dma_wait3A_878[%dma_wait3A_863, %dma_wait3A_879] : memref<8x50xi32, #tpu.memory_space<vmem>> -> memref<1x50xi32, #tpu.memory_space<vmem>>
      %dma_wait3A_881 = tpu.memref_squeeze %dma_wait3A_880 : memref<1x50xi32, #tpu.memory_space<vmem>> -> memref<50xi32, #tpu.memory_space<vmem>>
      %dma_wait3A_882 = arith.constant 0 : i32
      %dma_wait3A_883 = arith.constant 0 : i32
      %dma_wait3A_884 = tpu.memref_slice %arg3[%dma_wait3A_882, %dma_wait3A_883] : memref<2031616x64xf32, #tpu.memory_space<hbm>> -> memref<2031616x64xf32, #tpu.memory_space<hbm>>
      tpu.wait_indirect_dma semaphore(%arg13 : memref<!tpu.dma_semaphore, #tpu.memory_space<semaphore_mem>>) src(%dma_wait3A_884 : memref<2031616x64xf32, #tpu.memory_space<hbm>>) dst(%dma_wait3A_874 : memref<50x64xf32, #tpu.memory_space<vmem>>)
      %dma_wait3A_885 = arith.constant 1 : i32
      %dma_wait3A_886 = arith.constant 2 : i32
      %dma_wait3A_887 = arith.constant 1 : i32
      %dma_wait3A_888 = arith.constant 2 : i32
      %dma_wait3A_889 = arith.constant 0 : i32
      %dma_wait3A_890 = arith.constant 0 : i32
      %dma_wait3A_891 = arith.constant 0 : i32
      %dma_wait3A_892 = tpu.memref_slice %arg7[%dma_wait3A_887, %dma_wait3A_889, %dma_wait3A_890, %dma_wait3A_891] : memref<2x8x50x64xf32, #tpu.memory_space<vmem>> -> memref<1x8x50x64xf32, #tpu.memory_space<vmem>>
      %dma_wait3A_893 = tpu.memref_squeeze %dma_wait3A_892 : memref<1x8x50x64xf32, #tpu.memory_space<vmem>> -> memref<8x50x64xf32, #tpu.memory_space<vmem>>
      %dma_wait3A_894 = arith.constant 0 : i32
      %dma_wait3A_895 = arith.constant 0 : i32
      %dma_wait3A_896 = tpu.memref_slice %dma_wait3A_893[%dma_wait3A_888, %dma_wait3A_894, %dma_wait3A_895] : memref<8x50x64xf32, #tpu.memory_space<vmem>> -> memref<1x50x64xf32, #tpu.memory_space<vmem>>
      %dma_wait3A_897 = tpu.memref_squeeze %dma_wait3A_896 : memref<1x50x64xf32, #tpu.memory_space<vmem>> -> memref<50x64xf32, #tpu.memory_space<vmem>>
      %dma_wait3A_898 = arith.constant 0 : i32
      %dma_wait3A_899 = arith.constant 0 : i32
      %dma_wait3A_900 = tpu.memref_slice %arg6[%dma_wait3A_885, %dma_wait3A_898, %dma_wait3A_899] : memref<2x8x50xi32, #tpu.memory_space<vmem>> -> memref<1x8x50xi32, #tpu.memory_space<vmem>>
      %dma_wait3A_901 = tpu.memref_squeeze %dma_wait3A_900 : memref<1x8x50xi32, #tpu.memory_space<vmem>> -> memref<8x50xi32, #tpu.memory_space<vmem>>
      %dma_wait3A_902 = arith.constant 0 : i32
      %dma_wait3A_903 = tpu.memref_slice %dma_wait3A_901[%dma_wait3A_886, %dma_wait3A_902] : memref<8x50xi32, #tpu.memory_space<vmem>> -> memref<1x50xi32, #tpu.memory_space<vmem>>
      %dma_wait3A_904 = tpu.memref_squeeze %dma_wait3A_903 : memref<1x50xi32, #tpu.memory_space<vmem>> -> memref<50xi32, #tpu.memory_space<vmem>>
      %dma_wait3A_905 = arith.constant 0 : i32
      %dma_wait3A_906 = arith.constant 0 : i32
      %dma_wait3A_907 = tpu.memref_slice %arg3[%dma_wait3A_905, %dma_wait3A_906] : memref<2031616x64xf32, #tpu.memory_space<hbm>> -> memref<2031616x64xf32, #tpu.memory_space<hbm>>
      tpu.wait_indirect_dma semaphore(%arg13 : memref<!tpu.dma_semaphore, #tpu.memory_space<semaphore_mem>>) src(%dma_wait3A_907 : memref<2031616x64xf32, #tpu.memory_space<hbm>>) dst(%dma_wait3A_897 : memref<50x64xf32, #tpu.memory_space<vmem>>)
      %dma_wait3A_908 = arith.constant 1 : i32
      %dma_wait3A_909 = arith.constant 3 : i32
      %dma_wait3A_910 = arith.constant 1 : i32
      %dma_wait3A_911 = arith.constant 3 : i32
      %dma_wait3A_912 = arith.constant 0 : i32
      %dma_wait3A_913 = arith.constant 0 : i32
      %dma_wait3A_914 = arith.constant 0 : i32
      %dma_wait3A_915 = tpu.memref_slice %arg7[%dma_wait3A_910, %dma_wait3A_912, %dma_wait3A_913, %dma_wait3A_914] : memref<2x8x50x64xf32, #tpu.memory_space<vmem>> -> memref<1x8x50x64xf32, #tpu.memory_space<vmem>>
      %dma_wait3A_916 = tpu.memref_squeeze %dma_wait3A_915 : memref<1x8x50x64xf32, #tpu.memory_space<vmem>> -> memref<8x50x64xf32, #tpu.memory_space<vmem>>
      %dma_wait3A_917 = arith.constant 0 : i32
      %dma_wait3A_918 = arith.constant 0 : i32
      %dma_wait3A_919 = tpu.memref_slice %dma_wait3A_916[%dma_wait3A_911, %dma_wait3A_917, %dma_wait3A_918] : memref<8x50x64xf32, #tpu.memory_space<vmem>> -> memref<1x50x64xf32, #tpu.memory_space<vmem>>
      %dma_wait3A_920 = tpu.memref_squeeze %dma_wait3A_919 : memref<1x50x64xf32, #tpu.memory_space<vmem>> -> memref<50x64xf32, #tpu.memory_space<vmem>>
      %dma_wait3A_921 = arith.constant 0 : i32
      %dma_wait3A_922 = arith.constant 0 : i32
      %dma_wait3A_923 = tpu.memref_slice %arg6[%dma_wait3A_908, %dma_wait3A_921, %dma_wait3A_922] : memref<2x8x50xi32, #tpu.memory_space<vmem>> -> memref<1x8x50xi32, #tpu.memory_space<vmem>>
      %dma_wait3A_924 = tpu.memref_squeeze %dma_wait3A_923 : memref<1x8x50xi32, #tpu.memory_space<vmem>> -> memref<8x50xi32, #tpu.memory_space<vmem>>
      %dma_wait3A_925 = arith.constant 0 : i32
      %dma_wait3A_926 = tpu.memref_slice %dma_wait3A_924[%dma_wait3A_909, %dma_wait3A_925] : memref<8x50xi32, #tpu.memory_space<vmem>> -> memref<1x50xi32, #tpu.memory_space<vmem>>
      %dma_wait3A_927 = tpu.memref_squeeze %dma_wait3A_926 : memref<1x50xi32, #tpu.memory_space<vmem>> -> memref<50xi32, #tpu.memory_space<vmem>>
      %dma_wait3A_928 = arith.constant 0 : i32
      %dma_wait3A_929 = arith.constant 0 : i32
      %dma_wait3A_930 = tpu.memref_slice %arg3[%dma_wait3A_928, %dma_wait3A_929] : memref<2031616x64xf32, #tpu.memory_space<hbm>> -> memref<2031616x64xf32, #tpu.memory_space<hbm>>
      tpu.wait_indirect_dma semaphore(%arg13 : memref<!tpu.dma_semaphore, #tpu.memory_space<semaphore_mem>>) src(%dma_wait3A_930 : memref<2031616x64xf32, #tpu.memory_space<hbm>>) dst(%dma_wait3A_920 : memref<50x64xf32, #tpu.memory_space<vmem>>)
      %dma_wait3A_931 = arith.constant 1 : i32
      %dma_wait3A_932 = arith.constant 4 : i32
      %dma_wait3A_933 = arith.constant 1 : i32
      %dma_wait3A_934 = arith.constant 4 : i32
      %dma_wait3A_935 = arith.constant 0 : i32
      %dma_wait3A_936 = arith.constant 0 : i32
      %dma_wait3A_937 = arith.constant 0 : i32
      %dma_wait3A_938 = tpu.memref_slice %arg7[%dma_wait3A_933, %dma_wait3A_935, %dma_wait3A_936, %dma_wait3A_937] : memref<2x8x50x64xf32, #tpu.memory_space<vmem>> -> memref<1x8x50x64xf32, #tpu.memory_space<vmem>>
      %dma_wait3A_939 = tpu.memref_squeeze %dma_wait3A_938 : memref<1x8x50x64xf32, #tpu.memory_space<vmem>> -> memref<8x50x64xf32, #tpu.memory_space<vmem>>
      %dma_wait3A_940 = arith.constant 0 : i32
      %dma_wait3A_941 = arith.constant 0 : i32
      %dma_wait3A_942 = tpu.memref_slice %dma_wait3A_939[%dma_wait3A_934, %dma_wait3A_940, %dma_wait3A_941] : memref<8x50x64xf32, #tpu.memory_space<vmem>> -> memref<1x50x64xf32, #tpu.memory_space<vmem>>
      %dma_wait3A_943 = tpu.memref_squeeze %dma_wait3A_942 : memref<1x50x64xf32, #tpu.memory_space<vmem>> -> memref<50x64xf32, #tpu.memory_space<vmem>>
      %dma_wait3A_944 = arith.constant 0 : i32
      %dma_wait3A_945 = arith.constant 0 : i32
      %dma_wait3A_946 = tpu.memref_slice %arg6[%dma_wait3A_931, %dma_wait3A_944, %dma_wait3A_945] : memref<2x8x50xi32, #tpu.memory_space<vmem>> -> memref<1x8x50xi32, #tpu.memory_space<vmem>>
      %dma_wait3A_947 = tpu.memref_squeeze %dma_wait3A_946 : memref<1x8x50xi32, #tpu.memory_space<vmem>> -> memref<8x50xi32, #tpu.memory_space<vmem>>
      %dma_wait3A_948 = arith.constant 0 : i32
      %dma_wait3A_949 = tpu.memref_slice %dma_wait3A_947[%dma_wait3A_932, %dma_wait3A_948] : memref<8x50xi32, #tpu.memory_space<vmem>> -> memref<1x50xi32, #tpu.memory_space<vmem>>
      %dma_wait3A_950 = tpu.memref_squeeze %dma_wait3A_949 : memref<1x50xi32, #tpu.memory_space<vmem>> -> memref<50xi32, #tpu.memory_space<vmem>>
      %dma_wait3A_951 = arith.constant 0 : i32
      %dma_wait3A_952 = arith.constant 0 : i32
      %dma_wait3A_953 = tpu.memref_slice %arg3[%dma_wait3A_951, %dma_wait3A_952] : memref<2031616x64xf32, #tpu.memory_space<hbm>> -> memref<2031616x64xf32, #tpu.memory_space<hbm>>
      tpu.wait_indirect_dma semaphore(%arg13 : memref<!tpu.dma_semaphore, #tpu.memory_space<semaphore_mem>>) src(%dma_wait3A_953 : memref<2031616x64xf32, #tpu.memory_space<hbm>>) dst(%dma_wait3A_943 : memref<50x64xf32, #tpu.memory_space<vmem>>)
      %dma_wait3A_954 = arith.constant 1 : i32
      %dma_wait3A_955 = arith.constant 5 : i32
      %dma_wait3A_956 = arith.constant 1 : i32
      %dma_wait3A_957 = arith.constant 5 : i32
      %dma_wait3A_958 = arith.constant 0 : i32
      %dma_wait3A_959 = arith.constant 0 : i32
      %dma_wait3A_960 = arith.constant 0 : i32
      %dma_wait3A_961 = tpu.memref_slice %arg7[%dma_wait3A_956, %dma_wait3A_958, %dma_wait3A_959, %dma_wait3A_960] : memref<2x8x50x64xf32, #tpu.memory_space<vmem>> -> memref<1x8x50x64xf32, #tpu.memory_space<vmem>>
      %dma_wait3A_962 = tpu.memref_squeeze %dma_wait3A_961 : memref<1x8x50x64xf32, #tpu.memory_space<vmem>> -> memref<8x50x64xf32, #tpu.memory_space<vmem>>
      %dma_wait3A_963 = arith.constant 0 : i32
      %dma_wait3A_964 = arith.constant 0 : i32
      %dma_wait3A_965 = tpu.memref_slice %dma_wait3A_962[%dma_wait3A_957, %dma_wait3A_963, %dma_wait3A_964] : memref<8x50x64xf32, #tpu.memory_space<vmem>> -> memref<1x50x64xf32, #tpu.memory_space<vmem>>
      %dma_wait3A_966 = tpu.memref_squeeze %dma_wait3A_965 : memref<1x50x64xf32, #tpu.memory_space<vmem>> -> memref<50x64xf32, #tpu.memory_space<vmem>>
      %dma_wait3A_967 = arith.constant 0 : i32
      %dma_wait3A_968 = arith.constant 0 : i32
      %dma_wait3A_969 = tpu.memref_slice %arg6[%dma_wait3A_954, %dma_wait3A_967, %dma_wait3A_968] : memref<2x8x50xi32, #tpu.memory_space<vmem>> -> memref<1x8x50xi32, #tpu.memory_space<vmem>>
      %dma_wait3A_970 = tpu.memref_squeeze %dma_wait3A_969 : memref<1x8x50xi32, #tpu.memory_space<vmem>> -> memref<8x50xi32, #tpu.memory_space<vmem>>
      %dma_wait3A_971 = arith.constant 0 : i32
      %dma_wait3A_972 = tpu.memref_slice %dma_wait3A_970[%dma_wait3A_955, %dma_wait3A_971] : memref<8x50xi32, #tpu.memory_space<vmem>> -> memref<1x50xi32, #tpu.memory_space<vmem>>
      %dma_wait3A_973 = tpu.memref_squeeze %dma_wait3A_972 : memref<1x50xi32, #tpu.memory_space<vmem>> -> memref<50xi32, #tpu.memory_space<vmem>>
      %dma_wait3A_974 = arith.constant 0 : i32
      %dma_wait3A_975 = arith.constant 0 : i32
      %dma_wait3A_976 = tpu.memref_slice %arg3[%dma_wait3A_974, %dma_wait3A_975] : memref<2031616x64xf32, #tpu.memory_space<hbm>> -> memref<2031616x64xf32, #tpu.memory_space<hbm>>
      tpu.wait_indirect_dma semaphore(%arg13 : memref<!tpu.dma_semaphore, #tpu.memory_space<semaphore_mem>>) src(%dma_wait3A_976 : memref<2031616x64xf32, #tpu.memory_space<hbm>>) dst(%dma_wait3A_966 : memref<50x64xf32, #tpu.memory_space<vmem>>)
      %dma_wait3A_977 = arith.constant 1 : i32
      %dma_wait3A_978 = arith.constant 6 : i32
      %dma_wait3A_979 = arith.constant 1 : i32
      %dma_wait3A_980 = arith.constant 6 : i32
      %dma_wait3A_981 = arith.constant 0 : i32
      %dma_wait3A_982 = arith.constant 0 : i32
      %dma_wait3A_983 = arith.constant 0 : i32
      %dma_wait3A_984 = tpu.memref_slice %arg7[%dma_wait3A_979, %dma_wait3A_981, %dma_wait3A_982, %dma_wait3A_983] : memref<2x8x50x64xf32, #tpu.memory_space<vmem>> -> memref<1x8x50x64xf32, #tpu.memory_space<vmem>>
      %dma_wait3A_985 = tpu.memref_squeeze %dma_wait3A_984 : memref<1x8x50x64xf32, #tpu.memory_space<vmem>> -> memref<8x50x64xf32, #tpu.memory_space<vmem>>
      %dma_wait3A_986 = arith.constant 0 : i32
      %dma_wait3A_987 = arith.constant 0 : i32
      %dma_wait3A_988 = tpu.memref_slice %dma_wait3A_985[%dma_wait3A_980, %dma_wait3A_986, %dma_wait3A_987] : memref<8x50x64xf32, #tpu.memory_space<vmem>> -> memref<1x50x64xf32, #tpu.memory_space<vmem>>
      %dma_wait3A_989 = tpu.memref_squeeze %dma_wait3A_988 : memref<1x50x64xf32, #tpu.memory_space<vmem>> -> memref<50x64xf32, #tpu.memory_space<vmem>>
      %dma_wait3A_990 = arith.constant 0 : i32
      %dma_wait3A_991 = arith.constant 0 : i32
      %dma_wait3A_992 = tpu.memref_slice %arg6[%dma_wait3A_977, %dma_wait3A_990, %dma_wait3A_991] : memref<2x8x50xi32, #tpu.memory_space<vmem>> -> memref<1x8x50xi32, #tpu.memory_space<vmem>>
      %dma_wait3A_993 = tpu.memref_squeeze %dma_wait3A_992 : memref<1x8x50xi32, #tpu.memory_space<vmem>> -> memref<8x50xi32, #tpu.memory_space<vmem>>
      %dma_wait3A_994 = arith.constant 0 : i32
      %dma_wait3A_995 = tpu.memref_slice %dma_wait3A_993[%dma_wait3A_978, %dma_wait3A_994] : memref<8x50xi32, #tpu.memory_space<vmem>> -> memref<1x50xi32, #tpu.memory_space<vmem>>
      %dma_wait3A_996 = tpu.memref_squeeze %dma_wait3A_995 : memref<1x50xi32, #tpu.memory_space<vmem>> -> memref<50xi32, #tpu.memory_space<vmem>>
      %dma_wait3A_997 = arith.constant 0 : i32
      %dma_wait3A_998 = arith.constant 0 : i32
      %dma_wait3A_999 = tpu.memref_slice %arg3[%dma_wait3A_997, %dma_wait3A_998] : memref<2031616x64xf32, #tpu.memory_space<hbm>> -> memref<2031616x64xf32, #tpu.memory_space<hbm>>
      tpu.wait_indirect_dma semaphore(%arg13 : memref<!tpu.dma_semaphore, #tpu.memory_space<semaphore_mem>>) src(%dma_wait3A_999 : memref<2031616x64xf32, #tpu.memory_space<hbm>>) dst(%dma_wait3A_989 : memref<50x64xf32, #tpu.memory_space<vmem>>)
      %dma_wait3A_1000 = arith.constant 1 : i32
      %dma_wait3A_1001 = arith.constant 7 : i32
      %dma_wait3A_1002 = arith.constant 1 : i32
      %dma_wait3A_1003 = arith.constant 7 : i32
      %dma_wait3A_1004 = arith.constant 0 : i32
      %dma_wait3A_1005 = arith.constant 0 : i32
      %dma_wait3A_1006 = arith.constant 0 : i32
      %dma_wait3A_1007 = tpu.memref_slice %arg7[%dma_wait3A_1002, %dma_wait3A_1004, %dma_wait3A_1005, %dma_wait3A_1006] : memref<2x8x50x64xf32, #tpu.memory_space<vmem>> -> memref<1x8x50x64xf32, #tpu.memory_space<vmem>>
      %dma_wait3A_1008 = tpu.memref_squeeze %dma_wait3A_1007 : memref<1x8x50x64xf32, #tpu.memory_space<vmem>> -> memref<8x50x64xf32, #tpu.memory_space<vmem>>
      %dma_wait3A_1009 = arith.constant 0 : i32
      %dma_wait3A_1010 = arith.constant 0 : i32
      %dma_wait3A_1011 = tpu.memref_slice %dma_wait3A_1008[%dma_wait3A_1003, %dma_wait3A_1009, %dma_wait3A_1010] : memref<8x50x64xf32, #tpu.memory_space<vmem>> -> memref<1x50x64xf32, #tpu.memory_space<vmem>>
      %dma_wait3A_1012 = tpu.memref_squeeze %dma_wait3A_1011 : memref<1x50x64xf32, #tpu.memory_space<vmem>> -> memref<50x64xf32, #tpu.memory_space<vmem>>
      %dma_wait3A_1013 = arith.constant 0 : i32
      %dma_wait3A_1014 = arith.constant 0 : i32
      %dma_wait3A_1015 = tpu.memref_slice %arg6[%dma_wait3A_1000, %dma_wait3A_1013, %dma_wait3A_1014] : memref<2x8x50xi32, #tpu.memory_space<vmem>> -> memref<1x8x50xi32, #tpu.memory_space<vmem>>
      %dma_wait3A_1016 = tpu.memref_squeeze %dma_wait3A_1015 : memref<1x8x50xi32, #tpu.memory_space<vmem>> -> memref<8x50xi32, #tpu.memory_space<vmem>>
      %dma_wait3A_1017 = arith.constant 0 : i32
      %dma_wait3A_1018 = tpu.memref_slice %dma_wait3A_1016[%dma_wait3A_1001, %dma_wait3A_1017] : memref<8x50xi32, #tpu.memory_space<vmem>> -> memref<1x50xi32, #tpu.memory_space<vmem>>
      %dma_wait3A_1019 = tpu.memref_squeeze %dma_wait3A_1018 : memref<1x50xi32, #tpu.memory_space<vmem>> -> memref<50xi32, #tpu.memory_space<vmem>>
      %dma_wait3A_1020 = arith.constant 0 : i32
      %dma_wait3A_1021 = arith.constant 0 : i32
      %dma_wait3A_1022 = tpu.memref_slice %arg3[%dma_wait3A_1020, %dma_wait3A_1021] : memref<2031616x64xf32, #tpu.memory_space<hbm>> -> memref<2031616x64xf32, #tpu.memory_space<hbm>>
      tpu.wait_indirect_dma semaphore(%arg13 : memref<!tpu.dma_semaphore, #tpu.memory_space<semaphore_mem>>) src(%dma_wait3A_1022 : memref<2031616x64xf32, #tpu.memory_space<hbm>>) dst(%dma_wait3A_1012 : memref<50x64xf32, #tpu.memory_space<vmem>>)
      %ge3A_1023 = arith.constant 2 : i32
      %ge3A_1024 = arith.cmpi sge, %add3A_831, %ge3A_1023 : i32
      %convert_element_type3A_1025 = arith.extui %ge3A_1024 : i1 to i32
      %cond3A_1026 = arith.constant 0 : i32
      %cond3A_1027 = arith.cmpi ne, %convert_element_type3A_1025, %cond3A_1026 : i32
      scf.if %cond3A_1027 {
        %dma_wait3A_1395 = arith.constant 1 : i32
        %dma_wait3A_1396 = arith.constant 0 : i32
        %dma_wait3A_1397 = arith.constant 0 : i32
        %dma_wait3A_1398 = tpu.memref_slice %arg8[%dma_wait3A_1395, %dma_wait3A_1396, %dma_wait3A_1397] : memref<2x8x64xf32, #tpu.memory_space<vmem>> -> memref<1x8x64xf32, #tpu.memory_space<vmem>>
        %dma_wait3A_1399 = tpu.memref_squeeze %dma_wait3A_1398 : memref<1x8x64xf32, #tpu.memory_space<vmem>> -> memref<8x64xf32, #tpu.memory_space<vmem>>
        %dma_wait3A_1400 = arith.constant 0 : i32
        %dma_wait3A_1401 = arith.constant 0 : i32
        %dma_wait3A_1402 = tpu.memref_slice %arg5[%dma_wait3A_1400, %dma_wait3A_1401] : memref<16384x64xf32, #tpu.memory_space<hbm>> -> memref<8x64xf32, #tpu.memory_space<hbm>>
        %dma_wait3A_1403 = arith.constant 0 : i32
        %dma_wait3A_1404 = arith.constant 0 : i32
        %dma_wait3A_1405 = tpu.memref_slice %arg5[%dma_wait3A_1403, %dma_wait3A_1404] : memref<16384x64xf32, #tpu.memory_space<hbm>> -> memref<8x64xf32, #tpu.memory_space<hbm>>
        %dma_wait3A_1406 = arith.constant 0 : i32
        %dma_wait3A_1407 = arith.constant 0 : i32
        %dma_wait3A_1408 = tpu.memref_slice %arg8[%dma_wait3A_1395, %dma_wait3A_1406, %dma_wait3A_1407] : memref<2x8x64xf32, #tpu.memory_space<vmem>> -> memref<1x8x64xf32, #tpu.memory_space<vmem>>
        %dma_wait3A_1409 = tpu.memref_squeeze %dma_wait3A_1408 : memref<1x8x64xf32, #tpu.memory_space<vmem>> -> memref<8x64xf32, #tpu.memory_space<vmem>>
        tpu.wait_dma2 semaphore(%arg15 : memref<!tpu.dma_semaphore, #tpu.memory_space<semaphore_mem>>) src(%dma_wait3A_1409 : memref<8x64xf32, #tpu.memory_space<vmem>>) dst(%dma_wait3A_1405 : memref<8x64xf32, #tpu.memory_space<hbm>>)
      } else {
      }
      %broadcast_in_dim3A_1028 = arith.constant 0.000000e+00 : f32
      %broadcast_in_dim3A_1029 = vector.broadcast %broadcast_in_dim3A_1028 : f32 to vector<16xf32>
      %broadcast_in_dim3A_1030 = arith.constant 0.000000e+00 : f32
      %broadcast_in_dim3A_1031 = vector.broadcast %broadcast_in_dim3A_1030 : f32 to vector<16xf32>
      %broadcast_in_dim3A_1032 = arith.constant 0.000000e+00 : f32
      %broadcast_in_dim3A_1033 = vector.broadcast %broadcast_in_dim3A_1032 : f32 to vector<16xf32>
      %broadcast_in_dim3A_1034 = arith.constant 0.000000e+00 : f32
      %broadcast_in_dim3A_1035 = vector.broadcast %broadcast_in_dim3A_1034 : f32 to vector<16xf32>
      %broadcast_in_dim3A_1036 = arith.constant 0.000000e+00 : f32
      %broadcast_in_dim3A_1037 = vector.broadcast %broadcast_in_dim3A_1036 : f32 to vector<16xf32>
      %broadcast_in_dim3A_1038 = arith.constant 0.000000e+00 : f32
      %broadcast_in_dim3A_1039 = vector.broadcast %broadcast_in_dim3A_1038 : f32 to vector<16xf32>
      %broadcast_in_dim3A_1040 = arith.constant 0.000000e+00 : f32
      %broadcast_in_dim3A_1041 = vector.broadcast %broadcast_in_dim3A_1040 : f32 to vector<16xf32>
      %broadcast_in_dim3A_1042 = arith.constant 0.000000e+00 : f32
      %broadcast_in_dim3A_1043 = vector.broadcast %broadcast_in_dim3A_1042 : f32 to vector<16xf32>
      %scan3A_1044 = arith.constant 0 : i32
      %scan3A_1045 = arith.constant 50 : i32
      %scan3A_1046 = arith.addi %scan3A_1044, %scan3A_1045 : i32
      %scan3A_1047 = arith.constant 1 : i32
      %scan3A_1048:8 = scf.for %scan3A_1395 = %scan3A_1044 to %scan3A_1046 step %scan3A_1047 iter_args(%scan3A_1396 = %broadcast_in_dim3A_1029, %scan3A_1397 = %broadcast_in_dim3A_1031, %scan3A_1398 = %broadcast_in_dim3A_1033, %scan3A_1399 = %broadcast_in_dim3A_1035, %scan3A_1400 = %broadcast_in_dim3A_1037, %scan3A_1401 = %broadcast_in_dim3A_1039, %scan3A_1402 = %broadcast_in_dim3A_1041, %scan3A_1403 = %broadcast_in_dim3A_1043) -> (vector<16xf32>, vector<16xf32>, vector<16xf32>, vector<16xf32>, vector<16xf32>, vector<16xf32>, vector<16xf32>, vector<16xf32>)  : i32 {
        %get3A = arith.index_cast %scan3A_1395 : i32 to index
        %get3A_1404 = arith.constant 0 : index
        %get3A_1405 = tpu.vector_load %arg9[%get3A, %get3A_1404] {strides = array<i32>} : memref<50x64xf32, #tpu.memory_space<vmem>>, vector<1x16xf32>,
        %get3A_1406 = vector.shape_cast %get3A_1405 : vector<1x16xf32> to vector<16xf32>
        %get3A_1407 = arith.constant 1 : i32
        %get3A_1408 = arith.constant 0 : i32
        %get3A_1409 = arith.index_cast %get3A_1407 : i32 to index
        %get3A_1410 = arith.index_cast %get3A_1408 : i32 to index
        %get3A_1411 = arith.index_cast %scan3A_1395 : i32 to index
        %get3A_1412 = arith.constant 0 : index
        %get3A_1413 = tpu.vector_load %arg7[%get3A_1409, %get3A_1410, %get3A_1411, %get3A_1412] {strides = array<i32>} : memref<2x8x50x64xf32, #tpu.memory_space<vmem>>, vector<1x1x1x16xf32>,
        %get3A_1414 = vector.shape_cast %get3A_1413 : vector<1x1x1x16xf32> to vector<16xf32>
        %mul3A_1415 = arith.mulf %get3A_1414, %get3A_1406 : vector<16xf32>
        %add3A_1416 = arith.addf %scan3A_1396, %mul3A_1415 : vector<16xf32>
        %get3A_1417 = arith.constant 1 : i32
        %get3A_1418 = arith.constant 1 : i32
        %get3A_1419 = arith.index_cast %get3A_1417 : i32 to index
        %get3A_1420 = arith.index_cast %get3A_1418 : i32 to index
        %get3A_1421 = arith.index_cast %scan3A_1395 : i32 to index
        %get3A_1422 = arith.constant 0 : index
        %get3A_1423 = tpu.vector_load %arg7[%get3A_1419, %get3A_1420, %get3A_1421, %get3A_1422] {strides = array<i32>} : memref<2x8x50x64xf32, #tpu.memory_space<vmem>>, vector<1x1x1x16xf32>,
        %get3A_1424 = vector.shape_cast %get3A_1423 : vector<1x1x1x16xf32> to vector<16xf32>
        %mul3A_1425 = arith.mulf %get3A_1424, %get3A_1406 : vector<16xf32>
        %add3A_1426 = arith.addf %scan3A_1397, %mul3A_1425 : vector<16xf32>
        %get3A_1427 = arith.constant 1 : i32
        %get3A_1428 = arith.constant 2 : i32
        %get3A_1429 = arith.index_cast %get3A_1427 : i32 to index
        %get3A_1430 = arith.index_cast %get3A_1428 : i32 to index
        %get3A_1431 = arith.index_cast %scan3A_1395 : i32 to index
        %get3A_1432 = arith.constant 0 : index
        %get3A_1433 = tpu.vector_load %arg7[%get3A_1429, %get3A_1430, %get3A_1431, %get3A_1432] {strides = array<i32>} : memref<2x8x50x64xf32, #tpu.memory_space<vmem>>, vector<1x1x1x16xf32>,
        %get3A_1434 = vector.shape_cast %get3A_1433 : vector<1x1x1x16xf32> to vector<16xf32>
        %mul3A_1435 = arith.mulf %get3A_1434, %get3A_1406 : vector<16xf32>
        %add3A_1436 = arith.addf %scan3A_1398, %mul3A_1435 : vector<16xf32>
        %get3A_1437 = arith.constant 1 : i32
        %get3A_1438 = arith.constant 3 : i32
        %get3A_1439 = arith.index_cast %get3A_1437 : i32 to index
        %get3A_1440 = arith.index_cast %get3A_1438 : i32 to index
        %get3A_1441 = arith.index_cast %scan3A_1395 : i32 to index
        %get3A_1442 = arith.constant 0 : index
        %get3A_1443 = tpu.vector_load %arg7[%get3A_1439, %get3A_1440, %get3A_1441, %get3A_1442] {strides = array<i32>} : memref<2x8x50x64xf32, #tpu.memory_space<vmem>>, vector<1x1x1x16xf32>,
        %get3A_1444 = vector.shape_cast %get3A_1443 : vector<1x1x1x16xf32> to vector<16xf32>
        %mul3A_1445 = arith.mulf %get3A_1444, %get3A_1406 : vector<16xf32>
        %add3A_1446 = arith.addf %scan3A_1399, %mul3A_1445 : vector<16xf32>
        %get3A_1447 = arith.constant 1 : i32
        %get3A_1448 = arith.constant 4 : i32
        %get3A_1449 = arith.index_cast %get3A_1447 : i32 to index
        %get3A_1450 = arith.index_cast %get3A_1448 : i32 to index
        %get3A_1451 = arith.index_cast %scan3A_1395 : i32 to index
        %get3A_1452 = arith.constant 0 : index
        %get3A_1453 = tpu.vector_load %arg7[%get3A_1449, %get3A_1450, %get3A_1451, %get3A_1452] {strides = array<i32>} : memref<2x8x50x64xf32, #tpu.memory_space<vmem>>, vector<1x1x1x16xf32>,
        %get3A_1454 = vector.shape_cast %get3A_1453 : vector<1x1x1x16xf32> to vector<16xf32>
        %mul3A_1455 = arith.mulf %get3A_1454, %get3A_1406 : vector<16xf32>
        %add3A_1456 = arith.addf %scan3A_1400, %mul3A_1455 : vector<16xf32>
        %get3A_1457 = arith.constant 1 : i32
        %get3A_1458 = arith.constant 5 : i32
        %get3A_1459 = arith.index_cast %get3A_1457 : i32 to index
        %get3A_1460 = arith.index_cast %get3A_1458 : i32 to index
        %get3A_1461 = arith.index_cast %scan3A_1395 : i32 to index
        %get3A_1462 = arith.constant 0 : index
        %get3A_1463 = tpu.vector_load %arg7[%get3A_1459, %get3A_1460, %get3A_1461, %get3A_1462] {strides = array<i32>} : memref<2x8x50x64xf32, #tpu.memory_space<vmem>>, vector<1x1x1x16xf32>,
        %get3A_1464 = vector.shape_cast %get3A_1463 : vector<1x1x1x16xf32> to vector<16xf32>
        %mul3A_1465 = arith.mulf %get3A_1464, %get3A_1406 : vector<16xf32>
        %add3A_1466 = arith.addf %scan3A_1401, %mul3A_1465 : vector<16xf32>
        %get3A_1467 = arith.constant 1 : i32
        %get3A_1468 = arith.constant 6 : i32
        %get3A_1469 = arith.index_cast %get3A_1467 : i32 to index
        %get3A_1470 = arith.index_cast %get3A_1468 : i32 to index
        %get3A_1471 = arith.index_cast %scan3A_1395 : i32 to index
        %get3A_1472 = arith.constant 0 : index
        %get3A_1473 = tpu.vector_load %arg7[%get3A_1469, %get3A_1470, %get3A_1471, %get3A_1472] {strides = array<i32>} : memref<2x8x50x64xf32, #tpu.memory_space<vmem>>, vector<1x1x1x16xf32>,
        %get3A_1474 = vector.shape_cast %get3A_1473 : vector<1x1x1x16xf32> to vector<16xf32>
        %mul3A_1475 = arith.mulf %get3A_1474, %get3A_1406 : vector<16xf32>
        %add3A_1476 = arith.addf %scan3A_1402, %mul3A_1475 : vector<16xf32>
        %get3A_1477 = arith.constant 1 : i32
        %get3A_1478 = arith.constant 7 : i32
        %get3A_1479 = arith.index_cast %get3A_1477 : i32 to index
        %get3A_1480 = arith.index_cast %get3A_1478 : i32 to index
        %get3A_1481 = arith.index_cast %scan3A_1395 : i32 to index
        %get3A_1482 = arith.constant 0 : index
        %get3A_1483 = tpu.vector_load %arg7[%get3A_1479, %get3A_1480, %get3A_1481, %get3A_1482] {strides = array<i32>} : memref<2x8x50x64xf32, #tpu.memory_space<vmem>>, vector<1x1x1x16xf32>,
        %get3A_1484 = vector.shape_cast %get3A_1483 : vector<1x1x1x16xf32> to vector<16xf32>
        %mul3A_1485 = arith.mulf %get3A_1484, %get3A_1406 : vector<16xf32>
        %add3A_1486 = arith.addf %scan3A_1403, %mul3A_1485 : vector<16xf32>
        scf.yield %add3A_1416, %add3A_1426, %add3A_1436, %add3A_1446, %add3A_1456, %add3A_1466, %add3A_1476, %add3A_1486 : vector<16xf32>, vector<16xf32>, vector<16xf32>, vector<16xf32>, vector<16xf32>, vector<16xf32>, vector<16xf32>, vector<16xf32>
      }
      %scan3A_1049 = arith.constant 50 : i32
      %swap3A_1050 = arith.constant 1 : i32
      %swap3A_1051 = arith.constant 0 : i32
      %swap3A_1052 = arith.index_cast %swap3A_1050 : i32 to index
      %swap3A_1053 = arith.index_cast %swap3A_1051 : i32 to index
      %swap3A_1054 = arith.constant 0 : index
      %swap3A_1055 = tpu.vector_load %arg8[%swap3A_1052, %swap3A_1053, %swap3A_1054] {strides = array<i32>} : memref<2x8x64xf32, #tpu.memory_space<vmem>>, vector<1x1x16xf32>,
      %swap3A_1056 = vector.shape_cast %swap3A_1055 : vector<1x1x16xf32> to vector<16xf32>
      %swap3A_1057 = vector.shape_cast %scan3A_1048#0 : vector<16xf32> to vector<1x1x16xf32>
      tpu.vector_store %arg8[%swap3A_1052, %swap3A_1053, %swap3A_1054], %swap3A_1057 {strides = array<i32>} : memref<2x8x64xf32, #tpu.memory_space<vmem>>, vector<1x1x16xf32>,
      %swap3A_1058 = arith.constant 1 : i32
      %swap3A_1059 = arith.constant 1 : i32
      %swap3A_1060 = arith.index_cast %swap3A_1058 : i32 to index
      %swap3A_1061 = arith.index_cast %swap3A_1059 : i32 to index
      %swap3A_1062 = arith.constant 0 : index
      %swap3A_1063 = tpu.vector_load %arg8[%swap3A_1060, %swap3A_1061, %swap3A_1062] {strides = array<i32>} : memref<2x8x64xf32, #tpu.memory_space<vmem>>, vector<1x1x16xf32>,
      %swap3A_1064 = vector.shape_cast %swap3A_1063 : vector<1x1x16xf32> to vector<16xf32>
      %swap3A_1065 = vector.shape_cast %scan3A_1048#1 : vector<16xf32> to vector<1x1x16xf32>
      tpu.vector_store %arg8[%swap3A_1060, %swap3A_1061, %swap3A_1062], %swap3A_1065 {strides = array<i32>} : memref<2x8x64xf32, #tpu.memory_space<vmem>>, vector<1x1x16xf32>,
      %swap3A_1066 = arith.constant 1 : i32
      %swap3A_1067 = arith.constant 2 : i32
      %swap3A_1068 = arith.index_cast %swap3A_1066 : i32 to index
      %swap3A_1069 = arith.index_cast %swap3A_1067 : i32 to index
      %swap3A_1070 = arith.constant 0 : index
      %swap3A_1071 = tpu.vector_load %arg8[%swap3A_1068, %swap3A_1069, %swap3A_1070] {strides = array<i32>} : memref<2x8x64xf32, #tpu.memory_space<vmem>>, vector<1x1x16xf32>,
      %swap3A_1072 = vector.shape_cast %swap3A_1071 : vector<1x1x16xf32> to vector<16xf32>
      %swap3A_1073 = vector.shape_cast %scan3A_1048#2 : vector<16xf32> to vector<1x1x16xf32>
      tpu.vector_store %arg8[%swap3A_1068, %swap3A_1069, %swap3A_1070], %swap3A_1073 {strides = array<i32>} : memref<2x8x64xf32, #tpu.memory_space<vmem>>, vector<1x1x16xf32>,
      %swap3A_1074 = arith.constant 1 : i32
      %swap3A_1075 = arith.constant 3 : i32
      %swap3A_1076 = arith.index_cast %swap3A_1074 : i32 to index
      %swap3A_1077 = arith.index_cast %swap3A_1075 : i32 to index
      %swap3A_1078 = arith.constant 0 : index
      %swap3A_1079 = tpu.vector_load %arg8[%swap3A_1076, %swap3A_1077, %swap3A_1078] {strides = array<i32>} : memref<2x8x64xf32, #tpu.memory_space<vmem>>, vector<1x1x16xf32>,
      %swap3A_1080 = vector.shape_cast %swap3A_1079 : vector<1x1x16xf32> to vector<16xf32>
      %swap3A_1081 = vector.shape_cast %scan3A_1048#3 : vector<16xf32> to vector<1x1x16xf32>
      tpu.vector_store %arg8[%swap3A_1076, %swap3A_1077, %swap3A_1078], %swap3A_1081 {strides = array<i32>} : memref<2x8x64xf32, #tpu.memory_space<vmem>>, vector<1x1x16xf32>,
      %swap3A_1082 = arith.constant 1 : i32
      %swap3A_1083 = arith.constant 4 : i32
      %swap3A_1084 = arith.index_cast %swap3A_1082 : i32 to index
      %swap3A_1085 = arith.index_cast %swap3A_1083 : i32 to index
      %swap3A_1086 = arith.constant 0 : index
      %swap3A_1087 = tpu.vector_load %arg8[%swap3A_1084, %swap3A_1085, %swap3A_1086] {strides = array<i32>} : memref<2x8x64xf32, #tpu.memory_space<vmem>>, vector<1x1x16xf32>,
      %swap3A_1088 = vector.shape_cast %swap3A_1087 : vector<1x1x16xf32> to vector<16xf32>
      %swap3A_1089 = vector.shape_cast %scan3A_1048#4 : vector<16xf32> to vector<1x1x16xf32>
      tpu.vector_store %arg8[%swap3A_1084, %swap3A_1085, %swap3A_1086], %swap3A_1089 {strides = array<i32>} : memref<2x8x64xf32, #tpu.memory_space<vmem>>, vector<1x1x16xf32>,
      %swap3A_1090 = arith.constant 1 : i32
      %swap3A_1091 = arith.constant 5 : i32
      %swap3A_1092 = arith.index_cast %swap3A_1090 : i32 to index
      %swap3A_1093 = arith.index_cast %swap3A_1091 : i32 to index
      %swap3A_1094 = arith.constant 0 : index
      %swap3A_1095 = tpu.vector_load %arg8[%swap3A_1092, %swap3A_1093, %swap3A_1094] {strides = array<i32>} : memref<2x8x64xf32, #tpu.memory_space<vmem>>, vector<1x1x16xf32>,
      %swap3A_1096 = vector.shape_cast %swap3A_1095 : vector<1x1x16xf32> to vector<16xf32>
      %swap3A_1097 = vector.shape_cast %scan3A_1048#5 : vector<16xf32> to vector<1x1x16xf32>
      tpu.vector_store %arg8[%swap3A_1092, %swap3A_1093, %swap3A_1094], %swap3A_1097 {strides = array<i32>} : memref<2x8x64xf32, #tpu.memory_space<vmem>>, vector<1x1x16xf32>,
      %swap3A_1098 = arith.constant 1 : i32
      %swap3A_1099 = arith.constant 6 : i32
      %swap3A_1100 = arith.index_cast %swap3A_1098 : i32 to index
      %swap3A_1101 = arith.index_cast %swap3A_1099 : i32 to index
      %swap3A_1102 = arith.constant 0 : index
      %swap3A_1103 = tpu.vector_load %arg8[%swap3A_1100, %swap3A_1101, %swap3A_1102] {strides = array<i32>} : memref<2x8x64xf32, #tpu.memory_space<vmem>>, vector<1x1x16xf32>,
      %swap3A_1104 = vector.shape_cast %swap3A_1103 : vector<1x1x16xf32> to vector<16xf32>
      %swap3A_1105 = vector.shape_cast %scan3A_1048#6 : vector<16xf32> to vector<1x1x16xf32>
      tpu.vector_store %arg8[%swap3A_1100, %swap3A_1101, %swap3A_1102], %swap3A_1105 {strides = array<i32>} : memref<2x8x64xf32, #tpu.memory_space<vmem>>, vector<1x1x16xf32>,
      %swap3A_1106 = arith.constant 1 : i32
      %swap3A_1107 = arith.constant 7 : i32
      %swap3A_1108 = arith.index_cast %swap3A_1106 : i32 to index
      %swap3A_1109 = arith.index_cast %swap3A_1107 : i32 to index
      %swap3A_1110 = arith.constant 0 : index
      %swap3A_1111 = tpu.vector_load %arg8[%swap3A_1108, %swap3A_1109, %swap3A_1110] {strides = array<i32>} : memref<2x8x64xf32, #tpu.memory_space<vmem>>, vector<1x1x16xf32>,
      %swap3A_1112 = vector.shape_cast %swap3A_1111 : vector<1x1x16xf32> to vector<16xf32>
      %swap3A_1113 = vector.shape_cast %scan3A_1048#7 : vector<16xf32> to vector<1x1x16xf32>
      tpu.vector_store %arg8[%swap3A_1108, %swap3A_1109, %swap3A_1110], %swap3A_1113 {strides = array<i32>} : memref<2x8x64xf32, #tpu.memory_space<vmem>>, vector<1x1x16xf32>,
      %broadcast_in_dim3A_1114 = arith.constant 0.000000e+00 : f32
      %broadcast_in_dim3A_1115 = vector.broadcast %broadcast_in_dim3A_1114 : f32 to vector<16xf32>
      %broadcast_in_dim3A_1116 = arith.constant 0.000000e+00 : f32
      %broadcast_in_dim3A_1117 = vector.broadcast %broadcast_in_dim3A_1116 : f32 to vector<16xf32>
      %broadcast_in_dim3A_1118 = arith.constant 0.000000e+00 : f32
      %broadcast_in_dim3A_1119 = vector.broadcast %broadcast_in_dim3A_1118 : f32 to vector<16xf32>
      %broadcast_in_dim3A_1120 = arith.constant 0.000000e+00 : f32
      %broadcast_in_dim3A_1121 = vector.broadcast %broadcast_in_dim3A_1120 : f32 to vector<16xf32>
      %broadcast_in_dim3A_1122 = arith.constant 0.000000e+00 : f32
      %broadcast_in_dim3A_1123 = vector.broadcast %broadcast_in_dim3A_1122 : f32 to vector<16xf32>
      %broadcast_in_dim3A_1124 = arith.constant 0.000000e+00 : f32
      %broadcast_in_dim3A_1125 = vector.broadcast %broadcast_in_dim3A_1124 : f32 to vector<16xf32>
      %broadcast_in_dim3A_1126 = arith.constant 0.000000e+00 : f32
      %broadcast_in_dim3A_1127 = vector.broadcast %broadcast_in_dim3A_1126 : f32 to vector<16xf32>
      %broadcast_in_dim3A_1128 = arith.constant 0.000000e+00 : f32
      %broadcast_in_dim3A_1129 = vector.broadcast %broadcast_in_dim3A_1128 : f32 to vector<16xf32>
      %scan3A_1130 = arith.constant 0 : i32
      %scan3A_1131 = arith.constant 50 : i32
      %scan3A_1132 = arith.addi %scan3A_1130, %scan3A_1131 : i32
      %scan3A_1133 = arith.constant 1 : i32
      %scan3A_1134:8 = scf.for %scan3A_1395 = %scan3A_1130 to %scan3A_1132 step %scan3A_1133 iter_args(%scan3A_1396 = %broadcast_in_dim3A_1115, %scan3A_1397 = %broadcast_in_dim3A_1117, %scan3A_1398 = %broadcast_in_dim3A_1119, %scan3A_1399 = %broadcast_in_dim3A_1121, %scan3A_1400 = %broadcast_in_dim3A_1123, %scan3A_1401 = %broadcast_in_dim3A_1125, %scan3A_1402 = %broadcast_in_dim3A_1127, %scan3A_1403 = %broadcast_in_dim3A_1129) -> (vector<16xf32>, vector<16xf32>, vector<16xf32>, vector<16xf32>, vector<16xf32>, vector<16xf32>, vector<16xf32>, vector<16xf32>)  : i32 {
        %get3A = arith.index_cast %scan3A_1395 : i32 to index
        %get3A_1404 = arith.constant 16 : index
        %get3A_1405 = tpu.vector_load %arg9[%get3A, %get3A_1404] {strides = array<i32>} : memref<50x64xf32, #tpu.memory_space<vmem>>, vector<1x16xf32>,
        %get3A_1406 = vector.shape_cast %get3A_1405 : vector<1x16xf32> to vector<16xf32>
        %get3A_1407 = arith.constant 1 : i32
        %get3A_1408 = arith.constant 0 : i32
        %get3A_1409 = arith.index_cast %get3A_1407 : i32 to index
        %get3A_1410 = arith.index_cast %get3A_1408 : i32 to index
        %get3A_1411 = arith.index_cast %scan3A_1395 : i32 to index
        %get3A_1412 = arith.constant 16 : index
        %get3A_1413 = tpu.vector_load %arg7[%get3A_1409, %get3A_1410, %get3A_1411, %get3A_1412] {strides = array<i32>} : memref<2x8x50x64xf32, #tpu.memory_space<vmem>>, vector<1x1x1x16xf32>,
        %get3A_1414 = vector.shape_cast %get3A_1413 : vector<1x1x1x16xf32> to vector<16xf32>
        %mul3A_1415 = arith.mulf %get3A_1414, %get3A_1406 : vector<16xf32>
        %add3A_1416 = arith.addf %scan3A_1396, %mul3A_1415 : vector<16xf32>
        %get3A_1417 = arith.constant 1 : i32
        %get3A_1418 = arith.constant 1 : i32
        %get3A_1419 = arith.index_cast %get3A_1417 : i32 to index
        %get3A_1420 = arith.index_cast %get3A_1418 : i32 to index
        %get3A_1421 = arith.index_cast %scan3A_1395 : i32 to index
        %get3A_1422 = arith.constant 16 : index
        %get3A_1423 = tpu.vector_load %arg7[%get3A_1419, %get3A_1420, %get3A_1421, %get3A_1422] {strides = array<i32>} : memref<2x8x50x64xf32, #tpu.memory_space<vmem>>, vector<1x1x1x16xf32>,
        %get3A_1424 = vector.shape_cast %get3A_1423 : vector<1x1x1x16xf32> to vector<16xf32>
        %mul3A_1425 = arith.mulf %get3A_1424, %get3A_1406 : vector<16xf32>
        %add3A_1426 = arith.addf %scan3A_1397, %mul3A_1425 : vector<16xf32>
        %get3A_1427 = arith.constant 1 : i32
        %get3A_1428 = arith.constant 2 : i32
        %get3A_1429 = arith.index_cast %get3A_1427 : i32 to index
        %get3A_1430 = arith.index_cast %get3A_1428 : i32 to index
        %get3A_1431 = arith.index_cast %scan3A_1395 : i32 to index
        %get3A_1432 = arith.constant 16 : index
        %get3A_1433 = tpu.vector_load %arg7[%get3A_1429, %get3A_1430, %get3A_1431, %get3A_1432] {strides = array<i32>} : memref<2x8x50x64xf32, #tpu.memory_space<vmem>>, vector<1x1x1x16xf32>,
        %get3A_1434 = vector.shape_cast %get3A_1433 : vector<1x1x1x16xf32> to vector<16xf32>
        %mul3A_1435 = arith.mulf %get3A_1434, %get3A_1406 : vector<16xf32>
        %add3A_1436 = arith.addf %scan3A_1398, %mul3A_1435 : vector<16xf32>
        %get3A_1437 = arith.constant 1 : i32
        %get3A_1438 = arith.constant 3 : i32
        %get3A_1439 = arith.index_cast %get3A_1437 : i32 to index
        %get3A_1440 = arith.index_cast %get3A_1438 : i32 to index
        %get3A_1441 = arith.index_cast %scan3A_1395 : i32 to index
        %get3A_1442 = arith.constant 16 : index
        %get3A_1443 = tpu.vector_load %arg7[%get3A_1439, %get3A_1440, %get3A_1441, %get3A_1442] {strides = array<i32>} : memref<2x8x50x64xf32, #tpu.memory_space<vmem>>, vector<1x1x1x16xf32>,
        %get3A_1444 = vector.shape_cast %get3A_1443 : vector<1x1x1x16xf32> to vector<16xf32>
        %mul3A_1445 = arith.mulf %get3A_1444, %get3A_1406 : vector<16xf32>
        %add3A_1446 = arith.addf %scan3A_1399, %mul3A_1445 : vector<16xf32>
        %get3A_1447 = arith.constant 1 : i32
        %get3A_1448 = arith.constant 4 : i32
        %get3A_1449 = arith.index_cast %get3A_1447 : i32 to index
        %get3A_1450 = arith.index_cast %get3A_1448 : i32 to index
        %get3A_1451 = arith.index_cast %scan3A_1395 : i32 to index
        %get3A_1452 = arith.constant 16 : index
        %get3A_1453 = tpu.vector_load %arg7[%get3A_1449, %get3A_1450, %get3A_1451, %get3A_1452] {strides = array<i32>} : memref<2x8x50x64xf32, #tpu.memory_space<vmem>>, vector<1x1x1x16xf32>,
        %get3A_1454 = vector.shape_cast %get3A_1453 : vector<1x1x1x16xf32> to vector<16xf32>
        %mul3A_1455 = arith.mulf %get3A_1454, %get3A_1406 : vector<16xf32>
        %add3A_1456 = arith.addf %scan3A_1400, %mul3A_1455 : vector<16xf32>
        %get3A_1457 = arith.constant 1 : i32
        %get3A_1458 = arith.constant 5 : i32
        %get3A_1459 = arith.index_cast %get3A_1457 : i32 to index
        %get3A_1460 = arith.index_cast %get3A_1458 : i32 to index
        %get3A_1461 = arith.index_cast %scan3A_1395 : i32 to index
        %get3A_1462 = arith.constant 16 : index
        %get3A_1463 = tpu.vector_load %arg7[%get3A_1459, %get3A_1460, %get3A_1461, %get3A_1462] {strides = array<i32>} : memref<2x8x50x64xf32, #tpu.memory_space<vmem>>, vector<1x1x1x16xf32>,
        %get3A_1464 = vector.shape_cast %get3A_1463 : vector<1x1x1x16xf32> to vector<16xf32>
        %mul3A_1465 = arith.mulf %get3A_1464, %get3A_1406 : vector<16xf32>
        %add3A_1466 = arith.addf %scan3A_1401, %mul3A_1465 : vector<16xf32>
        %get3A_1467 = arith.constant 1 : i32
        %get3A_1468 = arith.constant 6 : i32
        %get3A_1469 = arith.index_cast %get3A_1467 : i32 to index
        %get3A_1470 = arith.index_cast %get3A_1468 : i32 to index
        %get3A_1471 = arith.index_cast %scan3A_1395 : i32 to index
        %get3A_1472 = arith.constant 16 : index
        %get3A_1473 = tpu.vector_load %arg7[%get3A_1469, %get3A_1470, %get3A_1471, %get3A_1472] {strides = array<i32>} : memref<2x8x50x64xf32, #tpu.memory_space<vmem>>, vector<1x1x1x16xf32>,
        %get3A_1474 = vector.shape_cast %get3A_1473 : vector<1x1x1x16xf32> to vector<16xf32>
        %mul3A_1475 = arith.mulf %get3A_1474, %get3A_1406 : vector<16xf32>
        %add3A_1476 = arith.addf %scan3A_1402, %mul3A_1475 : vector<16xf32>
        %get3A_1477 = arith.constant 1 : i32
        %get3A_1478 = arith.constant 7 : i32
        %get3A_1479 = arith.index_cast %get3A_1477 : i32 to index
        %get3A_1480 = arith.index_cast %get3A_1478 : i32 to index
        %get3A_1481 = arith.index_cast %scan3A_1395 : i32 to index
        %get3A_1482 = arith.constant 16 : index
        %get3A_1483 = tpu.vector_load %arg7[%get3A_1479, %get3A_1480, %get3A_1481, %get3A_1482] {strides = array<i32>} : memref<2x8x50x64xf32, #tpu.memory_space<vmem>>, vector<1x1x1x16xf32>,
        %get3A_1484 = vector.shape_cast %get3A_1483 : vector<1x1x1x16xf32> to vector<16xf32>
        %mul3A_1485 = arith.mulf %get3A_1484, %get3A_1406 : vector<16xf32>
        %add3A_1486 = arith.addf %scan3A_1403, %mul3A_1485 : vector<16xf32>
        scf.yield %add3A_1416, %add3A_1426, %add3A_1436, %add3A_1446, %add3A_1456, %add3A_1466, %add3A_1476, %add3A_1486 : vector<16xf32>, vector<16xf32>, vector<16xf32>, vector<16xf32>, vector<16xf32>, vector<16xf32>, vector<16xf32>, vector<16xf32>
      }
      %scan3A_1135 = arith.constant 50 : i32
      %swap3A_1136 = arith.constant 1 : i32
      %swap3A_1137 = arith.constant 0 : i32
      %swap3A_1138 = arith.index_cast %swap3A_1136 : i32 to index
      %swap3A_1139 = arith.index_cast %swap3A_1137 : i32 to index
      %swap3A_1140 = arith.constant 16 : index
      %swap3A_1141 = tpu.vector_load %arg8[%swap3A_1138, %swap3A_1139, %swap3A_1140] {strides = array<i32>} : memref<2x8x64xf32, #tpu.memory_space<vmem>>, vector<1x1x16xf32>,
      %swap3A_1142 = vector.shape_cast %swap3A_1141 : vector<1x1x16xf32> to vector<16xf32>
      %swap3A_1143 = vector.shape_cast %scan3A_1134#0 : vector<16xf32> to vector<1x1x16xf32>
      tpu.vector_store %arg8[%swap3A_1138, %swap3A_1139, %swap3A_1140], %swap3A_1143 {strides = array<i32>} : memref<2x8x64xf32, #tpu.memory_space<vmem>>, vector<1x1x16xf32>,
      %swap3A_1144 = arith.constant 1 : i32
      %swap3A_1145 = arith.constant 1 : i32
      %swap3A_1146 = arith.index_cast %swap3A_1144 : i32 to index
      %swap3A_1147 = arith.index_cast %swap3A_1145 : i32 to index
      %swap3A_1148 = arith.constant 16 : index
      %swap3A_1149 = tpu.vector_load %arg8[%swap3A_1146, %swap3A_1147, %swap3A_1148] {strides = array<i32>} : memref<2x8x64xf32, #tpu.memory_space<vmem>>, vector<1x1x16xf32>,
      %swap3A_1150 = vector.shape_cast %swap3A_1149 : vector<1x1x16xf32> to vector<16xf32>
      %swap3A_1151 = vector.shape_cast %scan3A_1134#1 : vector<16xf32> to vector<1x1x16xf32>
      tpu.vector_store %arg8[%swap3A_1146, %swap3A_1147, %swap3A_1148], %swap3A_1151 {strides = array<i32>} : memref<2x8x64xf32, #tpu.memory_space<vmem>>, vector<1x1x16xf32>,
      %swap3A_1152 = arith.constant 1 : i32
      %swap3A_1153 = arith.constant 2 : i32
      %swap3A_1154 = arith.index_cast %swap3A_1152 : i32 to index
      %swap3A_1155 = arith.index_cast %swap3A_1153 : i32 to index
      %swap3A_1156 = arith.constant 16 : index
      %swap3A_1157 = tpu.vector_load %arg8[%swap3A_1154, %swap3A_1155, %swap3A_1156] {strides = array<i32>} : memref<2x8x64xf32, #tpu.memory_space<vmem>>, vector<1x1x16xf32>,
      %swap3A_1158 = vector.shape_cast %swap3A_1157 : vector<1x1x16xf32> to vector<16xf32>
      %swap3A_1159 = vector.shape_cast %scan3A_1134#2 : vector<16xf32> to vector<1x1x16xf32>
      tpu.vector_store %arg8[%swap3A_1154, %swap3A_1155, %swap3A_1156], %swap3A_1159 {strides = array<i32>} : memref<2x8x64xf32, #tpu.memory_space<vmem>>, vector<1x1x16xf32>,
      %swap3A_1160 = arith.constant 1 : i32
      %swap3A_1161 = arith.constant 3 : i32
      %swap3A_1162 = arith.index_cast %swap3A_1160 : i32 to index
      %swap3A_1163 = arith.index_cast %swap3A_1161 : i32 to index
      %swap3A_1164 = arith.constant 16 : index
      %swap3A_1165 = tpu.vector_load %arg8[%swap3A_1162, %swap3A_1163, %swap3A_1164] {strides = array<i32>} : memref<2x8x64xf32, #tpu.memory_space<vmem>>, vector<1x1x16xf32>,
      %swap3A_1166 = vector.shape_cast %swap3A_1165 : vector<1x1x16xf32> to vector<16xf32>
      %swap3A_1167 = vector.shape_cast %scan3A_1134#3 : vector<16xf32> to vector<1x1x16xf32>
      tpu.vector_store %arg8[%swap3A_1162, %swap3A_1163, %swap3A_1164], %swap3A_1167 {strides = array<i32>} : memref<2x8x64xf32, #tpu.memory_space<vmem>>, vector<1x1x16xf32>,
      %swap3A_1168 = arith.constant 1 : i32
      %swap3A_1169 = arith.constant 4 : i32
      %swap3A_1170 = arith.index_cast %swap3A_1168 : i32 to index
      %swap3A_1171 = arith.index_cast %swap3A_1169 : i32 to index
      %swap3A_1172 = arith.constant 16 : index
      %swap3A_1173 = tpu.vector_load %arg8[%swap3A_1170, %swap3A_1171, %swap3A_1172] {strides = array<i32>} : memref<2x8x64xf32, #tpu.memory_space<vmem>>, vector<1x1x16xf32>,
      %swap3A_1174 = vector.shape_cast %swap3A_1173 : vector<1x1x16xf32> to vector<16xf32>
      %swap3A_1175 = vector.shape_cast %scan3A_1134#4 : vector<16xf32> to vector<1x1x16xf32>
      tpu.vector_store %arg8[%swap3A_1170, %swap3A_1171, %swap3A_1172], %swap3A_1175 {strides = array<i32>} : memref<2x8x64xf32, #tpu.memory_space<vmem>>, vector<1x1x16xf32>,
      %swap3A_1176 = arith.constant 1 : i32
      %swap3A_1177 = arith.constant 5 : i32
      %swap3A_1178 = arith.index_cast %swap3A_1176 : i32 to index
      %swap3A_1179 = arith.index_cast %swap3A_1177 : i32 to index
      %swap3A_1180 = arith.constant 16 : index
      %swap3A_1181 = tpu.vector_load %arg8[%swap3A_1178, %swap3A_1179, %swap3A_1180] {strides = array<i32>} : memref<2x8x64xf32, #tpu.memory_space<vmem>>, vector<1x1x16xf32>,
      %swap3A_1182 = vector.shape_cast %swap3A_1181 : vector<1x1x16xf32> to vector<16xf32>
      %swap3A_1183 = vector.shape_cast %scan3A_1134#5 : vector<16xf32> to vector<1x1x16xf32>
      tpu.vector_store %arg8[%swap3A_1178, %swap3A_1179, %swap3A_1180], %swap3A_1183 {strides = array<i32>} : memref<2x8x64xf32, #tpu.memory_space<vmem>>, vector<1x1x16xf32>,
      %swap3A_1184 = arith.constant 1 : i32
      %swap3A_1185 = arith.constant 6 : i32
      %swap3A_1186 = arith.index_cast %swap3A_1184 : i32 to index
      %swap3A_1187 = arith.index_cast %swap3A_1185 : i32 to index
      %swap3A_1188 = arith.constant 16 : index
      %swap3A_1189 = tpu.vector_load %arg8[%swap3A_1186, %swap3A_1187, %swap3A_1188] {strides = array<i32>} : memref<2x8x64xf32, #tpu.memory_space<vmem>>, vector<1x1x16xf32>,
      %swap3A_1190 = vector.shape_cast %swap3A_1189 : vector<1x1x16xf32> to vector<16xf32>
      %swap3A_1191 = vector.shape_cast %scan3A_1134#6 : vector<16xf32> to vector<1x1x16xf32>
      tpu.vector_store %arg8[%swap3A_1186, %swap3A_1187, %swap3A_1188], %swap3A_1191 {strides = array<i32>} : memref<2x8x64xf32, #tpu.memory_space<vmem>>, vector<1x1x16xf32>,
      %swap3A_1192 = arith.constant 1 : i32
      %swap3A_1193 = arith.constant 7 : i32
      %swap3A_1194 = arith.index_cast %swap3A_1192 : i32 to index
      %swap3A_1195 = arith.index_cast %swap3A_1193 : i32 to index
      %swap3A_1196 = arith.constant 16 : index
      %swap3A_1197 = tpu.vector_load %arg8[%swap3A_1194, %swap3A_1195, %swap3A_1196] {strides = array<i32>} : memref<2x8x64xf32, #tpu.memory_space<vmem>>, vector<1x1x16xf32>,
      %swap3A_1198 = vector.shape_cast %swap3A_1197 : vector<1x1x16xf32> to vector<16xf32>
      %swap3A_1199 = vector.shape_cast %scan3A_1134#7 : vector<16xf32> to vector<1x1x16xf32>
      tpu.vector_store %arg8[%swap3A_1194, %swap3A_1195, %swap3A_1196], %swap3A_1199 {strides = array<i32>} : memref<2x8x64xf32, #tpu.memory_space<vmem>>, vector<1x1x16xf32>,
      %broadcast_in_dim3A_1200 = arith.constant 0.000000e+00 : f32
      %broadcast_in_dim3A_1201 = vector.broadcast %broadcast_in_dim3A_1200 : f32 to vector<16xf32>
      %broadcast_in_dim3A_1202 = arith.constant 0.000000e+00 : f32
      %broadcast_in_dim3A_1203 = vector.broadcast %broadcast_in_dim3A_1202 : f32 to vector<16xf32>
      %broadcast_in_dim3A_1204 = arith.constant 0.000000e+00 : f32
      %broadcast_in_dim3A_1205 = vector.broadcast %broadcast_in_dim3A_1204 : f32 to vector<16xf32>
      %broadcast_in_dim3A_1206 = arith.constant 0.000000e+00 : f32
      %broadcast_in_dim3A_1207 = vector.broadcast %broadcast_in_dim3A_1206 : f32 to vector<16xf32>
      %broadcast_in_dim3A_1208 = arith.constant 0.000000e+00 : f32
      %broadcast_in_dim3A_1209 = vector.broadcast %broadcast_in_dim3A_1208 : f32 to vector<16xf32>
      %broadcast_in_dim3A_1210 = arith.constant 0.000000e+00 : f32
      %broadcast_in_dim3A_1211 = vector.broadcast %broadcast_in_dim3A_1210 : f32 to vector<16xf32>
      %broadcast_in_dim3A_1212 = arith.constant 0.000000e+00 : f32
      %broadcast_in_dim3A_1213 = vector.broadcast %broadcast_in_dim3A_1212 : f32 to vector<16xf32>
      %broadcast_in_dim3A_1214 = arith.constant 0.000000e+00 : f32
      %broadcast_in_dim3A_1215 = vector.broadcast %broadcast_in_dim3A_1214 : f32 to vector<16xf32>
      %scan3A_1216 = arith.constant 0 : i32
      %scan3A_1217 = arith.constant 50 : i32
      %scan3A_1218 = arith.addi %scan3A_1216, %scan3A_1217 : i32
      %scan3A_1219 = arith.constant 1 : i32
      %scan3A_1220:8 = scf.for %scan3A_1395 = %scan3A_1216 to %scan3A_1218 step %scan3A_1219 iter_args(%scan3A_1396 = %broadcast_in_dim3A_1201, %scan3A_1397 = %broadcast_in_dim3A_1203, %scan3A_1398 = %broadcast_in_dim3A_1205, %scan3A_1399 = %broadcast_in_dim3A_1207, %scan3A_1400 = %broadcast_in_dim3A_1209, %scan3A_1401 = %broadcast_in_dim3A_1211, %scan3A_1402 = %broadcast_in_dim3A_1213, %scan3A_1403 = %broadcast_in_dim3A_1215) -> (vector<16xf32>, vector<16xf32>, vector<16xf32>, vector<16xf32>, vector<16xf32>, vector<16xf32>, vector<16xf32>, vector<16xf32>)  : i32 {
        %get3A = arith.index_cast %scan3A_1395 : i32 to index
        %get3A_1404 = arith.constant 32 : index
        %get3A_1405 = tpu.vector_load %arg9[%get3A, %get3A_1404] {strides = array<i32>} : memref<50x64xf32, #tpu.memory_space<vmem>>, vector<1x16xf32>,
        %get3A_1406 = vector.shape_cast %get3A_1405 : vector<1x16xf32> to vector<16xf32>
        %get3A_1407 = arith.constant 1 : i32
        %get3A_1408 = arith.constant 0 : i32
        %get3A_1409 = arith.index_cast %get3A_1407 : i32 to index
        %get3A_1410 = arith.index_cast %get3A_1408 : i32 to index
        %get3A_1411 = arith.index_cast %scan3A_1395 : i32 to index
        %get3A_1412 = arith.constant 32 : index
        %get3A_1413 = tpu.vector_load %arg7[%get3A_1409, %get3A_1410, %get3A_1411, %get3A_1412] {strides = array<i32>} : memref<2x8x50x64xf32, #tpu.memory_space<vmem>>, vector<1x1x1x16xf32>,
        %get3A_1414 = vector.shape_cast %get3A_1413 : vector<1x1x1x16xf32> to vector<16xf32>
        %mul3A_1415 = arith.mulf %get3A_1414, %get3A_1406 : vector<16xf32>
        %add3A_1416 = arith.addf %scan3A_1396, %mul3A_1415 : vector<16xf32>
        %get3A_1417 = arith.constant 1 : i32
        %get3A_1418 = arith.constant 1 : i32
        %get3A_1419 = arith.index_cast %get3A_1417 : i32 to index
        %get3A_1420 = arith.index_cast %get3A_1418 : i32 to index
        %get3A_1421 = arith.index_cast %scan3A_1395 : i32 to index
        %get3A_1422 = arith.constant 32 : index
        %get3A_1423 = tpu.vector_load %arg7[%get3A_1419, %get3A_1420, %get3A_1421, %get3A_1422] {strides = array<i32>} : memref<2x8x50x64xf32, #tpu.memory_space<vmem>>, vector<1x1x1x16xf32>,
        %get3A_1424 = vector.shape_cast %get3A_1423 : vector<1x1x1x16xf32> to vector<16xf32>
        %mul3A_1425 = arith.mulf %get3A_1424, %get3A_1406 : vector<16xf32>
        %add3A_1426 = arith.addf %scan3A_1397, %mul3A_1425 : vector<16xf32>
        %get3A_1427 = arith.constant 1 : i32
        %get3A_1428 = arith.constant 2 : i32
        %get3A_1429 = arith.index_cast %get3A_1427 : i32 to index
        %get3A_1430 = arith.index_cast %get3A_1428 : i32 to index
        %get3A_1431 = arith.index_cast %scan3A_1395 : i32 to index
        %get3A_1432 = arith.constant 32 : index
        %get3A_1433 = tpu.vector_load %arg7[%get3A_1429, %get3A_1430, %get3A_1431, %get3A_1432] {strides = array<i32>} : memref<2x8x50x64xf32, #tpu.memory_space<vmem>>, vector<1x1x1x16xf32>,
        %get3A_1434 = vector.shape_cast %get3A_1433 : vector<1x1x1x16xf32> to vector<16xf32>
        %mul3A_1435 = arith.mulf %get3A_1434, %get3A_1406 : vector<16xf32>
        %add3A_1436 = arith.addf %scan3A_1398, %mul3A_1435 : vector<16xf32>
        %get3A_1437 = arith.constant 1 : i32
        %get3A_1438 = arith.constant 3 : i32
        %get3A_1439 = arith.index_cast %get3A_1437 : i32 to index
        %get3A_1440 = arith.index_cast %get3A_1438 : i32 to index
        %get3A_1441 = arith.index_cast %scan3A_1395 : i32 to index
        %get3A_1442 = arith.constant 32 : index
        %get3A_1443 = tpu.vector_load %arg7[%get3A_1439, %get3A_1440, %get3A_1441, %get3A_1442] {strides = array<i32>} : memref<2x8x50x64xf32, #tpu.memory_space<vmem>>, vector<1x1x1x16xf32>,
        %get3A_1444 = vector.shape_cast %get3A_1443 : vector<1x1x1x16xf32> to vector<16xf32>
        %mul3A_1445 = arith.mulf %get3A_1444, %get3A_1406 : vector<16xf32>
        %add3A_1446 = arith.addf %scan3A_1399, %mul3A_1445 : vector<16xf32>
        %get3A_1447 = arith.constant 1 : i32
        %get3A_1448 = arith.constant 4 : i32
        %get3A_1449 = arith.index_cast %get3A_1447 : i32 to index
        %get3A_1450 = arith.index_cast %get3A_1448 : i32 to index
        %get3A_1451 = arith.index_cast %scan3A_1395 : i32 to index
        %get3A_1452 = arith.constant 32 : index
        %get3A_1453 = tpu.vector_load %arg7[%get3A_1449, %get3A_1450, %get3A_1451, %get3A_1452] {strides = array<i32>} : memref<2x8x50x64xf32, #tpu.memory_space<vmem>>, vector<1x1x1x16xf32>,
        %get3A_1454 = vector.shape_cast %get3A_1453 : vector<1x1x1x16xf32> to vector<16xf32>
        %mul3A_1455 = arith.mulf %get3A_1454, %get3A_1406 : vector<16xf32>
        %add3A_1456 = arith.addf %scan3A_1400, %mul3A_1455 : vector<16xf32>
        %get3A_1457 = arith.constant 1 : i32
        %get3A_1458 = arith.constant 5 : i32
        %get3A_1459 = arith.index_cast %get3A_1457 : i32 to index
        %get3A_1460 = arith.index_cast %get3A_1458 : i32 to index
        %get3A_1461 = arith.index_cast %scan3A_1395 : i32 to index
        %get3A_1462 = arith.constant 32 : index
        %get3A_1463 = tpu.vector_load %arg7[%get3A_1459, %get3A_1460, %get3A_1461, %get3A_1462] {strides = array<i32>} : memref<2x8x50x64xf32, #tpu.memory_space<vmem>>, vector<1x1x1x16xf32>,
        %get3A_1464 = vector.shape_cast %get3A_1463 : vector<1x1x1x16xf32> to vector<16xf32>
        %mul3A_1465 = arith.mulf %get3A_1464, %get3A_1406 : vector<16xf32>
        %add3A_1466 = arith.addf %scan3A_1401, %mul3A_1465 : vector<16xf32>
        %get3A_1467 = arith.constant 1 : i32
        %get3A_1468 = arith.constant 6 : i32
        %get3A_1469 = arith.index_cast %get3A_1467 : i32 to index
        %get3A_1470 = arith.index_cast %get3A_1468 : i32 to index
        %get3A_1471 = arith.index_cast %scan3A_1395 : i32 to index
        %get3A_1472 = arith.constant 32 : index
        %get3A_1473 = tpu.vector_load %arg7[%get3A_1469, %get3A_1470, %get3A_1471, %get3A_1472] {strides = array<i32>} : memref<2x8x50x64xf32, #tpu.memory_space<vmem>>, vector<1x1x1x16xf32>,
        %get3A_1474 = vector.shape_cast %get3A_1473 : vector<1x1x1x16xf32> to vector<16xf32>
        %mul3A_1475 = arith.mulf %get3A_1474, %get3A_1406 : vector<16xf32>
        %add3A_1476 = arith.addf %scan3A_1402, %mul3A_1475 : vector<16xf32>
        %get3A_1477 = arith.constant 1 : i32
        %get3A_1478 = arith.constant 7 : i32
        %get3A_1479 = arith.index_cast %get3A_1477 : i32 to index
        %get3A_1480 = arith.index_cast %get3A_1478 : i32 to index
        %get3A_1481 = arith.index_cast %scan3A_1395 : i32 to index
        %get3A_1482 = arith.constant 32 : index
        %get3A_1483 = tpu.vector_load %arg7[%get3A_1479, %get3A_1480, %get3A_1481, %get3A_1482] {strides = array<i32>} : memref<2x8x50x64xf32, #tpu.memory_space<vmem>>, vector<1x1x1x16xf32>,
        %get3A_1484 = vector.shape_cast %get3A_1483 : vector<1x1x1x16xf32> to vector<16xf32>
        %mul3A_1485 = arith.mulf %get3A_1484, %get3A_1406 : vector<16xf32>
        %add3A_1486 = arith.addf %scan3A_1403, %mul3A_1485 : vector<16xf32>
        scf.yield %add3A_1416, %add3A_1426, %add3A_1436, %add3A_1446, %add3A_1456, %add3A_1466, %add3A_1476, %add3A_1486 : vector<16xf32>, vector<16xf32>, vector<16xf32>, vector<16xf32>, vector<16xf32>, vector<16xf32>, vector<16xf32>, vector<16xf32>
      }
      %scan3A_1221 = arith.constant 50 : i32
      %swap3A_1222 = arith.constant 1 : i32
      %swap3A_1223 = arith.constant 0 : i32
      %swap3A_1224 = arith.index_cast %swap3A_1222 : i32 to index
      %swap3A_1225 = arith.index_cast %swap3A_1223 : i32 to index
      %swap3A_1226 = arith.constant 32 : index
      %swap3A_1227 = tpu.vector_load %arg8[%swap3A_1224, %swap3A_1225, %swap3A_1226] {strides = array<i32>} : memref<2x8x64xf32, #tpu.memory_space<vmem>>, vector<1x1x16xf32>,
      %swap3A_1228 = vector.shape_cast %swap3A_1227 : vector<1x1x16xf32> to vector<16xf32>
      %swap3A_1229 = vector.shape_cast %scan3A_1220#0 : vector<16xf32> to vector<1x1x16xf32>
      tpu.vector_store %arg8[%swap3A_1224, %swap3A_1225, %swap3A_1226], %swap3A_1229 {strides = array<i32>} : memref<2x8x64xf32, #tpu.memory_space<vmem>>, vector<1x1x16xf32>,
      %swap3A_1230 = arith.constant 1 : i32
      %swap3A_1231 = arith.constant 1 : i32
      %swap3A_1232 = arith.index_cast %swap3A_1230 : i32 to index
      %swap3A_1233 = arith.index_cast %swap3A_1231 : i32 to index
      %swap3A_1234 = arith.constant 32 : index
      %swap3A_1235 = tpu.vector_load %arg8[%swap3A_1232, %swap3A_1233, %swap3A_1234] {strides = array<i32>} : memref<2x8x64xf32, #tpu.memory_space<vmem>>, vector<1x1x16xf32>,
      %swap3A_1236 = vector.shape_cast %swap3A_1235 : vector<1x1x16xf32> to vector<16xf32>
      %swap3A_1237 = vector.shape_cast %scan3A_1220#1 : vector<16xf32> to vector<1x1x16xf32>
      tpu.vector_store %arg8[%swap3A_1232, %swap3A_1233, %swap3A_1234], %swap3A_1237 {strides = array<i32>} : memref<2x8x64xf32, #tpu.memory_space<vmem>>, vector<1x1x16xf32>,
      %swap3A_1238 = arith.constant 1 : i32
      %swap3A_1239 = arith.constant 2 : i32
      %swap3A_1240 = arith.index_cast %swap3A_1238 : i32 to index
      %swap3A_1241 = arith.index_cast %swap3A_1239 : i32 to index
      %swap3A_1242 = arith.constant 32 : index
      %swap3A_1243 = tpu.vector_load %arg8[%swap3A_1240, %swap3A_1241, %swap3A_1242] {strides = array<i32>} : memref<2x8x64xf32, #tpu.memory_space<vmem>>, vector<1x1x16xf32>,
      %swap3A_1244 = vector.shape_cast %swap3A_1243 : vector<1x1x16xf32> to vector<16xf32>
      %swap3A_1245 = vector.shape_cast %scan3A_1220#2 : vector<16xf32> to vector<1x1x16xf32>
      tpu.vector_store %arg8[%swap3A_1240, %swap3A_1241, %swap3A_1242], %swap3A_1245 {strides = array<i32>} : memref<2x8x64xf32, #tpu.memory_space<vmem>>, vector<1x1x16xf32>,
      %swap3A_1246 = arith.constant 1 : i32
      %swap3A_1247 = arith.constant 3 : i32
      %swap3A_1248 = arith.index_cast %swap3A_1246 : i32 to index
      %swap3A_1249 = arith.index_cast %swap3A_1247 : i32 to index
      %swap3A_1250 = arith.constant 32 : index
      %swap3A_1251 = tpu.vector_load %arg8[%swap3A_1248, %swap3A_1249, %swap3A_1250] {strides = array<i32>} : memref<2x8x64xf32, #tpu.memory_space<vmem>>, vector<1x1x16xf32>,
      %swap3A_1252 = vector.shape_cast %swap3A_1251 : vector<1x1x16xf32> to vector<16xf32>
      %swap3A_1253 = vector.shape_cast %scan3A_1220#3 : vector<16xf32> to vector<1x1x16xf32>
      tpu.vector_store %arg8[%swap3A_1248, %swap3A_1249, %swap3A_1250], %swap3A_1253 {strides = array<i32>} : memref<2x8x64xf32, #tpu.memory_space<vmem>>, vector<1x1x16xf32>,
      %swap3A_1254 = arith.constant 1 : i32
      %swap3A_1255 = arith.constant 4 : i32
      %swap3A_1256 = arith.index_cast %swap3A_1254 : i32 to index
      %swap3A_1257 = arith.index_cast %swap3A_1255 : i32 to index
      %swap3A_1258 = arith.constant 32 : index
      %swap3A_1259 = tpu.vector_load %arg8[%swap3A_1256, %swap3A_1257, %swap3A_1258] {strides = array<i32>} : memref<2x8x64xf32, #tpu.memory_space<vmem>>, vector<1x1x16xf32>,
      %swap3A_1260 = vector.shape_cast %swap3A_1259 : vector<1x1x16xf32> to vector<16xf32>
      %swap3A_1261 = vector.shape_cast %scan3A_1220#4 : vector<16xf32> to vector<1x1x16xf32>
      tpu.vector_store %arg8[%swap3A_1256, %swap3A_1257, %swap3A_1258], %swap3A_1261 {strides = array<i32>} : memref<2x8x64xf32, #tpu.memory_space<vmem>>, vector<1x1x16xf32>,
      %swap3A_1262 = arith.constant 1 : i32
      %swap3A_1263 = arith.constant 5 : i32
      %swap3A_1264 = arith.index_cast %swap3A_1262 : i32 to index
      %swap3A_1265 = arith.index_cast %swap3A_1263 : i32 to index
      %swap3A_1266 = arith.constant 32 : index
      %swap3A_1267 = tpu.vector_load %arg8[%swap3A_1264, %swap3A_1265, %swap3A_1266] {strides = array<i32>} : memref<2x8x64xf32, #tpu.memory_space<vmem>>, vector<1x1x16xf32>,
      %swap3A_1268 = vector.shape_cast %swap3A_1267 : vector<1x1x16xf32> to vector<16xf32>
      %swap3A_1269 = vector.shape_cast %scan3A_1220#5 : vector<16xf32> to vector<1x1x16xf32>
      tpu.vector_store %arg8[%swap3A_1264, %swap3A_1265, %swap3A_1266], %swap3A_1269 {strides = array<i32>} : memref<2x8x64xf32, #tpu.memory_space<vmem>>, vector<1x1x16xf32>,
      %swap3A_1270 = arith.constant 1 : i32
      %swap3A_1271 = arith.constant 6 : i32
      %swap3A_1272 = arith.index_cast %swap3A_1270 : i32 to index
      %swap3A_1273 = arith.index_cast %swap3A_1271 : i32 to index
      %swap3A_1274 = arith.constant 32 : index
      %swap3A_1275 = tpu.vector_load %arg8[%swap3A_1272, %swap3A_1273, %swap3A_1274] {strides = array<i32>} : memref<2x8x64xf32, #tpu.memory_space<vmem>>, vector<1x1x16xf32>,
      %swap3A_1276 = vector.shape_cast %swap3A_1275 : vector<1x1x16xf32> to vector<16xf32>
      %swap3A_1277 = vector.shape_cast %scan3A_1220#6 : vector<16xf32> to vector<1x1x16xf32>
      tpu.vector_store %arg8[%swap3A_1272, %swap3A_1273, %swap3A_1274], %swap3A_1277 {strides = array<i32>} : memref<2x8x64xf32, #tpu.memory_space<vmem>>, vector<1x1x16xf32>,
      %swap3A_1278 = arith.constant 1 : i32
      %swap3A_1279 = arith.constant 7 : i32
      %swap3A_1280 = arith.index_cast %swap3A_1278 : i32 to index
      %swap3A_1281 = arith.index_cast %swap3A_1279 : i32 to index
      %swap3A_1282 = arith.constant 32 : index
      %swap3A_1283 = tpu.vector_load %arg8[%swap3A_1280, %swap3A_1281, %swap3A_1282] {strides = array<i32>} : memref<2x8x64xf32, #tpu.memory_space<vmem>>, vector<1x1x16xf32>,
      %swap3A_1284 = vector.shape_cast %swap3A_1283 : vector<1x1x16xf32> to vector<16xf32>
      %swap3A_1285 = vector.shape_cast %scan3A_1220#7 : vector<16xf32> to vector<1x1x16xf32>
      tpu.vector_store %arg8[%swap3A_1280, %swap3A_1281, %swap3A_1282], %swap3A_1285 {strides = array<i32>} : memref<2x8x64xf32, #tpu.memory_space<vmem>>, vector<1x1x16xf32>,
      %broadcast_in_dim3A_1286 = arith.constant 0.000000e+00 : f32
      %broadcast_in_dim3A_1287 = vector.broadcast %broadcast_in_dim3A_1286 : f32 to vector<16xf32>
      %broadcast_in_dim3A_1288 = arith.constant 0.000000e+00 : f32
      %broadcast_in_dim3A_1289 = vector.broadcast %broadcast_in_dim3A_1288 : f32 to vector<16xf32>
      %broadcast_in_dim3A_1290 = arith.constant 0.000000e+00 : f32
      %broadcast_in_dim3A_1291 = vector.broadcast %broadcast_in_dim3A_1290 : f32 to vector<16xf32>
      %broadcast_in_dim3A_1292 = arith.constant 0.000000e+00 : f32
      %broadcast_in_dim3A_1293 = vector.broadcast %broadcast_in_dim3A_1292 : f32 to vector<16xf32>
      %broadcast_in_dim3A_1294 = arith.constant 0.000000e+00 : f32
      %broadcast_in_dim3A_1295 = vector.broadcast %broadcast_in_dim3A_1294 : f32 to vector<16xf32>
      %broadcast_in_dim3A_1296 = arith.constant 0.000000e+00 : f32
      %broadcast_in_dim3A_1297 = vector.broadcast %broadcast_in_dim3A_1296 : f32 to vector<16xf32>
      %broadcast_in_dim3A_1298 = arith.constant 0.000000e+00 : f32
      %broadcast_in_dim3A_1299 = vector.broadcast %broadcast_in_dim3A_1298 : f32 to vector<16xf32>
      %broadcast_in_dim3A_1300 = arith.constant 0.000000e+00 : f32
      %broadcast_in_dim3A_1301 = vector.broadcast %broadcast_in_dim3A_1300 : f32 to vector<16xf32>
      %scan3A_1302 = arith.constant 0 : i32
      %scan3A_1303 = arith.constant 50 : i32
      %scan3A_1304 = arith.addi %scan3A_1302, %scan3A_1303 : i32
      %scan3A_1305 = arith.constant 1 : i32
      %scan3A_1306:8 = scf.for %scan3A_1395 = %scan3A_1302 to %scan3A_1304 step %scan3A_1305 iter_args(%scan3A_1396 = %broadcast_in_dim3A_1287, %scan3A_1397 = %broadcast_in_dim3A_1289, %scan3A_1398 = %broadcast_in_dim3A_1291, %scan3A_1399 = %broadcast_in_dim3A_1293, %scan3A_1400 = %broadcast_in_dim3A_1295, %scan3A_1401 = %broadcast_in_dim3A_1297, %scan3A_1402 = %broadcast_in_dim3A_1299, %scan3A_1403 = %broadcast_in_dim3A_1301) -> (vector<16xf32>, vector<16xf32>, vector<16xf32>, vector<16xf32>, vector<16xf32>, vector<16xf32>, vector<16xf32>, vector<16xf32>)  : i32 {
        %get3A = arith.index_cast %scan3A_1395 : i32 to index
        %get3A_1404 = arith.constant 48 : index
        %get3A_1405 = tpu.vector_load %arg9[%get3A, %get3A_1404] {strides = array<i32>} : memref<50x64xf32, #tpu.memory_space<vmem>>, vector<1x16xf32>,
        %get3A_1406 = vector.shape_cast %get3A_1405 : vector<1x16xf32> to vector<16xf32>
        %get3A_1407 = arith.constant 1 : i32
        %get3A_1408 = arith.constant 0 : i32
        %get3A_1409 = arith.index_cast %get3A_1407 : i32 to index
        %get3A_1410 = arith.index_cast %get3A_1408 : i32 to index
        %get3A_1411 = arith.index_cast %scan3A_1395 : i32 to index
        %get3A_1412 = arith.constant 48 : index
        %get3A_1413 = tpu.vector_load %arg7[%get3A_1409, %get3A_1410, %get3A_1411, %get3A_1412] {strides = array<i32>} : memref<2x8x50x64xf32, #tpu.memory_space<vmem>>, vector<1x1x1x16xf32>,
        %get3A_1414 = vector.shape_cast %get3A_1413 : vector<1x1x1x16xf32> to vector<16xf32>
        %mul3A_1415 = arith.mulf %get3A_1414, %get3A_1406 : vector<16xf32>
        %add3A_1416 = arith.addf %scan3A_1396, %mul3A_1415 : vector<16xf32>
        %get3A_1417 = arith.constant 1 : i32
        %get3A_1418 = arith.constant 1 : i32
        %get3A_1419 = arith.index_cast %get3A_1417 : i32 to index
        %get3A_1420 = arith.index_cast %get3A_1418 : i32 to index
        %get3A_1421 = arith.index_cast %scan3A_1395 : i32 to index
        %get3A_1422 = arith.constant 48 : index
        %get3A_1423 = tpu.vector_load %arg7[%get3A_1419, %get3A_1420, %get3A_1421, %get3A_1422] {strides = array<i32>} : memref<2x8x50x64xf32, #tpu.memory_space<vmem>>, vector<1x1x1x16xf32>,
        %get3A_1424 = vector.shape_cast %get3A_1423 : vector<1x1x1x16xf32> to vector<16xf32>
        %mul3A_1425 = arith.mulf %get3A_1424, %get3A_1406 : vector<16xf32>
        %add3A_1426 = arith.addf %scan3A_1397, %mul3A_1425 : vector<16xf32>
        %get3A_1427 = arith.constant 1 : i32
        %get3A_1428 = arith.constant 2 : i32
        %get3A_1429 = arith.index_cast %get3A_1427 : i32 to index
        %get3A_1430 = arith.index_cast %get3A_1428 : i32 to index
        %get3A_1431 = arith.index_cast %scan3A_1395 : i32 to index
        %get3A_1432 = arith.constant 48 : index
        %get3A_1433 = tpu.vector_load %arg7[%get3A_1429, %get3A_1430, %get3A_1431, %get3A_1432] {strides = array<i32>} : memref<2x8x50x64xf32, #tpu.memory_space<vmem>>, vector<1x1x1x16xf32>,
        %get3A_1434 = vector.shape_cast %get3A_1433 : vector<1x1x1x16xf32> to vector<16xf32>
        %mul3A_1435 = arith.mulf %get3A_1434, %get3A_1406 : vector<16xf32>
        %add3A_1436 = arith.addf %scan3A_1398, %mul3A_1435 : vector<16xf32>
        %get3A_1437 = arith.constant 1 : i32
        %get3A_1438 = arith.constant 3 : i32
        %get3A_1439 = arith.index_cast %get3A_1437 : i32 to index
        %get3A_1440 = arith.index_cast %get3A_1438 : i32 to index
        %get3A_1441 = arith.index_cast %scan3A_1395 : i32 to index
        %get3A_1442 = arith.constant 48 : index
        %get3A_1443 = tpu.vector_load %arg7[%get3A_1439, %get3A_1440, %get3A_1441, %get3A_1442] {strides = array<i32>} : memref<2x8x50x64xf32, #tpu.memory_space<vmem>>, vector<1x1x1x16xf32>,
        %get3A_1444 = vector.shape_cast %get3A_1443 : vector<1x1x1x16xf32> to vector<16xf32>
        %mul3A_1445 = arith.mulf %get3A_1444, %get3A_1406 : vector<16xf32>
        %add3A_1446 = arith.addf %scan3A_1399, %mul3A_1445 : vector<16xf32>
        %get3A_1447 = arith.constant 1 : i32
        %get3A_1448 = arith.constant 4 : i32
        %get3A_1449 = arith.index_cast %get3A_1447 : i32 to index
        %get3A_1450 = arith.index_cast %get3A_1448 : i32 to index
        %get3A_1451 = arith.index_cast %scan3A_1395 : i32 to index
        %get3A_1452 = arith.constant 48 : index
        %get3A_1453 = tpu.vector_load %arg7[%get3A_1449, %get3A_1450, %get3A_1451, %get3A_1452] {strides = array<i32>} : memref<2x8x50x64xf32, #tpu.memory_space<vmem>>, vector<1x1x1x16xf32>,
        %get3A_1454 = vector.shape_cast %get3A_1453 : vector<1x1x1x16xf32> to vector<16xf32>
        %mul3A_1455 = arith.mulf %get3A_1454, %get3A_1406 : vector<16xf32>
        %add3A_1456 = arith.addf %scan3A_1400, %mul3A_1455 : vector<16xf32>
        %get3A_1457 = arith.constant 1 : i32
        %get3A_1458 = arith.constant 5 : i32
        %get3A_1459 = arith.index_cast %get3A_1457 : i32 to index
        %get3A_1460 = arith.index_cast %get3A_1458 : i32 to index
        %get3A_1461 = arith.index_cast %scan3A_1395 : i32 to index
        %get3A_1462 = arith.constant 48 : index
        %get3A_1463 = tpu.vector_load %arg7[%get3A_1459, %get3A_1460, %get3A_1461, %get3A_1462] {strides = array<i32>} : memref<2x8x50x64xf32, #tpu.memory_space<vmem>>, vector<1x1x1x16xf32>,
        %get3A_1464 = vector.shape_cast %get3A_1463 : vector<1x1x1x16xf32> to vector<16xf32>
        %mul3A_1465 = arith.mulf %get3A_1464, %get3A_1406 : vector<16xf32>
        %add3A_1466 = arith.addf %scan3A_1401, %mul3A_1465 : vector<16xf32>
        %get3A_1467 = arith.constant 1 : i32
        %get3A_1468 = arith.constant 6 : i32
        %get3A_1469 = arith.index_cast %get3A_1467 : i32 to index
        %get3A_1470 = arith.index_cast %get3A_1468 : i32 to index
        %get3A_1471 = arith.index_cast %scan3A_1395 : i32 to index
        %get3A_1472 = arith.constant 48 : index
        %get3A_1473 = tpu.vector_load %arg7[%get3A_1469, %get3A_1470, %get3A_1471, %get3A_1472] {strides = array<i32>} : memref<2x8x50x64xf32, #tpu.memory_space<vmem>>, vector<1x1x1x16xf32>,
        %get3A_1474 = vector.shape_cast %get3A_1473 : vector<1x1x1x16xf32> to vector<16xf32>
        %mul3A_1475 = arith.mulf %get3A_1474, %get3A_1406 : vector<16xf32>
        %add3A_1476 = arith.addf %scan3A_1402, %mul3A_1475 : vector<16xf32>
        %get3A_1477 = arith.constant 1 : i32
        %get3A_1478 = arith.constant 7 : i32
        %get3A_1479 = arith.index_cast %get3A_1477 : i32 to index
        %get3A_1480 = arith.index_cast %get3A_1478 : i32 to index
        %get3A_1481 = arith.index_cast %scan3A_1395 : i32 to index
        %get3A_1482 = arith.constant 48 : index
        %get3A_1483 = tpu.vector_load %arg7[%get3A_1479, %get3A_1480, %get3A_1481, %get3A_1482] {strides = array<i32>} : memref<2x8x50x64xf32, #tpu.memory_space<vmem>>, vector<1x1x1x16xf32>,
        %get3A_1484 = vector.shape_cast %get3A_1483 : vector<1x1x1x16xf32> to vector<16xf32>
        %mul3A_1485 = arith.mulf %get3A_1484, %get3A_1406 : vector<16xf32>
        %add3A_1486 = arith.addf %scan3A_1403, %mul3A_1485 : vector<16xf32>
        scf.yield %add3A_1416, %add3A_1426, %add3A_1436, %add3A_1446, %add3A_1456, %add3A_1466, %add3A_1476, %add3A_1486 : vector<16xf32>, vector<16xf32>, vector<16xf32>, vector<16xf32>, vector<16xf32>, vector<16xf32>, vector<16xf32>, vector<16xf32>
      }
      %scan3A_1307 = arith.constant 50 : i32
      %swap3A_1308 = arith.constant 1 : i32
      %swap3A_1309 = arith.constant 0 : i32
      %swap3A_1310 = arith.index_cast %swap3A_1308 : i32 to index
      %swap3A_1311 = arith.index_cast %swap3A_1309 : i32 to index
      %swap3A_1312 = arith.constant 48 : index
      %swap3A_1313 = tpu.vector_load %arg8[%swap3A_1310, %swap3A_1311, %swap3A_1312] {strides = array<i32>} : memref<2x8x64xf32, #tpu.memory_space<vmem>>, vector<1x1x16xf32>,
      %swap3A_1314 = vector.shape_cast %swap3A_1313 : vector<1x1x16xf32> to vector<16xf32>
      %swap3A_1315 = vector.shape_cast %scan3A_1306#0 : vector<16xf32> to vector<1x1x16xf32>
      tpu.vector_store %arg8[%swap3A_1310, %swap3A_1311, %swap3A_1312], %swap3A_1315 {strides = array<i32>} : memref<2x8x64xf32, #tpu.memory_space<vmem>>, vector<1x1x16xf32>,
      %swap3A_1316 = arith.constant 1 : i32
      %swap3A_1317 = arith.constant 1 : i32
      %swap3A_1318 = arith.index_cast %swap3A_1316 : i32 to index
      %swap3A_1319 = arith.index_cast %swap3A_1317 : i32 to index
      %swap3A_1320 = arith.constant 48 : index
      %swap3A_1321 = tpu.vector_load %arg8[%swap3A_1318, %swap3A_1319, %swap3A_1320] {strides = array<i32>} : memref<2x8x64xf32, #tpu.memory_space<vmem>>, vector<1x1x16xf32>,
      %swap3A_1322 = vector.shape_cast %swap3A_1321 : vector<1x1x16xf32> to vector<16xf32>
      %swap3A_1323 = vector.shape_cast %scan3A_1306#1 : vector<16xf32> to vector<1x1x16xf32>
      tpu.vector_store %arg8[%swap3A_1318, %swap3A_1319, %swap3A_1320], %swap3A_1323 {strides = array<i32>} : memref<2x8x64xf32, #tpu.memory_space<vmem>>, vector<1x1x16xf32>,
      %swap3A_1324 = arith.constant 1 : i32
      %swap3A_1325 = arith.constant 2 : i32
      %swap3A_1326 = arith.index_cast %swap3A_1324 : i32 to index
      %swap3A_1327 = arith.index_cast %swap3A_1325 : i32 to index
      %swap3A_1328 = arith.constant 48 : index
      %swap3A_1329 = tpu.vector_load %arg8[%swap3A_1326, %swap3A_1327, %swap3A_1328] {strides = array<i32>} : memref<2x8x64xf32, #tpu.memory_space<vmem>>, vector<1x1x16xf32>,
      %swap3A_1330 = vector.shape_cast %swap3A_1329 : vector<1x1x16xf32> to vector<16xf32>
      %swap3A_1331 = vector.shape_cast %scan3A_1306#2 : vector<16xf32> to vector<1x1x16xf32>
      tpu.vector_store %arg8[%swap3A_1326, %swap3A_1327, %swap3A_1328], %swap3A_1331 {strides = array<i32>} : memref<2x8x64xf32, #tpu.memory_space<vmem>>, vector<1x1x16xf32>,
      %swap3A_1332 = arith.constant 1 : i32
      %swap3A_1333 = arith.constant 3 : i32
      %swap3A_1334 = arith.index_cast %swap3A_1332 : i32 to index
      %swap3A_1335 = arith.index_cast %swap3A_1333 : i32 to index
      %swap3A_1336 = arith.constant 48 : index
      %swap3A_1337 = tpu.vector_load %arg8[%swap3A_1334, %swap3A_1335, %swap3A_1336] {strides = array<i32>} : memref<2x8x64xf32, #tpu.memory_space<vmem>>, vector<1x1x16xf32>,
      %swap3A_1338 = vector.shape_cast %swap3A_1337 : vector<1x1x16xf32> to vector<16xf32>
      %swap3A_1339 = vector.shape_cast %scan3A_1306#3 : vector<16xf32> to vector<1x1x16xf32>
      tpu.vector_store %arg8[%swap3A_1334, %swap3A_1335, %swap3A_1336], %swap3A_1339 {strides = array<i32>} : memref<2x8x64xf32, #tpu.memory_space<vmem>>, vector<1x1x16xf32>,
      %swap3A_1340 = arith.constant 1 : i32
      %swap3A_1341 = arith.constant 4 : i32
      %swap3A_1342 = arith.index_cast %swap3A_1340 : i32 to index
      %swap3A_1343 = arith.index_cast %swap3A_1341 : i32 to index
      %swap3A_1344 = arith.constant 48 : index
      %swap3A_1345 = tpu.vector_load %arg8[%swap3A_1342, %swap3A_1343, %swap3A_1344] {strides = array<i32>} : memref<2x8x64xf32, #tpu.memory_space<vmem>>, vector<1x1x16xf32>,
      %swap3A_1346 = vector.shape_cast %swap3A_1345 : vector<1x1x16xf32> to vector<16xf32>
      %swap3A_1347 = vector.shape_cast %scan3A_1306#4 : vector<16xf32> to vector<1x1x16xf32>
      tpu.vector_store %arg8[%swap3A_1342, %swap3A_1343, %swap3A_1344], %swap3A_1347 {strides = array<i32>} : memref<2x8x64xf32, #tpu.memory_space<vmem>>, vector<1x1x16xf32>,
      %swap3A_1348 = arith.constant 1 : i32
      %swap3A_1349 = arith.constant 5 : i32
      %swap3A_1350 = arith.index_cast %swap3A_1348 : i32 to index
      %swap3A_1351 = arith.index_cast %swap3A_1349 : i32 to index
      %swap3A_1352 = arith.constant 48 : index
      %swap3A_1353 = tpu.vector_load %arg8[%swap3A_1350, %swap3A_1351, %swap3A_1352] {strides = array<i32>} : memref<2x8x64xf32, #tpu.memory_space<vmem>>, vector<1x1x16xf32>,
      %swap3A_1354 = vector.shape_cast %swap3A_1353 : vector<1x1x16xf32> to vector<16xf32>
      %swap3A_1355 = vector.shape_cast %scan3A_1306#5 : vector<16xf32> to vector<1x1x16xf32>
      tpu.vector_store %arg8[%swap3A_1350, %swap3A_1351, %swap3A_1352], %swap3A_1355 {strides = array<i32>} : memref<2x8x64xf32, #tpu.memory_space<vmem>>, vector<1x1x16xf32>,
      %swap3A_1356 = arith.constant 1 : i32
      %swap3A_1357 = arith.constant 6 : i32
      %swap3A_1358 = arith.index_cast %swap3A_1356 : i32 to index
      %swap3A_1359 = arith.index_cast %swap3A_1357 : i32 to index
      %swap3A_1360 = arith.constant 48 : index
      %swap3A_1361 = tpu.vector_load %arg8[%swap3A_1358, %swap3A_1359, %swap3A_1360] {strides = array<i32>} : memref<2x8x64xf32, #tpu.memory_space<vmem>>, vector<1x1x16xf32>,
      %swap3A_1362 = vector.shape_cast %swap3A_1361 : vector<1x1x16xf32> to vector<16xf32>
      %swap3A_1363 = vector.shape_cast %scan3A_1306#6 : vector<16xf32> to vector<1x1x16xf32>
      tpu.vector_store %arg8[%swap3A_1358, %swap3A_1359, %swap3A_1360], %swap3A_1363 {strides = array<i32>} : memref<2x8x64xf32, #tpu.memory_space<vmem>>, vector<1x1x16xf32>,
      %swap3A_1364 = arith.constant 1 : i32
      %swap3A_1365 = arith.constant 7 : i32
      %swap3A_1366 = arith.index_cast %swap3A_1364 : i32 to index
      %swap3A_1367 = arith.index_cast %swap3A_1365 : i32 to index
      %swap3A_1368 = arith.constant 48 : index
      %swap3A_1369 = tpu.vector_load %arg8[%swap3A_1366, %swap3A_1367, %swap3A_1368] {strides = array<i32>} : memref<2x8x64xf32, #tpu.memory_space<vmem>>, vector<1x1x16xf32>,
      %swap3A_1370 = vector.shape_cast %swap3A_1369 : vector<1x1x16xf32> to vector<16xf32>
      %swap3A_1371 = vector.shape_cast %scan3A_1306#7 : vector<16xf32> to vector<1x1x16xf32>
      tpu.vector_store %arg8[%swap3A_1366, %swap3A_1367, %swap3A_1368], %swap3A_1371 {strides = array<i32>} : memref<2x8x64xf32, #tpu.memory_space<vmem>>, vector<1x1x16xf32>,
      %mul3A_1372 = arith.constant 8 : i32
      %mul3A_1373 = arith.muli %add3A_831, %mul3A_1372 : i32
      %add3A_1374 = arith.addi %mul3A_2, %mul3A_1373 : i32
      %dma_start3A_1375 = arith.constant 1 : i32
      %dma_start3A_1376 = arith.constant 0 : i32
      %dma_start3A_1377 = arith.constant 0 : i32
      %dma_start3A_1378 = tpu.memref_slice %arg8[%dma_start3A_1375, %dma_start3A_1376, %dma_start3A_1377] : memref<2x8x64xf32, #tpu.memory_space<vmem>> -> memref<1x8x64xf32, #tpu.memory_space<vmem>>
      %dma_start3A_1379 = tpu.memref_squeeze %dma_start3A_1378 : memref<1x8x64xf32, #tpu.memory_space<vmem>> -> memref<8x64xf32, #tpu.memory_space<vmem>>
      %dma_start3A_1380 = arith.constant 0 : i32
      %dma_start3A_1381 = tpu.memref_slice %arg5[%add3A_1374, %dma_start3A_1380] : memref<16384x64xf32, #tpu.memory_space<hbm>> -> memref<8x64xf32, #tpu.memory_space<hbm>>
      %dma_start3A_1382 = arith.constant 0 : i32
      %dma_start3A_1383 = tpu.memref_slice %arg5[%add3A_1374, %dma_start3A_1382] : memref<16384x64xf32, #tpu.memory_space<hbm>> -> memref<8x64xf32, #tpu.memory_space<hbm>>
      %dma_start3A_1384 = arith.constant 0 : i32
      %dma_start3A_1385 = arith.constant 0 : i32
      %dma_start3A_1386 = tpu.memref_slice %arg8[%dma_start3A_1375, %dma_start3A_1384, %dma_start3A_1385] : memref<2x8x64xf32, #tpu.memory_space<vmem>> -> memref<1x8x64xf32, #tpu.memory_space<vmem>>
      %dma_start3A_1387 = tpu.memref_squeeze %dma_start3A_1386 : memref<1x8x64xf32, #tpu.memory_space<vmem>> -> memref<8x64xf32, #tpu.memory_space<vmem>>
      tpu.enqueue_dma source(%dma_start3A_1387 : memref<8x64xf32, #tpu.memory_space<vmem>>) target(%dma_start3A_1383 : memref<8x64xf32, #tpu.memory_space<hbm>>) target_semaphore(%arg15 : memref<!tpu.dma_semaphore, #tpu.memory_space<semaphore_mem>>)
      %add3A_1388 = arith.constant 2 : i32
      %add3A_1389 = arith.addi %add3A_831, %add3A_1388 : i32
      %lt3A_1390 = arith.constant 64 : i32
      %lt3A_1391 = arith.cmpi slt, %add3A_1389, %lt3A_1390 : i32
      %convert_element_type3A_1392 = arith.extui %lt3A_1391 : i1 to i32
      %cond3A_1393 = arith.constant 0 : i32
      %cond3A_1394 = arith.cmpi ne, %convert_element_type3A_1392, %cond3A_1393 : i32
      scf.if %cond3A_1394 {
        %add3A_1395 = arith.constant 2 : i32
        %add3A_1396 = arith.addi %add3A_831, %add3A_1395 : i32
        %mul3A_1397 = arith.constant 8 : i32
        %mul3A_1398 = arith.muli %add3A_1396, %mul3A_1397 : i32
        %add3A_1399 = arith.addi %mul3A_2, %mul3A_1398 : i32
        %dma_start3A_1400 = arith.constant 1 : i32
        %dma_start3A_1401 = arith.constant 0 : i32
        %dma_start3A_1402 = arith.constant 0 : i32
        %dma_start3A_1403 = tpu.memref_slice %arg6[%dma_start3A_1400, %dma_start3A_1401, %dma_start3A_1402] : memref<2x8x50xi32, #tpu.memory_space<vmem>> -> memref<1x8x50xi32, #tpu.memory_space<vmem>>
        %dma_start3A_1404 = tpu.memref_squeeze %dma_start3A_1403 : memref<1x8x50xi32, #tpu.memory_space<vmem>> -> memref<8x50xi32, #tpu.memory_space<vmem>>
        %dma_start3A_1405 = arith.constant 0 : i32
        %dma_start3A_1406 = tpu.memref_slice %arg2[%add3A_1399, %dma_start3A_1405] : memref<16384x50xi32, #tpu.memory_space<hbm>> -> memref<8x50xi32, #tpu.memory_space<hbm>>
        %dma_start3A_1407 = arith.constant 0 : i32
        %dma_start3A_1408 = arith.constant 0 : i32
        %dma_start3A_1409 = tpu.memref_slice %arg6[%dma_start3A_1400, %dma_start3A_1407, %dma_start3A_1408] : memref<2x8x50xi32, #tpu.memory_space<vmem>> -> memref<1x8x50xi32, #tpu.memory_space<vmem>>
        %dma_start3A_1410 = tpu.memref_squeeze %dma_start3A_1409 : memref<1x8x50xi32, #tpu.memory_space<vmem>> -> memref<8x50xi32, #tpu.memory_space<vmem>>
        %dma_start3A_1411 = arith.constant 0 : i32
        %dma_start3A_1412 = tpu.memref_slice %arg2[%add3A_1399, %dma_start3A_1411] : memref<16384x50xi32, #tpu.memory_space<hbm>> -> memref<8x50xi32, #tpu.memory_space<hbm>>
        tpu.enqueue_dma source(%dma_start3A_1412 : memref<8x50xi32, #tpu.memory_space<hbm>>) target(%dma_start3A_1410 : memref<8x50xi32, #tpu.memory_space<vmem>>) target_semaphore(%arg11 : memref<!tpu.dma_semaphore, #tpu.memory_space<semaphore_mem>>)
      } else {
      }
    }
    %scan3A_233 = arith.constant 32 : i32
    %dma_wait3A_234 = arith.constant 0 : i32
    %dma_wait3A_235 = arith.constant 0 : i32
    %dma_wait3A_236 = arith.constant 0 : i32
    %dma_wait3A_237 = tpu.memref_slice %arg8[%dma_wait3A_234, %dma_wait3A_235, %dma_wait3A_236] : memref<2x8x64xf32, #tpu.memory_space<vmem>> -> memref<1x8x64xf32, #tpu.memory_space<vmem>>
    %dma_wait3A_238 = tpu.memref_squeeze %dma_wait3A_237 : memref<1x8x64xf32, #tpu.memory_space<vmem>> -> memref<8x64xf32, #tpu.memory_space<vmem>>
    %dma_wait3A_239 = arith.constant 0 : i32
    %dma_wait3A_240 = arith.constant 0 : i32
    %dma_wait3A_241 = tpu.memref_slice %arg5[%dma_wait3A_239, %dma_wait3A_240] : memref<16384x64xf32, #tpu.memory_space<hbm>> -> memref<8x64xf32, #tpu.memory_space<hbm>>
    %dma_wait3A_242 = arith.constant 0 : i32
    %dma_wait3A_243 = arith.constant 0 : i32
    %dma_wait3A_244 = tpu.memref_slice %arg5[%dma_wait3A_242, %dma_wait3A_243] : memref<16384x64xf32, #tpu.memory_space<hbm>> -> memref<8x64xf32, #tpu.memory_space<hbm>>
    %dma_wait3A_245 = arith.constant 0 : i32
    %dma_wait3A_246 = arith.constant 0 : i32
    %dma_wait3A_247 = tpu.memref_slice %arg8[%dma_wait3A_234, %dma_wait3A_245, %dma_wait3A_246] : memref<2x8x64xf32, #tpu.memory_space<vmem>> -> memref<1x8x64xf32, #tpu.memory_space<vmem>>
    %dma_wait3A_248 = tpu.memref_squeeze %dma_wait3A_247 : memref<1x8x64xf32, #tpu.memory_space<vmem>> -> memref<8x64xf32, #tpu.memory_space<vmem>>
    tpu.wait_dma2 semaphore(%arg14 : memref<!tpu.dma_semaphore, #tpu.memory_space<semaphore_mem>>) src(%dma_wait3A_248 : memref<8x64xf32, #tpu.memory_space<vmem>>) dst(%dma_wait3A_244 : memref<8x64xf32, #tpu.memory_space<hbm>>)
    %dma_wait3A_249 = arith.constant 1 : i32
    %dma_wait3A_250 = arith.constant 0 : i32
    %dma_wait3A_251 = arith.constant 0 : i32
    %dma_wait3A_252 = tpu.memref_slice %arg8[%dma_wait3A_249, %dma_wait3A_250, %dma_wait3A_251] : memref<2x8x64xf32, #tpu.memory_space<vmem>> -> memref<1x8x64xf32, #tpu.memory_space<vmem>>
    %dma_wait3A_253 = tpu.memref_squeeze %dma_wait3A_252 : memref<1x8x64xf32, #tpu.memory_space<vmem>> -> memref<8x64xf32, #tpu.memory_space<vmem>>
    %dma_wait3A_254 = arith.constant 0 : i32
    %dma_wait3A_255 = arith.constant 0 : i32
    %dma_wait3A_256 = tpu.memref_slice %arg5[%dma_wait3A_254, %dma_wait3A_255] : memref<16384x64xf32, #tpu.memory_space<hbm>> -> memref<8x64xf32, #tpu.memory_space<hbm>>
    %dma_wait3A_257 = arith.constant 0 : i32
    %dma_wait3A_258 = arith.constant 0 : i32
    %dma_wait3A_259 = tpu.memref_slice %arg5[%dma_wait3A_257, %dma_wait3A_258] : memref<16384x64xf32, #tpu.memory_space<hbm>> -> memref<8x64xf32, #tpu.memory_space<hbm>>
    %dma_wait3A_260 = arith.constant 0 : i32
    %dma_wait3A_261 = arith.constant 0 : i32
    %dma_wait3A_262 = tpu.memref_slice %arg8[%dma_wait3A_249, %dma_wait3A_260, %dma_wait3A_261] : memref<2x8x64xf32, #tpu.memory_space<vmem>> -> memref<1x8x64xf32, #tpu.memory_space<vmem>>
    %dma_wait3A_263 = tpu.memref_squeeze %dma_wait3A_262 : memref<1x8x64xf32, #tpu.memory_space<vmem>> -> memref<8x64xf32, #tpu.memory_space<vmem>>
    tpu.wait_dma2 semaphore(%arg15 : memref<!tpu.dma_semaphore, #tpu.memory_space<semaphore_mem>>) src(%dma_wait3A_263 : memref<8x64xf32, #tpu.memory_space<vmem>>) dst(%dma_wait3A_259 : memref<8x64xf32, #tpu.memory_space<hbm>>)
    return
  }
}

#map = affine_map<(d0, d1) -> (0)>
#map1 = affine_map<(d0, d1) -> (0, 0)>
module attributes {stable_mosaic.version = 14 : i64} {
  func.func @k(%arg0: i32, %arg1: i32, %arg2: memref<16384xi32, #tpu.memory_space<hbm>>, %arg3: memref<2031616x64xf32, #tpu.memory_space<hbm>>, %arg4: memref<16384x64xf32, #tpu.memory_space<hbm>>, %arg5: memref<512xi32, #tpu.memory_space<vmem>>, %arg6: memref<512x64xf32, #tpu.memory_space<vmem>>, %arg7: memref<!tpu.dma_semaphore, #tpu.memory_space<semaphore_mem>>) attributes {dimension_semantics = [#tpu.dimension_semantics<core_parallel>, #tpu.dimension_semantics<subcore_parallel>], iteration_bounds = array<i64: 2, 16>, scalar_prefetch = 0 : i64, scratch_operands = 3 : i64, tpu.core_type = #tpu.core_type<sc_vector_subcore>, window_params = [{transform_indices = #map}, {transform_indices = #map1}, {transform_indices = #map1}]} {
    %mul3A = arith.constant 2 : i32
    %mul3A_0 = arith.muli %arg1, %mul3A : i32
    %add3A = arith.addi %mul3A_0, %arg0 : i32
    %mul3A_1 = arith.constant 512 : i32
    %mul3A_2 = arith.muli %add3A, %mul3A_1 : i32
    "tpu.region"() ({
      %run_scoped3A = tpu.sem_alloc : memref<!tpu.dma_semaphore, #tpu.memory_space<semaphore_mem>>
      %dma_start3A_65 = tpu.memref_slice %arg2[%mul3A_2] : memref<16384xi32, #tpu.memory_space<hbm>> -> memref<512xi32, #tpu.memory_space<hbm>>
      %dma_start3A_66 = tpu.memref_slice %arg2[%mul3A_2] : memref<16384xi32, #tpu.memory_space<hbm>> -> memref<512xi32, #tpu.memory_space<hbm>>
      tpu.enqueue_dma source(%dma_start3A_66 : memref<512xi32, #tpu.memory_space<hbm>>) target(%arg5 : memref<512xi32, #tpu.memory_space<vmem>>) target_semaphore(%run_scoped3A : memref<!tpu.dma_semaphore, #tpu.memory_space<semaphore_mem>>)
      %dma_wait3A_67 = tpu.memref_slice %arg2[%mul3A_2] : memref<16384xi32, #tpu.memory_space<hbm>> -> memref<512xi32, #tpu.memory_space<hbm>>
      %dma_wait3A_68 = tpu.memref_slice %arg2[%mul3A_2] : memref<16384xi32, #tpu.memory_space<hbm>> -> memref<512xi32, #tpu.memory_space<hbm>>
      tpu.wait_dma2 semaphore(%run_scoped3A : memref<!tpu.dma_semaphore, #tpu.memory_space<semaphore_mem>>) src(%dma_wait3A_68 : memref<512xi32, #tpu.memory_space<hbm>>) dst(%arg5 : memref<512xi32, #tpu.memory_space<vmem>>)
      tpu.yield
    }) : () -> ()
    %dma_start3A = arith.constant 0 : i32
    %dma_start3A_3 = arith.constant 0 : i32
    %dma_start3A_4 = tpu.memref_slice %arg6[%dma_start3A, %dma_start3A_3] : memref<512x64xf32, #tpu.memory_space<vmem>> -> memref<128x64xf32, #tpu.memory_space<vmem>>
    %dma_start3A_5 = arith.constant 0 : i32
    %dma_start3A_6 = tpu.memref_slice %arg5[%dma_start3A_5] : memref<512xi32, #tpu.memory_space<vmem>> -> memref<128xi32, #tpu.memory_space<vmem>>
    %dma_start3A_7 = arith.constant 0 : i32
    %dma_start3A_8 = arith.constant 0 : i32
    %dma_start3A_9 = tpu.memref_slice %arg3[%dma_start3A_7, %dma_start3A_8] : memref<2031616x64xf32, #tpu.memory_space<hbm>> -> memref<2031616x64xf32, #tpu.memory_space<hbm>>
    tpu.enqueue_indirect_dma source(%dma_start3A_9 : memref<2031616x64xf32, #tpu.memory_space<hbm>>) target(%dma_start3A_4 : memref<128x64xf32, #tpu.memory_space<vmem>>) offsets(%dma_start3A_6 : memref<128xi32, #tpu.memory_space<vmem>>) semaphore(%arg7 : memref<!tpu.dma_semaphore, #tpu.memory_space<semaphore_mem>>)
    %dma_start3A_10 = arith.constant 128 : i32
    %dma_start3A_11 = arith.constant 0 : i32
    %dma_start3A_12 = tpu.memref_slice %arg6[%dma_start3A_10, %dma_start3A_11] : memref<512x64xf32, #tpu.memory_space<vmem>> -> memref<128x64xf32, #tpu.memory_space<vmem>>
    %dma_start3A_13 = arith.constant 128 : i32
    %dma_start3A_14 = tpu.memref_slice %arg5[%dma_start3A_13] : memref<512xi32, #tpu.memory_space<vmem>> -> memref<128xi32, #tpu.memory_space<vmem>>
    %dma_start3A_15 = arith.constant 0 : i32
    %dma_start3A_16 = arith.constant 0 : i32
    %dma_start3A_17 = tpu.memref_slice %arg3[%dma_start3A_15, %dma_start3A_16] : memref<2031616x64xf32, #tpu.memory_space<hbm>> -> memref<2031616x64xf32, #tpu.memory_space<hbm>>
    tpu.enqueue_indirect_dma source(%dma_start3A_17 : memref<2031616x64xf32, #tpu.memory_space<hbm>>) target(%dma_start3A_12 : memref<128x64xf32, #tpu.memory_space<vmem>>) offsets(%dma_start3A_14 : memref<128xi32, #tpu.memory_space<vmem>>) semaphore(%arg7 : memref<!tpu.dma_semaphore, #tpu.memory_space<semaphore_mem>>)
    %dma_start3A_18 = arith.constant 256 : i32
    %dma_start3A_19 = arith.constant 0 : i32
    %dma_start3A_20 = tpu.memref_slice %arg6[%dma_start3A_18, %dma_start3A_19] : memref<512x64xf32, #tpu.memory_space<vmem>> -> memref<128x64xf32, #tpu.memory_space<vmem>>
    %dma_start3A_21 = arith.constant 256 : i32
    %dma_start3A_22 = tpu.memref_slice %arg5[%dma_start3A_21] : memref<512xi32, #tpu.memory_space<vmem>> -> memref<128xi32, #tpu.memory_space<vmem>>
    %dma_start3A_23 = arith.constant 0 : i32
    %dma_start3A_24 = arith.constant 0 : i32
    %dma_start3A_25 = tpu.memref_slice %arg3[%dma_start3A_23, %dma_start3A_24] : memref<2031616x64xf32, #tpu.memory_space<hbm>> -> memref<2031616x64xf32, #tpu.memory_space<hbm>>
    tpu.enqueue_indirect_dma source(%dma_start3A_25 : memref<2031616x64xf32, #tpu.memory_space<hbm>>) target(%dma_start3A_20 : memref<128x64xf32, #tpu.memory_space<vmem>>) offsets(%dma_start3A_22 : memref<128xi32, #tpu.memory_space<vmem>>) semaphore(%arg7 : memref<!tpu.dma_semaphore, #tpu.memory_space<semaphore_mem>>)
    %dma_start3A_26 = arith.constant 384 : i32
    %dma_start3A_27 = arith.constant 0 : i32
    %dma_start3A_28 = tpu.memref_slice %arg6[%dma_start3A_26, %dma_start3A_27] : memref<512x64xf32, #tpu.memory_space<vmem>> -> memref<128x64xf32, #tpu.memory_space<vmem>>
    %dma_start3A_29 = arith.constant 384 : i32
    %dma_start3A_30 = tpu.memref_slice %arg5[%dma_start3A_29] : memref<512xi32, #tpu.memory_space<vmem>> -> memref<128xi32, #tpu.memory_space<vmem>>
    %dma_start3A_31 = arith.constant 0 : i32
    %dma_start3A_32 = arith.constant 0 : i32
    %dma_start3A_33 = tpu.memref_slice %arg3[%dma_start3A_31, %dma_start3A_32] : memref<2031616x64xf32, #tpu.memory_space<hbm>> -> memref<2031616x64xf32, #tpu.memory_space<hbm>>
    tpu.enqueue_indirect_dma source(%dma_start3A_33 : memref<2031616x64xf32, #tpu.memory_space<hbm>>) target(%dma_start3A_28 : memref<128x64xf32, #tpu.memory_space<vmem>>) offsets(%dma_start3A_30 : memref<128xi32, #tpu.memory_space<vmem>>) semaphore(%arg7 : memref<!tpu.dma_semaphore, #tpu.memory_space<semaphore_mem>>)
    %dma_wait3A = arith.constant 0 : i32
    %dma_wait3A_34 = arith.constant 0 : i32
    %dma_wait3A_35 = tpu.memref_slice %arg6[%dma_wait3A, %dma_wait3A_34] : memref<512x64xf32, #tpu.memory_space<vmem>> -> memref<128x64xf32, #tpu.memory_space<vmem>>
    %dma_wait3A_36 = arith.constant 0 : i32
    %dma_wait3A_37 = tpu.memref_slice %arg5[%dma_wait3A_36] : memref<512xi32, #tpu.memory_space<vmem>> -> memref<128xi32, #tpu.memory_space<vmem>>
    %dma_wait3A_38 = arith.constant 0 : i32
    %dma_wait3A_39 = arith.constant 0 : i32
    %dma_wait3A_40 = tpu.memref_slice %arg3[%dma_wait3A_38, %dma_wait3A_39] : memref<2031616x64xf32, #tpu.memory_space<hbm>> -> memref<2031616x64xf32, #tpu.memory_space<hbm>>
    tpu.wait_indirect_dma semaphore(%arg7 : memref<!tpu.dma_semaphore, #tpu.memory_space<semaphore_mem>>) src(%dma_wait3A_40 : memref<2031616x64xf32, #tpu.memory_space<hbm>>) dst(%dma_wait3A_35 : memref<128x64xf32, #tpu.memory_space<vmem>>)
    %dma_wait3A_41 = arith.constant 128 : i32
    %dma_wait3A_42 = arith.constant 0 : i32
    %dma_wait3A_43 = tpu.memref_slice %arg6[%dma_wait3A_41, %dma_wait3A_42] : memref<512x64xf32, #tpu.memory_space<vmem>> -> memref<128x64xf32, #tpu.memory_space<vmem>>
    %dma_wait3A_44 = arith.constant 128 : i32
    %dma_wait3A_45 = tpu.memref_slice %arg5[%dma_wait3A_44] : memref<512xi32, #tpu.memory_space<vmem>> -> memref<128xi32, #tpu.memory_space<vmem>>
    %dma_wait3A_46 = arith.constant 0 : i32
    %dma_wait3A_47 = arith.constant 0 : i32
    %dma_wait3A_48 = tpu.memref_slice %arg3[%dma_wait3A_46, %dma_wait3A_47] : memref<2031616x64xf32, #tpu.memory_space<hbm>> -> memref<2031616x64xf32, #tpu.memory_space<hbm>>
    tpu.wait_indirect_dma semaphore(%arg7 : memref<!tpu.dma_semaphore, #tpu.memory_space<semaphore_mem>>) src(%dma_wait3A_48 : memref<2031616x64xf32, #tpu.memory_space<hbm>>) dst(%dma_wait3A_43 : memref<128x64xf32, #tpu.memory_space<vmem>>)
    %dma_wait3A_49 = arith.constant 256 : i32
    %dma_wait3A_50 = arith.constant 0 : i32
    %dma_wait3A_51 = tpu.memref_slice %arg6[%dma_wait3A_49, %dma_wait3A_50] : memref<512x64xf32, #tpu.memory_space<vmem>> -> memref<128x64xf32, #tpu.memory_space<vmem>>
    %dma_wait3A_52 = arith.constant 256 : i32
    %dma_wait3A_53 = tpu.memref_slice %arg5[%dma_wait3A_52] : memref<512xi32, #tpu.memory_space<vmem>> -> memref<128xi32, #tpu.memory_space<vmem>>
    %dma_wait3A_54 = arith.constant 0 : i32
    %dma_wait3A_55 = arith.constant 0 : i32
    %dma_wait3A_56 = tpu.memref_slice %arg3[%dma_wait3A_54, %dma_wait3A_55] : memref<2031616x64xf32, #tpu.memory_space<hbm>> -> memref<2031616x64xf32, #tpu.memory_space<hbm>>
    tpu.wait_indirect_dma semaphore(%arg7 : memref<!tpu.dma_semaphore, #tpu.memory_space<semaphore_mem>>) src(%dma_wait3A_56 : memref<2031616x64xf32, #tpu.memory_space<hbm>>) dst(%dma_wait3A_51 : memref<128x64xf32, #tpu.memory_space<vmem>>)
    %dma_wait3A_57 = arith.constant 384 : i32
    %dma_wait3A_58 = arith.constant 0 : i32
    %dma_wait3A_59 = tpu.memref_slice %arg6[%dma_wait3A_57, %dma_wait3A_58] : memref<512x64xf32, #tpu.memory_space<vmem>> -> memref<128x64xf32, #tpu.memory_space<vmem>>
    %dma_wait3A_60 = arith.constant 384 : i32
    %dma_wait3A_61 = tpu.memref_slice %arg5[%dma_wait3A_60] : memref<512xi32, #tpu.memory_space<vmem>> -> memref<128xi32, #tpu.memory_space<vmem>>
    %dma_wait3A_62 = arith.constant 0 : i32
    %dma_wait3A_63 = arith.constant 0 : i32
    %dma_wait3A_64 = tpu.memref_slice %arg3[%dma_wait3A_62, %dma_wait3A_63] : memref<2031616x64xf32, #tpu.memory_space<hbm>> -> memref<2031616x64xf32, #tpu.memory_space<hbm>>
    tpu.wait_indirect_dma semaphore(%arg7 : memref<!tpu.dma_semaphore, #tpu.memory_space<semaphore_mem>>) src(%dma_wait3A_64 : memref<2031616x64xf32, #tpu.memory_space<hbm>>) dst(%dma_wait3A_59 : memref<128x64xf32, #tpu.memory_space<vmem>>)
    "tpu.region"() ({
      %run_scoped3A = tpu.sem_alloc : memref<!tpu.dma_semaphore, #tpu.memory_space<semaphore_mem>>
      %dma_start3A_65 = arith.constant 0 : i32
      %dma_start3A_66 = tpu.memref_slice %arg4[%mul3A_2, %dma_start3A_65] : memref<16384x64xf32, #tpu.memory_space<hbm>> -> memref<512x64xf32, #tpu.memory_space<hbm>>
      %dma_start3A_67 = arith.constant 0 : i32
      %dma_start3A_68 = tpu.memref_slice %arg4[%mul3A_2, %dma_start3A_67] : memref<16384x64xf32, #tpu.memory_space<hbm>> -> memref<512x64xf32, #tpu.memory_space<hbm>>
      tpu.enqueue_dma source(%arg6 : memref<512x64xf32, #tpu.memory_space<vmem>>) target(%dma_start3A_68 : memref<512x64xf32, #tpu.memory_space<hbm>>) target_semaphore(%run_scoped3A : memref<!tpu.dma_semaphore, #tpu.memory_space<semaphore_mem>>)
      %dma_wait3A_69 = arith.constant 0 : i32
      %dma_wait3A_70 = tpu.memref_slice %arg4[%mul3A_2, %dma_wait3A_69] : memref<16384x64xf32, #tpu.memory_space<hbm>> -> memref<512x64xf32, #tpu.memory_space<hbm>>
      %dma_wait3A_71 = arith.constant 0 : i32
      %dma_wait3A_72 = tpu.memref_slice %arg4[%mul3A_2, %dma_wait3A_71] : memref<16384x64xf32, #tpu.memory_space<hbm>> -> memref<512x64xf32, #tpu.memory_space<hbm>>
      tpu.wait_dma2 semaphore(%run_scoped3A : memref<!tpu.dma_semaphore, #tpu.memory_space<semaphore_mem>>) src(%arg6 : memref<512x64xf32, #tpu.memory_space<vmem>>) dst(%dma_wait3A_72 : memref<512x64xf32, #tpu.memory_space<hbm>>)
      tpu.yield
    }) : () -> ()
    return
  }
}

module attributes {stable_mosaic.version = 14 : i64} {
  func.func @body(%arg0: i32, %arg1: memref<64x16384xf32, #tpu.memory_space<vmem>>, %arg2: memref<16384x128xf32, #tpu.memory_space<vmem>>) attributes {dimension_semantics = [#tpu.dimension_semantics<arbitrary>], iteration_bounds = array<i64: 62>, scalar_prefetch = 0 : i64, scratch_operands = 0 : i64, tpu.core_type = #tpu.core_type<tc>, window_params = [{transform_indices = @transform_0, window_bounds = array<i64: 64, 16384>}, {transform_indices = @transform_1, window_bounds = array<i64: 16384, 128>}]} {
    %get3A = arith.constant 0 : index
    %get3A_0 = arith.constant 0 : index
    %get3A_1 = vector.load %arg1[%get3A, %get3A_0] : memref<64x16384xf32, #tpu.memory_space<vmem>>, vector<64x16384xf32>
    %transpose3A = tpu.transpose %get3A_1, [1, 0] : vector<64x16384xf32> -> vector<16384x64xf32>
    %swap3A = arith.constant 0 : index
    %swap3A_2 = arith.constant 0 : index
    %swap3A_3 = vector.load %arg2[%swap3A, %swap3A_2] : memref<16384x128xf32, #tpu.memory_space<vmem>>, vector<16384x64xf32>
    tpu.vector_store %arg2[%swap3A, %swap3A_2], %transpose3A {strides = array<i32>} : memref<16384x128xf32, #tpu.memory_space<vmem>>, vector<16384x64xf32>,
    %swap3A_4 = arith.constant 0 : index
    %swap3A_5 = arith.constant 64 : index
    %swap3A_6 = vector.load %arg2[%swap3A_4, %swap3A_5] : memref<16384x128xf32, #tpu.memory_space<vmem>>, vector<16384x64xf32>
    tpu.vector_store %arg2[%swap3A_4, %swap3A_5], %transpose3A {strides = array<i32>} : memref<16384x128xf32, #tpu.memory_space<vmem>>, vector<16384x64xf32>,
    return
  }
  func.func @transform_0(%arg0: i32) -> (i32, i32) {
    %c0_i32 = arith.constant 0 : i32
    %c0_i32_0 = arith.constant 0 : i32
    return %c0_i32, %arg0 : i32, i32
  }
  func.func @transform_1(%arg0: i32) -> (i32, i32) {
    %c0_i32 = arith.constant 0 : i32
    %c0_i32_0 = arith.constant 0 : i32
    return %arg0, %c0_i32 : i32, i32
  }
}

module attributes {stable_mosaic.version = 14 : i64} {
  func.func @body(%arg0: i32, %arg1: memref<64x16384xf32, #tpu.memory_space<vmem>>, %arg2: memref<16384x128xf32, #tpu.memory_space<vmem>>) attributes {dimension_semantics = [#tpu.dimension_semantics<arbitrary>], iteration_bounds = array<i64: 62>, scalar_prefetch = 0 : i64, scratch_operands = 0 : i64, tpu.core_type = #tpu.core_type<tc>, window_params = [{transform_indices = @transform_0, window_bounds = array<i64: 64, 16384>}, {transform_indices = @transform_1, window_bounds = array<i64: 16384, 128>}]} {
    %get3A = arith.constant 0 : index
    %get3A_0 = arith.constant 0 : index
    %get3A_1 = vector.load %arg1[%get3A, %get3A_0] : memref<64x16384xf32, #tpu.memory_space<vmem>>, vector<64x16384xf32>
    %transpose3A = tpu.transpose %get3A_1, [1, 0] : vector<64x16384xf32> -> vector<16384x64xf32>
    %swap3A = arith.constant 0 : index
    %swap3A_2 = arith.constant 0 : index
    %swap3A_3 = vector.load %arg2[%swap3A, %swap3A_2] : memref<16384x128xf32, #tpu.memory_space<vmem>>, vector<16384x64xf32>
    tpu.vector_store %arg2[%swap3A, %swap3A_2], %transpose3A {strides = array<i32>} : memref<16384x128xf32, #tpu.memory_space<vmem>>, vector<16384x64xf32>,
    %swap3A_4 = arith.constant 0 : index
    %swap3A_5 = arith.constant 64 : index
    %swap3A_6 = vector.load %arg2[%swap3A_4, %swap3A_5] : memref<16384x128xf32, #tpu.memory_space<vmem>>, vector<16384x64xf32>
    tpu.vector_store %arg2[%swap3A_4, %swap3A_5], %transpose3A {strides = array<i32>} : memref<16384x128xf32, #tpu.memory_space<vmem>>, vector<16384x64xf32>,
    return
  }
  func.func @transform_0(%arg0: i32) -> (i32, i32) {
    %c0_i32 = arith.constant 0 : i32
    %c0_i32_0 = arith.constant 0 : i32
    return %c0_i32, %arg0 : i32, i32
  }
  func.func @transform_1(%arg0: i32) -> (i32, i32) {
    %c0_i32 = arith.constant 0 : i32
    %c0_i32_0 = arith.constant 0 : i32
    return %arg0, %c0_i32 : i32, i32
  }
}

module attributes {stable_mosaic.version = 14 : i64} {
  func.func @body(%arg0: i32, %arg1: memref<16384x64xf32, #tpu.memory_space<vmem>>, %arg2: memref<16384x64xf32, #tpu.memory_space<vmem>>, %arg3: memref<192x64xf32, #tpu.memory_space<vmem>>, %arg4: memref<1x64xf32, #tpu.memory_space<vmem>>, %arg5: memref<16384x64xf32, #tpu.memory_space<vmem>>) attributes {dimension_semantics = [#tpu.dimension_semantics<arbitrary>], iteration_bounds = array<i64: 1>, scalar_prefetch = 0 : i64, scratch_operands = 0 : i64, tpu.core_type = #tpu.core_type<tc>, window_params = [{pipeline_mode = #tpu.pipeline_mode<synchronous>, transform_indices = @transform_0, window_bounds = array<i64: 16384, 64>}, {pipeline_mode = #tpu.pipeline_mode<synchronous>, transform_indices = @transform_1, window_bounds = array<i64: 16384, 64>}, {pipeline_mode = #tpu.pipeline_mode<synchronous>, transform_indices = @transform_2, window_bounds = array<i64: 192, 64>}, {pipeline_mode = #tpu.pipeline_mode<synchronous>, transform_indices = @transform_3, window_bounds = array<i64: 1, 64>}, {pipeline_mode = #tpu.pipeline_mode<synchronous>, transform_indices = @transform_4, window_bounds = array<i64: 16384, 64>}]} {
    %get3A = arith.constant 0 : index
    %get3A_0 = arith.constant 0 : index
    %get3A_1 = vector.load %arg1[%get3A, %get3A_0] : memref<16384x64xf32, #tpu.memory_space<vmem>>, vector<16384x64xf32>
    %get3A_2 = arith.constant 0 : index
    %get3A_3 = arith.constant 0 : index
    %get3A_4 = vector.load %arg2[%get3A_2, %get3A_3] : memref<16384x64xf32, #tpu.memory_space<vmem>>, vector<16384x64xf32>
    %get3A_5 = arith.constant 0 : index
    %get3A_6 = arith.constant 0 : index
    %get3A_7 = vector.load %arg3[%get3A_5, %get3A_6] : memref<192x64xf32, #tpu.memory_space<vmem>>, vector<192x64xf32>
    %slice3A = vector.extract_strided_slice %get3A_7 {offsets = [0, 0], sizes = [64, 64], strides = [1, 1]} : vector<192x64xf32> to vector<64x64xf32>
    %dot_general3A = arith.constant dense<0.000000e+00> : vector<16384x64xf32>
    %dot_general3A_8 = tpu.matmul %get3A_1, %slice3A, %dot_general3A {dimension_numbers = #tpu.dot_dimension_numbers<[1], [0], [0], [1], [0, 0, 1, 1], [], []>, transpose_lhs_hint = false} : vector<16384x64xf32>, vector<64x64xf32>, vector<16384x64xf32> -> vector<16384x64xf32>
    %mul3A = arith.mulf %get3A_1, %get3A_4 : vector<16384x64xf32>
    %slice3A_9 = vector.extract_strided_slice %get3A_7 {offsets = [64, 0], sizes = [64, 64], strides = [1, 1]} : vector<192x64xf32> to vector<64x64xf32>
    %dot_general3A_10 = arith.constant dense<0.000000e+00> : vector<16384x64xf32>
    %dot_general3A_11 = tpu.matmul %mul3A, %slice3A_9, %dot_general3A_10 {dimension_numbers = #tpu.dot_dimension_numbers<[1], [0], [0], [1], [0, 0, 1, 1], [], []>, transpose_lhs_hint = false} : vector<16384x64xf32>, vector<64x64xf32>, vector<16384x64xf32> -> vector<16384x64xf32>
    %add3A = arith.addf %dot_general3A_8, %dot_general3A_11 : vector<16384x64xf32>
    %slice3A_12 = vector.extract_strided_slice %get3A_7 {offsets = [128, 0], sizes = [64, 64], strides = [1, 1]} : vector<192x64xf32> to vector<64x64xf32>
    %dot_general3A_13 = arith.constant dense<0.000000e+00> : vector<16384x64xf32>
    %dot_general3A_14 = tpu.matmul %get3A_4, %slice3A_12, %dot_general3A_13 {dimension_numbers = #tpu.dot_dimension_numbers<[1], [0], [0], [1], [0, 0, 1, 1], [], []>, transpose_lhs_hint = false} : vector<16384x64xf32>, vector<64x64xf32>, vector<16384x64xf32> -> vector<16384x64xf32>
    %add3A_15 = arith.addf %add3A, %dot_general3A_14 : vector<16384x64xf32>
    %get3A_16 = arith.constant 0 : index
    %get3A_17 = arith.constant 0 : index
    %get3A_18 = vector.load %arg4[%get3A_16, %get3A_17] : memref<1x64xf32, #tpu.memory_space<vmem>>, vector<1x64xf32>
    %add3A_19 = vector.broadcast %get3A_18 : vector<1x64xf32> to vector<16384x64xf32>
    %add3A_20 = arith.addf %add3A_15, %add3A_19 : vector<16384x64xf32>
    %swap3A = arith.constant 0 : index
    %swap3A_21 = arith.constant 0 : index
    %swap3A_22 = vector.load %arg5[%swap3A, %swap3A_21] : memref<16384x64xf32, #tpu.memory_space<vmem>>, vector<16384x64xf32>
    tpu.vector_store %arg5[%swap3A, %swap3A_21], %add3A_20 {strides = array<i32>} : memref<16384x64xf32, #tpu.memory_space<vmem>>, vector<16384x64xf32>,
    return
  }
  func.func @transform_0(%arg0: i32) -> (i32, i32) {
    %c0_i32 = arith.constant 0 : i32
    %c0_i32_0 = arith.constant 0 : i32
    %c0_i32_1 = arith.constant 0 : i32
    return %c0_i32, %c0_i32_0 : i32, i32
  }
  func.func @transform_1(%arg0: i32) -> (i32, i32) {
    %c0_i32 = arith.constant 0 : i32
    %c0_i32_0 = arith.constant 0 : i32
    %c0_i32_1 = arith.constant 0 : i32
    return %c0_i32, %c0_i32_0 : i32, i32
  }
  func.func @transform_2(%arg0: i32) -> (i32, i32) {
    %c0_i32 = arith.constant 0 : i32
    %c0_i32_0 = arith.constant 0 : i32
    %c0_i32_1 = arith.constant 0 : i32
    return %c0_i32, %c0_i32_0 : i32, i32
  }
  func.func @transform_3(%arg0: i32) -> (i32, i32) {
    %c0_i32 = arith.constant 0 : i32
    %c0_i32_0 = arith.constant 0 : i32
    %c0_i32_1 = arith.constant 0 : i32
    return %c0_i32, %c0_i32_0 : i32, i32
  }
  func.func @transform_4(%arg0: i32) -> (i32, i32) {
    %c0_i32 = arith.constant 0 : i32
    %c0_i32_0 = arith.constant 0 : i32
    %c0_i32_1 = arith.constant 0 : i32
    return %c0_i32, %c0_i32_0 : i32, i32
  }
}

</mosaic_0001>

<sc_bundles>
// kernel: kernel.10.cloned.1.call-start
scs
__scs_entry_jumppad:
0x0: {  	(pc) =	sbr.rel $0x88, $3  }
0x1: {  	(tag) =	ssettag $0x0;
	lr =	simm.s32 $0x1  }
0x2: {  	[smem:$0x3F99] =	sst lr;
	_ =	strace $0xD0000000  }
0x3: {  	_ = 	snop  }
0x4: {  	_ = 	snop  }
0x5: {  	_ = 	snop  }
0x6: {  	_ = 	snop  }
0x7: {  	_ = 	snop  }
__scs_overlays_trampoline_lowered:
0x8: {  	[smem:$0x3FA8] =	sst s0  }
0x9: {  	[smem:$0x3FA9] =	sst s1  }
0xa: {  	[smem:$0x3FAA] =	sst s2  }
0xb: {  	[smem:$0x3FAB] =	sst s3  }
0xc: {  	[smem:$0x3FAC] =	sst s4  }
0xd: {  	[smem:$0x3FAD] =	sst s5  }
0xe: {  	[smem:$0x3FAE] =	sst s6  }
0xf: {  	[smem:$0x3FAF] =	sst s7  }
0x10: {  	[smem:$0x3FB0] =	sst s8  }
0x11: {  	[smem:$0x3FB1] =	sst s9;
	s0 =	simm.s32 @!p0 $0x0  }
0x12: {  	s1 =	sld [smem:$0x3F97];
	s0 =	simm.s32 @p0 $0x1  }
0x13: {  	[smem:$0x3FB2] =	sst s0;
	s0 =	simm.s32 @!p1 $0x0  }
0x14: {  	s2 =	sld [smem:$0x3F96];
	s0 =	simm.s32 @p1 $0x1  }
0x15: {  	[smem:$0x3FB3] =	sst s0;
	s0 =	simm.s32 @!p2 $0x0  }
0x16: {  	s3 =	sld [smem:$0x3FDB];
	s0 =	simm.s32 @p2 $0x1  }
0x17: {  	s4 =	simm.s32 $0x1BF5;
	[smem:$0x3FB5] =	sst s0  }
0x18: {  	s0 =	sld [smem:$0x3F98];
	_ =	swait.ge [sflag:s4], $0x0  }
0x19: {  	s7 =	sld [smem:$0x3F99]  }
0x1a: {  	s8 =	sadd.s32 $0xFFFFE003, lr  }
0x1b: {  	s9 =	sadd.s32 $0xFFFFFEF7, lr;
	s5 =	simm.s32 $0xFFFFFFFF;
	p2 =	slt.u32 s8, $0xFFFFF086  }
0x1c: {  	p1 =	slt.u32 s9, $0xF7A;
	s5 =	simm.s32 @!p2 $0x0  }
0x1d: {  	s5 =	simm.s32 @p1 $0x1;
	p0 =	seq.s32 s7, s2  }
0x1e: {  	s7 =	smul.u32 @!p0 $0xF7A, s2;
	p2 =	seq.s32 @!p0 s5, $0x0  }
0x1f: {  	s9 =	smul.u32 $0xF7A, s1;
	s8 =	simm.s32 @!p0 $0x1BF5;
	p2 =	por !p2, p0  }
0x20: {  	[sflag:s8] =	ssyncset.s32 @!p0 $0xFFFFF086;
	s6 =	sadd.s32 @!p0 s3, s7;
	s7 =	simm.s32 @!p0 $0x108  }
0x21: {  	s3 =	sadd.s32 s3, s9;
	s6 =	sadd.s32 @!p0 $0x88, s6;
	s7 =	simm.s32 @p2 $0x1082  }
0x22: {  	[simem:s7], [sflag:s8] =	dma.local @!p0 [hbm:s6], $0xF7A  }
0x23: {  	s9 =	sor.u32 $0xD0000000, s2;
	s6 =	simm.s32 $0x108;
	_ =	swait.ge @!p0 [sflag:s8], $0x0  }
0x24: {  	s3 =	sadd.s32 $0x88, s3;
	s6 =	simm.s32 @!p1 $0x1082;
	[sflag:s4] =	ssyncset.s32 $0xFFFFF086  }
0x25: {  	[simem:s6], [sflag:s4] =	dma.local [hbm:s3], $0xF7A  }
0x26: {  	[smem:$0x3F99] =	sst s1;
	(tag) =	ssettag s2;
	_ =	strace s9  }
0x27: {  	s1 =	sld [smem:$0x3FA9]  }
0x28: {  	s2 =	sld [smem:$0x3FAA]  }
0x29: {  	s4 =	sld [smem:$0x3FAC]  }
0x2a: {  	p0 =	seq.s32 s5, $0x0;
	s5 =	sld [smem:$0x3FAD]  }
0x2b: {  	s6 =	sld [smem:$0x3FAE]  }
0x2c: {  	s7 =	sld [smem:$0x3FAF]  }
0x2d: {  	s3 =	simm.s32 $0x108;
	s8 =	sld [smem:$0x3FB0]  }
0x2e: {  	s3 =	simm.s32 @!p0 $0x1082;
	s9 =	sld [smem:$0x3FB1]  }
0x2f: {  	lr =	sadd.s32 s0, s3;
	s0 =	sld [smem:$0x3FA8]  }
0x30: {  	s3 =	sld [smem:$0x3FAB]  }
0x31: {  	[smem:$0x3FB4] =	sst s10  }
0x32: {  	s10 =	sld [smem:$0x3FB2];
	_ =	sdelay $0x3  }
0x33: {  	p0 =	seq.s32 s10, $0x1;
	s10 =	sld [smem:$0x3FB4];
	_ =	sdelay $0x3  }
0x34: {  	[smem:$0x3FB4] =	sst s10  }
0x35: {  	s10 =	sld [smem:$0x3FB3];
	_ =	sdelay $0x3  }
0x36: {  	p1 =	seq.s32 s10, $0x1;
	s10 =	sld [smem:$0x3FB4];
	_ =	sdelay $0x3  }
0x37: {  	[smem:$0x3FB4] =	sst s10  }
0x38: {  	s10 =	sld [smem:$0x3FB5]  }
0x39: {  	_ = 	snop;
	(pc) =	sbr.ind lr, $3  }
0x3a: {  	_ = 	snop  }
0x3b: {  	_ = 	snop  }
0x3c: {  	p2 =	seq.s32 s10, $0x1;
	s10 =	sld [smem:$0x3FB4]  }
0x3d: {  	_ =	shalt  }
0x3e: {  	_ =	shalt  }
0x3f: {  	_ =	shalt  }
0x40: {  	_ =	shalt  }
0x41: {  	_ =	shalt  }
0x42: {  	_ =	shalt  }
0x43: {  	_ =	shalt  }
0x44: {  	_ =	shalt  }
0x45: {  	_ =	shalt  }
0x46: {  	_ =	shalt  }
0x47: {  	_ =	shalt  }
0x48: {  	_ =	shalt  }
0x49: {  	_ =	shalt  }
0x4a: {  	_ =	shalt  }
0x4b: {  	_ =	shalt  }
0x4c: {  	_ =	shalt  }
0x4d: {  	_ =	shalt  }
0x4e: {  	_ =	shalt  }
0x4f: {  	_ =	shalt  }
0x50: {  	_ =	shalt  }
0x51: {  	_ =	shalt  }
0x52: {  	_ =	shalt  }
0x53: {  	_ =	shalt  }
0x54: {  	_ =	shalt  }
0x55: {  	_ =	shalt  }
0x56: {  	_ =	shalt  }
0x57: {  	_ =	shalt  }
0x58: {  	_ =	shalt  }
0x59: {  	_ =	shalt  }
0x5a: {  	_ =	shalt  }
0x5b: {  	_ =	shalt  }
0x5c: {  	_ =	shalt  }
0x5d: {  	_ =	shalt  }
0x5e: {  	_ =	shalt  }
0x5f: {  	_ =	shalt  }
0x60: {  	_ =	shalt  }
0x61: {  	_ =	shalt  }
0x62: {  	_ =	shalt  }
0x63: {  	_ =	shalt  }
0x64: {  	_ =	shalt  }
0x65: {  	_ =	shalt  }
0x66: {  	_ =	shalt  }
0x67: {  	_ =	shalt  }
0x68: {  	_ =	shalt  }
0x69: {  	_ =	shalt  }
0x6a: {  	_ =	shalt  }
0x6b: {  	_ =	shalt  }
0x6c: {  	_ =	shalt  }
0x6d: {  	_ =	shalt  }
0x6e: {  	_ =	shalt  }
0x6f: {  	_ =	shalt  }
0x70: {  	_ =	shalt  }
0x71: {  	_ =	shalt  }
0x72: {  	_ =	shalt  }
0x73: {  	_ =	shalt  }
0x74: {  	_ =	shalt  }
0x75: {  	_ =	shalt  }
0x76: {  	_ =	shalt  }
0x77: {  	_ =	shalt  }
0x78: {  	_ =	shalt  }
0x79: {  	_ =	shalt  }
0x7a: {  	_ =	shalt  }
0x7b: {  	_ =	shalt  }
0x7c: {  	_ =	shalt  }
0x7d: {  	_ =	shalt  }
0x7e: {  	_ =	shalt  }
0x7f: {  	_ =	shalt  }
0x80: {  	_ =	shalt  }
0x81: {  	_ =	shalt  }
0x82: {  	_ =	shalt  }
0x83: {  	_ =	shalt  }
0x84: {  	_ =	shalt  }
0x85: {  	_ =	shalt  }
0x86: {  	_ =	shalt  }
0x87: {  	_ =	shalt  }
.Lfunc_end0:
.L_simem_size_0:
called_computation.1_lowered:
.L_overlay_start_0:
0x88: {  	s2 =	sld [smem:$0x3FD9]  }
0x89: {  	s3 =	sld [smem:$0x3FFE];
	_ =	sdelay $0x1  }
0x8a: {  	s1 =	srdreg.scid  }
0x8b: {  	s0 =	sand.u32 $0x1, s1  }
0x8c: {  	s16 =	sshll.u32 s0, $0xA;
	s2 =	sadd.s32 s3, s2  }
0x8d: {  	s2 =	sadd.s32 s2, s16  }
0x8e: {  	[smem:$0x3FC0] =	sst s2  }
0x8f: {  	_ = 	snop  }
0x90: {  	(tm) =	ssettm $0x1  }
0x91: {  	s17 =	sld [smem:$0x3FFB];
	_ =	sdelay $0x3  }
0x92: {  	_ =	strace s17  }
0x93: {  	s2 =	sld [smem:$0x3FFC];
	_ =	sdelay $0x3  }
0x94: {  	_ =	strace s2  }
0x95: {  	s2 =	sld [smem:$0x3FFD];
	_ =	sdelay $0x3  }
0x96: {  	_ =	strace s2  }
0x97: {  	_ =	strace $0x8FFFFFFF  }
0x98: {  	s18 =	sld [smem:$0x3FDB];
	_ =	sdelay $0x1  }
0x99: {  	s19 =	simm.s32 $_scs_section_size  }
0x9a: {  	s4 =	simm.s32 $_size__tile_overlayer_lowered;
	s5 =	simm.s32 $_tile_overlayer_lowered  }
0x9b: {  	s22 =	simm.s32 $0x1BFF;
	s21 =	sshll.u32 s5, $0x1;
	s2 =	sadd.s32 s19, s18  }
0x9c: {  	s6 =	simm.s32 $0x0;
	s20 =	sshll.u32 s4, $0x1;
	s4 =	sadd.s32 s21, s2  }
0x9d: {  	[timem:s6], [sflag:s22] =	dma.local [hbm:s4], s20  }
0x9e: {  	_ =	swait.ge [sflag:s22], s20  }
0x9f: {  	s3 =	ssub.s32 $0x0, s20;
	[sflag:s22] =	ssyncset.done $0x0  }
0xa0: {  	[sflag:s22] =	ssyncadd.s32 s3;
	_ =	sdelay $0x1  }
0xa1: {  	s23 =	simm.s32 $0x1B8B  }
0xa2: {  	_ =	swait.ge [sflag:s23], $0x1  }
0xa3: {  	[sflag:s23] =	ssyncset.done $0x0  }
0xa4: {  	s25 =	simm.s32 $0x1B8E;
	s24 =	sld [smem:$0x3FFE];
	[sflag:s23] =	ssyncadd.s32 $0xFFFFFFFF  }
0xa5: {  	s26 =	simm.s32 $execute0_lowered;
	[smem:$0x3FD2] =	sst s25  }
0xa6: {  	s4 =	sshll.u32 s26, $0x1;
	_ =	strace $0x80000046;
	[dreg:$0x1] =	wrdreg $0xFFFFFFFF  }
0xa7: {  	s28 =	simm.s32 $_size_execute0_lowered;
	s2 =	sadd.s32 s2, s4;
	[dreg:$0x0] =	wrdreg $0x0  }
0xa8: {  	s4 =	sshll.u32 s28, $0x1;
	[dreg:$0x2] =	wrdreg s2  }
0xa9: {  	[dreg:$0x3] =	wrdreg s4  }
0xaa: {  	[dreg:$0x4] =	wrdreg $0xC0  }
0xab: {  	_ =	task [dreg:s6], $0x5FFFF  }
0xac: {  	[dreg:$0x1] =	wrdreg $0xFFFFFFFF  }
0xad: {  	[dreg:$0x0] =	wrdreg $0x60  }
0xae: {  	[dreg:$0x2] =	wrdreg s24  }
0xaf: {  	[dreg:$0x3] =	wrdreg $0xA  }
0xb0: {  	_ =	task.clear_ibuf [dreg:s6], $0x4FFFF;
	_ =	strace $0x90000046  }
0xb1: {  	s29 =	simm.s32 $0xA;
	_ =	strace $0x80000048  }
0xb2: {  	_ =	swait.ge [sflag:s29], $0x1  }
0xb3: {  	[sflag:s29] =	ssyncadd.s32 $0xFFFFFFFF  }
0xb4: {  	_ =	strace $0x90000048  }
0xb5: {  	_ =	sfence  }
0xb6: {  	s30 =	sld [smem:$0x0];
	_ =	sdelay $0x2  }
0xb7: {  	s31 =	sshll.u32 s1, $0xD;
	s1 =	sshrl.u32 s1, $0x2  }
0xb8: {  	s3 =	sand.u32 $0x4000, s31;
	s1 =	sadd.s32 s1, s30  }
0xb9: {  	s0 =	sor.u32 s3, s0;
	s1 =	sshll.u32 s1, $0x11  }
0xba: {  	s0 =	sor.u32 s1, s0  }
0xbb: {  	s0 =	sadd.s32 $0x8F2B, s0  }
0xbc: {  	[sflag:s0] =	ssyncadd.remote.s32 $0x1  }
0xbd: {  	_ =	sfence.sel $0xFFFF  }
0xbe: {  	[dreg:$0x0] =	wrdreg $0xFFFFFFFF;
	(pc) =	sbr.abs _section_cstart, $3  }
0xbf: {  	[dreg:$0x1] =	wrdreg $0xFFFFFFFF  }
0xc0: {  	_ =	task.clear_ibuf [dreg:s6], $0x2FFFF;
	_ =	strace $0x9FFFFFFF  }
0xc1: {  	(tm) =	ssettm $0x7FFFFFFF  }
tec
execute0_lowered:
.L_overlay_start_1:
0x0: {  	(tag) =	ssettag $0x1  }
0x1: {  	s1 =	srdreg.scid  }
0x2: {  	s0 =	stileid.u32;
	s14 =	sand.u32 $0x1, s1  }
0x3: {  	s29 =	sshll.u32 s0, $0xA;
	s2 =	sshll.u32 s14, $0x9  }
0x4: {  	s15 =	rddreg [dreg:$0x0];
	s16 =	sor.u32 s2, s29  }
0x5: {  	s1 =	rddreg [dreg:$0x1];
	s2 =	simm.s32 $0x0;
	s3 =	sshrl.u32 s16, $0x3  }
0x6: {  	[smem:$0x7FF] =	sst s2;
	s3 =	sadd.s32 s3, s15  }
0x7: {  	_ =	strace $0x80000047;
	s4 =	sadd.s32 $0xE00, s3;
	s3 =	simm.s32 $0x2  }
0x8: {  	[tilespmem:s2], [sflag:$0x2] =	stream.linear.gather [hbm4b:s4+s2], $0x200, $0x38;
	[tilespmem:$0x8200] =	vst v63  }
0x9: {  	_ =	swait.ge [sflag:s3], $0x200  }
0xa: {  	s6 =	simm.s32 $0x80;
	[sflag:s3] =	ssyncset.done $0x0  }
0xb: {  	s7 =	simm.s32 $0x200;
	s5 =	sadd.s32 $0x1600, s15;
	[sflag:s3] =	ssyncadd.s32 $0xFFFFFE00  }
0xc: {  	[tilespmem:s7], [sflag:$0x1] =	stream.indirect.gather [hbm4b:s5+s6], $0x40, s2, s6, $0xb8;
	[tilespmem:$0x8200] =	vst v63  }
0xd: {  	s8 =	simm.s32 $0x2200  }
0xe: {  	[tilespmem:s8], [sflag:$0x1] =	stream.indirect.gather [hbm4b:s5+s6], $0x40, s6, s6, $0xb8;
	[tilespmem:$0x8200] =	vst v63  }
0xf: {  	s9 =	simm.s32 $0x100;
	s10 =	simm.s32 $0x4200  }
0x10: {  	[tilespmem:s10], [sflag:$0x1] =	stream.indirect.gather [hbm4b:s5+s6], $0x40, s9, s6, $0xb8;
	[tilespmem:$0x8200] =	vst v63  }
0x11: {  	s11 =	simm.s32 $0x180;
	s12 =	simm.s32 $0x6200;
	s13 =	simm.s32 $0x1  }
0x12: {  	[tilespmem:s12], [sflag:$0x1] =	stream.indirect.gather [hbm4b:s5+s6], $0x40, s11, s6, $0xb8;
	[tilespmem:$0x8200] =	vst v63  }
0x13: {  	_ =	swait.ge [sflag:s13], $0x2000  }
0x14: {  	[sflag:s13] =	ssyncset.done $0x0  }
0x15: {  	[sflag:s13] =	ssyncadd.s32 $0xFFFFE000  }
0x16: {  	_ =	swait.ge [sflag:s13], $0x2000  }
0x17: {  	[sflag:s13] =	ssyncset.done $0x0  }
0x18: {  	s14 =	ssub.s32 $0x2, s14;
	[sflag:s13] =	ssyncadd.s32 $0xFFFFE000  }
0x19: {  	s17 =	sshrl.u32 s14, $0x1;
	_ =	swait.ge [sflag:s13], $0x2000  }
0x1a: {  	s30 =	ssub.s32 s14, s17;
	[sflag:s13] =	ssyncset.done $0x0  }
0x1b: {  	s31 =	smax.u32 s30, $0x1;
	[sflag:s13] =	ssyncadd.s32 $0xFFFFE000  }
0x1c: {  	s16 =	sshll.u32 s16, $0x3;
	p0 =	sne.s32 s31, $0x1;
	_ =	swait.ge [sflag:s13], $0x2000  }
.Ltmp0:
0x1d: {  	s15 =	sadd.s32 s16, s15;
	[sflag:s13] =	ssyncset.done $0x0;
	(pc) =	sbr.rel @!p0 .LBB2_2-.Ltmp0, $4  }
0x1e: {  	s14 =	sadd.s32 $0xF81600, s15;
	[sflag:s13] =	ssyncadd.s32 $0xFFFFE000  }
0x1f: {  	[hbm4b:s14+s2] =	stream.linear.scatter [tilespmem:s7], [sflag:$0x2], $0x8000, $0x38;
	[tilespmem:$0x8200] =	vst v63  }
0x20: {  	_ =	swait.ge [sflag:s3], $0x8000  }
0x21: {  	s15 =	sadd.s32 $0xFFFFFFFF, s31;
	[sflag:s3] =	ssyncset.done $0x0  }
.LBB2_1:
0x22: {  	p0 =	sne.s32 s15, $0x1;
	s15 =	sadd.s32 $0xFFFFFFFF, s15;
	[sflag:s3] =	ssyncadd.s32 $0xFFFF8000  }
0x23: {  	[tilespmem:s2], [sflag:$0x2] =	stream.linear.gather [hbm4b:s4+s2], $0x200, $0x38;
	[tilespmem:$0x8200] =	vst v63  }
0x24: {  	_ =	swait.ge [sflag:s3], $0x200  }
0x25: {  	[sflag:s3] =	ssyncset.done $0x0  }
0x26: {  	[sflag:s3] =	ssyncadd.s32 $0xFFFFFE00  }
0x27: {  	[tilespmem:s7], [sflag:$0x1] =	stream.indirect.gather [hbm4b:s5+s6], $0x40, s2, s6, $0xb8;
	[tilespmem:$0x8200] =	vst v63  }
0x28: {  	_ = 	snop  }
0x29: {  	[tilespmem:s8], [sflag:$0x1] =	stream.indirect.gather [hbm4b:s5+s6], $0x40, s6, s6, $0xb8;
	[tilespmem:$0x8200] =	vst v63  }
0x2a: {  	_ = 	snop  }
0x2b: {  	[tilespmem:s10], [sflag:$0x1] =	stream.indirect.gather [hbm4b:s5+s6], $0x40, s9, s6, $0xb8;
	[tilespmem:$0x8200] =	vst v63  }
0x2c: {  	_ = 	snop  }
0x2d: {  	[tilespmem:s12], [sflag:$0x1] =	stream.indirect.gather [hbm4b:s5+s6], $0x40, s11, s6, $0xb8;
	[tilespmem:$0x8200] =	vst v63  }
0x2e: {  	_ =	swait.ge [sflag:s13], $0x2000  }
0x2f: {  	[sflag:s13] =	ssyncset.done $0x0  }
0x30: {  	[sflag:s13] =	ssyncadd.s32 $0xFFFFE000  }
0x31: {  	_ =	swait.ge [sflag:s13], $0x2000  }
0x32: {  	[sflag:s13] =	ssyncset.done $0x0  }
0x33: {  	[sflag:s13] =	ssyncadd.s32 $0xFFFFE000  }
0x34: {  	_ =	swait.ge [sflag:s13], $0x2000  }
0x35: {  	[sflag:s13] =	ssyncset.done $0x0  }
0x36: {  	[sflag:s13] =	ssyncadd.s32 $0xFFFFE000  }
0x37: {  	_ =	swait.ge [sflag:s13], $0x2000  }
.Ltmp1:
0x38: {  	[sflag:s13] =	ssyncset.done $0x0;
	(pc) =	sbr.rel @p0 .LBB2_1-.Ltmp1, $4  }
0x39: {  	[sflag:s13] =	ssyncadd.s32 $0xFFFFE000  }
0x3a: {  	[hbm4b:s14+s2] =	stream.linear.scatter [tilespmem:s7], [sflag:$0x2], $0x8000, $0x38;
	[tilespmem:$0x8200] =	vst v63  }
0x3b: {  	_ =	swait.ge [sflag:s3], $0x8000  }
0x3c: {  	[sflag:s3] =	ssyncset.done $0x0  }
.LBB2_2:
0x3d: {  	[sflag:s3] =	ssyncadd.s32 $0xFFFF8000  }
0x3e: {  	_ =	sfence.sel $0x180000  }
0x3f: {  	[bflag:$0x0] =	sbarrier.arrive $0xFFFF  }
0x40: {  	p0 =	sne.s32 s0, $0x0;
	_ =	strace $0x90000047  }
0x41: {  	s0 =	sadd.s32 @!p0 $0x100000, s1;
	[bflag:$0x2] =	sbarrier.arrive $0xFFFF  }
0x42: {  	[sflag:s0] =	ssyncadd.tile.s32 @!p0 $0x1;
	_ =	shalt  }
.Lfunc_end2:
_tile_overlayer_lowered:
.L_overlay_start_2:
0x43: {  	(tag) =	ssettag $0x2  }
0x44: {  	s0 =	rddreg [dreg:$0x0];
	s2 =	stileid.u32  }
0x45: {  	s1 =	rddreg [dreg:$0x1];
	p0 =	sne.s32 s2, $0x0  }
0x46: {  	s3 =	rddreg [dreg:$0x2];
	[bflag:$0x3] =	sbarrier.arrive $0xFFFF;
	s2 =	simm.s32 @!p0 $0x1C02  }
0x47: {  	[timem:s3], [sflag:s2] =	dma.local @!p0 [hbm:s0], s1  }
0x48: {  	s0 =	simm.s32 @!p0 $0x2  }
0x49: {  	_ =	swait.ge @!p0 [sflag:s0], s1  }
0x4a: {  	s1 =	ssub.s32 @!p0 $0x0, s1;
	[sflag:s0] =	ssyncset.done @!p0 $0x0  }
0x4b: {  	[sflag:s0] =	ssyncadd.s32 @!p0 s1  }
0x4c: {  	[bflag:$0x3] =	sbarrier.arrive $0xFFFF  }
0x4d: {  	_ =	shalt  }

// kernel: kernel.7.cloned.1.call-start
scs
__scs_entry_jumppad:
0x0: {  	(pc) =	sbr.rel $0x88, $3  }
0x1: {  	(tag) =	ssettag $0x0;
	lr =	simm.s32 $0x1  }
0x2: {  	[smem:$0x3F99] =	sst lr;
	_ =	strace $0xD0000000  }
0x3: {  	_ = 	snop  }
0x4: {  	_ = 	snop  }
0x5: {  	_ = 	snop  }
0x6: {  	_ = 	snop  }
0x7: {  	_ = 	snop  }
__scs_overlays_trampoline_lowered:
0x8: {  	[smem:$0x3FA8] =	sst s0  }
0x9: {  	[smem:$0x3FA9] =	sst s1  }
0xa: {  	[smem:$0x3FAA] =	sst s2  }
0xb: {  	[smem:$0x3FAB] =	sst s3  }
0xc: {  	[smem:$0x3FAC] =	sst s4  }
0xd: {  	[smem:$0x3FAD] =	sst s5  }
0xe: {  	[smem:$0x3FAE] =	sst s6  }
0xf: {  	[smem:$0x3FAF] =	sst s7  }
0x10: {  	[smem:$0x3FB0] =	sst s8  }
0x11: {  	[smem:$0x3FB1] =	sst s9;
	s0 =	simm.s32 @!p0 $0x0  }
0x12: {  	s1 =	sld [smem:$0x3F97];
	s0 =	simm.s32 @p0 $0x1  }
0x13: {  	[smem:$0x3FB2] =	sst s0;
	s0 =	simm.s32 @!p1 $0x0  }
0x14: {  	s2 =	sld [smem:$0x3F96];
	s0 =	simm.s32 @p1 $0x1  }
0x15: {  	[smem:$0x3FB3] =	sst s0;
	s0 =	simm.s32 @!p2 $0x0  }
0x16: {  	s3 =	sld [smem:$0x3FDB];
	s0 =	simm.s32 @p2 $0x1  }
0x17: {  	s4 =	simm.s32 $0x1BF5;
	[smem:$0x3FB5] =	sst s0  }
0x18: {  	s0 =	sld [smem:$0x3F98];
	_ =	swait.ge [sflag:s4], $0x0  }
0x19: {  	s7 =	sld [smem:$0x3F99]  }
0x1a: {  	s8 =	sadd.s32 $0xFFFFE003, lr  }
0x1b: {  	s9 =	sadd.s32 $0xFFFFFEF7, lr;
	s5 =	simm.s32 $0xFFFFFFFF;
	p2 =	slt.u32 s8, $0xFFFFF086  }
0x1c: {  	p1 =	slt.u32 s9, $0xF7A;
	s5 =	simm.s32 @!p2 $0x0  }
0x1d: {  	s5 =	simm.s32 @p1 $0x1;
	p0 =	seq.s32 s7, s2  }
0x1e: {  	s7 =	smul.u32 @!p0 $0xF7A, s2;
	p2 =	seq.s32 @!p0 s5, $0x0  }
0x1f: {  	s9 =	smul.u32 $0xF7A, s1;
	s8 =	simm.s32 @!p0 $0x1BF5;
	p2 =	por !p2, p0  }
0x20: {  	[sflag:s8] =	ssyncset.s32 @!p0 $0xFFFFF086;
	s6 =	sadd.s32 @!p0 s3, s7;
	s7 =	simm.s32 @!p0 $0x108  }
0x21: {  	s3 =	sadd.s32 s3, s9;
	s6 =	sadd.s32 @!p0 $0x88, s6;
	s7 =	simm.s32 @p2 $0x1082  }
0x22: {  	[simem:s7], [sflag:s8] =	dma.local @!p0 [hbm:s6], $0xF7A  }
0x23: {  	s9 =	sor.u32 $0xD0000000, s2;
	s6 =	simm.s32 $0x108;
	_ =	swait.ge @!p0 [sflag:s8], $0x0  }
0x24: {  	s3 =	sadd.s32 $0x88, s3;
	s6 =	simm.s32 @!p1 $0x1082;
	[sflag:s4] =	ssyncset.s32 $0xFFFFF086  }
0x25: {  	[simem:s6], [sflag:s4] =	dma.local [hbm:s3], $0xF7A  }
0x26: {  	[smem:$0x3F99] =	sst s1;
	(tag) =	ssettag s2;
	_ =	strace s9  }
0x27: {  	s1 =	sld [smem:$0x3FA9]  }
0x28: {  	s2 =	sld [smem:$0x3FAA]  }
0x29: {  	s4 =	sld [smem:$0x3FAC]  }
0x2a: {  	p0 =	seq.s32 s5, $0x0;
	s5 =	sld [smem:$0x3FAD]  }
0x2b: {  	s6 =	sld [smem:$0x3FAE]  }
0x2c: {  	s7 =	sld [smem:$0x3FAF]  }
0x2d: {  	s3 =	simm.s32 $0x108;
	s8 =	sld [smem:$0x3FB0]  }
0x2e: {  	s3 =	simm.s32 @!p0 $0x1082;
	s9 =	sld [smem:$0x3FB1]  }
0x2f: {  	lr =	sadd.s32 s0, s3;
	s0 =	sld [smem:$0x3FA8]  }
0x30: {  	s3 =	sld [smem:$0x3FAB]  }
0x31: {  	[smem:$0x3FB4] =	sst s10  }
0x32: {  	s10 =	sld [smem:$0x3FB2];
	_ =	sdelay $0x3  }
0x33: {  	p0 =	seq.s32 s10, $0x1;
	s10 =	sld [smem:$0x3FB4];
	_ =	sdelay $0x3  }
0x34: {  	[smem:$0x3FB4] =	sst s10  }
0x35: {  	s10 =	sld [smem:$0x3FB3];
	_ =	sdelay $0x3  }
0x36: {  	p1 =	seq.s32 s10, $0x1;
	s10 =	sld [smem:$0x3FB4];
	_ =	sdelay $0x3  }
0x37: {  	[smem:$0x3FB4] =	sst s10  }
0x38: {  	s10 =	sld [smem:$0x3FB5]  }
0x39: {  	_ = 	snop;
	(pc) =	sbr.ind lr, $3  }
0x3a: {  	_ = 	snop  }
0x3b: {  	_ = 	snop  }
0x3c: {  	p2 =	seq.s32 s10, $0x1;
	s10 =	sld [smem:$0x3FB4]  }
0x3d: {  	_ =	shalt  }
0x3e: {  	_ =	shalt  }
0x3f: {  	_ =	shalt  }
0x40: {  	_ =	shalt  }
0x41: {  	_ =	shalt  }
0x42: {  	_ =	shalt  }
0x43: {  	_ =	shalt  }
0x44: {  	_ =	shalt  }
0x45: {  	_ =	shalt  }
0x46: {  	_ =	shalt  }
0x47: {  	_ =	shalt  }
0x48: {  	_ =	shalt  }
0x49: {  	_ =	shalt  }
0x4a: {  	_ =	shalt  }
0x4b: {  	_ =	shalt  }
0x4c: {  	_ =	shalt  }
0x4d: {  	_ =	shalt  }
0x4e: {  	_ =	shalt  }
0x4f: {  	_ =	shalt  }
0x50: {  	_ =	shalt  }
0x51: {  	_ =	shalt  }
0x52: {  	_ =	shalt  }
0x53: {  	_ =	shalt  }
0x54: {  	_ =	shalt  }
0x55: {  	_ =	shalt  }
0x56: {  	_ =	shalt  }
0x57: {  	_ =	shalt  }
0x58: {  	_ =	shalt  }
0x59: {  	_ =	shalt  }
0x5a: {  	_ =	shalt  }
0x5b: {  	_ =	shalt  }
0x5c: {  	_ =	shalt  }
0x5d: {  	_ =	shalt  }
0x5e: {  	_ =	shalt  }
0x5f: {  	_ =	shalt  }
0x60: {  	_ =	shalt  }
0x61: {  	_ =	shalt  }
0x62: {  	_ =	shalt  }
0x63: {  	_ =	shalt  }
0x64: {  	_ =	shalt  }
0x65: {  	_ =	shalt  }
0x66: {  	_ =	shalt  }
0x67: {  	_ =	shalt  }
0x68: {  	_ =	shalt  }
0x69: {  	_ =	shalt  }
0x6a: {  	_ =	shalt  }
0x6b: {  	_ =	shalt  }
0x6c: {  	_ =	shalt  }
0x6d: {  	_ =	shalt  }
0x6e: {  	_ =	shalt  }
0x6f: {  	_ =	shalt  }
0x70: {  	_ =	shalt  }
0x71: {  	_ =	shalt  }
0x72: {  	_ =	shalt  }
0x73: {  	_ =	shalt  }
0x74: {  	_ =	shalt  }
0x75: {  	_ =	shalt  }
0x76: {  	_ =	shalt  }
0x77: {  	_ =	shalt  }
0x78: {  	_ =	shalt  }
0x79: {  	_ =	shalt  }
0x7a: {  	_ =	shalt  }
0x7b: {  	_ =	shalt  }
0x7c: {  	_ =	shalt  }
0x7d: {  	_ =	shalt  }
0x7e: {  	_ =	shalt  }
0x7f: {  	_ =	shalt  }
0x80: {  	_ =	shalt  }
0x81: {  	_ =	shalt  }
0x82: {  	_ =	shalt  }
0x83: {  	_ =	shalt  }
0x84: {  	_ =	shalt  }
0x85: {  	_ =	shalt  }
0x86: {  	_ =	shalt  }
0x87: {  	_ =	shalt  }
.Lfunc_end0:
.L_simem_size_0:
called_computation_lowered:
.L_overlay_start_0:
0x88: {  	s2 =	sld [smem:$0x3FD9]  }
0x89: {  	s3 =	sld [smem:$0x3FFE];
	_ =	sdelay $0x1  }
0x8a: {  	s1 =	srdreg.scid  }
0x8b: {  	s0 =	sand.u32 $0x1, s1  }
0x8c: {  	s17 =	sshll.u32 s0, $0xA;
	s2 =	sadd.s32 s3, s2  }
0x8d: {  	s2 =	sadd.s32 s2, s17  }
0x8e: {  	[smem:$0x3FC0] =	sst s2  }
0x8f: {  	_ = 	snop  }
0x90: {  	s18 =	sld [smem:$0x3FD0];
	(tm) =	ssettm $0x1  }
0x91: {  	s19 =	sld [smem:$0x3FFB];
	_ =	sdelay $0x3  }
0x92: {  	_ =	strace s19  }
0x93: {  	s2 =	sld [smem:$0x3FFC];
	_ =	sdelay $0x3  }
0x94: {  	_ =	strace s2  }
0x95: {  	s2 =	sld [smem:$0x3FFD];
	_ =	sdelay $0x3  }
0x96: {  	_ =	strace s2  }
0x97: {  	_ =	strace $0x8FFFFFFF  }
0x98: {  	s20 =	sld [smem:$0x3FDB];
	_ =	sdelay $0x1  }
0x99: {  	s4 =	simm.s32 $_scs_section_size  }
0x9a: {  	s5 =	simm.s32 $_size__tile_overlayer_lowered;
	s6 =	simm.s32 $_tile_overlayer_lowered  }
0x9b: {  	s7 =	simm.s32 $0x1BFF;
	s21 =	sshll.u32 s6, $0x1;
	s4 =	sadd.s32 s4, s20  }
0x9c: {  	s22 =	simm.s32 $0x0;
	s5 =	sshll.u32 s5, $0x1;
	s6 =	sadd.s32 s21, s4  }
0x9d: {  	[timem:s22], [sflag:s7] =	dma.local [hbm:s6], s5  }
0x9e: {  	_ =	swait.ge [sflag:s7], s5  }
0x9f: {  	s5 =	ssub.s32 $0x0, s5;
	[sflag:s7] =	ssyncset.done $0x0  }
0xa0: {  	[sflag:s7] =	ssyncadd.s32 s5;
	_ =	sdelay $0x1  }
0xa1: {  	s23 =	simm.s32 $0x1B8B  }
0xa2: {  	_ =	swait.ge [sflag:s23], $0x1  }
0xa3: {  	[sflag:s23] =	ssyncset.done $0x0  }
0xa4: {  	[sflag:s23] =	ssyncadd.s32 $0xFFFFFFFF  }
0xa5: {  	s5 =	sld [smem:$0x0]  }
0xa6: {  	s6 =	sand.u32 $0xFFFFFFFE, s1  }
0xa7: {  	p0 =	sne.s32 s1, s6  }
0xa8: {  	s6 =	sshll.u32 @p0 s6, $0xE  }
0xa9: {  	s6 =	sadd.s32 @p0 $0x11B8D, s6;
	s7 =	sshll.u32 @p0 s5, $0x11  }
0xaa: {  	s6 =	sor.u32 @p0 s7, s6  }
0xab: {  	[sflag:s6] =	ssyncadd.remote.s32 @p0 $0x1;
	_ =	sdelay $0x1  }
0xac: {  	s6 =	simm.s32 @p0 $0x1B8D  }
0xad: {  	_ =	swait.eq @p0 [sflag:s6], $0x1  }
0xae: {  	[sflag:s6] =	ssyncadd.s32 @p0 $0xFFFFFFFF  }
0xaf: {  	s7 =	sshll.u32 @!p0 s1, $0xE  }
0xb0: {  	s7 =	sor.u32 @!p0 $0x4000, s7;
	s6 =	simm.s32 @!p0 $0x1B8D  }
0xb1: {  	s5 =	sshll.u32 @!p0 s5, $0x11;
	s7 =	sadd.s32 @!p0 $0x11B8D, s7;
	_ =	swait.eq @!p0 [sflag:s6], $0x1  }
0xb2: {  	s5 =	sor.u32 @!p0 s5, s7;
	[sflag:s6] =	ssyncadd.s32 @!p0 $0xFFFFFFFF  }
0xb3: {  	s25 =	simm.s32 $0x1B8E;
	s24 =	sld [smem:$0x3FFE];
	[sflag:s5] =	ssyncadd.remote.s32 @!p0 $0x1  }
0xb4: {  	s26 =	simm.s32 $execute0_lowered;
	[smem:$0x3FD2] =	sst s25  }
0xb5: {  	s6 =	sshll.u32 s26, $0x1;
	_ =	strace $0x80000049;
	[dreg:$0x1] =	wrdreg $0xFFFFFFFF  }
0xb6: {  	s28 =	simm.s32 $_size_execute0_lowered;
	s4 =	sadd.s32 s4, s6;
	[dreg:$0x0] =	wrdreg $0x0  }
0xb7: {  	s6 =	sshll.u32 s28, $0x1;
	[dreg:$0x2] =	wrdreg s4  }
0xb8: {  	[dreg:$0x3] =	wrdreg s6  }
0xb9: {  	[dreg:$0x4] =	wrdreg $0xC0  }
0xba: {  	_ =	task [dreg:s22], $0x5FFFF  }
0xbb: {  	[dreg:$0x1] =	wrdreg $0xFFFFFFFF  }
0xbc: {  	[dreg:$0x0] =	wrdreg $0x60  }
0xbd: {  	[dreg:$0x2] =	wrdreg s24  }
0xbe: {  	[dreg:$0x3] =	wrdreg s18  }
0xbf: {  	[dreg:$0x4] =	wrdreg $0x9  }
0xc0: {  	_ =	task.clear_ibuf [dreg:s22], $0x5FFFF;
	_ =	strace $0x90000049  }
0xc1: {  	s29 =	simm.s32 $0x9;
	_ =	strace $0x8000004B  }
0xc2: {  	_ =	swait.ge [sflag:s29], $0x1  }
0xc3: {  	[sflag:s29] =	ssyncadd.s32 $0xFFFFFFFF  }
0xc4: {  	_ =	strace $0x9000004B  }
0xc5: {  	_ =	sfence  }
0xc6: {  	s30 =	sld [smem:$0x0];
	_ =	sdelay $0x2  }
0xc7: {  	s31 =	sshll.u32 s1, $0xD;
	s1 =	sshrl.u32 s1, $0x2  }
0xc8: {  	s4 =	sand.u32 $0x4000, s31;
	s1 =	sadd.s32 s1, s30  }
0xc9: {  	s0 =	sor.u32 s4, s0;
	s1 =	sshll.u32 s1, $0x11  }
0xca: {  	s0 =	sor.u32 s1, s0  }
0xcb: {  	s0 =	sadd.s32 $0x8F2B, s0  }
0xcc: {  	[sflag:s0] =	ssyncadd.remote.s32 $0x1  }
0xcd: {  	_ =	sfence.sel $0xFFFF  }
0xce: {  	[dreg:$0x0] =	wrdreg $0xFFFFFFFF;
	(pc) =	sbr.abs _section_cstart, $3  }
0xcf: {  	[dreg:$0x1] =	wrdreg $0xFFFFFFFF  }
0xd0: {  	_ =	task.clear_ibuf [dreg:s22], $0x2FFFF;
	_ =	strace $0x9FFFFFFF  }
0xd1: {  	(tm) =	ssettm $0x7FFFFFFF  }
tec
execute0_lowered:
.L_overlay_start_1:
0x0: {  	(tag) =	ssettag $0x1  }
0x1: {  	s0 =	srdreg.scid;
	s1 =	rddreg [dreg:$0x0]  }
0x2: {  	s2 =	stileid.u32;
	s8 =	rddreg [dreg:$0x1]  }
0x3: {  	s3 =	simm.s32 $0x0;
	s16 =	simm.s32 $0x1C0;
	s18 =	simm.s32 $0x32  }
0x4: {  	s19 =	simm.s32 $0x2;
	s24 =	simm.s32 $0x8080;
	s25 =	simm.s32 $0x268  }
0x5: {  	s28 =	simm.s32 $0x2A0;
	s29 =	simm.s32 $0x9980;
	s30 =	simm.s32 $0x2D8  }
0x6: {  	s31 =	simm.s32 $0xA600;
	s14 =	simm.s32 $0x348;
	s13 =	simm.s32 $0xCB80  }
0x7: {  	s15 =	simm.s32 $0xCD80;
	s20 =	simm.s32 $0x0;
	s0 =	sand.u32 $0x1, s0  }
0x8: {  	s2 =	sshll.u32 s2, $0xA;
	[smem:$0x7FF] =	sst s3;
	s5 =	sadd.s32 $0xFBD600, s1  }
0x9: {  	s11 =	sadd.s32 $0x40, s8;
	s8 =	simm.s32 $0x3;
	s4 =	sshll.u32 s0, $0x9  }
0xa: {  	_ =	strace $0x8000004A;
	s0 =	ssub.s32 $0x2, s0;
	s2 =	sor.u32 s4, s2  }
0xb: {  	s4 =	sadd.s32 $0xFA1600, s1;
	s7 =	sshrl.u32 s0, $0x1;
	s1 =	sadd.s32 $0x1F3D600, s1  }
0xc: {  	s6 =	smul.u32 $0x7, s2;
	[dreg:$0x4] =	wrdreg s1;
	s0 =	ssub.s32 s0, s7  }
.Ltmp0:
0xd: {  	s9 =	sshll.u32 s2, $0x3;
	s10 =	sor.u32 $0x10, s2;
	(pc) =	sbr.rel .LBB2_1-.Ltmp0, $4  }
0xe: {  	s12 =	sor.u32 $0x18, s2;
	s1 =	simm.s32 $0x310;
	s0 =	smax.u32 s0, $0x1  }
0xf: {  	s7 =	simm.s32 $0xBF00;
	s6 =	sadd.s32 s4, s6;
	[dreg:$0x6] =	wrdreg s0  }
0x10: {  	s0 =	simm.s32 $0xB280;
	[dreg:$0x3] =	wrdreg s6;
	s26 =	sadd.s32 $0x38, s6  }
0x11: {  	s6 =	simm.s32 $0x4;
	[dreg:$0x5] =	wrdreg s26;
	s26 =	simm.s32 $0x8D00  }
.LBB2_20:
0x12: {  	s2 =	simm.s32 $0x5  }
0x13: {  	_ =	swait.ge [sflag:s2], $0x200  }
0x14: {  	[sflag:s2] =	ssyncset.done $0x0  }
0x15: {  	s17 =	simm.s32 $0x6;
	[sflag:s2] =	ssyncadd.s32 $0xFFFFFE00  }
0x16: {  	_ =	swait.ge [sflag:s17], $0x200  }
0x17: {  	s20 =	rddreg [dreg:$0x7]  }
0x18: {  	s23 =	rddreg [dreg:$0x6];
	s20 =	sadd.s32 $0x1, s20  }
0x19: {  	p0 =	sne.s32 s20, s23  }
.Ltmp1:
0x1a: {  	_ = 	snop;
	(pc) =	sbr.rel @!p0 .LBB2_21-.Ltmp1, $3  }
0x1b: {  	_ =	sdelay $0x1  }
0x1c: {  	[sflag:s17] =	ssyncset.done $0x0  }
0x1d: {  	[sflag:s17] =	ssyncadd.s32 $0xFFFFFE00  }
.LBB2_1:
0x1e: {  	[dreg:$0x7] =	wrdreg s20  }
0x1f: {  	s2 =	rddreg [dreg:$0x4];
	s17 =	simm.s32 $0xCF80;
	s22 =	simm.s32 $0x7  }
0x20: {  	[tilespmem:s17], [sflag:$0x7] =	stream.linear.gather [hbm4b:s2+s3], $0xC80, $0x38;
	[tilespmem:$0xDC00] =	vst v63  }
0x21: {  	_ =	swait.ge [sflag:s22], $0xC80  }
0x22: {  	[sflag:s22] =	ssyncset.done $0x0  }
0x23: {  	s23 =	rddreg [dreg:$0x3];
	[sflag:s22] =	ssyncadd.s32 $0xFFFFF380  }
0x24: {  	[tilespmem:s3], [sflag:$0x1] =	stream.linear.gather [hbm4b:s23+s3], $0x1C0, $0x38;
	[tilespmem:$0xDC00] =	vst v63  }
0x25: {  	s20 =	simm.s32 $0x1;
	s17 =	rddreg [dreg:$0x5]  }
0x26: {  	[tilespmem:s16], [sflag:$0x2] =	stream.linear.gather [hbm4b:s17+s3], $0x1C0, $0x38;
	[tilespmem:$0xDC00] =	vst v63  }
0x27: {  	_ =	swait.ge [sflag:s20], $0x1C0  }
0x28: {  	[sflag:s20] =	ssyncset.done $0x0  }
0x29: {  	s21 =	simm.s32 $0x380;
	[sflag:s20] =	ssyncadd.s32 $0xFFFFFE40  }
0x2a: {  	[tilespmem:s21], [sflag:$0x3] =	stream.indirect.gather [hbm4b:s5+s18], $0x40, s3, s18, $0xb8;
	[tilespmem:$0xDC00] =	vst v63  }
0x2b: {  	s22 =	simm.s32 $0x38;
	s23 =	simm.s32 $0x1000  }
0x2c: {  	[tilespmem:s23], [sflag:$0x3] =	stream.indirect.gather [hbm4b:s5+s18], $0x40, s22, s18, $0xb8;
	[tilespmem:$0xDC00] =	vst v63  }
0x2d: {  	s20 =	simm.s32 $0x70;
	s21 =	simm.s32 $0x1C80  }
0x2e: {  	[tilespmem:s21], [sflag:$0x3] =	stream.indirect.gather [hbm4b:s5+s18], $0x40, s20, s18, $0xb8;
	[tilespmem:$0xDC00] =	vst v63  }
0x2f: {  	s22 =	simm.s32 $0xA8;
	s23 =	simm.s32 $0x2900  }
0x30: {  	[tilespmem:s23], [sflag:$0x3] =	stream.indirect.gather [hbm4b:s5+s18], $0x40, s22, s18, $0xb8;
	[tilespmem:$0xDC00] =	vst v63  }
0x31: {  	s20 =	simm.s32 $0xE0;
	s21 =	simm.s32 $0x3580  }
0x32: {  	[tilespmem:s21], [sflag:$0x3] =	stream.indirect.gather [hbm4b:s5+s18], $0x40, s20, s18, $0xb8;
	[tilespmem:$0xDC00] =	vst v63  }
0x33: {  	s22 =	simm.s32 $0x118;
	s23 =	simm.s32 $0x4200  }
0x34: {  	[tilespmem:s23], [sflag:$0x3] =	stream.indirect.gather [hbm4b:s5+s18], $0x40, s22, s18, $0xb8;
	[tilespmem:$0xDC00] =	vst v63  }
0x35: {  	s20 =	simm.s32 $0x150;
	s21 =	simm.s32 $0x4E80  }
0x36: {  	[tilespmem:s21], [sflag:$0x3] =	stream.indirect.gather [hbm4b:s5+s18], $0x40, s20, s18, $0xb8;
	[tilespmem:$0xDC00] =	vst v63  }
0x37: {  	s17 =	simm.s32 $0x0;
	s22 =	simm.s32 $0x188;
	s23 =	simm.s32 $0x5B00  }
0x38: {  	[tilespmem:s23], [sflag:$0x3] =	stream.indirect.gather [hbm4b:s5+s18], $0x40, s22, s18, $0xb8;
	[tilespmem:$0xDC00] =	vst v63  }
.LBB2_2:
0x39: {  	_ =	swait.ge [sflag:s19], $0x1C0  }
0x3a: {  	[sflag:s19] =	ssyncset.done $0x0  }
0x3b: {  	s2 =	simm.s32 $0x6780;
	[sflag:s19] =	ssyncadd.s32 $0xFFFFFE40  }
0x3c: {  	[tilespmem:s2], [sflag:$0x4] =	stream.indirect.gather [hbm4b:s5+s18], $0x40, s16, s18, $0xb8;
	[tilespmem:$0xDC00] =	vst v63  }
0x3d: {  	s21 =	simm.s32 $0x1F8;
	s20 =	simm.s32 $0x7400  }
0x3e: {  	[tilespmem:s20], [sflag:$0x4] =	stream.indirect.gather [hbm4b:s5+s18], $0x40, s21, s18, $0xb8;
	[tilespmem:$0xDC00] =	vst v63  }
0x3f: {  	s22 =	simm.s32 $0x230  }
0x40: {  	[tilespmem:s24], [sflag:$0x4] =	stream.indirect.gather [hbm4b:s5+s18], $0x40, s22, s18, $0xb8;
	[tilespmem:$0xDC00] =	vst v63  }
0x41: {  	_ = 	snop  }
0x42: {  	[tilespmem:s26], [sflag:$0x4] =	stream.indirect.gather [hbm4b:s5+s18], $0x40, s25, s18, $0xb8;
	[tilespmem:$0xDC00] =	vst v63  }
0x43: {  	_ = 	snop  }
0x44: {  	[tilespmem:s29], [sflag:$0x4] =	stream.indirect.gather [hbm4b:s5+s18], $0x40, s28, s18, $0xb8;
	[tilespmem:$0xDC00] =	vst v63  }
0x45: {  	_ = 	snop  }
0x46: {  	[tilespmem:s31], [sflag:$0x4] =	stream.indirect.gather [hbm4b:s5+s18], $0x40, s30, s18, $0xb8;
	[tilespmem:$0xDC00] =	vst v63  }
0x47: {  	_ = 	snop  }
0x48: {  	[tilespmem:s0], [sflag:$0x4] =	stream.indirect.gather [hbm4b:s5+s18], $0x40, s1, s18, $0xb8;
	[tilespmem:$0xDC00] =	vst v63  }
0x49: {  	_ = 	snop  }
0x4a: {  	[tilespmem:s7], [sflag:$0x4] =	stream.indirect.gather [hbm4b:s5+s18], $0x40, s14, s18, $0xb8;
	[tilespmem:$0xDC00] =	vst v63  }
0x4b: {  	_ =	swait.ge [sflag:s8], $0xC80  }
0x4c: {  	[sflag:s8] =	ssyncset.done $0x0  }
0x4d: {  	[sflag:s8] =	ssyncadd.s32 $0xFFFFF380  }
0x4e: {  	_ =	swait.ge [sflag:s8], $0xC80  }
0x4f: {  	[sflag:s8] =	ssyncset.done $0x0  }
0x50: {  	[sflag:s8] =	ssyncadd.s32 $0xFFFFF380  }
0x51: {  	_ =	swait.ge [sflag:s8], $0xC80  }
0x52: {  	[sflag:s8] =	ssyncset.done $0x0  }
0x53: {  	[sflag:s8] =	ssyncadd.s32 $0xFFFFF380  }
0x54: {  	_ =	swait.ge [sflag:s8], $0xC80  }
0x55: {  	[sflag:s8] =	ssyncset.done $0x0  }
0x56: {  	[sflag:s8] =	ssyncadd.s32 $0xFFFFF380  }
0x57: {  	_ =	swait.ge [sflag:s8], $0xC80  }
0x58: {  	[sflag:s8] =	ssyncset.done $0x0  }
0x59: {  	[sflag:s8] =	ssyncadd.s32 $0xFFFFF380  }
0x5a: {  	_ =	swait.ge [sflag:s8], $0xC80  }
0x5b: {  	[sflag:s8] =	ssyncset.done $0x0  }
0x5c: {  	[sflag:s8] =	ssyncadd.s32 $0xFFFFF380  }
0x5d: {  	_ =	swait.ge [sflag:s8], $0xC80  }
0x5e: {  	[sflag:s8] =	ssyncset.done $0x0  }
0x5f: {  	[sflag:s8] =	ssyncadd.s32 $0xFFFFF380  }
0x60: {  	_ =	swait.ge [sflag:s8], $0xC80  }
0x61: {  	p0 =	seq.s32 s17, $0x0;
	[sflag:s8] =	ssyncset.done $0x0  }
0x62: {  	s2 =	simm.s32 @!p0 $0x5;
	[sflag:s8] =	ssyncadd.s32 $0xFFFFF380  }
0x63: {  	_ =	swait.ge @!p0 [sflag:s2], $0x200  }
0x64: {  	[sflag:s2] =	ssyncset.done @!p0 $0x0  }
0x65: {  	s23 =	simm.s32 $0x0;
	[sflag:s2] =	ssyncadd.s32 @!p0 $0xFFFFFE00  }
0x66: {  	v1 =	vld [tilespmem:s23+$0xCF80]  }
0x67: {  	v0 =	vld [tilespmem:s23+$0x5B00]  }
0x68: {  	v2 =	vld [tilespmem:s23+$0x380]  }
0x69: {  	v3 =	vld [tilespmem:s23+$0x1000]  }
0x6a: {  	v5 =	vld [tilespmem:s23+$0x1C80];
	_ =	sdelay $0x1  }
0x6b: {  	v12 =	vld [tilespmem:s23+$0x2900]  }
0x6c: {  	v6 =	vimm.f32 $0.0e+00;
	v8 =	vimm.f32 $0.0e+00;
	v9 =	vimm.f32 $0.0e+00;
	v13 =	vld [tilespmem:s23+$0x3580]  }
0x6d: {  	v10 =	vimm.f32 $0.0e+00;
	v7 =	vld [tilespmem:s23+$0x4200];
	v0 =	vmul.f32 v0, v1;
	v2 =	vmul.f32 v2, v1  }
0x6e: {  	s20 =	simm.s32 $0x40;
	v11 =	vld [tilespmem:s23+$0x4E80];
	v14 =	vmul.f32 v3, v1;
	v15 =	vmul.f32 v5, v1;
	v3 =	vimm.f32 $0.0e+00  }
0x6f: {  	s21 =	simm.s32 $0x200;
	s2 =	sshll.u32 s17, $0x4;
	v5 =	vld [tilespmem:s20+$0xCF80];
	v0 =	vadd.f32 v0, v6;
	v4 =	vadd.f32 v2, v6;
	v2 =	vimm.f32 $0.0e+00  }
.LBB2_3:
0x70: {  	p1 =	sne.s32 s21, $0x3100;
	v16 =	vld [tilespmem:s20+$0x5B00];
	v6 =	vadd.f32 v14, v6;
	v12 =	vmul.f32 v12, v1  }
0x71: {  	v14 =	vld [tilespmem:s20+$0x380];
	v8 =	vadd.f32 v15, v8;
	v13 =	vmul.f32 v13, v1  }
0x72: {  	v15 =	vld [tilespmem:s20+$0x1000];
	v9 =	vadd.f32 v12, v9;
	v7 =	vmul.f32 v7, v1  }
0x73: {  	v17 =	vld [tilespmem:s20+$0x1C80];
	v10 =	vadd.f32 v13, v10;
	v11 =	vmul.f32 v11, v1  }
.Ltmp2:
0x74: {  	v12 =	vld [tilespmem:s20+$0x2900];
	v3 =	vadd.f32 v7, v3;
	v1 =	vmov v5;
	(pc) =	sbr.rel @p1 .LBB2_3-.Ltmp2, $4  }
0x75: {  	v13 =	vld [tilespmem:s20+$0x3580];
	v5 =	vmul.f32 v16, v1;
	v2 =	vadd.f32 v11, v2  }
0x76: {  	v16 =	vmul.f32 v14, v1;
	v7 =	vld [tilespmem:s20+$0x4200]  }
0x77: {  	v14 =	vmul.f32 v15, v1;
	v11 =	vld [tilespmem:s20+$0x4E80];
	s20 =	sshra.s32 s21, $0x2;
	v0 =	vadd.f32 v5, v0  }
0x78: {  	s21 =	sadd.s32 $0x100, s21;
	v5 =	vld [tilespmem:s20+$0xCF80];
	v4 =	vadd.f32 v16, v4;
	v15 =	vmul.f32 v17, v1  }
0x79: {  	v16 =	vld [tilespmem:s20+$0x380]  }
0x7a: {  	v17 =	vld [tilespmem:s20+$0x1000]  }
0x7b: {  	v20 =	vld [tilespmem:s20+$0x3580]  }
0x7c: {  	v18 =	vld [tilespmem:s20+$0x1C80];
	v12 =	vmul.f32 v12, v1  }
0x7d: {  	v19 =	vld [tilespmem:s20+$0x2900];
	v6 =	vadd.f32 v14, v6;
	v13 =	vmul.f32 v13, v1  }
0x7e: {  	v8 =	vadd.f32 v15, v8;
	v15 =	vld [tilespmem:s20+$0x4E80];
	v9 =	vadd.f32 v12, v9;
	v14 =	vmul.f32 v16, v5  }
0x7f: {  	v7 =	vmul.f32 v7, v1;
	v10 =	vadd.f32 v13, v10;
	v16 =	vld [tilespmem:s20+$0x4200];
	v12 =	vmul.f32 v17, v5  }
0x80: {  	v13 =	vld [tilespmem:s20+$0x5B00];
	v1 =	vmul.f32 v11, v1;
	v11 =	vmul.f32 v20, v5;
	v4 =	vadd.f32 v14, v4  }
0x81: {  	v14 =	vmul.f32 v18, v5;
	v6 =	vadd.f32 v12, v6  }
0x82: {  	v1 =	vadd.f32 v1, v2;
	v12 =	vmul.f32 v19, v5;
	v2 =	vadd.f32 v11, v10;
	[tilespmem:$0xCB80] =	vst v4  }
0x83: {  	v8 =	vadd.f32 v14, v8;
	[tilespmem:$0xCBC0] =	vst v6;
	v6 =	vmul.f32 v15, v5  }
0x84: {  	v3 =	vadd.f32 v7, v3;
	v4 =	vadd.f32 v12, v9;
	[tilespmem:$0xCC80] =	vst v2;
	v7 =	vmul.f32 v16, v5  }
0x85: {  	v5 =	vmul.f32 v13, v5;
	[tilespmem:$0xCC00] =	vst v8;
	v1 =	vadd.f32 v6, v1  }
0x86: {  	[tilespmem:$0xCC40] =	vst v4;
	v3 =	vadd.f32 v7, v3  }
0x87: {  	v0 =	vadd.f32 v5, v0;
	[tilespmem:$0xCD00] =	vst v1  }
0x88: {  	[tilespmem:$0xCCC0] =	vst v3  }
0x89: {  	s21 =	simm.s32 $0x0;
	[tilespmem:$0xCD40] =	vst v0  }
0x8a: {  	v1 =	vld [tilespmem:s21+$0xCF90]  }
0x8b: {  	v0 =	vld [tilespmem:s21+$0x5B10]  }
0x8c: {  	v2 =	vld [tilespmem:s21+$0x390]  }
0x8d: {  	v3 =	vld [tilespmem:s21+$0x1010]  }
0x8e: {  	v5 =	vld [tilespmem:s21+$0x1C90];
	_ =	sdelay $0x1  }
0x8f: {  	v12 =	vld [tilespmem:s21+$0x2910]  }
0x90: {  	v10 =	vimm.f32 $0.0e+00;
	v9 =	vimm.f32 $0.0e+00;
	v6 =	vimm.f32 $0.0e+00;
	v13 =	vld [tilespmem:s21+$0x3590]  }
0x91: {  	v8 =	vimm.f32 $0.0e+00;
	v7 =	vld [tilespmem:s21+$0x4210];
	v0 =	vmul.f32 v0, v1;
	v2 =	vmul.f32 v2, v1  }
0x92: {  	s20 =	simm.s32 $0x40;
	v11 =	vld [tilespmem:s21+$0x4E90];
	v14 =	vmul.f32 v3, v1;
	v15 =	vmul.f32 v5, v1;
	v3 =	vimm.f32 $0.0e+00  }
0x93: {  	s21 =	simm.s32 $0x200;
	v5 =	vld [tilespmem:s20+$0xCF90];
	v0 =	vadd.f32 v0, v6;
	v4 =	vadd.f32 v2, v6;
	v2 =	vimm.f32 $0.0e+00  }
.LBB2_5:
0x94: {  	p1 =	sne.s32 s21, $0x3100;
	v16 =	vld [tilespmem:s20+$0x5B10];
	v6 =	vadd.f32 v14, v6;
	v12 =	vmul.f32 v12, v1  }
0x95: {  	v14 =	vld [tilespmem:s20+$0x390];
	v8 =	vadd.f32 v15, v8;
	v13 =	vmul.f32 v13, v1  }
0x96: {  	v15 =	vld [tilespmem:s20+$0x1010];
	v9 =	vadd.f32 v12, v9;
	v7 =	vmul.f32 v7, v1  }
0x97: {  	v17 =	vld [tilespmem:s20+$0x1C90];
	v10 =	vadd.f32 v13, v10;
	v11 =	vmul.f32 v11, v1  }
.Ltmp3:
0x98: {  	v12 =	vld [tilespmem:s20+$0x2910];
	v3 =	vadd.f32 v7, v3;
	v1 =	vmov v5;
	(pc) =	sbr.rel @p1 .LBB2_5-.Ltmp3, $4  }
0x99: {  	v13 =	vld [tilespmem:s20+$0x3590];
	v5 =	vmul.f32 v16, v1;
	v2 =	vadd.f32 v11, v2  }
0x9a: {  	v16 =	vmul.f32 v14, v1;
	v7 =	vld [tilespmem:s20+$0x4210]  }
0x9b: {  	v14 =	vmul.f32 v15, v1;
	v11 =	vld [tilespmem:s20+$0x4E90];
	s20 =	sshra.s32 s21, $0x2;
	v0 =	vadd.f32 v5, v0  }
0x9c: {  	s21 =	sadd.s32 $0x100, s21;
	v5 =	vld [tilespmem:s20+$0xCF90];
	v4 =	vadd.f32 v16, v4;
	v15 =	vmul.f32 v17, v1  }
0x9d: {  	v16 =	vld [tilespmem:s20+$0x390]  }
0x9e: {  	v17 =	vld [tilespmem:s20+$0x1010]  }
0x9f: {  	v20 =	vld [tilespmem:s20+$0x3590]  }
0xa0: {  	v18 =	vld [tilespmem:s20+$0x1C90];
	v12 =	vmul.f32 v12, v1  }
0xa1: {  	v19 =	vld [tilespmem:s20+$0x2910];
	v6 =	vadd.f32 v14, v6;
	v13 =	vmul.f32 v13, v1  }
0xa2: {  	v8 =	vadd.f32 v15, v8;
	v15 =	vld [tilespmem:s20+$0x4E90];
	v9 =	vadd.f32 v12, v9;
	v14 =	vmul.f32 v16, v5  }
0xa3: {  	v7 =	vmul.f32 v7, v1;
	v10 =	vadd.f32 v13, v10;
	v16 =	vld [tilespmem:s20+$0x4210];
	v12 =	vmul.f32 v17, v5  }
0xa4: {  	v13 =	vld [tilespmem:s20+$0x5B10];
	v1 =	vmul.f32 v11, v1;
	v11 =	vmul.f32 v20, v5;
	v4 =	vadd.f32 v14, v4  }
0xa5: {  	v14 =	vmul.f32 v18, v5;
	v6 =	vadd.f32 v12, v6  }
0xa6: {  	v1 =	vadd.f32 v1, v2;
	v12 =	vmul.f32 v19, v5;
	v2 =	vadd.f32 v11, v10;
	[tilespmem:$0xCB90] =	vst v4  }
0xa7: {  	v8 =	vadd.f32 v14, v8;
	[tilespmem:$0xCBD0] =	vst v6;
	v6 =	vmul.f32 v15, v5  }
0xa8: {  	v3 =	vadd.f32 v7, v3;
	v4 =	vadd.f32 v12, v9;
	[tilespmem:$0xCC90] =	vst v2;
	v7 =	vmul.f32 v16, v5  }
0xa9: {  	v5 =	vmul.f32 v13, v5;
	[tilespmem:$0xCC10] =	vst v8;
	v1 =	vadd.f32 v6, v1  }
0xaa: {  	[tilespmem:$0xCC50] =	vst v4;
	v3 =	vadd.f32 v7, v3  }
0xab: {  	v0 =	vadd.f32 v5, v0;
	[tilespmem:$0xCD10] =	vst v1  }
0xac: {  	[tilespmem:$0xCCD0] =	vst v3  }
0xad: {  	s21 =	simm.s32 $0x0;
	[tilespmem:$0xCD50] =	vst v0  }
0xae: {  	v1 =	vld [tilespmem:s21+$0xCFA0]  }
0xaf: {  	v0 =	vld [tilespmem:s21+$0x5B20]  }
0xb0: {  	v2 =	vld [tilespmem:s21+$0x3A0]  }
0xb1: {  	v3 =	vld [tilespmem:s21+$0x1020]  }
0xb2: {  	v5 =	vld [tilespmem:s21+$0x1CA0];
	_ =	sdelay $0x1  }
0xb3: {  	v12 =	vld [tilespmem:s21+$0x2920]  }
0xb4: {  	v10 =	vimm.f32 $0.0e+00;
	v9 =	vimm.f32 $0.0e+00;
	v6 =	vimm.f32 $0.0e+00;
	v13 =	vld [tilespmem:s21+$0x35A0]  }
0xb5: {  	v8 =	vimm.f32 $0.0e+00;
	v7 =	vld [tilespmem:s21+$0x4220];
	v0 =	vmul.f32 v0, v1;
	v2 =	vmul.f32 v2, v1  }
0xb6: {  	s20 =	simm.s32 $0x40;
	v11 =	vld [tilespmem:s21+$0x4EA0];
	v14 =	vmul.f32 v3, v1;
	v15 =	vmul.f32 v5, v1;
	v3 =	vimm.f32 $0.0e+00  }
0xb7: {  	s21 =	simm.s32 $0x200;
	v5 =	vld [tilespmem:s20+$0xCFA0];
	v0 =	vadd.f32 v0, v6;
	v4 =	vadd.f32 v2, v6;
	v2 =	vimm.f32 $0.0e+00  }
.LBB2_7:
0xb8: {  	p1 =	sne.s32 s21, $0x3100;
	v16 =	vld [tilespmem:s20+$0x5B20];
	v6 =	vadd.f32 v14, v6;
	v12 =	vmul.f32 v12, v1  }
0xb9: {  	v14 =	vld [tilespmem:s20+$0x3A0];
	v8 =	vadd.f32 v15, v8;
	v13 =	vmul.f32 v13, v1  }
0xba: {  	v15 =	vld [tilespmem:s20+$0x1020];
	v9 =	vadd.f32 v12, v9;
	v7 =	vmul.f32 v7, v1  }
0xbb: {  	v17 =	vld [tilespmem:s20+$0x1CA0];
	v10 =	vadd.f32 v13, v10;
	v11 =	vmul.f32 v11, v1  }
.Ltmp4:
0xbc: {  	v12 =	vld [tilespmem:s20+$0x2920];
	v3 =	vadd.f32 v7, v3;
	v1 =	vmov v5;
	(pc) =	sbr.rel @p1 .LBB2_7-.Ltmp4, $4  }
0xbd: {  	v13 =	vld [tilespmem:s20+$0x35A0];
	v5 =	vmul.f32 v16, v1;
	v2 =	vadd.f32 v11, v2  }
0xbe: {  	v16 =	vmul.f32 v14, v1;
	v7 =	vld [tilespmem:s20+$0x4220]  }
0xbf: {  	v14 =	vmul.f32 v15, v1;
	v11 =	vld [tilespmem:s20+$0x4EA0];
	s20 =	sshra.s32 s21, $0x2;
	v0 =	vadd.f32 v5, v0  }
0xc0: {  	s21 =	sadd.s32 $0x100, s21;
	v5 =	vld [tilespmem:s20+$0xCFA0];
	v4 =	vadd.f32 v16, v4;
	v15 =	vmul.f32 v17, v1  }
0xc1: {  	v16 =	vld [tilespmem:s20+$0x3A0]  }
0xc2: {  	v17 =	vld [tilespmem:s20+$0x1020]  }
0xc3: {  	v20 =	vld [tilespmem:s20+$0x35A0]  }
0xc4: {  	v18 =	vld [tilespmem:s20+$0x1CA0];
	v12 =	vmul.f32 v12, v1  }
0xc5: {  	v19 =	vld [tilespmem:s20+$0x2920];
	v6 =	vadd.f32 v14, v6;
	v13 =	vmul.f32 v13, v1  }
0xc6: {  	v8 =	vadd.f32 v15, v8;
	v15 =	vld [tilespmem:s20+$0x4EA0];
	v9 =	vadd.f32 v12, v9;
	v14 =	vmul.f32 v16, v5  }
0xc7: {  	v7 =	vmul.f32 v7, v1;
	v10 =	vadd.f32 v13, v10;
	v16 =	vld [tilespmem:s20+$0x4220];
	v12 =	vmul.f32 v17, v5  }
0xc8: {  	v13 =	vld [tilespmem:s20+$0x5B20];
	v1 =	vmul.f32 v11, v1;
	v11 =	vmul.f32 v20, v5;
	v4 =	vadd.f32 v14, v4  }
0xc9: {  	v14 =	vmul.f32 v18, v5;
	v6 =	vadd.f32 v12, v6  }
0xca: {  	v1 =	vadd.f32 v1, v2;
	v12 =	vmul.f32 v19, v5;
	v2 =	vadd.f32 v11, v10;
	[tilespmem:$0xCBA0] =	vst v4  }
0xcb: {  	v8 =	vadd.f32 v14, v8;
	[tilespmem:$0xCBE0] =	vst v6;
	v6 =	vmul.f32 v15, v5  }
0xcc: {  	v3 =	vadd.f32 v7, v3;
	v4 =	vadd.f32 v12, v9;
	[tilespmem:$0xCCA0] =	vst v2;
	v7 =	vmul.f32 v16, v5  }
0xcd: {  	v5 =	vmul.f32 v13, v5;
	[tilespmem:$0xCC20] =	vst v8;
	v1 =	vadd.f32 v6, v1  }
0xce: {  	[tilespmem:$0xCC60] =	vst v4;
	v3 =	vadd.f32 v7, v3  }
0xcf: {  	v0 =	vadd.f32 v5, v0;
	[tilespmem:$0xCD20] =	vst v1  }
0xd0: {  	[tilespmem:$0xCCE0] =	vst v3  }
0xd1: {  	s21 =	simm.s32 $0x0;
	[tilespmem:$0xCD60] =	vst v0  }
0xd2: {  	v1 =	vld [tilespmem:s21+$0xCFB0]  }
0xd3: {  	v0 =	vld [tilespmem:s21+$0x5B30]  }
0xd4: {  	v2 =	vld [tilespmem:s21+$0x3B0]  }
0xd5: {  	v3 =	vld [tilespmem:s21+$0x1030]  }
0xd6: {  	v5 =	vld [tilespmem:s21+$0x1CB0];
	_ =	sdelay $0x1  }
0xd7: {  	v12 =	vld [tilespmem:s21+$0x2930]  }
0xd8: {  	v10 =	vimm.f32 $0.0e+00;
	v9 =	vimm.f32 $0.0e+00;
	v6 =	vimm.f32 $0.0e+00;
	v13 =	vld [tilespmem:s21+$0x35B0]  }
0xd9: {  	v8 =	vimm.f32 $0.0e+00;
	v7 =	vld [tilespmem:s21+$0x4230];
	v0 =	vmul.f32 v0, v1;
	v2 =	vmul.f32 v2, v1  }
0xda: {  	s20 =	simm.s32 $0x40;
	v11 =	vld [tilespmem:s21+$0x4EB0];
	v14 =	vmul.f32 v3, v1;
	v15 =	vmul.f32 v5, v1;
	v3 =	vimm.f32 $0.0e+00  }
0xdb: {  	s21 =	simm.s32 $0x200;
	v5 =	vld [tilespmem:s20+$0xCFB0];
	v0 =	vadd.f32 v0, v6;
	v4 =	vadd.f32 v2, v6;
	v2 =	vimm.f32 $0.0e+00  }
.LBB2_9:
0xdc: {  	p1 =	sne.s32 s21, $0x3100;
	v16 =	vld [tilespmem:s20+$0x5B30];
	v6 =	vadd.f32 v14, v6;
	v12 =	vmul.f32 v12, v1  }
0xdd: {  	v14 =	vld [tilespmem:s20+$0x3B0];
	v8 =	vadd.f32 v15, v8;
	v13 =	vmul.f32 v13, v1  }
0xde: {  	v15 =	vld [tilespmem:s20+$0x1030];
	v9 =	vadd.f32 v12, v9;
	v7 =	vmul.f32 v7, v1  }
0xdf: {  	v17 =	vld [tilespmem:s20+$0x1CB0];
	v10 =	vadd.f32 v13, v10;
	v11 =	vmul.f32 v11, v1  }
.Ltmp5:
0xe0: {  	v12 =	vld [tilespmem:s20+$0x2930];
	v3 =	vadd.f32 v7, v3;
	v1 =	vmov v5;
	(pc) =	sbr.rel @p1 .LBB2_9-.Ltmp5, $4  }
0xe1: {  	v13 =	vld [tilespmem:s20+$0x35B0];
	v5 =	vmul.f32 v16, v1;
	v2 =	vadd.f32 v11, v2  }
0xe2: {  	v16 =	vmul.f32 v14, v1;
	v7 =	vld [tilespmem:s20+$0x4230]  }
0xe3: {  	v14 =	vmul.f32 v15, v1;
	v11 =	vld [tilespmem:s20+$0x4EB0];
	s20 =	sshra.s32 s21, $0x2;
	v0 =	vadd.f32 v5, v0  }
0xe4: {  	s21 =	sadd.s32 $0x100, s21;
	v5 =	vld [tilespmem:s20+$0xCFB0];
	v4 =	vadd.f32 v16, v4;
	v15 =	vmul.f32 v17, v1  }
0xe5: {  	v16 =	vld [tilespmem:s20+$0x3B0]  }
0xe6: {  	v17 =	vld [tilespmem:s20+$0x1030]  }
0xe7: {  	v20 =	vld [tilespmem:s20+$0x35B0]  }
0xe8: {  	v18 =	vld [tilespmem:s20+$0x1CB0];
	v12 =	vmul.f32 v12, v1  }
0xe9: {  	v19 =	vld [tilespmem:s20+$0x2930];
	v6 =	vadd.f32 v14, v6;
	v13 =	vmul.f32 v13, v1  }
0xea: {  	v8 =	vadd.f32 v15, v8;
	v15 =	vld [tilespmem:s20+$0x4EB0];
	v9 =	vadd.f32 v12, v9;
	v14 =	vmul.f32 v16, v5  }
0xeb: {  	v7 =	vmul.f32 v7, v1;
	v10 =	vadd.f32 v13, v10;
	v16 =	vld [tilespmem:s20+$0x4230];
	v12 =	vmul.f32 v17, v5  }
0xec: {  	v13 =	vld [tilespmem:s20+$0x5B30];
	v1 =	vmul.f32 v11, v1;
	v11 =	vmul.f32 v20, v5;
	v4 =	vadd.f32 v14, v4  }
0xed: {  	v14 =	vmul.f32 v18, v5;
	v6 =	vadd.f32 v12, v6  }
0xee: {  	v1 =	vadd.f32 v1, v2;
	v12 =	vmul.f32 v19, v5;
	v2 =	vadd.f32 v11, v10;
	[tilespmem:$0xCBB0] =	vst v4  }
0xef: {  	v8 =	vadd.f32 v14, v8;
	[tilespmem:$0xCBF0] =	vst v6;
	v6 =	vmul.f32 v15, v5  }
0xf0: {  	v3 =	vadd.f32 v7, v3;
	v4 =	vadd.f32 v12, v9;
	[tilespmem:$0xCCB0] =	vst v2;
	v7 =	vmul.f32 v16, v5  }
0xf1: {  	v5 =	vmul.f32 v13, v5;
	[tilespmem:$0xCC30] =	vst v8;
	v1 =	vadd.f32 v6, v1  }
0xf2: {  	[tilespmem:$0xCC70] =	vst v4;
	v3 =	vadd.f32 v7, v3  }
0xf3: {  	s22 =	sshll.u32 s17, $0x7;
	p1 =	seq.s32 s17, $0x1F;
	v0 =	vadd.f32 v5, v0;
	[tilespmem:$0xCD30] =	vst v1  }
0xf4: {  	s21 =	sadd.s32 @!p1 s2, s10;
	s20 =	sadd.s32 s9, s22;
	s22 =	rddreg [dreg:$0x1];
	[tilespmem:$0xCCF0] =	vst v3  }
0xf5: {  	s21 =	smul.u32 @!p1 $0x7, s21;
	s22 =	sadd.s32 s22, s20;
	[tilespmem:$0xCD70] =	vst v0  }
0xf6: {  	[hbm4b:s22+s3] =	stream.linear.scatter [tilespmem:s13], [sflag:$0x5], $0x200, $0x38;
	[tilespmem:$0xDC00] =	vst v63  }
0xf7: {  	s21 =	sadd.s32 @!p1 s4, s21;
	s22 =	simm.s32 @!p1 $0x0  }
0xf8: {  	[tilespmem:s22], [sflag:$0x1] =	stream.linear.gather @!p1 [hbm4b:s21+s22], $0x1C0, $0x38;
	[tilespmem:$0xDC00] =	vst v63  }
0xf9: {  	s21 =	simm.s32 @!p1 $0x1  }
0xfa: {  	_ =	swait.ge @!p1 [sflag:s21], $0x1C0  }
0xfb: {  	[sflag:s21] =	ssyncset.done @!p1 $0x0  }
0xfc: {  	s23 =	simm.s32 @!p1 $0x380;
	[sflag:s21] =	ssyncadd.s32 @!p1 $0xFFFFFE40;
	s21 =	simm.s32 @!p1 $0x32  }
0xfd: {  	[tilespmem:s23], [sflag:$0x3] =	stream.indirect.gather @!p1 [hbm4b:s5+s21], $0x40, s22, s21, $0xb8;
	[tilespmem:$0xDC00] =	vst v63  }
0xfe: {  	s22 =	simm.s32 @!p1 $0x38;
	s23 =	simm.s32 @!p1 $0x1000  }
0xff: {  	[tilespmem:s23], [sflag:$0x3] =	stream.indirect.gather @!p1 [hbm4b:s5+s21], $0x40, s22, s21, $0xb8;
	[tilespmem:$0xDC00] =	vst v63  }
0x100: {  	s22 =	simm.s32 @!p1 $0x70;
	s23 =	simm.s32 @!p1 $0x1C80  }
0x101: {  	[tilespmem:s23], [sflag:$0x3] =	stream.indirect.gather @!p1 [hbm4b:s5+s21], $0x40, s22, s21, $0xb8;
	[tilespmem:$0xDC00] =	vst v63  }
0x102: {  	s22 =	simm.s32 @!p1 $0xA8;
	s23 =	simm.s32 @!p1 $0x2900  }
0x103: {  	[tilespmem:s23], [sflag:$0x3] =	stream.indirect.gather @!p1 [hbm4b:s5+s21], $0x40, s22, s21, $0xb8;
	[tilespmem:$0xDC00] =	vst v63  }
0x104: {  	s22 =	simm.s32 @!p1 $0xE0;
	s23 =	simm.s32 @!p1 $0x3580  }
0x105: {  	[tilespmem:s23], [sflag:$0x3] =	stream.indirect.gather @!p1 [hbm4b:s5+s21], $0x40, s22, s21, $0xb8;
	[tilespmem:$0xDC00] =	vst v63  }
0x106: {  	s22 =	simm.s32 @!p1 $0x118;
	s23 =	simm.s32 @!p1 $0x4200  }
0x107: {  	[tilespmem:s23], [sflag:$0x3] =	stream.indirect.gather @!p1 [hbm4b:s5+s21], $0x40, s22, s21, $0xb8;
	[tilespmem:$0xDC00] =	vst v63  }
0x108: {  	s22 =	simm.s32 @!p1 $0x150;
	s23 =	simm.s32 @!p1 $0x4E80  }
0x109: {  	[tilespmem:s23], [sflag:$0x3] =	stream.indirect.gather @!p1 [hbm4b:s5+s21], $0x40, s22, s21, $0xb8;
	[tilespmem:$0xDC00] =	vst v63  }
0x10a: {  	s22 =	simm.s32 @!p1 $0x188;
	s23 =	simm.s32 @!p1 $0x5B00  }
0x10b: {  	[tilespmem:s23], [sflag:$0x3] =	stream.indirect.gather @!p1 [hbm4b:s5+s21], $0x40, s22, s21, $0xb8;
	[tilespmem:$0xDC00] =	vst v63  }
0x10c: {  	_ =	swait.ge [sflag:s6], $0xC80  }
0x10d: {  	[sflag:s6] =	ssyncset.done $0x0  }
0x10e: {  	[sflag:s6] =	ssyncadd.s32 $0xFFFFF380  }
0x10f: {  	_ =	swait.ge [sflag:s6], $0xC80  }
0x110: {  	[sflag:s6] =	ssyncset.done $0x0  }
0x111: {  	[sflag:s6] =	ssyncadd.s32 $0xFFFFF380  }
0x112: {  	_ =	swait.ge [sflag:s6], $0xC80  }
0x113: {  	[sflag:s6] =	ssyncset.done $0x0  }
0x114: {  	[sflag:s6] =	ssyncadd.s32 $0xFFFFF380  }
0x115: {  	_ =	swait.ge [sflag:s6], $0xC80  }
0x116: {  	[sflag:s6] =	ssyncset.done $0x0  }
0x117: {  	[sflag:s6] =	ssyncadd.s32 $0xFFFFF380  }
0x118: {  	_ =	swait.ge [sflag:s6], $0xC80  }
0x119: {  	[sflag:s6] =	ssyncset.done $0x0  }
0x11a: {  	[sflag:s6] =	ssyncadd.s32 $0xFFFFF380  }
0x11b: {  	_ =	swait.ge [sflag:s6], $0xC80  }
0x11c: {  	[sflag:s6] =	ssyncset.done $0x0  }
0x11d: {  	[sflag:s6] =	ssyncadd.s32 $0xFFFFF380  }
0x11e: {  	_ =	swait.ge [sflag:s6], $0xC80  }
0x11f: {  	[sflag:s6] =	ssyncset.done $0x0  }
0x120: {  	[sflag:s6] =	ssyncadd.s32 $0xFFFFF380  }
0x121: {  	_ =	swait.ge [sflag:s6], $0xC80  }
0x122: {  	[sflag:s6] =	ssyncset.done $0x0  }
0x123: {  	s21 =	simm.s32 @!p0 $0x6;
	[sflag:s6] =	ssyncadd.s32 $0xFFFFF380  }
0x124: {  	_ =	swait.ge @!p0 [sflag:s21], $0x200  }
0x125: {  	[sflag:s21] =	ssyncset.done @!p0 $0x0  }
0x126: {  	s23 =	simm.s32 $0x0;
	[sflag:s21] =	ssyncadd.s32 @!p0 $0xFFFFFE00  }
0x127: {  	v1 =	vld [tilespmem:s23+$0xCF80]  }
0x128: {  	v0 =	vld [tilespmem:s23+$0xBF00]  }
0x129: {  	v2 =	vld [tilespmem:s23+$0x6780]  }
0x12a: {  	v3 =	vld [tilespmem:s23+$0x7400]  }
0x12b: {  	v5 =	vld [tilespmem:s23+$0x8080];
	_ =	sdelay $0x1  }
0x12c: {  	v12 =	vld [tilespmem:s23+$0x8D00]  }
0x12d: {  	v10 =	vimm.f32 $0.0e+00;
	v9 =	vimm.f32 $0.0e+00;
	v6 =	vimm.f32 $0.0e+00;
	v13 =	vld [tilespmem:s23+$0x9980]  }
0x12e: {  	v8 =	vimm.f32 $0.0e+00;
	v7 =	vld [tilespmem:s23+$0xA600];
	v0 =	vmul.f32 v0, v1;
	v2 =	vmul.f32 v2, v1  }
0x12f: {  	s21 =	simm.s32 $0x40;
	v11 =	vld [tilespmem:s23+$0xB280];
	v14 =	vmul.f32 v3, v1;
	v15 =	vmul.f32 v5, v1;
	v3 =	vimm.f32 $0.0e+00  }
0x130: {  	s22 =	simm.s32 $0x200;
	v5 =	vld [tilespmem:s21+$0xCF80];
	v0 =	vadd.f32 v0, v6;
	v4 =	vadd.f32 v2, v6;
	v2 =	vimm.f32 $0.0e+00  }
.LBB2_11:
0x131: {  	p0 =	sne.s32 s22, $0x3100;
	v16 =	vld [tilespmem:s21+$0xBF00];
	v6 =	vadd.f32 v14, v6;
	v12 =	vmul.f32 v12, v1  }
0x132: {  	v14 =	vld [tilespmem:s21+$0x6780];
	v8 =	vadd.f32 v15, v8;
	v13 =	vmul.f32 v13, v1  }
0x133: {  	v15 =	vld [tilespmem:s21+$0x7400];
	v9 =	vadd.f32 v12, v9;
	v7 =	vmul.f32 v7, v1  }
0x134: {  	v17 =	vld [tilespmem:s21+$0x8080];
	v10 =	vadd.f32 v13, v10;
	v11 =	vmul.f32 v11, v1  }
.Ltmp6:
0x135: {  	v12 =	vld [tilespmem:s21+$0x8D00];
	v3 =	vadd.f32 v7, v3;
	v1 =	vmov v5;
	(pc) =	sbr.rel @p0 .LBB2_11-.Ltmp6, $4  }
0x136: {  	v13 =	vld [tilespmem:s21+$0x9980];
	v5 =	vmul.f32 v16, v1;
	v2 =	vadd.f32 v11, v2  }
0x137: {  	v16 =	vmul.f32 v14, v1;
	v7 =	vld [tilespmem:s21+$0xA600]  }
0x138: {  	v14 =	vmul.f32 v15, v1;
	v11 =	vld [tilespmem:s21+$0xB280];
	s21 =	sshra.s32 s22, $0x2;
	v0 =	vadd.f32 v5, v0  }
0x139: {  	s22 =	sadd.s32 $0x100, s22;
	v5 =	vld [tilespmem:s21+$0xCF80];
	v4 =	vadd.f32 v16, v4;
	v15 =	vmul.f32 v17, v1  }
0x13a: {  	v16 =	vld [tilespmem:s21+$0x6780]  }
0x13b: {  	v17 =	vld [tilespmem:s21+$0x7400]  }
0x13c: {  	v20 =	vld [tilespmem:s21+$0x9980]  }
0x13d: {  	v18 =	vld [tilespmem:s21+$0x8080];
	v12 =	vmul.f32 v12, v1  }
0x13e: {  	v19 =	vld [tilespmem:s21+$0x8D00];
	v6 =	vadd.f32 v14, v6;
	v13 =	vmul.f32 v13, v1  }
0x13f: {  	v8 =	vadd.f32 v15, v8;
	v15 =	vld [tilespmem:s21+$0xB280];
	v9 =	vadd.f32 v12, v9;
	v14 =	vmul.f32 v16, v5  }
0x140: {  	v7 =	vmul.f32 v7, v1;
	v10 =	vadd.f32 v13, v10;
	v16 =	vld [tilespmem:s21+$0xA600];
	v12 =	vmul.f32 v17, v5  }
0x141: {  	v13 =	vld [tilespmem:s21+$0xBF00];
	v1 =	vmul.f32 v11, v1;
	v11 =	vmul.f32 v20, v5;
	v4 =	vadd.f32 v14, v4  }
0x142: {  	v14 =	vmul.f32 v18, v5;
	v6 =	vadd.f32 v12, v6  }
0x143: {  	v1 =	vadd.f32 v1, v2;
	v12 =	vmul.f32 v19, v5;
	v2 =	vadd.f32 v11, v10;
	[tilespmem:$0xCD80] =	vst v4  }
0x144: {  	v8 =	vadd.f32 v14, v8;
	[tilespmem:$0xCDC0] =	vst v6;
	v6 =	vmul.f32 v15, v5  }
0x145: {  	v3 =	vadd.f32 v7, v3;
	v4 =	vadd.f32 v12, v9;
	[tilespmem:$0xCE80] =	vst v2;
	v7 =	vmul.f32 v16, v5  }
0x146: {  	v5 =	vmul.f32 v13, v5;
	[tilespmem:$0xCE00] =	vst v8;
	v1 =	vadd.f32 v6, v1  }
0x147: {  	[tilespmem:$0xCE40] =	vst v4;
	v3 =	vadd.f32 v7, v3  }
0x148: {  	v0 =	vadd.f32 v5, v0;
	[tilespmem:$0xCF00] =	vst v1  }
0x149: {  	[tilespmem:$0xCEC0] =	vst v3  }
0x14a: {  	s22 =	simm.s32 $0x0;
	[tilespmem:$0xCF40] =	vst v0  }
0x14b: {  	v1 =	vld [tilespmem:s22+$0xCF90]  }
0x14c: {  	v0 =	vld [tilespmem:s22+$0xBF10]  }
0x14d: {  	v2 =	vld [tilespmem:s22+$0x6790]  }
0x14e: {  	v3 =	vld [tilespmem:s22+$0x7410]  }
0x14f: {  	v5 =	vld [tilespmem:s22+$0x8090];
	_ =	sdelay $0x1  }
0x150: {  	v12 =	vld [tilespmem:s22+$0x8D10]  }
0x151: {  	v10 =	vimm.f32 $0.0e+00;
	v9 =	vimm.f32 $0.0e+00;
	v6 =	vimm.f32 $0.0e+00;
	v13 =	vld [tilespmem:s22+$0x9990]  }
0x152: {  	v8 =	vimm.f32 $0.0e+00;
	v7 =	vld [tilespmem:s22+$0xA610];
	v0 =	vmul.f32 v0, v1;
	v2 =	vmul.f32 v2, v1  }
0x153: {  	s21 =	simm.s32 $0x40;
	v11 =	vld [tilespmem:s22+$0xB290];
	v14 =	vmul.f32 v3, v1;
	v15 =	vmul.f32 v5, v1;
	v3 =	vimm.f32 $0.0e+00  }
0x154: {  	s22 =	simm.s32 $0x200;
	v5 =	vld [tilespmem:s21+$0xCF90];
	v0 =	vadd.f32 v0, v6;
	v4 =	vadd.f32 v2, v6;
	v2 =	vimm.f32 $0.0e+00  }
.LBB2_13:
0x155: {  	p0 =	sne.s32 s22, $0x3100;
	v16 =	vld [tilespmem:s21+$0xBF10];
	v6 =	vadd.f32 v14, v6;
	v12 =	vmul.f32 v12, v1  }
0x156: {  	v14 =	vld [tilespmem:s21+$0x6790];
	v8 =	vadd.f32 v15, v8;
	v13 =	vmul.f32 v13, v1  }
0x157: {  	v15 =	vld [tilespmem:s21+$0x7410];
	v9 =	vadd.f32 v12, v9;
	v7 =	vmul.f32 v7, v1  }
0x158: {  	v17 =	vld [tilespmem:s21+$0x8090];
	v10 =	vadd.f32 v13, v10;
	v11 =	vmul.f32 v11, v1  }
.Ltmp7:
0x159: {  	v12 =	vld [tilespmem:s21+$0x8D10];
	v3 =	vadd.f32 v7, v3;
	v1 =	vmov v5;
	(pc) =	sbr.rel @p0 .LBB2_13-.Ltmp7, $4  }
0x15a: {  	v13 =	vld [tilespmem:s21+$0x9990];
	v5 =	vmul.f32 v16, v1;
	v2 =	vadd.f32 v11, v2  }
0x15b: {  	v16 =	vmul.f32 v14, v1;
	v7 =	vld [tilespmem:s21+$0xA610]  }
0x15c: {  	v14 =	vmul.f32 v15, v1;
	v11 =	vld [tilespmem:s21+$0xB290];
	s21 =	sshra.s32 s22, $0x2;
	v0 =	vadd.f32 v5, v0  }
0x15d: {  	s22 =	sadd.s32 $0x100, s22;
	v5 =	vld [tilespmem:s21+$0xCF90];
	v4 =	vadd.f32 v16, v4;
	v15 =	vmul.f32 v17, v1  }
0x15e: {  	v16 =	vld [tilespmem:s21+$0x6790]  }
0x15f: {  	v17 =	vld [tilespmem:s21+$0x7410]  }
0x160: {  	v20 =	vld [tilespmem:s21+$0x9990]  }
0x161: {  	v18 =	vld [tilespmem:s21+$0x8090];
	v12 =	vmul.f32 v12, v1  }
0x162: {  	v19 =	vld [tilespmem:s21+$0x8D10];
	v6 =	vadd.f32 v14, v6;
	v13 =	vmul.f32 v13, v1  }
0x163: {  	v8 =	vadd.f32 v15, v8;
	v15 =	vld [tilespmem:s21+$0xB290];
	v9 =	vadd.f32 v12, v9;
	v14 =	vmul.f32 v16, v5  }
0x164: {  	v7 =	vmul.f32 v7, v1;
	v10 =	vadd.f32 v13, v10;
	v16 =	vld [tilespmem:s21+$0xA610];
	v12 =	vmul.f32 v17, v5  }
0x165: {  	v13 =	vld [tilespmem:s21+$0xBF10];
	v1 =	vmul.f32 v11, v1;
	v11 =	vmul.f32 v20, v5;
	v4 =	vadd.f32 v14, v4  }
0x166: {  	v14 =	vmul.f32 v18, v5;
	v6 =	vadd.f32 v12, v6  }
0x167: {  	v1 =	vadd.f32 v1, v2;
	v12 =	vmul.f32 v19, v5;
	v2 =	vadd.f32 v11, v10;
	[tilespmem:$0xCD90] =	vst v4  }
0x168: {  	v8 =	vadd.f32 v14, v8;
	[tilespmem:$0xCDD0] =	vst v6;
	v6 =	vmul.f32 v15, v5  }
0x169: {  	v3 =	vadd.f32 v7, v3;
	v4 =	vadd.f32 v12, v9;
	[tilespmem:$0xCE90] =	vst v2;
	v7 =	vmul.f32 v16, v5  }
0x16a: {  	v5 =	vmul.f32 v13, v5;
	[tilespmem:$0xCE10] =	vst v8;
	v1 =	vadd.f32 v6, v1  }
0x16b: {  	[tilespmem:$0xCE50] =	vst v4;
	v3 =	vadd.f32 v7, v3  }
0x16c: {  	v0 =	vadd.f32 v5, v0;
	[tilespmem:$0xCF10] =	vst v1  }
0x16d: {  	[tilespmem:$0xCED0] =	vst v3  }
0x16e: {  	s22 =	simm.s32 $0x0;
	[tilespmem:$0xCF50] =	vst v0  }
0x16f: {  	v1 =	vld [tilespmem:s22+$0xCFA0]  }
0x170: {  	v0 =	vld [tilespmem:s22+$0xBF20]  }
0x171: {  	v2 =	vld [tilespmem:s22+$0x67A0]  }
0x172: {  	v3 =	vld [tilespmem:s22+$0x7420]  }
0x173: {  	v5 =	vld [tilespmem:s22+$0x80A0];
	_ =	sdelay $0x1  }
0x174: {  	v12 =	vld [tilespmem:s22+$0x8D20]  }
0x175: {  	v10 =	vimm.f32 $0.0e+00;
	v9 =	vimm.f32 $0.0e+00;
	v6 =	vimm.f32 $0.0e+00;
	v13 =	vld [tilespmem:s22+$0x99A0]  }
0x176: {  	v8 =	vimm.f32 $0.0e+00;
	v7 =	vld [tilespmem:s22+$0xA620];
	v0 =	vmul.f32 v0, v1;
	v2 =	vmul.f32 v2, v1  }
0x177: {  	s21 =	simm.s32 $0x40;
	v11 =	vld [tilespmem:s22+$0xB2A0];
	v14 =	vmul.f32 v3, v1;
	v15 =	vmul.f32 v5, v1;
	v3 =	vimm.f32 $0.0e+00  }
0x178: {  	s22 =	simm.s32 $0x200;
	v5 =	vld [tilespmem:s21+$0xCFA0];
	v0 =	vadd.f32 v0, v6;
	v4 =	vadd.f32 v2, v6;
	v2 =	vimm.f32 $0.0e+00  }
.LBB2_15:
0x179: {  	p0 =	sne.s32 s22, $0x3100;
	v16 =	vld [tilespmem:s21+$0xBF20];
	v6 =	vadd.f32 v14, v6;
	v12 =	vmul.f32 v12, v1  }
0x17a: {  	v14 =	vld [tilespmem:s21+$0x67A0];
	v8 =	vadd.f32 v15, v8;
	v13 =	vmul.f32 v13, v1  }
0x17b: {  	v15 =	vld [tilespmem:s21+$0x7420];
	v9 =	vadd.f32 v12, v9;
	v7 =	vmul.f32 v7, v1  }
0x17c: {  	v17 =	vld [tilespmem:s21+$0x80A0];
	v10 =	vadd.f32 v13, v10;
	v11 =	vmul.f32 v11, v1  }
.Ltmp8:
0x17d: {  	v12 =	vld [tilespmem:s21+$0x8D20];
	v3 =	vadd.f32 v7, v3;
	v1 =	vmov v5;
	(pc) =	sbr.rel @p0 .LBB2_15-.Ltmp8, $4  }
0x17e: {  	v13 =	vld [tilespmem:s21+$0x99A0];
	v5 =	vmul.f32 v16, v1;
	v2 =	vadd.f32 v11, v2  }
0x17f: {  	v16 =	vmul.f32 v14, v1;
	v7 =	vld [tilespmem:s21+$0xA620]  }
0x180: {  	v14 =	vmul.f32 v15, v1;
	v11 =	vld [tilespmem:s21+$0xB2A0];
	s21 =	sshra.s32 s22, $0x2;
	v0 =	vadd.f32 v5, v0  }
0x181: {  	s22 =	sadd.s32 $0x100, s22;
	v5 =	vld [tilespmem:s21+$0xCFA0];
	v4 =	vadd.f32 v16, v4;
	v15 =	vmul.f32 v17, v1  }
0x182: {  	v16 =	vld [tilespmem:s21+$0x67A0]  }
0x183: {  	v17 =	vld [tilespmem:s21+$0x7420]  }
0x184: {  	v20 =	vld [tilespmem:s21+$0x99A0]  }
0x185: {  	v18 =	vld [tilespmem:s21+$0x80A0];
	v12 =	vmul.f32 v12, v1  }
0x186: {  	v19 =	vld [tilespmem:s21+$0x8D20];
	v6 =	vadd.f32 v14, v6;
	v13 =	vmul.f32 v13, v1  }
0x187: {  	v8 =	vadd.f32 v15, v8;
	v15 =	vld [tilespmem:s21+$0xB2A0];
	v9 =	vadd.f32 v12, v9;
	v14 =	vmul.f32 v16, v5  }
0x188: {  	v7 =	vmul.f32 v7, v1;
	v10 =	vadd.f32 v13, v10;
	v16 =	vld [tilespmem:s21+$0xA620];
	v12 =	vmul.f32 v17, v5  }
0x189: {  	v13 =	vld [tilespmem:s21+$0xBF20];
	v1 =	vmul.f32 v11, v1;
	v11 =	vmul.f32 v20, v5;
	v4 =	vadd.f32 v14, v4  }
0x18a: {  	v14 =	vmul.f32 v18, v5;
	v6 =	vadd.f32 v12, v6  }
0x18b: {  	v1 =	vadd.f32 v1, v2;
	v12 =	vmul.f32 v19, v5;
	v2 =	vadd.f32 v11, v10;
	[tilespmem:$0xCDA0] =	vst v4  }
0x18c: {  	v8 =	vadd.f32 v14, v8;
	[tilespmem:$0xCDE0] =	vst v6;
	v6 =	vmul.f32 v15, v5  }
0x18d: {  	v3 =	vadd.f32 v7, v3;
	v4 =	vadd.f32 v12, v9;
	[tilespmem:$0xCEA0] =	vst v2;
	v7 =	vmul.f32 v16, v5  }
0x18e: {  	v5 =	vmul.f32 v13, v5;
	[tilespmem:$0xCE20] =	vst v8;
	v1 =	vadd.f32 v6, v1  }
0x18f: {  	[tilespmem:$0xCE60] =	vst v4;
	v3 =	vadd.f32 v7, v3  }
0x190: {  	v0 =	vadd.f32 v5, v0;
	[tilespmem:$0xCF20] =	vst v1  }
0x191: {  	[tilespmem:$0xCEE0] =	vst v3  }
0x192: {  	s22 =	simm.s32 $0x0;
	[tilespmem:$0xCF60] =	vst v0  }
0x193: {  	v1 =	vld [tilespmem:s22+$0xCFB0]  }
0x194: {  	v0 =	vld [tilespmem:s22+$0xBF30]  }
0x195: {  	v2 =	vld [tilespmem:s22+$0x67B0]  }
0x196: {  	v3 =	vld [tilespmem:s22+$0x7430]  }
0x197: {  	v5 =	vld [tilespmem:s22+$0x80B0];
	_ =	sdelay $0x1  }
0x198: {  	v12 =	vld [tilespmem:s22+$0x8D30]  }
0x199: {  	v10 =	vimm.f32 $0.0e+00;
	v9 =	vimm.f32 $0.0e+00;
	v6 =	vimm.f32 $0.0e+00;
	v13 =	vld [tilespmem:s22+$0x99B0]  }
0x19a: {  	v8 =	vimm.f32 $0.0e+00;
	v7 =	vld [tilespmem:s22+$0xA630];
	v0 =	vmul.f32 v0, v1;
	v2 =	vmul.f32 v2, v1  }
0x19b: {  	s21 =	simm.s32 $0x40;
	v11 =	vld [tilespmem:s22+$0xB2B0];
	v14 =	vmul.f32 v3, v1;
	v15 =	vmul.f32 v5, v1;
	v3 =	vimm.f32 $0.0e+00  }
0x19c: {  	s22 =	simm.s32 $0x200;
	v5 =	vld [tilespmem:s21+$0xCFB0];
	v0 =	vadd.f32 v0, v6;
	v4 =	vadd.f32 v2, v6;
	v2 =	vimm.f32 $0.0e+00  }
.LBB2_17:
0x19d: {  	p0 =	sne.s32 s22, $0x3100;
	v16 =	vld [tilespmem:s21+$0xBF30];
	v6 =	vadd.f32 v14, v6;
	v12 =	vmul.f32 v12, v1  }
0x19e: {  	v14 =	vld [tilespmem:s21+$0x67B0];
	v8 =	vadd.f32 v15, v8;
	v13 =	vmul.f32 v13, v1  }
0x19f: {  	v15 =	vld [tilespmem:s21+$0x7430];
	v9 =	vadd.f32 v12, v9;
	v7 =	vmul.f32 v7, v1  }
0x1a0: {  	v17 =	vld [tilespmem:s21+$0x80B0];
	v10 =	vadd.f32 v13, v10;
	v11 =	vmul.f32 v11, v1  }
.Ltmp9:
0x1a1: {  	v12 =	vld [tilespmem:s21+$0x8D30];
	v3 =	vadd.f32 v7, v3;
	v1 =	vmov v5;
	(pc) =	sbr.rel @p0 .LBB2_17-.Ltmp9, $4  }
0x1a2: {  	v13 =	vld [tilespmem:s21+$0x99B0];
	v5 =	vmul.f32 v16, v1;
	v2 =	vadd.f32 v11, v2  }
0x1a3: {  	v16 =	vmul.f32 v14, v1;
	v7 =	vld [tilespmem:s21+$0xA630]  }
0x1a4: {  	v14 =	vmul.f32 v15, v1;
	v11 =	vld [tilespmem:s21+$0xB2B0];
	s21 =	sshra.s32 s22, $0x2;
	v0 =	vadd.f32 v5, v0  }
0x1a5: {  	s22 =	sadd.s32 $0x100, s22;
	v5 =	vld [tilespmem:s21+$0xCFB0];
	v4 =	vadd.f32 v16, v4;
	v15 =	vmul.f32 v17, v1  }
0x1a6: {  	v16 =	vld [tilespmem:s21+$0x67B0]  }
0x1a7: {  	v17 =	vld [tilespmem:s21+$0x7430]  }
0x1a8: {  	v18 =	vld [tilespmem:s21+$0x80B0]  }
0x1a9: {  	v19 =	vld [tilespmem:s21+$0x8D30]  }
0x1aa: {  	v12 =	vmul.f32 v12, v1;
	v20 =	vld [tilespmem:s21+$0x99B0]  }
0x1ab: {  	v6 =	vadd.f32 v14, v6;
	v51 =	vld [tilespmem:s21+$0xA630];
	v13 =	vmul.f32 v13, v1;
	v50 =	vmul.f32 v16, v5  }
0x1ac: {  	v53 =	vld [tilespmem:s21+$0xB2B0];
	v8 =	vadd.f32 v15, v8;
	v9 =	vadd.f32 v12, v9;
	v52 =	vmul.f32 v17, v5  }
0x1ad: {  	v54 =	vld [tilespmem:s21+$0xBF30];
	v7 =	vmul.f32 v7, v1;
	v55 =	vmul.f32 v18, v5;
	v4 =	vadd.f32 v50, v4  }
0x1ae: {  	v10 =	vadd.f32 v13, v10;
	v56 =	vmul.f32 v19, v5;
	v6 =	vadd.f32 v52, v6  }
0x1af: {  	v57 =	vmul.f32 v11, v1;
	v58 =	vmul.f32 v20, v5;
	v8 =	vadd.f32 v55, v8;
	[tilespmem:$0xCDB0] =	vst v4  }
0x1b0: {  	v3 =	vadd.f32 v7, v3;
	v60 =	vmul.f32 v51, v5;
	v59 =	vadd.f32 v56, v9;
	[tilespmem:$0xCDF0] =	vst v6  }
0x1b1: {  	v1 =	vadd.f32 v57, v2;
	v62 =	vmul.f32 v53, v5;
	v61 =	vadd.f32 v58, v10;
	[tilespmem:$0xCE30] =	vst v8  }
0x1b2: {  	v63 =	vmul.f32 v54, v5;
	v3 =	vadd.f32 v60, v3;
	[tilespmem:$0xCE70] =	vst v59  }
.Ltmp10:
0x1b3: {  	v1 =	vadd.f32 v62, v1;
	[tilespmem:$0xCEB0] =	vst v61;
	(pc) =	sbr.rel @p1 .LBB2_20-.Ltmp10, $4  }
0x1b4: {  	v0 =	vadd.f32 v63, v0;
	[tilespmem:$0xCEF0] =	vst v3  }
0x1b5: {  	[tilespmem:$0xCF30] =	vst v1  }
0x1b6: {  	s20 =	sadd.s32 s20, s11;
	[tilespmem:$0xCF70] =	vst v0  }
0x1b7: {  	[hbm4b:s20+s3] =	stream.linear.scatter [tilespmem:s15], [sflag:$0x6], $0x200, $0x38;
	[tilespmem:$0xDC00] =	vst v63  }
.Ltmp11:
0x1b8: {  	s2 =	sadd.s32 s2, s12;
	(pc) =	sbr.rel .LBB2_2-.Ltmp11, $3  }
0x1b9: {  	s2 =	smul.u32 $0x7, s2;
	_ =	sdelay $0x1  }
0x1ba: {  	s17 =	sadd.s32 $0x1, s17;
	s2 =	sadd.s32 s4, s2  }
0x1bb: {  	[tilespmem:s16], [sflag:$0x2] =	stream.linear.gather [hbm4b:s2+s3], $0x1C0, $0x38;
	[tilespmem:$0xDC00] =	vst v63  }
.LBB2_21:
0x1bc: {  	_ =	sfence.sel $0x180000  }
0x1bd: {  	[bflag:$0x0] =	sbarrier.arrive $0xFFFF  }
0x1be: {  	_ =	strace $0x9000004A  }
0x1bf: {  	s0 =	stileid.u32;
	[bflag:$0x2] =	sbarrier.arrive $0xFFFF  }
0x1c0: {  	p0 =	sne.s32 s0, $0x0;
	s0 =	rddreg [dreg:$0x2]  }
0x1c1: {  	s0 =	sadd.s32 @!p0 $0x100000, s0  }
0x1c2: {  	[sflag:s0] =	ssyncadd.tile.s32 @!p0 $0x1;
	_ =	shalt  }
.Lfunc_end2:
_tile_overlayer_lowered:
.L_overlay_start_2:
0x1c3: {  	(tag) =	ssettag $0x2  }
0x1c4: {  	s0 =	rddreg [dreg:$0x0];
	s2 =	stileid.u32  }
0x1c5: {  	s1 =	rddreg [dreg:$0x1];
	p0 =	sne.s32 s2, $0x0  }
0x1c6: {  	s3 =	rddreg [dreg:$0x2];
	[bflag:$0x3] =	sbarrier.arrive $0xFFFF;
	s2 =	simm.s32 @!p0 $0x1C07  }
0x1c7: {  	[timem:s3], [sflag:s2] =	dma.local @!p0 [hbm:s0], s1  }
0x1c8: {  	s0 =	simm.s32 @!p0 $0x7  }
0x1c9: {  	_ =	swait.ge @!p0 [sflag:s0], s1  }
0x1ca: {  	s1 =	ssub.s32 @!p0 $0x0, s1;
	[sflag:s0] =	ssyncset.done @!p0 $0x0  }
0x1cb: {  	[sflag:s0] =	ssyncadd.s32 @!p0 s1  }
0x1cc: {  	[bflag:$0x3] =	sbarrier.arrive $0xFFFF  }
0x1cd: {  	_ =	shalt  }

</sc_bundles>
